<compile_context>
chip_gen: v7x
topology: tpu7x:2x2x1
jax: 0.10.2.dev20260603
libtpu: 0.0.44.dev20260713+nightly
codegen_flags: <defaults>
</compile_context>

<pallas_src>
import functools

import jax
import jax.numpy as jnp
from jax import lax
from jax.experimental import pallas as pl
from jax.experimental.pallas import tpu as pltpu
from jax.experimental.pallas import tpu_sc as plsc

N = 10000
E = 320000
IN_CH = 128
HID = 16

NC = 2
NS = 16
L = 16
NW = NC * NS

CH = 128
CPT = 80
EPT = CH * CPT
E_PAD = EPT * NW
N_PAD = 10240
RPT = N_PAD // NS

_mesh = plsc.VectorSubcoreMesh(
    core_axis_name="c", subcore_axis_name="s", num_cores=NC, num_subcores=NS
)

_sc_params = pltpu.CompilerParams(
    use_tc_tiling_on_sc=False, needs_layout_passes=False
)


def _worker_id():
    return lax.axis_index("s") * NC + lax.axis_index("c")


DK = 8


@functools.partial(
    pl.kernel,
    out_type=jax.ShapeDtypeStruct((NC, N_PAD), jnp.float32),
    mesh=_mesh,
    compiler_params=_sc_params,
    scratch_types=[
        pltpu.VMEM_SHARED((N_PAD,), jnp.float32),
        pltpu.VMEM((CPT, CH), jnp.int32),
        pltpu.VMEM((CH,), jnp.float32),
        pltpu.SemaphoreType.DMA,
    ],
)
def _deg_kernel(dst_hbm, out_hbm, acc_sh, idxd, buf, sem):
    c = lax.axis_index("c")
    s = lax.axis_index("s")
    wid = _worker_id()

    pltpu.sync_copy(dst_hbm.at[wid], idxd)
    for g in range(CH // L):
        buf[pl.ds(g * L, L)] = jnp.zeros((L,), jnp.float32)
    for k in range(RPT // CH):
        pltpu.sync_copy(buf, acc_sh.at[pl.ds(s * RPT + k * CH, CH)])
    plsc.subcore_barrier()

    for g in range(CH // L):
        buf[pl.ds(g * L, L)] = jnp.ones((L,), jnp.float32)

    def group(t, carry):
        for b in range(DK):
            pltpu.async_copy(buf, acc_sh.at[idxd.at[t * DK + b]], sem, add=True)
        for b in range(DK):
            pltpu.make_async_copy(buf, acc_sh.at[idxd.at[t * DK + b]], sem).wait()
        return carry

    lax.fori_loop(0, CPT // DK, group, 0)
    plsc.subcore_barrier()
    pltpu.sync_copy(acc_sh.at[pl.ds(s * RPT, RPT)], out_hbm.at[c, pl.ds(s * RPT, RPT)])


@functools.partial(
    pl.kernel,
    out_type=jax.ShapeDtypeStruct((NC, N_PAD, HID), jnp.float32),
    mesh=_mesh,
    compiler_params=_sc_params,
    scratch_types=[
        pltpu.VMEM_SHARED((N_PAD, HID), jnp.float32),
        pltpu.VMEM((CPT, CH), jnp.int32),
        pltpu.VMEM((CPT, CH), jnp.int32),
        pltpu.VMEM((CH, HID), jnp.float32),
        pltpu.VMEM((CH, HID), jnp.float32),
        pltpu.SemaphoreType.DMA,
        pltpu.SemaphoreType.DMA,
    ],
)
def _scatter_kernel(
    g_hbm, src_hbm, dst_hbm, out_hbm, acc_sh, idxs, idxd, rows0, rows1, g0, g1
):
    c = lax.axis_index("c")
    s = lax.axis_index("s")
    wid = _worker_id()

    pltpu.sync_copy(src_hbm.at[wid], idxs)
    pltpu.sync_copy(dst_hbm.at[wid], idxd)

    def zrow(i, carry):
        rows0[i] = jnp.zeros((L,), jnp.float32)
        return carry

    lax.fori_loop(0, CH, zrow, 0)
    for k in range(RPT // CH):
        pltpu.sync_copy(rows0, acc_sh.at[pl.ds(s * RPT + k * CH, CH), :])
    plsc.subcore_barrier()

    pltpu.async_copy(g_hbm.at[idxs.at[0]], rows0, g0)
    pltpu.async_copy(g_hbm.at[idxs.at[1]], rows1, g1)

    def body(t, carry):
        j0 = 2 * t
        j1 = j0 + 1

        pltpu.make_async_copy(g_hbm.at[idxs.at[j0]], rows0, g0).wait()
        pltpu.sync_copy(rows0, acc_sh.at[idxd.at[j0]], add=True)

        @pl.when(j0 + 2 < CPT)
        def _():
            pltpu.async_copy(g_hbm.at[idxs.at[j0 + 2]], rows0, g0)

        pltpu.make_async_copy(g_hbm.at[idxs.at[j1]], rows1, g1).wait()
        pltpu.sync_copy(rows1, acc_sh.at[idxd.at[j1]], add=True)

        @pl.when(j1 + 2 < CPT)
        def _():
            pltpu.async_copy(g_hbm.at[idxs.at[j1 + 2]], rows1, g1)

        return carry

    lax.fori_loop(0, CPT // 2, body, 0)
    plsc.subcore_barrier()
    pltpu.sync_copy(
        acc_sh.at[pl.ds(s * RPT, RPT), :], out_hbm.at[c, pl.ds(s * RPT, RPT), :]
    )


@functools.partial(
    pl.kernel,
    out_type=jax.ShapeDtypeStruct((E_PAD,), jnp.float32),
    mesh=_mesh,
    compiler_params=_sc_params,
    scratch_types=[
        pltpu.VMEM((CPT, CH), jnp.int32),
        pltpu.VMEM((CPT, CH), jnp.int32),
        pltpu.VMEM((CH, HID), jnp.float32),
        pltpu.VMEM((CH, HID), jnp.float32),
        pltpu.VMEM((CH, HID), jnp.float32),
        pltpu.VMEM((CH, HID), jnp.float32),
        pltpu.VMEM((CH,), jnp.float32),
        pltpu.VMEM((CH,), jnp.float32),
        pltpu.SemaphoreType.DMA,
        pltpu.SemaphoreType.DMA,
        pltpu.SemaphoreType.DMA,
        pltpu.SemaphoreType.DMA,
        pltpu.SemaphoreType.DMA,
        pltpu.SemaphoreType.DMA,
    ],
)
def _score_kernel(
    h2_hbm, src_hbm, dst_hbm, out_hbm,
    idxs, idxd, av0, bv0, av1, bv1, sv0, sv1,
    ga0, gb0, ga1, gb1, ws0, ws1,
):
    wid = _worker_id()

    pltpu.sync_copy(src_hbm.at[wid], idxs)
    pltpu.sync_copy(dst_hbm.at[wid], idxd)

    pltpu.async_copy(h2_hbm.at[idxs.at[0]], av0, ga0)
    pltpu.async_copy(h2_hbm.at[idxd.at[0]], bv0, gb0)
    pltpu.async_copy(h2_hbm.at[idxs.at[1]], av1, ga1)
    pltpu.async_copy(h2_hbm.at[idxd.at[1]], bv1, gb1)

    def dots(av, bv, sv):
        for g in range(CH // L):
            rows_idx = lax.iota(jnp.int32, L) + g * L
            acc = jnp.zeros((L,), jnp.float32)
            for d in range(HID):
                cols = jnp.full((L,), d, jnp.int32)
                ga = plsc.load_gather(av, [rows_idx, cols])
                gb = plsc.load_gather(bv, [rows_idx, cols])
                acc = acc + ga * gb
            sv[pl.ds(g * L, L)] = 1.0 / (1.0 + jnp.exp(-acc))

    def half(t, j, idxa_row, idxb_row, av, bv, sv, ga, gb, ws):
        base = wid * EPT + j * CH
        pltpu.make_async_copy(h2_hbm.at[idxa_row], av, ga).wait()
        pltpu.make_async_copy(h2_hbm.at[idxb_row], bv, gb).wait()

        @pl.when(t > 0)
        def _():
            pltpu.make_async_copy(
                sv, out_hbm.at[pl.ds(base - 2 * CH, CH)], ws
            ).wait()

        dots(av, bv, sv)
        pltpu.async_copy(sv, out_hbm.at[pl.ds(base, CH)], ws)

        @pl.when(j + 2 < CPT)
        def _():
            pltpu.async_copy(h2_hbm.at[idxs.at[j + 2]], av, ga)
            pltpu.async_copy(h2_hbm.at[idxd.at[j + 2]], bv, gb)

    def body(t, carry):
        j0 = 2 * t
        j1 = j0 + 1
        half(t, j0, idxs.at[j0], idxd.at[j0], av0, bv0, sv0, ga0, gb0, ws0)
        half(t, j1, idxs.at[j1], idxd.at[j1], av1, bv1, sv1, ga1, gb1, ws1)
        return carry

    lax.fori_loop(0, CPT // 2, body, 0)
    pltpu.make_async_copy(sv0, out_hbm.at[pl.ds(wid * EPT, CH)], ws0).wait()
    pltpu.make_async_copy(sv1, out_hbm.at[pl.ds(wid * EPT, CH)], ws1).wait()


R = 2048
GRID = N_PAD // R


def _tc1_body(deg_ref, x_ref, w1_ref, dinv_ref, g1_ref):
    dsum = deg_ref[0, :] + deg_ref[1, :] + 1.0
    dinv = lax.rsqrt(dsum)
    dinv_ref[...] = dinv[:, None]
    h = jnp.dot(x_ref[...], w1_ref[...], preferred_element_type=jnp.float32)
    g1_ref[...] = h * dinv[:, None]


def _tc1(degp, xp, W1):
    return pl.pallas_call(
        _tc1_body,
        grid=(GRID,),
        in_specs=[
            pl.BlockSpec((NC, R), lambda i: (0, i)),
            pl.BlockSpec((R, IN_CH), lambda i: (i, 0)),
            pl.BlockSpec((IN_CH, HID), lambda i: (0, 0)),
        ],
        out_specs=[
            pl.BlockSpec((R, 1), lambda i: (i, 0)),
            pl.BlockSpec((R, HID), lambda i: (i, 0)),
        ],
        out_shape=[
            jax.ShapeDtypeStruct((N_PAD, 1), jnp.float32),
            jax.ShapeDtypeStruct((N_PAD, HID), jnp.float32),
        ],
    )(degp, xp, W1)


def _tc2_body(s1_ref, g1_ref, dinv_ref, b1_ref, w2_ref, g2_ref):
    tot = s1_ref[0] + s1_ref[1] + g1_ref[...]
    dinv = dinv_ref[...]
    h1 = jnp.maximum(dinv * tot + b1_ref[...], 0.0)
    g2_ref[...] = dinv * jnp.dot(h1, w2_ref[...], preferred_element_type=jnp.float32)


def _tc2(s1p, g1, dinv, b1r, W2):
    return pl.pallas_call(
        _tc2_body,
        grid=(GRID,),
        in_specs=[
            pl.BlockSpec((NC, R, HID), lambda i: (0, i, 0)),
            pl.BlockSpec((R, HID), lambda i: (i, 0)),
            pl.BlockSpec((R, 1), lambda i: (i, 0)),
            pl.BlockSpec((1, HID), lambda i: (0, 0)),
            pl.BlockSpec((HID, HID), lambda i: (0, 0)),
        ],
        out_specs=pl.BlockSpec((R, HID), lambda i: (i, 0)),
        out_shape=jax.ShapeDtypeStruct((N_PAD, HID), jnp.float32),
    )(s1p, g1, dinv, b1r, W2)


def _tc3_body(s2_ref, g2_ref, dinv_ref, b2_ref, h2_ref):
    tot = s2_ref[0] + s2_ref[1] + g2_ref[...]
    h2_ref[...] = dinv_ref[...] * tot + b2_ref[...]


def _tc3(s2p, g2, dinv, b2r):
    return pl.pallas_call(
        _tc3_body,
        grid=(GRID,),
        in_specs=[
            pl.BlockSpec((NC, R, HID), lambda i: (0, i, 0)),
            pl.BlockSpec((R, HID), lambda i: (i, 0)),
            pl.BlockSpec((R, 1), lambda i: (i, 0)),
            pl.BlockSpec((1, HID), lambda i: (0, 0)),
        ],
        out_specs=pl.BlockSpec((R, HID), lambda i: (i, 0)),
        out_shape=jax.ShapeDtypeStruct((N_PAD, HID), jnp.float32),
    )(s2p, g2, dinv, b2r)


@jax.jit
def kernel(x, edge_index, W1, b1, W2, b2):
    src = edge_index[0]
    dst = edge_index[1]
    pad_e = E_PAD - E
    srcp = jnp.concatenate([src, jnp.zeros((pad_e,), src.dtype)])
    dstp = jnp.concatenate([dst, jnp.full((pad_e,), N, dst.dtype)])
    src3 = srcp.reshape(NW, CPT, CH)
    dst3 = dstp.reshape(NW, CPT, CH)
    xp = jnp.pad(x, ((0, N_PAD - N), (0, 0)))
    b1r = b1.reshape(1, HID)
    b2r = b2.reshape(1, HID)

    degp = _deg_kernel(dst3)
    dinv, g1 = _tc1(degp, xp, W1)
    s1p = _scatter_kernel(g1, src3, dst3)
    g2 = _tc2(s1p, g1, dinv, b1r, W2)
    s2p = _scatter_kernel(g2, src3, dst3)
    h2 = _tc3(s2p, g2, dinv, b2r)
    scores = _score_kernel(h2, src3, dst3)
    return scores[:E]

# --- scband reference (transcript-rebuilt; emitter-appended) ---
"""Pipeline reference for scband-link-prediction-gnn-26474178412671 (READ-ONLY COPY).

The authoritative reference and input builder live on the scoring server;
editing this copy changes nothing except your own understanding.
"""

import jax, jax.numpy as jnp
import numpy as np

N_NODES = 10000
N_EDGES = 320000
IN_CH = 128
HID = 16


def gcn_conv(x, edge_index, W, b):
    # Faithful GCNConv: add self-loops, symmetric normalization deg^-1/2 A_hat deg^-1/2, linear, bias
    n = x.shape[0]
    loops = jnp.arange(n, dtype=edge_index.dtype)
    src = jnp.concatenate([edge_index[0], loops])
    dst = jnp.concatenate([edge_index[1], loops])
    deg = jnp.zeros((n,), x.dtype).at[dst].add(1.0)
    dinv = jnp.where(deg > 0, 1.0 / jnp.sqrt(deg), 0.0)
    norm = dinv[src] * dinv[dst]
    h = x @ W
    msg = h[src] * norm[:, None]
    out = jnp.zeros((n, W.shape[1]), x.dtype).at[dst].add(msg)
    return out + b


def setup_inputs(seed: int = 0):
    key = jax.random.key(seed)
    k1, k2, k3, k4 = jax.random.split(key, 4)
    x = jax.random.normal(k1, (N_NODES, IN_CH), dtype=jnp.float32)
    edge_index = jax.random.randint(k2, (2, N_EDGES), 0, N_NODES, dtype=jnp.int32)
    W1 = jax.random.normal(k3, (IN_CH, HID), dtype=jnp.float32) * 0.1
    b1 = jnp.zeros((HID,), dtype=jnp.float32)
    W2 = jax.random.normal(k4, (HID, HID), dtype=jnp.float32) * 0.1
    b2 = jnp.zeros((HID,), dtype=jnp.float32)
    return {"x": x, "edge_index": edge_index, "W1": W1, "b1": b1, "W2": W2, "b2": b2}


def reference(x, edge_index, W1, b1, W2, b2):
    h = gcn_conv(x, edge_index, W1, b1)
    h = jax.nn.relu(h)
    # F.dropout with training=self.training: identity in eval mode
    h = gcn_conv(h, edge_index, W2, b2)
    # vectorized form of the per-edge python loop: dot(x[src], x[dst]) per edge
    scores = jnp.sum(h[edge_index[0]] * h[edge_index[1]], axis=1)
    return jax.nn.sigmoid(scores)

if __name__ == "__main__":
    import jax
    _d = setup_inputs()
    print(jax.jit(kernel)(*tuple(_d.values())))

</pallas_src>

<mosaic_0001>
#map = affine_map<(d0, d1) -> (0, 0, 0)>
#map1 = affine_map<(d0, d1) -> (0, 0)>
module attributes {stable_mosaic.version = 14 : i64} {
  func.func @_deg_kernel(%arg0: i32, %arg1: i32, %arg2: memref<32x80x128xi32, #tpu.memory_space<hbm>>, %arg3: memref<2x10240xf32, #tpu.memory_space<hbm>>, %arg4: memref<10240xf32, #tpu.memory_space<vmem_shared>>, %arg5: memref<80x128xi32, #tpu.memory_space<vmem>>, %arg6: memref<128xf32, #tpu.memory_space<vmem>>, %arg7: memref<!tpu.dma_semaphore, #tpu.memory_space<semaphore_mem>>) attributes {dimension_semantics = [#tpu.dimension_semantics<core_parallel>, #tpu.dimension_semantics<subcore_parallel>], iteration_bounds = array<i64: 2, 16>, scalar_prefetch = 0 : i64, scratch_operands = 4 : i64, tpu.core_type = #tpu.core_type<sc_vector_subcore>, window_params = [{transform_indices = #map}, {transform_indices = #map1}]} {
    %mul3A = arith.constant 2 : i32
    %mul3A_0 = arith.muli %arg1, %mul3A : i32
    %add3A = arith.addi %mul3A_0, %arg0 : i32
    "tpu.region"() ({
      %run_scoped3A = tpu.sem_alloc : memref<!tpu.dma_semaphore, #tpu.memory_space<semaphore_mem>>
      %dma_start3A = arith.constant 0 : i32
      %dma_start3A_93 = arith.constant 0 : i32
      %dma_start3A_94 = tpu.memref_slice %arg2[%add3A, %dma_start3A, %dma_start3A_93] : memref<32x80x128xi32, #tpu.memory_space<hbm>> -> memref<1x80x128xi32, #tpu.memory_space<hbm>>
      %dma_start3A_95 = tpu.memref_squeeze %dma_start3A_94 : memref<1x80x128xi32, #tpu.memory_space<hbm>> -> memref<80x128xi32, #tpu.memory_space<hbm>>
      %dma_start3A_96 = arith.constant 0 : i32
      %dma_start3A_97 = arith.constant 0 : i32
      %dma_start3A_98 = tpu.memref_slice %arg2[%add3A, %dma_start3A_96, %dma_start3A_97] : memref<32x80x128xi32, #tpu.memory_space<hbm>> -> memref<1x80x128xi32, #tpu.memory_space<hbm>>
      %dma_start3A_99 = tpu.memref_squeeze %dma_start3A_98 : memref<1x80x128xi32, #tpu.memory_space<hbm>> -> memref<80x128xi32, #tpu.memory_space<hbm>>
      tpu.enqueue_dma source(%dma_start3A_99 : memref<80x128xi32, #tpu.memory_space<hbm>>) target(%arg5 : memref<80x128xi32, #tpu.memory_space<vmem>>) target_semaphore(%run_scoped3A : memref<!tpu.dma_semaphore, #tpu.memory_space<semaphore_mem>>)
      %dma_wait3A = arith.constant 0 : i32
      %dma_wait3A_100 = arith.constant 0 : i32
      %dma_wait3A_101 = tpu.memref_slice %arg2[%add3A, %dma_wait3A, %dma_wait3A_100] : memref<32x80x128xi32, #tpu.memory_space<hbm>> -> memref<1x80x128xi32, #tpu.memory_space<hbm>>
      %dma_wait3A_102 = tpu.memref_squeeze %dma_wait3A_101 : memref<1x80x128xi32, #tpu.memory_space<hbm>> -> memref<80x128xi32, #tpu.memory_space<hbm>>
      %dma_wait3A_103 = arith.constant 0 : i32
      %dma_wait3A_104 = arith.constant 0 : i32
      %dma_wait3A_105 = tpu.memref_slice %arg2[%add3A, %dma_wait3A_103, %dma_wait3A_104] : memref<32x80x128xi32, #tpu.memory_space<hbm>> -> memref<1x80x128xi32, #tpu.memory_space<hbm>>
      %dma_wait3A_106 = tpu.memref_squeeze %dma_wait3A_105 : memref<1x80x128xi32, #tpu.memory_space<hbm>> -> memref<80x128xi32, #tpu.memory_space<hbm>>
      tpu.wait_dma2 semaphore(%run_scoped3A : memref<!tpu.dma_semaphore, #tpu.memory_space<semaphore_mem>>) src(%dma_wait3A_106 : memref<80x128xi32, #tpu.memory_space<hbm>>) dst(%arg5 : memref<80x128xi32, #tpu.memory_space<vmem>>)
      tpu.yield
    }) : () -> ()
    %broadcast_in_dim3A = arith.constant 0.000000e+00 : f32
    %broadcast_in_dim3A_1 = vector.broadcast %broadcast_in_dim3A : f32 to vector<16xf32>
    %swap3A = arith.constant 0 : index
    %swap3A_2 = tpu.vector_load %arg6[%swap3A] {strides = array<i32>} : memref<128xf32, #tpu.memory_space<vmem>>, vector<16xf32>,
    tpu.vector_store %arg6[%swap3A], %broadcast_in_dim3A_1 {strides = array<i32>} : memref<128xf32, #tpu.memory_space<vmem>>, vector<16xf32>,
    %broadcast_in_dim3A_3 = arith.constant 0.000000e+00 : f32
    %broadcast_in_dim3A_4 = vector.broadcast %broadcast_in_dim3A_3 : f32 to vector<16xf32>
    %swap3A_5 = arith.constant 16 : index
    %swap3A_6 = tpu.vector_load %arg6[%swap3A_5] {strides = array<i32>} : memref<128xf32, #tpu.memory_space<vmem>>, vector<16xf32>,
    tpu.vector_store %arg6[%swap3A_5], %broadcast_in_dim3A_4 {strides = array<i32>} : memref<128xf32, #tpu.memory_space<vmem>>, vector<16xf32>,
    %broadcast_in_dim3A_7 = arith.constant 0.000000e+00 : f32
    %broadcast_in_dim3A_8 = vector.broadcast %broadcast_in_dim3A_7 : f32 to vector<16xf32>
    %swap3A_9 = arith.constant 32 : index
    %swap3A_10 = tpu.vector_load %arg6[%swap3A_9] {strides = array<i32>} : memref<128xf32, #tpu.memory_space<vmem>>, vector<16xf32>,
    tpu.vector_store %arg6[%swap3A_9], %broadcast_in_dim3A_8 {strides = array<i32>} : memref<128xf32, #tpu.memory_space<vmem>>, vector<16xf32>,
    %broadcast_in_dim3A_11 = arith.constant 0.000000e+00 : f32
    %broadcast_in_dim3A_12 = vector.broadcast %broadcast_in_dim3A_11 : f32 to vector<16xf32>
    %swap3A_13 = arith.constant 48 : index
    %swap3A_14 = tpu.vector_load %arg6[%swap3A_13] {strides = array<i32>} : memref<128xf32, #tpu.memory_space<vmem>>, vector<16xf32>,
    tpu.vector_store %arg6[%swap3A_13], %broadcast_in_dim3A_12 {strides = array<i32>} : memref<128xf32, #tpu.memory_space<vmem>>, vector<16xf32>,
    %broadcast_in_dim3A_15 = arith.constant 0.000000e+00 : f32
    %broadcast_in_dim3A_16 = vector.broadcast %broadcast_in_dim3A_15 : f32 to vector<16xf32>
    %swap3A_17 = arith.constant 64 : index
    %swap3A_18 = tpu.vector_load %arg6[%swap3A_17] {strides = array<i32>} : memref<128xf32, #tpu.memory_space<vmem>>, vector<16xf32>,
    tpu.vector_store %arg6[%swap3A_17], %broadcast_in_dim3A_16 {strides = array<i32>} : memref<128xf32, #tpu.memory_space<vmem>>, vector<16xf32>,
    %broadcast_in_dim3A_19 = arith.constant 0.000000e+00 : f32
    %broadcast_in_dim3A_20 = vector.broadcast %broadcast_in_dim3A_19 : f32 to vector<16xf32>
    %swap3A_21 = arith.constant 80 : index
    %swap3A_22 = tpu.vector_load %arg6[%swap3A_21] {strides = array<i32>} : memref<128xf32, #tpu.memory_space<vmem>>, vector<16xf32>,
    tpu.vector_store %arg6[%swap3A_21], %broadcast_in_dim3A_20 {strides = array<i32>} : memref<128xf32, #tpu.memory_space<vmem>>, vector<16xf32>,
    %broadcast_in_dim3A_23 = arith.constant 0.000000e+00 : f32
    %broadcast_in_dim3A_24 = vector.broadcast %broadcast_in_dim3A_23 : f32 to vector<16xf32>
    %swap3A_25 = arith.constant 96 : index
    %swap3A_26 = tpu.vector_load %arg6[%swap3A_25] {strides = array<i32>} : memref<128xf32, #tpu.memory_space<vmem>>, vector<16xf32>,
    tpu.vector_store %arg6[%swap3A_25], %broadcast_in_dim3A_24 {strides = array<i32>} : memref<128xf32, #tpu.memory_space<vmem>>, vector<16xf32>,
    %broadcast_in_dim3A_27 = arith.constant 0.000000e+00 : f32
    %broadcast_in_dim3A_28 = vector.broadcast %broadcast_in_dim3A_27 : f32 to vector<16xf32>
    %swap3A_29 = arith.constant 112 : index
    %swap3A_30 = tpu.vector_load %arg6[%swap3A_29] {strides = array<i32>} : memref<128xf32, #tpu.memory_space<vmem>>, vector<16xf32>,
    tpu.vector_store %arg6[%swap3A_29], %broadcast_in_dim3A_28 {strides = array<i32>} : memref<128xf32, #tpu.memory_space<vmem>>, vector<16xf32>,
    %mul3A_31 = arith.constant 640 : i32
    %mul3A_32 = arith.muli %arg1, %mul3A_31 : i32
    %add3A_33 = arith.constant 0 : i32
    %add3A_34 = arith.addi %mul3A_32, %add3A_33 : i32
    "tpu.region"() ({
      %run_scoped3A = tpu.sem_alloc : memref<!tpu.dma_semaphore, #tpu.memory_space<semaphore_mem>>
      %dma_start3A = tpu.memref_slice %arg4[%add3A_34] : memref<10240xf32, #tpu.memory_space<vmem_shared>> -> memref<128xf32, #tpu.memory_space<vmem_shared>>
      %dma_start3A_93 = tpu.memref_slice %arg4[%add3A_34] : memref<10240xf32, #tpu.memory_space<vmem_shared>> -> memref<128xf32, #tpu.memory_space<vmem_shared>>
      tpu.enqueue_dma source(%arg6 : memref<128xf32, #tpu.memory_space<vmem>>) target(%dma_start3A_93 : memref<128xf32, #tpu.memory_space<vmem_shared>>) target_semaphore(%run_scoped3A : memref<!tpu.dma_semaphore, #tpu.memory_space<semaphore_mem>>)
      %dma_wait3A = tpu.memref_slice %arg4[%add3A_34] : memref<10240xf32, #tpu.memory_space<vmem_shared>> -> memref<128xf32, #tpu.memory_space<vmem_shared>>
      %dma_wait3A_94 = tpu.memref_slice %arg4[%add3A_34] : memref<10240xf32, #tpu.memory_space<vmem_shared>> -> memref<128xf32, #tpu.memory_space<vmem_shared>>
      tpu.wait_dma2 semaphore(%run_scoped3A : memref<!tpu.dma_semaphore, #tpu.memory_space<semaphore_mem>>) src(%arg6 : memref<128xf32, #tpu.memory_space<vmem>>) dst(%dma_wait3A_94 : memref<128xf32, #tpu.memory_space<vmem_shared>>)
      tpu.yield
    }) : () -> ()
    %mul3A_35 = arith.constant 640 : i32
    %mul3A_36 = arith.muli %arg1, %mul3A_35 : i32
    %add3A_37 = arith.constant 128 : i32
    %add3A_38 = arith.addi %mul3A_36, %add3A_37 : i32
    "tpu.region"() ({
      %run_scoped3A = tpu.sem_alloc : memref<!tpu.dma_semaphore, #tpu.memory_space<semaphore_mem>>
      %dma_start3A = tpu.memref_slice %arg4[%add3A_38] : memref<10240xf32, #tpu.memory_space<vmem_shared>> -> memref<128xf32, #tpu.memory_space<vmem_shared>>
      %dma_start3A_93 = tpu.memref_slice %arg4[%add3A_38] : memref<10240xf32, #tpu.memory_space<vmem_shared>> -> memref<128xf32, #tpu.memory_space<vmem_shared>>
      tpu.enqueue_dma source(%arg6 : memref<128xf32, #tpu.memory_space<vmem>>) target(%dma_start3A_93 : memref<128xf32, #tpu.memory_space<vmem_shared>>) target_semaphore(%run_scoped3A : memref<!tpu.dma_semaphore, #tpu.memory_space<semaphore_mem>>)
      %dma_wait3A = tpu.memref_slice %arg4[%add3A_38] : memref<10240xf32, #tpu.memory_space<vmem_shared>> -> memref<128xf32, #tpu.memory_space<vmem_shared>>
      %dma_wait3A_94 = tpu.memref_slice %arg4[%add3A_38] : memref<10240xf32, #tpu.memory_space<vmem_shared>> -> memref<128xf32, #tpu.memory_space<vmem_shared>>
      tpu.wait_dma2 semaphore(%run_scoped3A : memref<!tpu.dma_semaphore, #tpu.memory_space<semaphore_mem>>) src(%arg6 : memref<128xf32, #tpu.memory_space<vmem>>) dst(%dma_wait3A_94 : memref<128xf32, #tpu.memory_space<vmem_shared>>)
      tpu.yield
    }) : () -> ()
    %mul3A_39 = arith.constant 640 : i32
    %mul3A_40 = arith.muli %arg1, %mul3A_39 : i32
    %add3A_41 = arith.constant 256 : i32
    %add3A_42 = arith.addi %mul3A_40, %add3A_41 : i32
    "tpu.region"() ({
      %run_scoped3A = tpu.sem_alloc : memref<!tpu.dma_semaphore, #tpu.memory_space<semaphore_mem>>
      %dma_start3A = tpu.memref_slice %arg4[%add3A_42] : memref<10240xf32, #tpu.memory_space<vmem_shared>> -> memref<128xf32, #tpu.memory_space<vmem_shared>>
      %dma_start3A_93 = tpu.memref_slice %arg4[%add3A_42] : memref<10240xf32, #tpu.memory_space<vmem_shared>> -> memref<128xf32, #tpu.memory_space<vmem_shared>>
      tpu.enqueue_dma source(%arg6 : memref<128xf32, #tpu.memory_space<vmem>>) target(%dma_start3A_93 : memref<128xf32, #tpu.memory_space<vmem_shared>>) target_semaphore(%run_scoped3A : memref<!tpu.dma_semaphore, #tpu.memory_space<semaphore_mem>>)
      %dma_wait3A = tpu.memref_slice %arg4[%add3A_42] : memref<10240xf32, #tpu.memory_space<vmem_shared>> -> memref<128xf32, #tpu.memory_space<vmem_shared>>
      %dma_wait3A_94 = tpu.memref_slice %arg4[%add3A_42] : memref<10240xf32, #tpu.memory_space<vmem_shared>> -> memref<128xf32, #tpu.memory_space<vmem_shared>>
      tpu.wait_dma2 semaphore(%run_scoped3A : memref<!tpu.dma_semaphore, #tpu.memory_space<semaphore_mem>>) src(%arg6 : memref<128xf32, #tpu.memory_space<vmem>>) dst(%dma_wait3A_94 : memref<128xf32, #tpu.memory_space<vmem_shared>>)
      tpu.yield
    }) : () -> ()
    %mul3A_43 = arith.constant 640 : i32
    %mul3A_44 = arith.muli %arg1, %mul3A_43 : i32
    %add3A_45 = arith.constant 384 : i32
    %add3A_46 = arith.addi %mul3A_44, %add3A_45 : i32
    "tpu.region"() ({
      %run_scoped3A = tpu.sem_alloc : memref<!tpu.dma_semaphore, #tpu.memory_space<semaphore_mem>>
      %dma_start3A = tpu.memref_slice %arg4[%add3A_46] : memref<10240xf32, #tpu.memory_space<vmem_shared>> -> memref<128xf32, #tpu.memory_space<vmem_shared>>
      %dma_start3A_93 = tpu.memref_slice %arg4[%add3A_46] : memref<10240xf32, #tpu.memory_space<vmem_shared>> -> memref<128xf32, #tpu.memory_space<vmem_shared>>
      tpu.enqueue_dma source(%arg6 : memref<128xf32, #tpu.memory_space<vmem>>) target(%dma_start3A_93 : memref<128xf32, #tpu.memory_space<vmem_shared>>) target_semaphore(%run_scoped3A : memref<!tpu.dma_semaphore, #tpu.memory_space<semaphore_mem>>)
      %dma_wait3A = tpu.memref_slice %arg4[%add3A_46] : memref<10240xf32, #tpu.memory_space<vmem_shared>> -> memref<128xf32, #tpu.memory_space<vmem_shared>>
      %dma_wait3A_94 = tpu.memref_slice %arg4[%add3A_46] : memref<10240xf32, #tpu.memory_space<vmem_shared>> -> memref<128xf32, #tpu.memory_space<vmem_shared>>
      tpu.wait_dma2 semaphore(%run_scoped3A : memref<!tpu.dma_semaphore, #tpu.memory_space<semaphore_mem>>) src(%arg6 : memref<128xf32, #tpu.memory_space<vmem>>) dst(%dma_wait3A_94 : memref<128xf32, #tpu.memory_space<vmem_shared>>)
      tpu.yield
    }) : () -> ()
    %mul3A_47 = arith.constant 640 : i32
    %mul3A_48 = arith.muli %arg1, %mul3A_47 : i32
    %add3A_49 = arith.constant 512 : i32
    %add3A_50 = arith.addi %mul3A_48, %add3A_49 : i32
    "tpu.region"() ({
      %run_scoped3A = tpu.sem_alloc : memref<!tpu.dma_semaphore, #tpu.memory_space<semaphore_mem>>
      %dma_start3A = tpu.memref_slice %arg4[%add3A_50] : memref<10240xf32, #tpu.memory_space<vmem_shared>> -> memref<128xf32, #tpu.memory_space<vmem_shared>>
      %dma_start3A_93 = tpu.memref_slice %arg4[%add3A_50] : memref<10240xf32, #tpu.memory_space<vmem_shared>> -> memref<128xf32, #tpu.memory_space<vmem_shared>>
      tpu.enqueue_dma source(%arg6 : memref<128xf32, #tpu.memory_space<vmem>>) target(%dma_start3A_93 : memref<128xf32, #tpu.memory_space<vmem_shared>>) target_semaphore(%run_scoped3A : memref<!tpu.dma_semaphore, #tpu.memory_space<semaphore_mem>>)
      %dma_wait3A = tpu.memref_slice %arg4[%add3A_50] : memref<10240xf32, #tpu.memory_space<vmem_shared>> -> memref<128xf32, #tpu.memory_space<vmem_shared>>
      %dma_wait3A_94 = tpu.memref_slice %arg4[%add3A_50] : memref<10240xf32, #tpu.memory_space<vmem_shared>> -> memref<128xf32, #tpu.memory_space<vmem_shared>>
      tpu.wait_dma2 semaphore(%run_scoped3A : memref<!tpu.dma_semaphore, #tpu.memory_space<semaphore_mem>>) src(%arg6 : memref<128xf32, #tpu.memory_space<vmem>>) dst(%dma_wait3A_94 : memref<128xf32, #tpu.memory_space<vmem_shared>>)
      tpu.yield
    }) : () -> ()
    %barrier3A = arith.constant 0 : index
    tpu.barrier barrier_id(%barrier3A)
    %broadcast_in_dim3A_51 = arith.constant 1.000000e+00 : f32
    %broadcast_in_dim3A_52 = vector.broadcast %broadcast_in_dim3A_51 : f32 to vector<16xf32>
    %swap3A_53 = arith.constant 0 : index
    %swap3A_54 = tpu.vector_load %arg6[%swap3A_53] {strides = array<i32>} : memref<128xf32, #tpu.memory_space<vmem>>, vector<16xf32>,
    tpu.vector_store %arg6[%swap3A_53], %broadcast_in_dim3A_52 {strides = array<i32>} : memref<128xf32, #tpu.memory_space<vmem>>, vector<16xf32>,
    %broadcast_in_dim3A_55 = arith.constant 1.000000e+00 : f32
    %broadcast_in_dim3A_56 = vector.broadcast %broadcast_in_dim3A_55 : f32 to vector<16xf32>
    %swap3A_57 = arith.constant 16 : index
    %swap3A_58 = tpu.vector_load %arg6[%swap3A_57] {strides = array<i32>} : memref<128xf32, #tpu.memory_space<vmem>>, vector<16xf32>,
    tpu.vector_store %arg6[%swap3A_57], %broadcast_in_dim3A_56 {strides = array<i32>} : memref<128xf32, #tpu.memory_space<vmem>>, vector<16xf32>,
    %broadcast_in_dim3A_59 = arith.constant 1.000000e+00 : f32
    %broadcast_in_dim3A_60 = vector.broadcast %broadcast_in_dim3A_59 : f32 to vector<16xf32>
    %swap3A_61 = arith.constant 32 : index
    %swap3A_62 = tpu.vector_load %arg6[%swap3A_61] {strides = array<i32>} : memref<128xf32, #tpu.memory_space<vmem>>, vector<16xf32>,
    tpu.vector_store %arg6[%swap3A_61], %broadcast_in_dim3A_60 {strides = array<i32>} : memref<128xf32, #tpu.memory_space<vmem>>, vector<16xf32>,
    %broadcast_in_dim3A_63 = arith.constant 1.000000e+00 : f32
    %broadcast_in_dim3A_64 = vector.broadcast %broadcast_in_dim3A_63 : f32 to vector<16xf32>
    %swap3A_65 = arith.constant 48 : index
    %swap3A_66 = tpu.vector_load %arg6[%swap3A_65] {strides = array<i32>} : memref<128xf32, #tpu.memory_space<vmem>>, vector<16xf32>,
    tpu.vector_store %arg6[%swap3A_65], %broadcast_in_dim3A_64 {strides = array<i32>} : memref<128xf32, #tpu.memory_space<vmem>>, vector<16xf32>,
    %broadcast_in_dim3A_67 = arith.constant 1.000000e+00 : f32
    %broadcast_in_dim3A_68 = vector.broadcast %broadcast_in_dim3A_67 : f32 to vector<16xf32>
    %swap3A_69 = arith.constant 64 : index
    %swap3A_70 = tpu.vector_load %arg6[%swap3A_69] {strides = array<i32>} : memref<128xf32, #tpu.memory_space<vmem>>, vector<16xf32>,
    tpu.vector_store %arg6[%swap3A_69], %broadcast_in_dim3A_68 {strides = array<i32>} : memref<128xf32, #tpu.memory_space<vmem>>, vector<16xf32>,
    %broadcast_in_dim3A_71 = arith.constant 1.000000e+00 : f32
    %broadcast_in_dim3A_72 = vector.broadcast %broadcast_in_dim3A_71 : f32 to vector<16xf32>
    %swap3A_73 = arith.constant 80 : index
    %swap3A_74 = tpu.vector_load %arg6[%swap3A_73] {strides = array<i32>} : memref<128xf32, #tpu.memory_space<vmem>>, vector<16xf32>,
    tpu.vector_store %arg6[%swap3A_73], %broadcast_in_dim3A_72 {strides = array<i32>} : memref<128xf32, #tpu.memory_space<vmem>>, vector<16xf32>,
    %broadcast_in_dim3A_75 = arith.constant 1.000000e+00 : f32
    %broadcast_in_dim3A_76 = vector.broadcast %broadcast_in_dim3A_75 : f32 to vector<16xf32>
    %swap3A_77 = arith.constant 96 : index
    %swap3A_78 = tpu.vector_load %arg6[%swap3A_77] {strides = array<i32>} : memref<128xf32, #tpu.memory_space<vmem>>, vector<16xf32>,
    tpu.vector_store %arg6[%swap3A_77], %broadcast_in_dim3A_76 {strides = array<i32>} : memref<128xf32, #tpu.memory_space<vmem>>, vector<16xf32>,
    %broadcast_in_dim3A_79 = arith.constant 1.000000e+00 : f32
    %broadcast_in_dim3A_80 = vector.broadcast %broadcast_in_dim3A_79 : f32 to vector<16xf32>
    %swap3A_81 = arith.constant 112 : index
    %swap3A_82 = tpu.vector_load %arg6[%swap3A_81] {strides = array<i32>} : memref<128xf32, #tpu.memory_space<vmem>>, vector<16xf32>,
    tpu.vector_store %arg6[%swap3A_81], %broadcast_in_dim3A_80 {strides = array<i32>} : memref<128xf32, #tpu.memory_space<vmem>>, vector<16xf32>,
    %scan3A = arith.constant 0 : i32
    %scan3A_83 = arith.constant 0 : i32
    %scan3A_84 = arith.constant 10 : i32
    %scan3A_85 = arith.addi %scan3A_83, %scan3A_84 : i32
    %scan3A_86 = arith.constant 1 : i32
    scf.for %scan3A_93 = %scan3A_83 to %scan3A_85 step %scan3A_86  : i32 {
      %mul3A_94 = arith.constant 8 : i32
      %mul3A_95 = arith.muli %scan3A_93, %mul3A_94 : i32
      %add3A_96 = arith.constant 0 : i32
      %add3A_97 = arith.addi %mul3A_95, %add3A_96 : i32
      %dma_start3A = arith.constant 0 : i32
      %dma_start3A_98 = tpu.memref_slice %arg5[%add3A_97, %dma_start3A] : memref<80x128xi32, #tpu.memory_space<vmem>> -> memref<1x128xi32, #tpu.memory_space<vmem>>
      %dma_start3A_99 = tpu.memref_squeeze %dma_start3A_98 : memref<1x128xi32, #tpu.memory_space<vmem>> -> memref<128xi32, #tpu.memory_space<vmem>>
      %dma_start3A_100 = arith.constant 0 : i32
      %dma_start3A_101 = tpu.memref_slice %arg4[%dma_start3A_100] : memref<10240xf32, #tpu.memory_space<vmem_shared>> -> memref<10240xf32, #tpu.memory_space<vmem_shared>>
      tpu.enqueue_indirect_dma source(%arg6 : memref<128xf32, #tpu.memory_space<vmem>>) target(%dma_start3A_101 : memref<10240xf32, #tpu.memory_space<vmem_shared>>) offsets(%dma_start3A_99 : memref<128xi32, #tpu.memory_space<vmem>>) semaphore(%arg7 : memref<!tpu.dma_semaphore, #tpu.memory_space<semaphore_mem>>) {add = true}
      %mul3A_102 = arith.constant 8 : i32
      %mul3A_103 = arith.muli %scan3A_93, %mul3A_102 : i32
      %add3A_104 = arith.constant 1 : i32
      %add3A_105 = arith.addi %mul3A_103, %add3A_104 : i32
      %dma_start3A_106 = arith.constant 0 : i32
      %dma_start3A_107 = tpu.memref_slice %arg5[%add3A_105, %dma_start3A_106] : memref<80x128xi32, #tpu.memory_space<vmem>> -> memref<1x128xi32, #tpu.memory_space<vmem>>
      %dma_start3A_108 = tpu.memref_squeeze %dma_start3A_107 : memref<1x128xi32, #tpu.memory_space<vmem>> -> memref<128xi32, #tpu.memory_space<vmem>>
      %dma_start3A_109 = arith.constant 0 : i32
      %dma_start3A_110 = tpu.memref_slice %arg4[%dma_start3A_109] : memref<10240xf32, #tpu.memory_space<vmem_shared>> -> memref<10240xf32, #tpu.memory_space<vmem_shared>>
      tpu.enqueue_indirect_dma source(%arg6 : memref<128xf32, #tpu.memory_space<vmem>>) target(%dma_start3A_110 : memref<10240xf32, #tpu.memory_space<vmem_shared>>) offsets(%dma_start3A_108 : memref<128xi32, #tpu.memory_space<vmem>>) semaphore(%arg7 : memref<!tpu.dma_semaphore, #tpu.memory_space<semaphore_mem>>) {add = true}
      %mul3A_111 = arith.constant 8 : i32
      %mul3A_112 = arith.muli %scan3A_93, %mul3A_111 : i32
      %add3A_113 = arith.constant 2 : i32
      %add3A_114 = arith.addi %mul3A_112, %add3A_113 : i32
      %dma_start3A_115 = arith.constant 0 : i32
      %dma_start3A_116 = tpu.memref_slice %arg5[%add3A_114, %dma_start3A_115] : memref<80x128xi32, #tpu.memory_space<vmem>> -> memref<1x128xi32, #tpu.memory_space<vmem>>
      %dma_start3A_117 = tpu.memref_squeeze %dma_start3A_116 : memref<1x128xi32, #tpu.memory_space<vmem>> -> memref<128xi32, #tpu.memory_space<vmem>>
      %dma_start3A_118 = arith.constant 0 : i32
      %dma_start3A_119 = tpu.memref_slice %arg4[%dma_start3A_118] : memref<10240xf32, #tpu.memory_space<vmem_shared>> -> memref<10240xf32, #tpu.memory_space<vmem_shared>>
      tpu.enqueue_indirect_dma source(%arg6 : memref<128xf32, #tpu.memory_space<vmem>>) target(%dma_start3A_119 : memref<10240xf32, #tpu.memory_space<vmem_shared>>) offsets(%dma_start3A_117 : memref<128xi32, #tpu.memory_space<vmem>>) semaphore(%arg7 : memref<!tpu.dma_semaphore, #tpu.memory_space<semaphore_mem>>) {add = true}
      %mul3A_120 = arith.constant 8 : i32
      %mul3A_121 = arith.muli %scan3A_93, %mul3A_120 : i32
      %add3A_122 = arith.constant 3 : i32
      %add3A_123 = arith.addi %mul3A_121, %add3A_122 : i32
      %dma_start3A_124 = arith.constant 0 : i32
      %dma_start3A_125 = tpu.memref_slice %arg5[%add3A_123, %dma_start3A_124] : memref<80x128xi32, #tpu.memory_space<vmem>> -> memref<1x128xi32, #tpu.memory_space<vmem>>
      %dma_start3A_126 = tpu.memref_squeeze %dma_start3A_125 : memref<1x128xi32, #tpu.memory_space<vmem>> -> memref<128xi32, #tpu.memory_space<vmem>>
      %dma_start3A_127 = arith.constant 0 : i32
      %dma_start3A_128 = tpu.memref_slice %arg4[%dma_start3A_127] : memref<10240xf32, #tpu.memory_space<vmem_shared>> -> memref<10240xf32, #tpu.memory_space<vmem_shared>>
      tpu.enqueue_indirect_dma source(%arg6 : memref<128xf32, #tpu.memory_space<vmem>>) target(%dma_start3A_128 : memref<10240xf32, #tpu.memory_space<vmem_shared>>) offsets(%dma_start3A_126 : memref<128xi32, #tpu.memory_space<vmem>>) semaphore(%arg7 : memref<!tpu.dma_semaphore, #tpu.memory_space<semaphore_mem>>) {add = true}
      %mul3A_129 = arith.constant 8 : i32
      %mul3A_130 = arith.muli %scan3A_93, %mul3A_129 : i32
      %add3A_131 = arith.constant 4 : i32
      %add3A_132 = arith.addi %mul3A_130, %add3A_131 : i32
      %dma_start3A_133 = arith.constant 0 : i32
      %dma_start3A_134 = tpu.memref_slice %arg5[%add3A_132, %dma_start3A_133] : memref<80x128xi32, #tpu.memory_space<vmem>> -> memref<1x128xi32, #tpu.memory_space<vmem>>
      %dma_start3A_135 = tpu.memref_squeeze %dma_start3A_134 : memref<1x128xi32, #tpu.memory_space<vmem>> -> memref<128xi32, #tpu.memory_space<vmem>>
      %dma_start3A_136 = arith.constant 0 : i32
      %dma_start3A_137 = tpu.memref_slice %arg4[%dma_start3A_136] : memref<10240xf32, #tpu.memory_space<vmem_shared>> -> memref<10240xf32, #tpu.memory_space<vmem_shared>>
      tpu.enqueue_indirect_dma source(%arg6 : memref<128xf32, #tpu.memory_space<vmem>>) target(%dma_start3A_137 : memref<10240xf32, #tpu.memory_space<vmem_shared>>) offsets(%dma_start3A_135 : memref<128xi32, #tpu.memory_space<vmem>>) semaphore(%arg7 : memref<!tpu.dma_semaphore, #tpu.memory_space<semaphore_mem>>) {add = true}
      %mul3A_138 = arith.constant 8 : i32
      %mul3A_139 = arith.muli %scan3A_93, %mul3A_138 : i32
      %add3A_140 = arith.constant 5 : i32
      %add3A_141 = arith.addi %mul3A_139, %add3A_140 : i32
      %dma_start3A_142 = arith.constant 0 : i32
      %dma_start3A_143 = tpu.memref_slice %arg5[%add3A_141, %dma_start3A_142] : memref<80x128xi32, #tpu.memory_space<vmem>> -> memref<1x128xi32, #tpu.memory_space<vmem>>
      %dma_start3A_144 = tpu.memref_squeeze %dma_start3A_143 : memref<1x128xi32, #tpu.memory_space<vmem>> -> memref<128xi32, #tpu.memory_space<vmem>>
      %dma_start3A_145 = arith.constant 0 : i32
      %dma_start3A_146 = tpu.memref_slice %arg4[%dma_start3A_145] : memref<10240xf32, #tpu.memory_space<vmem_shared>> -> memref<10240xf32, #tpu.memory_space<vmem_shared>>
      tpu.enqueue_indirect_dma source(%arg6 : memref<128xf32, #tpu.memory_space<vmem>>) target(%dma_start3A_146 : memref<10240xf32, #tpu.memory_space<vmem_shared>>) offsets(%dma_start3A_144 : memref<128xi32, #tpu.memory_space<vmem>>) semaphore(%arg7 : memref<!tpu.dma_semaphore, #tpu.memory_space<semaphore_mem>>) {add = true}
      %mul3A_147 = arith.constant 8 : i32
      %mul3A_148 = arith.muli %scan3A_93, %mul3A_147 : i32
      %add3A_149 = arith.constant 6 : i32
      %add3A_150 = arith.addi %mul3A_148, %add3A_149 : i32
      %dma_start3A_151 = arith.constant 0 : i32
      %dma_start3A_152 = tpu.memref_slice %arg5[%add3A_150, %dma_start3A_151] : memref<80x128xi32, #tpu.memory_space<vmem>> -> memref<1x128xi32, #tpu.memory_space<vmem>>
      %dma_start3A_153 = tpu.memref_squeeze %dma_start3A_152 : memref<1x128xi32, #tpu.memory_space<vmem>> -> memref<128xi32, #tpu.memory_space<vmem>>
      %dma_start3A_154 = arith.constant 0 : i32
      %dma_start3A_155 = tpu.memref_slice %arg4[%dma_start3A_154] : memref<10240xf32, #tpu.memory_space<vmem_shared>> -> memref<10240xf32, #tpu.memory_space<vmem_shared>>
      tpu.enqueue_indirect_dma source(%arg6 : memref<128xf32, #tpu.memory_space<vmem>>) target(%dma_start3A_155 : memref<10240xf32, #tpu.memory_space<vmem_shared>>) offsets(%dma_start3A_153 : memref<128xi32, #tpu.memory_space<vmem>>) semaphore(%arg7 : memref<!tpu.dma_semaphore, #tpu.memory_space<semaphore_mem>>) {add = true}
      %mul3A_156 = arith.constant 8 : i32
      %mul3A_157 = arith.muli %scan3A_93, %mul3A_156 : i32
      %add3A_158 = arith.constant 7 : i32
      %add3A_159 = arith.addi %mul3A_157, %add3A_158 : i32
      %dma_start3A_160 = arith.constant 0 : i32
      %dma_start3A_161 = tpu.memref_slice %arg5[%add3A_159, %dma_start3A_160] : memref<80x128xi32, #tpu.memory_space<vmem>> -> memref<1x128xi32, #tpu.memory_space<vmem>>
      %dma_start3A_162 = tpu.memref_squeeze %dma_start3A_161 : memref<1x128xi32, #tpu.memory_space<vmem>> -> memref<128xi32, #tpu.memory_space<vmem>>
      %dma_start3A_163 = arith.constant 0 : i32
      %dma_start3A_164 = tpu.memref_slice %arg4[%dma_start3A_163] : memref<10240xf32, #tpu.memory_space<vmem_shared>> -> memref<10240xf32, #tpu.memory_space<vmem_shared>>
      tpu.enqueue_indirect_dma source(%arg6 : memref<128xf32, #tpu.memory_space<vmem>>) target(%dma_start3A_164 : memref<10240xf32, #tpu.memory_space<vmem_shared>>) offsets(%dma_start3A_162 : memref<128xi32, #tpu.memory_space<vmem>>) semaphore(%arg7 : memref<!tpu.dma_semaphore, #tpu.memory_space<semaphore_mem>>) {add = true}
      %mul3A_165 = arith.constant 8 : i32
      %mul3A_166 = arith.muli %scan3A_93, %mul3A_165 : i32
      %add3A_167 = arith.constant 0 : i32
      %add3A_168 = arith.addi %mul3A_166, %add3A_167 : i32
      %dma_wait3A = arith.constant 0 : i32
      %dma_wait3A_169 = tpu.memref_slice %arg5[%add3A_168, %dma_wait3A] : memref<80x128xi32, #tpu.memory_space<vmem>> -> memref<1x128xi32, #tpu.memory_space<vmem>>
      %dma_wait3A_170 = tpu.memref_squeeze %dma_wait3A_169 : memref<1x128xi32, #tpu.memory_space<vmem>> -> memref<128xi32, #tpu.memory_space<vmem>>
      %dma_wait3A_171 = arith.constant 0 : i32
      %dma_wait3A_172 = tpu.memref_slice %arg4[%dma_wait3A_171] : memref<10240xf32, #tpu.memory_space<vmem_shared>> -> memref<10240xf32, #tpu.memory_space<vmem_shared>>
      tpu.wait_indirect_dma semaphore(%arg7 : memref<!tpu.dma_semaphore, #tpu.memory_space<semaphore_mem>>) src(%arg6 : memref<128xf32, #tpu.memory_space<vmem>>) dst(%dma_wait3A_172 : memref<10240xf32, #tpu.memory_space<vmem_shared>>)
      %mul3A_173 = arith.constant 8 : i32
      %mul3A_174 = arith.muli %scan3A_93, %mul3A_173 : i32
      %add3A_175 = arith.constant 1 : i32
      %add3A_176 = arith.addi %mul3A_174, %add3A_175 : i32
      %dma_wait3A_177 = arith.constant 0 : i32
      %dma_wait3A_178 = tpu.memref_slice %arg5[%add3A_176, %dma_wait3A_177] : memref<80x128xi32, #tpu.memory_space<vmem>> -> memref<1x128xi32, #tpu.memory_space<vmem>>
      %dma_wait3A_179 = tpu.memref_squeeze %dma_wait3A_178 : memref<1x128xi32, #tpu.memory_space<vmem>> -> memref<128xi32, #tpu.memory_space<vmem>>
      %dma_wait3A_180 = arith.constant 0 : i32
      %dma_wait3A_181 = tpu.memref_slice %arg4[%dma_wait3A_180] : memref<10240xf32, #tpu.memory_space<vmem_shared>> -> memref<10240xf32, #tpu.memory_space<vmem_shared>>
      tpu.wait_indirect_dma semaphore(%arg7 : memref<!tpu.dma_semaphore, #tpu.memory_space<semaphore_mem>>) src(%arg6 : memref<128xf32, #tpu.memory_space<vmem>>) dst(%dma_wait3A_181 : memref<10240xf32, #tpu.memory_space<vmem_shared>>)
      %mul3A_182 = arith.constant 8 : i32
      %mul3A_183 = arith.muli %scan3A_93, %mul3A_182 : i32
      %add3A_184 = arith.constant 2 : i32
      %add3A_185 = arith.addi %mul3A_183, %add3A_184 : i32
      %dma_wait3A_186 = arith.constant 0 : i32
      %dma_wait3A_187 = tpu.memref_slice %arg5[%add3A_185, %dma_wait3A_186] : memref<80x128xi32, #tpu.memory_space<vmem>> -> memref<1x128xi32, #tpu.memory_space<vmem>>
      %dma_wait3A_188 = tpu.memref_squeeze %dma_wait3A_187 : memref<1x128xi32, #tpu.memory_space<vmem>> -> memref<128xi32, #tpu.memory_space<vmem>>
      %dma_wait3A_189 = arith.constant 0 : i32
      %dma_wait3A_190 = tpu.memref_slice %arg4[%dma_wait3A_189] : memref<10240xf32, #tpu.memory_space<vmem_shared>> -> memref<10240xf32, #tpu.memory_space<vmem_shared>>
      tpu.wait_indirect_dma semaphore(%arg7 : memref<!tpu.dma_semaphore, #tpu.memory_space<semaphore_mem>>) src(%arg6 : memref<128xf32, #tpu.memory_space<vmem>>) dst(%dma_wait3A_190 : memref<10240xf32, #tpu.memory_space<vmem_shared>>)
      %mul3A_191 = arith.constant 8 : i32
      %mul3A_192 = arith.muli %scan3A_93, %mul3A_191 : i32
      %add3A_193 = arith.constant 3 : i32
      %add3A_194 = arith.addi %mul3A_192, %add3A_193 : i32
      %dma_wait3A_195 = arith.constant 0 : i32
      %dma_wait3A_196 = tpu.memref_slice %arg5[%add3A_194, %dma_wait3A_195] : memref<80x128xi32, #tpu.memory_space<vmem>> -> memref<1x128xi32, #tpu.memory_space<vmem>>
      %dma_wait3A_197 = tpu.memref_squeeze %dma_wait3A_196 : memref<1x128xi32, #tpu.memory_space<vmem>> -> memref<128xi32, #tpu.memory_space<vmem>>
      %dma_wait3A_198 = arith.constant 0 : i32
      %dma_wait3A_199 = tpu.memref_slice %arg4[%dma_wait3A_198] : memref<10240xf32, #tpu.memory_space<vmem_shared>> -> memref<10240xf32, #tpu.memory_space<vmem_shared>>
      tpu.wait_indirect_dma semaphore(%arg7 : memref<!tpu.dma_semaphore, #tpu.memory_space<semaphore_mem>>) src(%arg6 : memref<128xf32, #tpu.memory_space<vmem>>) dst(%dma_wait3A_199 : memref<10240xf32, #tpu.memory_space<vmem_shared>>)
      %mul3A_200 = arith.constant 8 : i32
      %mul3A_201 = arith.muli %scan3A_93, %mul3A_200 : i32
      %add3A_202 = arith.constant 4 : i32
      %add3A_203 = arith.addi %mul3A_201, %add3A_202 : i32
      %dma_wait3A_204 = arith.constant 0 : i32
      %dma_wait3A_205 = tpu.memref_slice %arg5[%add3A_203, %dma_wait3A_204] : memref<80x128xi32, #tpu.memory_space<vmem>> -> memref<1x128xi32, #tpu.memory_space<vmem>>
      %dma_wait3A_206 = tpu.memref_squeeze %dma_wait3A_205 : memref<1x128xi32, #tpu.memory_space<vmem>> -> memref<128xi32, #tpu.memory_space<vmem>>
      %dma_wait3A_207 = arith.constant 0 : i32
      %dma_wait3A_208 = tpu.memref_slice %arg4[%dma_wait3A_207] : memref<10240xf32, #tpu.memory_space<vmem_shared>> -> memref<10240xf32, #tpu.memory_space<vmem_shared>>
      tpu.wait_indirect_dma semaphore(%arg7 : memref<!tpu.dma_semaphore, #tpu.memory_space<semaphore_mem>>) src(%arg6 : memref<128xf32, #tpu.memory_space<vmem>>) dst(%dma_wait3A_208 : memref<10240xf32, #tpu.memory_space<vmem_shared>>)
      %mul3A_209 = arith.constant 8 : i32
      %mul3A_210 = arith.muli %scan3A_93, %mul3A_209 : i32
      %add3A_211 = arith.constant 5 : i32
      %add3A_212 = arith.addi %mul3A_210, %add3A_211 : i32
      %dma_wait3A_213 = arith.constant 0 : i32
      %dma_wait3A_214 = tpu.memref_slice %arg5[%add3A_212, %dma_wait3A_213] : memref<80x128xi32, #tpu.memory_space<vmem>> -> memref<1x128xi32, #tpu.memory_space<vmem>>
      %dma_wait3A_215 = tpu.memref_squeeze %dma_wait3A_214 : memref<1x128xi32, #tpu.memory_space<vmem>> -> memref<128xi32, #tpu.memory_space<vmem>>
      %dma_wait3A_216 = arith.constant 0 : i32
      %dma_wait3A_217 = tpu.memref_slice %arg4[%dma_wait3A_216] : memref<10240xf32, #tpu.memory_space<vmem_shared>> -> memref<10240xf32, #tpu.memory_space<vmem_shared>>
      tpu.wait_indirect_dma semaphore(%arg7 : memref<!tpu.dma_semaphore, #tpu.memory_space<semaphore_mem>>) src(%arg6 : memref<128xf32, #tpu.memory_space<vmem>>) dst(%dma_wait3A_217 : memref<10240xf32, #tpu.memory_space<vmem_shared>>)
      %mul3A_218 = arith.constant 8 : i32
      %mul3A_219 = arith.muli %scan3A_93, %mul3A_218 : i32
      %add3A_220 = arith.constant 6 : i32
      %add3A_221 = arith.addi %mul3A_219, %add3A_220 : i32
      %dma_wait3A_222 = arith.constant 0 : i32
      %dma_wait3A_223 = tpu.memref_slice %arg5[%add3A_221, %dma_wait3A_222] : memref<80x128xi32, #tpu.memory_space<vmem>> -> memref<1x128xi32, #tpu.memory_space<vmem>>
      %dma_wait3A_224 = tpu.memref_squeeze %dma_wait3A_223 : memref<1x128xi32, #tpu.memory_space<vmem>> -> memref<128xi32, #tpu.memory_space<vmem>>
      %dma_wait3A_225 = arith.constant 0 : i32
      %dma_wait3A_226 = tpu.memref_slice %arg4[%dma_wait3A_225] : memref<10240xf32, #tpu.memory_space<vmem_shared>> -> memref<10240xf32, #tpu.memory_space<vmem_shared>>
      tpu.wait_indirect_dma semaphore(%arg7 : memref<!tpu.dma_semaphore, #tpu.memory_space<semaphore_mem>>) src(%arg6 : memref<128xf32, #tpu.memory_space<vmem>>) dst(%dma_wait3A_226 : memref<10240xf32, #tpu.memory_space<vmem_shared>>)
      %mul3A_227 = arith.constant 8 : i32
      %mul3A_228 = arith.muli %scan3A_93, %mul3A_227 : i32
      %add3A_229 = arith.constant 7 : i32
      %add3A_230 = arith.addi %mul3A_228, %add3A_229 : i32
      %dma_wait3A_231 = arith.constant 0 : i32
      %dma_wait3A_232 = tpu.memref_slice %arg5[%add3A_230, %dma_wait3A_231] : memref<80x128xi32, #tpu.memory_space<vmem>> -> memref<1x128xi32, #tpu.memory_space<vmem>>
      %dma_wait3A_233 = tpu.memref_squeeze %dma_wait3A_232 : memref<1x128xi32, #tpu.memory_space<vmem>> -> memref<128xi32, #tpu.memory_space<vmem>>
      %dma_wait3A_234 = arith.constant 0 : i32
      %dma_wait3A_235 = tpu.memref_slice %arg4[%dma_wait3A_234] : memref<10240xf32, #tpu.memory_space<vmem_shared>> -> memref<10240xf32, #tpu.memory_space<vmem_shared>>
      tpu.wait_indirect_dma semaphore(%arg7 : memref<!tpu.dma_semaphore, #tpu.memory_space<semaphore_mem>>) src(%arg6 : memref<128xf32, #tpu.memory_space<vmem>>) dst(%dma_wait3A_235 : memref<10240xf32, #tpu.memory_space<vmem_shared>>)
    }
    %scan3A_87 = arith.constant 10 : i32
    %barrier3A_88 = arith.constant 0 : index
    tpu.barrier barrier_id(%barrier3A_88)
    %mul3A_89 = arith.constant 640 : i32
    %mul3A_90 = arith.muli %arg1, %mul3A_89 : i32
    %mul3A_91 = arith.constant 640 : i32
    %mul3A_92 = arith.muli %arg1, %mul3A_91 : i32
    "tpu.region"() ({
      %run_scoped3A = tpu.sem_alloc : memref<!tpu.dma_semaphore, #tpu.memory_space<semaphore_mem>>
      %dma_start3A = tpu.memref_slice %arg3[%arg0, %mul3A_92] : memref<2x10240xf32, #tpu.memory_space<hbm>> -> memref<1x640xf32, #tpu.memory_space<hbm>>
      %dma_start3A_93 = tpu.memref_squeeze %dma_start3A : memref<1x640xf32, #tpu.memory_space<hbm>> -> memref<640xf32, #tpu.memory_space<hbm>>
      %dma_start3A_94 = tpu.memref_slice %arg4[%mul3A_90] : memref<10240xf32, #tpu.memory_space<vmem_shared>> -> memref<640xf32, #tpu.memory_space<vmem_shared>>
      tpu.enqueue_dma source(%dma_start3A_94 : memref<640xf32, #tpu.memory_space<vmem_shared>>) target(%dma_start3A_93 : memref<640xf32, #tpu.memory_space<hbm>>) target_semaphore(%run_scoped3A : memref<!tpu.dma_semaphore, #tpu.memory_space<semaphore_mem>>)
      %dma_wait3A = tpu.memref_slice %arg3[%arg0, %mul3A_92] : memref<2x10240xf32, #tpu.memory_space<hbm>> -> memref<1x640xf32, #tpu.memory_space<hbm>>
      %dma_wait3A_95 = tpu.memref_squeeze %dma_wait3A : memref<1x640xf32, #tpu.memory_space<hbm>> -> memref<640xf32, #tpu.memory_space<hbm>>
      %dma_wait3A_96 = tpu.memref_slice %arg4[%mul3A_90] : memref<10240xf32, #tpu.memory_space<vmem_shared>> -> memref<640xf32, #tpu.memory_space<vmem_shared>>
      tpu.wait_dma2 semaphore(%run_scoped3A : memref<!tpu.dma_semaphore, #tpu.memory_space<semaphore_mem>>) src(%dma_wait3A_96 : memref<640xf32, #tpu.memory_space<vmem_shared>>) dst(%dma_wait3A_95 : memref<640xf32, #tpu.memory_space<hbm>>)
      tpu.yield
    }) : () -> ()
    return
  }
}

#map = affine_map<(d0, d1) -> (0, 0)>
#map1 = affine_map<(d0, d1) -> (0, 0, 0)>
#map2 = affine_map<(d0, d1) -> (0)>
module attributes {stable_mosaic.version = 14 : i64} {
  func.func @_score_kernel(%arg0: i32, %arg1: i32, %arg2: memref<10240x16xf32, #tpu.memory_space<hbm>>, %arg3: memref<32x80x128xi32, #tpu.memory_space<hbm>>, %arg4: memref<32x80x128xi32, #tpu.memory_space<hbm>>, %arg5: memref<327680xf32, #tpu.memory_space<hbm>>, %arg6: memref<80x128xi32, #tpu.memory_space<vmem>>, %arg7: memref<80x128xi32, #tpu.memory_space<vmem>>, %arg8: memref<128x16xf32, #tpu.memory_space<vmem>>, %arg9: memref<128x16xf32, #tpu.memory_space<vmem>>, %arg10: memref<128x16xf32, #tpu.memory_space<vmem>>, %arg11: memref<128x16xf32, #tpu.memory_space<vmem>>, %arg12: memref<128xf32, #tpu.memory_space<vmem>>, %arg13: memref<128xf32, #tpu.memory_space<vmem>>, %arg14: memref<!tpu.dma_semaphore, #tpu.memory_space<semaphore_mem>>, %arg15: memref<!tpu.dma_semaphore, #tpu.memory_space<semaphore_mem>>, %arg16: memref<!tpu.dma_semaphore, #tpu.memory_space<semaphore_mem>>, %arg17: memref<!tpu.dma_semaphore, #tpu.memory_space<semaphore_mem>>, %arg18: memref<!tpu.dma_semaphore, #tpu.memory_space<semaphore_mem>>, %arg19: memref<!tpu.dma_semaphore, #tpu.memory_space<semaphore_mem>>) attributes {dimension_semantics = [#tpu.dimension_semantics<core_parallel>, #tpu.dimension_semantics<subcore_parallel>], iteration_bounds = array<i64: 2, 16>, scalar_prefetch = 0 : i64, scratch_operands = 14 : i64, tpu.core_type = #tpu.core_type<sc_vector_subcore>, window_params = [{transform_indices = #map}, {transform_indices = #map1}, {transform_indices = #map1}, {transform_indices = #map2}]} {
    %mul3A = arith.constant 2 : i32
    %mul3A_0 = arith.muli %arg1, %mul3A : i32
    %add3A = arith.addi %mul3A_0, %arg0 : i32
    "tpu.region"() ({
      %run_scoped3A = tpu.sem_alloc : memref<!tpu.dma_semaphore, #tpu.memory_space<semaphore_mem>>
      %dma_start3A_40 = arith.constant 0 : i32
      %dma_start3A_41 = arith.constant 0 : i32
      %dma_start3A_42 = tpu.memref_slice %arg3[%add3A, %dma_start3A_40, %dma_start3A_41] : memref<32x80x128xi32, #tpu.memory_space<hbm>> -> memref<1x80x128xi32, #tpu.memory_space<hbm>>
      %dma_start3A_43 = tpu.memref_squeeze %dma_start3A_42 : memref<1x80x128xi32, #tpu.memory_space<hbm>> -> memref<80x128xi32, #tpu.memory_space<hbm>>
      %dma_start3A_44 = arith.constant 0 : i32
      %dma_start3A_45 = arith.constant 0 : i32
      %dma_start3A_46 = tpu.memref_slice %arg3[%add3A, %dma_start3A_44, %dma_start3A_45] : memref<32x80x128xi32, #tpu.memory_space<hbm>> -> memref<1x80x128xi32, #tpu.memory_space<hbm>>
      %dma_start3A_47 = tpu.memref_squeeze %dma_start3A_46 : memref<1x80x128xi32, #tpu.memory_space<hbm>> -> memref<80x128xi32, #tpu.memory_space<hbm>>
      tpu.enqueue_dma source(%dma_start3A_47 : memref<80x128xi32, #tpu.memory_space<hbm>>) target(%arg6 : memref<80x128xi32, #tpu.memory_space<vmem>>) target_semaphore(%run_scoped3A : memref<!tpu.dma_semaphore, #tpu.memory_space<semaphore_mem>>)
      %dma_wait3A_48 = arith.constant 0 : i32
      %dma_wait3A_49 = arith.constant 0 : i32
      %dma_wait3A_50 = tpu.memref_slice %arg3[%add3A, %dma_wait3A_48, %dma_wait3A_49] : memref<32x80x128xi32, #tpu.memory_space<hbm>> -> memref<1x80x128xi32, #tpu.memory_space<hbm>>
      %dma_wait3A_51 = tpu.memref_squeeze %dma_wait3A_50 : memref<1x80x128xi32, #tpu.memory_space<hbm>> -> memref<80x128xi32, #tpu.memory_space<hbm>>
      %dma_wait3A_52 = arith.constant 0 : i32
      %dma_wait3A_53 = arith.constant 0 : i32
      %dma_wait3A_54 = tpu.memref_slice %arg3[%add3A, %dma_wait3A_52, %dma_wait3A_53] : memref<32x80x128xi32, #tpu.memory_space<hbm>> -> memref<1x80x128xi32, #tpu.memory_space<hbm>>
      %dma_wait3A_55 = tpu.memref_squeeze %dma_wait3A_54 : memref<1x80x128xi32, #tpu.memory_space<hbm>> -> memref<80x128xi32, #tpu.memory_space<hbm>>
      tpu.wait_dma2 semaphore(%run_scoped3A : memref<!tpu.dma_semaphore, #tpu.memory_space<semaphore_mem>>) src(%dma_wait3A_55 : memref<80x128xi32, #tpu.memory_space<hbm>>) dst(%arg6 : memref<80x128xi32, #tpu.memory_space<vmem>>)
      tpu.yield
    }) : () -> ()
    "tpu.region"() ({
      %run_scoped3A = tpu.sem_alloc : memref<!tpu.dma_semaphore, #tpu.memory_space<semaphore_mem>>
      %dma_start3A_40 = arith.constant 0 : i32
      %dma_start3A_41 = arith.constant 0 : i32
      %dma_start3A_42 = tpu.memref_slice %arg4[%add3A, %dma_start3A_40, %dma_start3A_41] : memref<32x80x128xi32, #tpu.memory_space<hbm>> -> memref<1x80x128xi32, #tpu.memory_space<hbm>>
      %dma_start3A_43 = tpu.memref_squeeze %dma_start3A_42 : memref<1x80x128xi32, #tpu.memory_space<hbm>> -> memref<80x128xi32, #tpu.memory_space<hbm>>
      %dma_start3A_44 = arith.constant 0 : i32
      %dma_start3A_45 = arith.constant 0 : i32
      %dma_start3A_46 = tpu.memref_slice %arg4[%add3A, %dma_start3A_44, %dma_start3A_45] : memref<32x80x128xi32, #tpu.memory_space<hbm>> -> memref<1x80x128xi32, #tpu.memory_space<hbm>>
      %dma_start3A_47 = tpu.memref_squeeze %dma_start3A_46 : memref<1x80x128xi32, #tpu.memory_space<hbm>> -> memref<80x128xi32, #tpu.memory_space<hbm>>
      tpu.enqueue_dma source(%dma_start3A_47 : memref<80x128xi32, #tpu.memory_space<hbm>>) target(%arg7 : memref<80x128xi32, #tpu.memory_space<vmem>>) target_semaphore(%run_scoped3A : memref<!tpu.dma_semaphore, #tpu.memory_space<semaphore_mem>>)
      %dma_wait3A_48 = arith.constant 0 : i32
      %dma_wait3A_49 = arith.constant 0 : i32
      %dma_wait3A_50 = tpu.memref_slice %arg4[%add3A, %dma_wait3A_48, %dma_wait3A_49] : memref<32x80x128xi32, #tpu.memory_space<hbm>> -> memref<1x80x128xi32, #tpu.memory_space<hbm>>
      %dma_wait3A_51 = tpu.memref_squeeze %dma_wait3A_50 : memref<1x80x128xi32, #tpu.memory_space<hbm>> -> memref<80x128xi32, #tpu.memory_space<hbm>>
      %dma_wait3A_52 = arith.constant 0 : i32
      %dma_wait3A_53 = arith.constant 0 : i32
      %dma_wait3A_54 = tpu.memref_slice %arg4[%add3A, %dma_wait3A_52, %dma_wait3A_53] : memref<32x80x128xi32, #tpu.memory_space<hbm>> -> memref<1x80x128xi32, #tpu.memory_space<hbm>>
      %dma_wait3A_55 = tpu.memref_squeeze %dma_wait3A_54 : memref<1x80x128xi32, #tpu.memory_space<hbm>> -> memref<80x128xi32, #tpu.memory_space<hbm>>
      tpu.wait_dma2 semaphore(%run_scoped3A : memref<!tpu.dma_semaphore, #tpu.memory_space<semaphore_mem>>) src(%dma_wait3A_55 : memref<80x128xi32, #tpu.memory_space<hbm>>) dst(%arg7 : memref<80x128xi32, #tpu.memory_space<vmem>>)
      tpu.yield
    }) : () -> ()
    %dma_start3A = arith.constant 0 : i32
    %dma_start3A_1 = arith.constant 0 : i32
    %dma_start3A_2 = tpu.memref_slice %arg6[%dma_start3A, %dma_start3A_1] : memref<80x128xi32, #tpu.memory_space<vmem>> -> memref<1x128xi32, #tpu.memory_space<vmem>>
    %dma_start3A_3 = tpu.memref_squeeze %dma_start3A_2 : memref<1x128xi32, #tpu.memory_space<vmem>> -> memref<128xi32, #tpu.memory_space<vmem>>
    %dma_start3A_4 = arith.constant 0 : i32
    %dma_start3A_5 = arith.constant 0 : i32
    %dma_start3A_6 = tpu.memref_slice %arg2[%dma_start3A_4, %dma_start3A_5] : memref<10240x16xf32, #tpu.memory_space<hbm>> -> memref<10240x16xf32, #tpu.memory_space<hbm>>
    tpu.enqueue_indirect_dma source(%dma_start3A_6 : memref<10240x16xf32, #tpu.memory_space<hbm>>) target(%arg8 : memref<128x16xf32, #tpu.memory_space<vmem>>) offsets(%dma_start3A_3 : memref<128xi32, #tpu.memory_space<vmem>>) semaphore(%arg14 : memref<!tpu.dma_semaphore, #tpu.memory_space<semaphore_mem>>)
    %dma_start3A_7 = arith.constant 0 : i32
    %dma_start3A_8 = arith.constant 0 : i32
    %dma_start3A_9 = tpu.memref_slice %arg7[%dma_start3A_7, %dma_start3A_8] : memref<80x128xi32, #tpu.memory_space<vmem>> -> memref<1x128xi32, #tpu.memory_space<vmem>>
    %dma_start3A_10 = tpu.memref_squeeze %dma_start3A_9 : memref<1x128xi32, #tpu.memory_space<vmem>> -> memref<128xi32, #tpu.memory_space<vmem>>
    %dma_start3A_11 = arith.constant 0 : i32
    %dma_start3A_12 = arith.constant 0 : i32
    %dma_start3A_13 = tpu.memref_slice %arg2[%dma_start3A_11, %dma_start3A_12] : memref<10240x16xf32, #tpu.memory_space<hbm>> -> memref<10240x16xf32, #tpu.memory_space<hbm>>
    tpu.enqueue_indirect_dma source(%dma_start3A_13 : memref<10240x16xf32, #tpu.memory_space<hbm>>) target(%arg9 : memref<128x16xf32, #tpu.memory_space<vmem>>) offsets(%dma_start3A_10 : memref<128xi32, #tpu.memory_space<vmem>>) semaphore(%arg15 : memref<!tpu.dma_semaphore, #tpu.memory_space<semaphore_mem>>)
    %dma_start3A_14 = arith.constant 1 : i32
    %dma_start3A_15 = arith.constant 0 : i32
    %dma_start3A_16 = tpu.memref_slice %arg6[%dma_start3A_14, %dma_start3A_15] : memref<80x128xi32, #tpu.memory_space<vmem>> -> memref<1x128xi32, #tpu.memory_space<vmem>>
    %dma_start3A_17 = tpu.memref_squeeze %dma_start3A_16 : memref<1x128xi32, #tpu.memory_space<vmem>> -> memref<128xi32, #tpu.memory_space<vmem>>
    %dma_start3A_18 = arith.constant 0 : i32
    %dma_start3A_19 = arith.constant 0 : i32
    %dma_start3A_20 = tpu.memref_slice %arg2[%dma_start3A_18, %dma_start3A_19] : memref<10240x16xf32, #tpu.memory_space<hbm>> -> memref<10240x16xf32, #tpu.memory_space<hbm>>
    tpu.enqueue_indirect_dma source(%dma_start3A_20 : memref<10240x16xf32, #tpu.memory_space<hbm>>) target(%arg10 : memref<128x16xf32, #tpu.memory_space<vmem>>) offsets(%dma_start3A_17 : memref<128xi32, #tpu.memory_space<vmem>>) semaphore(%arg16 : memref<!tpu.dma_semaphore, #tpu.memory_space<semaphore_mem>>)
    %dma_start3A_21 = arith.constant 1 : i32
    %dma_start3A_22 = arith.constant 0 : i32
    %dma_start3A_23 = tpu.memref_slice %arg7[%dma_start3A_21, %dma_start3A_22] : memref<80x128xi32, #tpu.memory_space<vmem>> -> memref<1x128xi32, #tpu.memory_space<vmem>>
    %dma_start3A_24 = tpu.memref_squeeze %dma_start3A_23 : memref<1x128xi32, #tpu.memory_space<vmem>> -> memref<128xi32, #tpu.memory_space<vmem>>
    %dma_start3A_25 = arith.constant 0 : i32
    %dma_start3A_26 = arith.constant 0 : i32
    %dma_start3A_27 = tpu.memref_slice %arg2[%dma_start3A_25, %dma_start3A_26] : memref<10240x16xf32, #tpu.memory_space<hbm>> -> memref<10240x16xf32, #tpu.memory_space<hbm>>
    tpu.enqueue_indirect_dma source(%dma_start3A_27 : memref<10240x16xf32, #tpu.memory_space<hbm>>) target(%arg11 : memref<128x16xf32, #tpu.memory_space<vmem>>) offsets(%dma_start3A_24 : memref<128xi32, #tpu.memory_space<vmem>>) semaphore(%arg17 : memref<!tpu.dma_semaphore, #tpu.memory_space<semaphore_mem>>)
    %scan3A = arith.constant 0 : i32
    %scan3A_28 = arith.constant 0 : i32
    %scan3A_29 = arith.constant 40 : i32
    %scan3A_30 = arith.addi %scan3A_28, %scan3A_29 : i32
    %scan3A_31 = arith.constant 1 : i32
    scf.for %scan3A_40 = %scan3A_28 to %scan3A_30 step %scan3A_31  : i32 {
      %mul3A_41 = arith.constant 2 : i32
      %mul3A_42 = arith.muli %mul3A_41, %scan3A_40 : i32
      %add3A_43 = arith.constant 1 : i32
      %add3A_44 = arith.addi %mul3A_42, %add3A_43 : i32
      %mul3A_45 = arith.constant 10240 : i32
      %mul3A_46 = arith.muli %add3A, %mul3A_45 : i32
      %mul3A_47 = arith.constant 128 : i32
      %mul3A_48 = arith.muli %mul3A_42, %mul3A_47 : i32
      %add3A_49 = arith.addi %mul3A_46, %mul3A_48 : i32
      %dma_wait3A_50 = arith.constant 0 : i32
      %dma_wait3A_51 = tpu.memref_slice %arg6[%mul3A_42, %dma_wait3A_50] : memref<80x128xi32, #tpu.memory_space<vmem>> -> memref<1x128xi32, #tpu.memory_space<vmem>>
      %dma_wait3A_52 = tpu.memref_squeeze %dma_wait3A_51 : memref<1x128xi32, #tpu.memory_space<vmem>> -> memref<128xi32, #tpu.memory_space<vmem>>
      %dma_wait3A_53 = arith.constant 0 : i32
      %dma_wait3A_54 = arith.constant 0 : i32
      %dma_wait3A_55 = tpu.memref_slice %arg2[%dma_wait3A_53, %dma_wait3A_54] : memref<10240x16xf32, #tpu.memory_space<hbm>> -> memref<10240x16xf32, #tpu.memory_space<hbm>>
      tpu.wait_indirect_dma semaphore(%arg14 : memref<!tpu.dma_semaphore, #tpu.memory_space<semaphore_mem>>) src(%dma_wait3A_55 : memref<10240x16xf32, #tpu.memory_space<hbm>>) dst(%arg8 : memref<128x16xf32, #tpu.memory_space<vmem>>)
      %dma_wait3A_56 = arith.constant 0 : i32
      %dma_wait3A_57 = tpu.memref_slice %arg7[%mul3A_42, %dma_wait3A_56] : memref<80x128xi32, #tpu.memory_space<vmem>> -> memref<1x128xi32, #tpu.memory_space<vmem>>
      %dma_wait3A_58 = tpu.memref_squeeze %dma_wait3A_57 : memref<1x128xi32, #tpu.memory_space<vmem>> -> memref<128xi32, #tpu.memory_space<vmem>>
      %dma_wait3A_59 = arith.constant 0 : i32
      %dma_wait3A_60 = arith.constant 0 : i32
      %dma_wait3A_61 = tpu.memref_slice %arg2[%dma_wait3A_59, %dma_wait3A_60] : memref<10240x16xf32, #tpu.memory_space<hbm>> -> memref<10240x16xf32, #tpu.memory_space<hbm>>
      tpu.wait_indirect_dma semaphore(%arg15 : memref<!tpu.dma_semaphore, #tpu.memory_space<semaphore_mem>>) src(%dma_wait3A_61 : memref<10240x16xf32, #tpu.memory_space<hbm>>) dst(%arg9 : memref<128x16xf32, #tpu.memory_space<vmem>>)
      %gt3A = arith.constant 0 : i32
      %gt3A_62 = arith.cmpi sgt, %scan3A_40, %gt3A : i32
      %convert_element_type3A = arith.extui %gt3A_62 : i1 to i32
      %cond3A = arith.constant 0 : i32
      %cond3A_63 = arith.cmpi ne, %convert_element_type3A, %cond3A : i32
      scf.if %cond3A_63 {
        %sub3A = arith.constant 256 : i32
        %sub3A_1920 = arith.subi %add3A_49, %sub3A : i32
        %dma_wait3A_1921 = tpu.memref_slice %arg5[%sub3A_1920] : memref<327680xf32, #tpu.memory_space<hbm>> -> memref<128xf32, #tpu.memory_space<hbm>>
        %dma_wait3A_1922 = tpu.memref_slice %arg5[%sub3A_1920] : memref<327680xf32, #tpu.memory_space<hbm>> -> memref<128xf32, #tpu.memory_space<hbm>>
        tpu.wait_dma2 semaphore(%arg18 : memref<!tpu.dma_semaphore, #tpu.memory_space<semaphore_mem>>) src(%arg12 : memref<128xf32, #tpu.memory_space<vmem>>) dst(%dma_wait3A_1922 : memref<128xf32, #tpu.memory_space<hbm>>)
      } else {
      }
      %iota3A = tpu.iota {dimensions = array<i32: 0>} : vector<16xi32>
      %add3A_64 = arith.constant 0 : i32
      %add3A_65 = vector.broadcast %add3A_64 : i32 to vector<16xi32>
      %add3A_66 = arith.addi %iota3A, %add3A_65 : vector<16xi32>
      %broadcast_in_dim3A = arith.constant 0.000000e+00 : f32
      %broadcast_in_dim3A_67 = vector.broadcast %broadcast_in_dim3A : f32 to vector<16xf32>
      %broadcast_in_dim3A_68 = arith.constant 0 : i32
      %broadcast_in_dim3A_69 = vector.broadcast %broadcast_in_dim3A_68 : i32 to vector<16xi32>
      %gather3A = tpu.vector_load_idx %arg8[%add3A_66, %broadcast_in_dim3A_69] : memref<128x16xf32, #tpu.memory_space<vmem>>[vector<16xi32>, vector<16xi32>], vector<16xf32>,
      %gather3A_70 = tpu.vector_load_idx %arg9[%add3A_66, %broadcast_in_dim3A_69] : memref<128x16xf32, #tpu.memory_space<vmem>>[vector<16xi32>, vector<16xi32>], vector<16xf32>,
      %mul3A_71 = arith.mulf %gather3A, %gather3A_70 : vector<16xf32>
      %add3A_72 = arith.addf %broadcast_in_dim3A_67, %mul3A_71 : vector<16xf32>
      %broadcast_in_dim3A_73 = arith.constant 1 : i32
      %broadcast_in_dim3A_74 = vector.broadcast %broadcast_in_dim3A_73 : i32 to vector<16xi32>
      %gather3A_75 = tpu.vector_load_idx %arg8[%add3A_66, %broadcast_in_dim3A_74] : memref<128x16xf32, #tpu.memory_space<vmem>>[vector<16xi32>, vector<16xi32>], vector<16xf32>,
      %gather3A_76 = tpu.vector_load_idx %arg9[%add3A_66, %broadcast_in_dim3A_74] : memref<128x16xf32, #tpu.memory_space<vmem>>[vector<16xi32>, vector<16xi32>], vector<16xf32>,
      %mul3A_77 = arith.mulf %gather3A_75, %gather3A_76 : vector<16xf32>
      %add3A_78 = arith.addf %add3A_72, %mul3A_77 : vector<16xf32>
      %broadcast_in_dim3A_79 = arith.constant 2 : i32
      %broadcast_in_dim3A_80 = vector.broadcast %broadcast_in_dim3A_79 : i32 to vector<16xi32>
      %gather3A_81 = tpu.vector_load_idx %arg8[%add3A_66, %broadcast_in_dim3A_80] : memref<128x16xf32, #tpu.memory_space<vmem>>[vector<16xi32>, vector<16xi32>], vector<16xf32>,
      %gather3A_82 = tpu.vector_load_idx %arg9[%add3A_66, %broadcast_in_dim3A_80] : memref<128x16xf32, #tpu.memory_space<vmem>>[vector<16xi32>, vector<16xi32>], vector<16xf32>,
      %mul3A_83 = arith.mulf %gather3A_81, %gather3A_82 : vector<16xf32>
      %add3A_84 = arith.addf %add3A_78, %mul3A_83 : vector<16xf32>
      %broadcast_in_dim3A_85 = arith.constant 3 : i32
      %broadcast_in_dim3A_86 = vector.broadcast %broadcast_in_dim3A_85 : i32 to vector<16xi32>
      %gather3A_87 = tpu.vector_load_idx %arg8[%add3A_66, %broadcast_in_dim3A_86] : memref<128x16xf32, #tpu.memory_space<vmem>>[vector<16xi32>, vector<16xi32>], vector<16xf32>,
      %gather3A_88 = tpu.vector_load_idx %arg9[%add3A_66, %broadcast_in_dim3A_86] : memref<128x16xf32, #tpu.memory_space<vmem>>[vector<16xi32>, vector<16xi32>], vector<16xf32>,
      %mul3A_89 = arith.mulf %gather3A_87, %gather3A_88 : vector<16xf32>
      %add3A_90 = arith.addf %add3A_84, %mul3A_89 : vector<16xf32>
      %broadcast_in_dim3A_91 = arith.constant 4 : i32
      %broadcast_in_dim3A_92 = vector.broadcast %broadcast_in_dim3A_91 : i32 to vector<16xi32>
      %gather3A_93 = tpu.vector_load_idx %arg8[%add3A_66, %broadcast_in_dim3A_92] : memref<128x16xf32, #tpu.memory_space<vmem>>[vector<16xi32>, vector<16xi32>], vector<16xf32>,
      %gather3A_94 = tpu.vector_load_idx %arg9[%add3A_66, %broadcast_in_dim3A_92] : memref<128x16xf32, #tpu.memory_space<vmem>>[vector<16xi32>, vector<16xi32>], vector<16xf32>,
      %mul3A_95 = arith.mulf %gather3A_93, %gather3A_94 : vector<16xf32>
      %add3A_96 = arith.addf %add3A_90, %mul3A_95 : vector<16xf32>
      %broadcast_in_dim3A_97 = arith.constant 5 : i32
      %broadcast_in_dim3A_98 = vector.broadcast %broadcast_in_dim3A_97 : i32 to vector<16xi32>
      %gather3A_99 = tpu.vector_load_idx %arg8[%add3A_66, %broadcast_in_dim3A_98] : memref<128x16xf32, #tpu.memory_space<vmem>>[vector<16xi32>, vector<16xi32>], vector<16xf32>,
      %gather3A_100 = tpu.vector_load_idx %arg9[%add3A_66, %broadcast_in_dim3A_98] : memref<128x16xf32, #tpu.memory_space<vmem>>[vector<16xi32>, vector<16xi32>], vector<16xf32>,
      %mul3A_101 = arith.mulf %gather3A_99, %gather3A_100 : vector<16xf32>
      %add3A_102 = arith.addf %add3A_96, %mul3A_101 : vector<16xf32>
      %broadcast_in_dim3A_103 = arith.constant 6 : i32
      %broadcast_in_dim3A_104 = vector.broadcast %broadcast_in_dim3A_103 : i32 to vector<16xi32>
      %gather3A_105 = tpu.vector_load_idx %arg8[%add3A_66, %broadcast_in_dim3A_104] : memref<128x16xf32, #tpu.memory_space<vmem>>[vector<16xi32>, vector<16xi32>], vector<16xf32>,
      %gather3A_106 = tpu.vector_load_idx %arg9[%add3A_66, %broadcast_in_dim3A_104] : memref<128x16xf32, #tpu.memory_space<vmem>>[vector<16xi32>, vector<16xi32>], vector<16xf32>,
      %mul3A_107 = arith.mulf %gather3A_105, %gather3A_106 : vector<16xf32>
      %add3A_108 = arith.addf %add3A_102, %mul3A_107 : vector<16xf32>
      %broadcast_in_dim3A_109 = arith.constant 7 : i32
      %broadcast_in_dim3A_110 = vector.broadcast %broadcast_in_dim3A_109 : i32 to vector<16xi32>
      %gather3A_111 = tpu.vector_load_idx %arg8[%add3A_66, %broadcast_in_dim3A_110] : memref<128x16xf32, #tpu.memory_space<vmem>>[vector<16xi32>, vector<16xi32>], vector<16xf32>,
      %gather3A_112 = tpu.vector_load_idx %arg9[%add3A_66, %broadcast_in_dim3A_110] : memref<128x16xf32, #tpu.memory_space<vmem>>[vector<16xi32>, vector<16xi32>], vector<16xf32>,
      %mul3A_113 = arith.mulf %gather3A_111, %gather3A_112 : vector<16xf32>
      %add3A_114 = arith.addf %add3A_108, %mul3A_113 : vector<16xf32>
      %broadcast_in_dim3A_115 = arith.constant 8 : i32
      %broadcast_in_dim3A_116 = vector.broadcast %broadcast_in_dim3A_115 : i32 to vector<16xi32>
      %gather3A_117 = tpu.vector_load_idx %arg8[%add3A_66, %broadcast_in_dim3A_116] : memref<128x16xf32, #tpu.memory_space<vmem>>[vector<16xi32>, vector<16xi32>], vector<16xf32>,
      %gather3A_118 = tpu.vector_load_idx %arg9[%add3A_66, %broadcast_in_dim3A_116] : memref<128x16xf32, #tpu.memory_space<vmem>>[vector<16xi32>, vector<16xi32>], vector<16xf32>,
      %mul3A_119 = arith.mulf %gather3A_117, %gather3A_118 : vector<16xf32>
      %add3A_120 = arith.addf %add3A_114, %mul3A_119 : vector<16xf32>
      %broadcast_in_dim3A_121 = arith.constant 9 : i32
      %broadcast_in_dim3A_122 = vector.broadcast %broadcast_in_dim3A_121 : i32 to vector<16xi32>
      %gather3A_123 = tpu.vector_load_idx %arg8[%add3A_66, %broadcast_in_dim3A_122] : memref<128x16xf32, #tpu.memory_space<vmem>>[vector<16xi32>, vector<16xi32>], vector<16xf32>,
      %gather3A_124 = tpu.vector_load_idx %arg9[%add3A_66, %broadcast_in_dim3A_122] : memref<128x16xf32, #tpu.memory_space<vmem>>[vector<16xi32>, vector<16xi32>], vector<16xf32>,
      %mul3A_125 = arith.mulf %gather3A_123, %gather3A_124 : vector<16xf32>
      %add3A_126 = arith.addf %add3A_120, %mul3A_125 : vector<16xf32>
      %broadcast_in_dim3A_127 = arith.constant 10 : i32
      %broadcast_in_dim3A_128 = vector.broadcast %broadcast_in_dim3A_127 : i32 to vector<16xi32>
      %gather3A_129 = tpu.vector_load_idx %arg8[%add3A_66, %broadcast_in_dim3A_128] : memref<128x16xf32, #tpu.memory_space<vmem>>[vector<16xi32>, vector<16xi32>], vector<16xf32>,
      %gather3A_130 = tpu.vector_load_idx %arg9[%add3A_66, %broadcast_in_dim3A_128] : memref<128x16xf32, #tpu.memory_space<vmem>>[vector<16xi32>, vector<16xi32>], vector<16xf32>,
      %mul3A_131 = arith.mulf %gather3A_129, %gather3A_130 : vector<16xf32>
      %add3A_132 = arith.addf %add3A_126, %mul3A_131 : vector<16xf32>
      %broadcast_in_dim3A_133 = arith.constant 11 : i32
      %broadcast_in_dim3A_134 = vector.broadcast %broadcast_in_dim3A_133 : i32 to vector<16xi32>
      %gather3A_135 = tpu.vector_load_idx %arg8[%add3A_66, %broadcast_in_dim3A_134] : memref<128x16xf32, #tpu.memory_space<vmem>>[vector<16xi32>, vector<16xi32>], vector<16xf32>,
      %gather3A_136 = tpu.vector_load_idx %arg9[%add3A_66, %broadcast_in_dim3A_134] : memref<128x16xf32, #tpu.memory_space<vmem>>[vector<16xi32>, vector<16xi32>], vector<16xf32>,
      %mul3A_137 = arith.mulf %gather3A_135, %gather3A_136 : vector<16xf32>
      %add3A_138 = arith.addf %add3A_132, %mul3A_137 : vector<16xf32>
      %broadcast_in_dim3A_139 = arith.constant 12 : i32
      %broadcast_in_dim3A_140 = vector.broadcast %broadcast_in_dim3A_139 : i32 to vector<16xi32>
      %gather3A_141 = tpu.vector_load_idx %arg8[%add3A_66, %broadcast_in_dim3A_140] : memref<128x16xf32, #tpu.memory_space<vmem>>[vector<16xi32>, vector<16xi32>], vector<16xf32>,
      %gather3A_142 = tpu.vector_load_idx %arg9[%add3A_66, %broadcast_in_dim3A_140] : memref<128x16xf32, #tpu.memory_space<vmem>>[vector<16xi32>, vector<16xi32>], vector<16xf32>,
      %mul3A_143 = arith.mulf %gather3A_141, %gather3A_142 : vector<16xf32>
      %add3A_144 = arith.addf %add3A_138, %mul3A_143 : vector<16xf32>
      %broadcast_in_dim3A_145 = arith.constant 13 : i32
      %broadcast_in_dim3A_146 = vector.broadcast %broadcast_in_dim3A_145 : i32 to vector<16xi32>
      %gather3A_147 = tpu.vector_load_idx %arg8[%add3A_66, %broadcast_in_dim3A_146] : memref<128x16xf32, #tpu.memory_space<vmem>>[vector<16xi32>, vector<16xi32>], vector<16xf32>,
      %gather3A_148 = tpu.vector_load_idx %arg9[%add3A_66, %broadcast_in_dim3A_146] : memref<128x16xf32, #tpu.memory_space<vmem>>[vector<16xi32>, vector<16xi32>], vector<16xf32>,
      %mul3A_149 = arith.mulf %gather3A_147, %gather3A_148 : vector<16xf32>
      %add3A_150 = arith.addf %add3A_144, %mul3A_149 : vector<16xf32>
      %broadcast_in_dim3A_151 = arith.constant 14 : i32
      %broadcast_in_dim3A_152 = vector.broadcast %broadcast_in_dim3A_151 : i32 to vector<16xi32>
      %gather3A_153 = tpu.vector_load_idx %arg8[%add3A_66, %broadcast_in_dim3A_152] : memref<128x16xf32, #tpu.memory_space<vmem>>[vector<16xi32>, vector<16xi32>], vector<16xf32>,
      %gather3A_154 = tpu.vector_load_idx %arg9[%add3A_66, %broadcast_in_dim3A_152] : memref<128x16xf32, #tpu.memory_space<vmem>>[vector<16xi32>, vector<16xi32>], vector<16xf32>,
      %mul3A_155 = arith.mulf %gather3A_153, %gather3A_154 : vector<16xf32>
      %add3A_156 = arith.addf %add3A_150, %mul3A_155 : vector<16xf32>
      %broadcast_in_dim3A_157 = arith.constant 15 : i32
      %broadcast_in_dim3A_158 = vector.broadcast %broadcast_in_dim3A_157 : i32 to vector<16xi32>
      %gather3A_159 = tpu.vector_load_idx %arg8[%add3A_66, %broadcast_in_dim3A_158] : memref<128x16xf32, #tpu.memory_space<vmem>>[vector<16xi32>, vector<16xi32>], vector<16xf32>,
      %gather3A_160 = tpu.vector_load_idx %arg9[%add3A_66, %broadcast_in_dim3A_158] : memref<128x16xf32, #tpu.memory_space<vmem>>[vector<16xi32>, vector<16xi32>], vector<16xf32>,
      %mul3A_161 = arith.mulf %gather3A_159, %gather3A_160 : vector<16xf32>
      %add3A_162 = arith.addf %add3A_156, %mul3A_161 : vector<16xf32>
      %neg3A = arith.constant 0.000000e+00 : f32
      %neg3A_163 = vector.broadcast %neg3A : f32 to vector<16xf32>
      %neg3A_164 = arith.subf %neg3A_163, %add3A_162 : vector<16xf32>
      %exp3A = math.exp %neg3A_164 : vector<16xf32>
      %add3A_165 = arith.constant 1.000000e+00 : f32
      %add3A_166 = vector.broadcast %add3A_165 : f32 to vector<16xf32>
      %add3A_167 = arith.addf %add3A_166, %exp3A : vector<16xf32>
      %div3A = arith.constant 1.000000e+00 : f32
      %div3A_168 = vector.broadcast %div3A : f32 to vector<16xf32>
      %div3A_169 = arith.divf %div3A_168, %add3A_167 : vector<16xf32>
      %swap3A = arith.constant 0 : index
      %swap3A_170 = tpu.vector_load %arg12[%swap3A] {strides = array<i32>} : memref<128xf32, #tpu.memory_space<vmem>>, vector<16xf32>,
      tpu.vector_store %arg12[%swap3A], %div3A_169 {strides = array<i32>} : memref<128xf32, #tpu.memory_space<vmem>>, vector<16xf32>,
      %iota3A_171 = tpu.iota {dimensions = array<i32: 0>} : vector<16xi32>
      %add3A_172 = arith.constant 16 : i32
      %add3A_173 = vector.broadcast %add3A_172 : i32 to vector<16xi32>
      %add3A_174 = arith.addi %iota3A_171, %add3A_173 : vector<16xi32>
      %broadcast_in_dim3A_175 = arith.constant 0.000000e+00 : f32
      %broadcast_in_dim3A_176 = vector.broadcast %broadcast_in_dim3A_175 : f32 to vector<16xf32>
      %broadcast_in_dim3A_177 = arith.constant 0 : i32
      %broadcast_in_dim3A_178 = vector.broadcast %broadcast_in_dim3A_177 : i32 to vector<16xi32>
      %gather3A_179 = tpu.vector_load_idx %arg8[%add3A_174, %broadcast_in_dim3A_178] : memref<128x16xf32, #tpu.memory_space<vmem>>[vector<16xi32>, vector<16xi32>], vector<16xf32>,
      %gather3A_180 = tpu.vector_load_idx %arg9[%add3A_174, %broadcast_in_dim3A_178] : memref<128x16xf32, #tpu.memory_space<vmem>>[vector<16xi32>, vector<16xi32>], vector<16xf32>,
      %mul3A_181 = arith.mulf %gather3A_179, %gather3A_180 : vector<16xf32>
      %add3A_182 = arith.addf %broadcast_in_dim3A_176, %mul3A_181 : vector<16xf32>
      %broadcast_in_dim3A_183 = arith.constant 1 : i32
      %broadcast_in_dim3A_184 = vector.broadcast %broadcast_in_dim3A_183 : i32 to vector<16xi32>
      %gather3A_185 = tpu.vector_load_idx %arg8[%add3A_174, %broadcast_in_dim3A_184] : memref<128x16xf32, #tpu.memory_space<vmem>>[vector<16xi32>, vector<16xi32>], vector<16xf32>,
      %gather3A_186 = tpu.vector_load_idx %arg9[%add3A_174, %broadcast_in_dim3A_184] : memref<128x16xf32, #tpu.memory_space<vmem>>[vector<16xi32>, vector<16xi32>], vector<16xf32>,
      %mul3A_187 = arith.mulf %gather3A_185, %gather3A_186 : vector<16xf32>
      %add3A_188 = arith.addf %add3A_182, %mul3A_187 : vector<16xf32>
      %broadcast_in_dim3A_189 = arith.constant 2 : i32
      %broadcast_in_dim3A_190 = vector.broadcast %broadcast_in_dim3A_189 : i32 to vector<16xi32>
      %gather3A_191 = tpu.vector_load_idx %arg8[%add3A_174, %broadcast_in_dim3A_190] : memref<128x16xf32, #tpu.memory_space<vmem>>[vector<16xi32>, vector<16xi32>], vector<16xf32>,
      %gather3A_192 = tpu.vector_load_idx %arg9[%add3A_174, %broadcast_in_dim3A_190] : memref<128x16xf32, #tpu.memory_space<vmem>>[vector<16xi32>, vector<16xi32>], vector<16xf32>,
      %mul3A_193 = arith.mulf %gather3A_191, %gather3A_192 : vector<16xf32>
      %add3A_194 = arith.addf %add3A_188, %mul3A_193 : vector<16xf32>
      %broadcast_in_dim3A_195 = arith.constant 3 : i32
      %broadcast_in_dim3A_196 = vector.broadcast %broadcast_in_dim3A_195 : i32 to vector<16xi32>
      %gather3A_197 = tpu.vector_load_idx %arg8[%add3A_174, %broadcast_in_dim3A_196] : memref<128x16xf32, #tpu.memory_space<vmem>>[vector<16xi32>, vector<16xi32>], vector<16xf32>,
      %gather3A_198 = tpu.vector_load_idx %arg9[%add3A_174, %broadcast_in_dim3A_196] : memref<128x16xf32, #tpu.memory_space<vmem>>[vector<16xi32>, vector<16xi32>], vector<16xf32>,
      %mul3A_199 = arith.mulf %gather3A_197, %gather3A_198 : vector<16xf32>
      %add3A_200 = arith.addf %add3A_194, %mul3A_199 : vector<16xf32>
      %broadcast_in_dim3A_201 = arith.constant 4 : i32
      %broadcast_in_dim3A_202 = vector.broadcast %broadcast_in_dim3A_201 : i32 to vector<16xi32>
      %gather3A_203 = tpu.vector_load_idx %arg8[%add3A_174, %broadcast_in_dim3A_202] : memref<128x16xf32, #tpu.memory_space<vmem>>[vector<16xi32>, vector<16xi32>], vector<16xf32>,
      %gather3A_204 = tpu.vector_load_idx %arg9[%add3A_174, %broadcast_in_dim3A_202] : memref<128x16xf32, #tpu.memory_space<vmem>>[vector<16xi32>, vector<16xi32>], vector<16xf32>,
      %mul3A_205 = arith.mulf %gather3A_203, %gather3A_204 : vector<16xf32>
      %add3A_206 = arith.addf %add3A_200, %mul3A_205 : vector<16xf32>
      %broadcast_in_dim3A_207 = arith.constant 5 : i32
      %broadcast_in_dim3A_208 = vector.broadcast %broadcast_in_dim3A_207 : i32 to vector<16xi32>
      %gather3A_209 = tpu.vector_load_idx %arg8[%add3A_174, %broadcast_in_dim3A_208] : memref<128x16xf32, #tpu.memory_space<vmem>>[vector<16xi32>, vector<16xi32>], vector<16xf32>,
      %gather3A_210 = tpu.vector_load_idx %arg9[%add3A_174, %broadcast_in_dim3A_208] : memref<128x16xf32, #tpu.memory_space<vmem>>[vector<16xi32>, vector<16xi32>], vector<16xf32>,
      %mul3A_211 = arith.mulf %gather3A_209, %gather3A_210 : vector<16xf32>
      %add3A_212 = arith.addf %add3A_206, %mul3A_211 : vector<16xf32>
      %broadcast_in_dim3A_213 = arith.constant 6 : i32
      %broadcast_in_dim3A_214 = vector.broadcast %broadcast_in_dim3A_213 : i32 to vector<16xi32>
      %gather3A_215 = tpu.vector_load_idx %arg8[%add3A_174, %broadcast_in_dim3A_214] : memref<128x16xf32, #tpu.memory_space<vmem>>[vector<16xi32>, vector<16xi32>], vector<16xf32>,
      %gather3A_216 = tpu.vector_load_idx %arg9[%add3A_174, %broadcast_in_dim3A_214] : memref<128x16xf32, #tpu.memory_space<vmem>>[vector<16xi32>, vector<16xi32>], vector<16xf32>,
      %mul3A_217 = arith.mulf %gather3A_215, %gather3A_216 : vector<16xf32>
      %add3A_218 = arith.addf %add3A_212, %mul3A_217 : vector<16xf32>
      %broadcast_in_dim3A_219 = arith.constant 7 : i32
      %broadcast_in_dim3A_220 = vector.broadcast %broadcast_in_dim3A_219 : i32 to vector<16xi32>
      %gather3A_221 = tpu.vector_load_idx %arg8[%add3A_174, %broadcast_in_dim3A_220] : memref<128x16xf32, #tpu.memory_space<vmem>>[vector<16xi32>, vector<16xi32>], vector<16xf32>,
      %gather3A_222 = tpu.vector_load_idx %arg9[%add3A_174, %broadcast_in_dim3A_220] : memref<128x16xf32, #tpu.memory_space<vmem>>[vector<16xi32>, vector<16xi32>], vector<16xf32>,
      %mul3A_223 = arith.mulf %gather3A_221, %gather3A_222 : vector<16xf32>
      %add3A_224 = arith.addf %add3A_218, %mul3A_223 : vector<16xf32>
      %broadcast_in_dim3A_225 = arith.constant 8 : i32
      %broadcast_in_dim3A_226 = vector.broadcast %broadcast_in_dim3A_225 : i32 to vector<16xi32>
      %gather3A_227 = tpu.vector_load_idx %arg8[%add3A_174, %broadcast_in_dim3A_226] : memref<128x16xf32, #tpu.memory_space<vmem>>[vector<16xi32>, vector<16xi32>], vector<16xf32>,
      %gather3A_228 = tpu.vector_load_idx %arg9[%add3A_174, %broadcast_in_dim3A_226] : memref<128x16xf32, #tpu.memory_space<vmem>>[vector<16xi32>, vector<16xi32>], vector<16xf32>,
      %mul3A_229 = arith.mulf %gather3A_227, %gather3A_228 : vector<16xf32>
      %add3A_230 = arith.addf %add3A_224, %mul3A_229 : vector<16xf32>
      %broadcast_in_dim3A_231 = arith.constant 9 : i32
      %broadcast_in_dim3A_232 = vector.broadcast %broadcast_in_dim3A_231 : i32 to vector<16xi32>
      %gather3A_233 = tpu.vector_load_idx %arg8[%add3A_174, %broadcast_in_dim3A_232] : memref<128x16xf32, #tpu.memory_space<vmem>>[vector<16xi32>, vector<16xi32>], vector<16xf32>,
      %gather3A_234 = tpu.vector_load_idx %arg9[%add3A_174, %broadcast_in_dim3A_232] : memref<128x16xf32, #tpu.memory_space<vmem>>[vector<16xi32>, vector<16xi32>], vector<16xf32>,
      %mul3A_235 = arith.mulf %gather3A_233, %gather3A_234 : vector<16xf32>
      %add3A_236 = arith.addf %add3A_230, %mul3A_235 : vector<16xf32>
      %broadcast_in_dim3A_237 = arith.constant 10 : i32
      %broadcast_in_dim3A_238 = vector.broadcast %broadcast_in_dim3A_237 : i32 to vector<16xi32>
      %gather3A_239 = tpu.vector_load_idx %arg8[%add3A_174, %broadcast_in_dim3A_238] : memref<128x16xf32, #tpu.memory_space<vmem>>[vector<16xi32>, vector<16xi32>], vector<16xf32>,
      %gather3A_240 = tpu.vector_load_idx %arg9[%add3A_174, %broadcast_in_dim3A_238] : memref<128x16xf32, #tpu.memory_space<vmem>>[vector<16xi32>, vector<16xi32>], vector<16xf32>,
      %mul3A_241 = arith.mulf %gather3A_239, %gather3A_240 : vector<16xf32>
      %add3A_242 = arith.addf %add3A_236, %mul3A_241 : vector<16xf32>
      %broadcast_in_dim3A_243 = arith.constant 11 : i32
      %broadcast_in_dim3A_244 = vector.broadcast %broadcast_in_dim3A_243 : i32 to vector<16xi32>
      %gather3A_245 = tpu.vector_load_idx %arg8[%add3A_174, %broadcast_in_dim3A_244] : memref<128x16xf32, #tpu.memory_space<vmem>>[vector<16xi32>, vector<16xi32>], vector<16xf32>,
      %gather3A_246 = tpu.vector_load_idx %arg9[%add3A_174, %broadcast_in_dim3A_244] : memref<128x16xf32, #tpu.memory_space<vmem>>[vector<16xi32>, vector<16xi32>], vector<16xf32>,
      %mul3A_247 = arith.mulf %gather3A_245, %gather3A_246 : vector<16xf32>
      %add3A_248 = arith.addf %add3A_242, %mul3A_247 : vector<16xf32>
      %broadcast_in_dim3A_249 = arith.constant 12 : i32
      %broadcast_in_dim3A_250 = vector.broadcast %broadcast_in_dim3A_249 : i32 to vector<16xi32>
      %gather3A_251 = tpu.vector_load_idx %arg8[%add3A_174, %broadcast_in_dim3A_250] : memref<128x16xf32, #tpu.memory_space<vmem>>[vector<16xi32>, vector<16xi32>], vector<16xf32>,
      %gather3A_252 = tpu.vector_load_idx %arg9[%add3A_174, %broadcast_in_dim3A_250] : memref<128x16xf32, #tpu.memory_space<vmem>>[vector<16xi32>, vector<16xi32>], vector<16xf32>,
      %mul3A_253 = arith.mulf %gather3A_251, %gather3A_252 : vector<16xf32>
      %add3A_254 = arith.addf %add3A_248, %mul3A_253 : vector<16xf32>
      %broadcast_in_dim3A_255 = arith.constant 13 : i32
      %broadcast_in_dim3A_256 = vector.broadcast %broadcast_in_dim3A_255 : i32 to vector<16xi32>
      %gather3A_257 = tpu.vector_load_idx %arg8[%add3A_174, %broadcast_in_dim3A_256] : memref<128x16xf32, #tpu.memory_space<vmem>>[vector<16xi32>, vector<16xi32>], vector<16xf32>,
      %gather3A_258 = tpu.vector_load_idx %arg9[%add3A_174, %broadcast_in_dim3A_256] : memref<128x16xf32, #tpu.memory_space<vmem>>[vector<16xi32>, vector<16xi32>], vector<16xf32>,
      %mul3A_259 = arith.mulf %gather3A_257, %gather3A_258 : vector<16xf32>
      %add3A_260 = arith.addf %add3A_254, %mul3A_259 : vector<16xf32>
      %broadcast_in_dim3A_261 = arith.constant 14 : i32
      %broadcast_in_dim3A_262 = vector.broadcast %broadcast_in_dim3A_261 : i32 to vector<16xi32>
      %gather3A_263 = tpu.vector_load_idx %arg8[%add3A_174, %broadcast_in_dim3A_262] : memref<128x16xf32, #tpu.memory_space<vmem>>[vector<16xi32>, vector<16xi32>], vector<16xf32>,
      %gather3A_264 = tpu.vector_load_idx %arg9[%add3A_174, %broadcast_in_dim3A_262] : memref<128x16xf32, #tpu.memory_space<vmem>>[vector<16xi32>, vector<16xi32>], vector<16xf32>,
      %mul3A_265 = arith.mulf %gather3A_263, %gather3A_264 : vector<16xf32>
      %add3A_266 = arith.addf %add3A_260, %mul3A_265 : vector<16xf32>
      %broadcast_in_dim3A_267 = arith.constant 15 : i32
      %broadcast_in_dim3A_268 = vector.broadcast %broadcast_in_dim3A_267 : i32 to vector<16xi32>
      %gather3A_269 = tpu.vector_load_idx %arg8[%add3A_174, %broadcast_in_dim3A_268] : memref<128x16xf32, #tpu.memory_space<vmem>>[vector<16xi32>, vector<16xi32>], vector<16xf32>,
      %gather3A_270 = tpu.vector_load_idx %arg9[%add3A_174, %broadcast_in_dim3A_268] : memref<128x16xf32, #tpu.memory_space<vmem>>[vector<16xi32>, vector<16xi32>], vector<16xf32>,
      %mul3A_271 = arith.mulf %gather3A_269, %gather3A_270 : vector<16xf32>
      %add3A_272 = arith.addf %add3A_266, %mul3A_271 : vector<16xf32>
      %neg3A_273 = arith.constant 0.000000e+00 : f32
      %neg3A_274 = vector.broadcast %neg3A_273 : f32 to vector<16xf32>
      %neg3A_275 = arith.subf %neg3A_274, %add3A_272 : vector<16xf32>
      %exp3A_276 = math.exp %neg3A_275 : vector<16xf32>
      %add3A_277 = arith.constant 1.000000e+00 : f32
      %add3A_278 = vector.broadcast %add3A_277 : f32 to vector<16xf32>
      %add3A_279 = arith.addf %add3A_278, %exp3A_276 : vector<16xf32>
      %div3A_280 = arith.constant 1.000000e+00 : f32
      %div3A_281 = vector.broadcast %div3A_280 : f32 to vector<16xf32>
      %div3A_282 = arith.divf %div3A_281, %add3A_279 : vector<16xf32>
      %swap3A_283 = arith.constant 16 : index
      %swap3A_284 = tpu.vector_load %arg12[%swap3A_283] {strides = array<i32>} : memref<128xf32, #tpu.memory_space<vmem>>, vector<16xf32>,
      tpu.vector_store %arg12[%swap3A_283], %div3A_282 {strides = array<i32>} : memref<128xf32, #tpu.memory_space<vmem>>, vector<16xf32>,
      %iota3A_285 = tpu.iota {dimensions = array<i32: 0>} : vector<16xi32>
      %add3A_286 = arith.constant 32 : i32
      %add3A_287 = vector.broadcast %add3A_286 : i32 to vector<16xi32>
      %add3A_288 = arith.addi %iota3A_285, %add3A_287 : vector<16xi32>
      %broadcast_in_dim3A_289 = arith.constant 0.000000e+00 : f32
      %broadcast_in_dim3A_290 = vector.broadcast %broadcast_in_dim3A_289 : f32 to vector<16xf32>
      %broadcast_in_dim3A_291 = arith.constant 0 : i32
      %broadcast_in_dim3A_292 = vector.broadcast %broadcast_in_dim3A_291 : i32 to vector<16xi32>
      %gather3A_293 = tpu.vector_load_idx %arg8[%add3A_288, %broadcast_in_dim3A_292] : memref<128x16xf32, #tpu.memory_space<vmem>>[vector<16xi32>, vector<16xi32>], vector<16xf32>,
      %gather3A_294 = tpu.vector_load_idx %arg9[%add3A_288, %broadcast_in_dim3A_292] : memref<128x16xf32, #tpu.memory_space<vmem>>[vector<16xi32>, vector<16xi32>], vector<16xf32>,
      %mul3A_295 = arith.mulf %gather3A_293, %gather3A_294 : vector<16xf32>
      %add3A_296 = arith.addf %broadcast_in_dim3A_290, %mul3A_295 : vector<16xf32>
      %broadcast_in_dim3A_297 = arith.constant 1 : i32
      %broadcast_in_dim3A_298 = vector.broadcast %broadcast_in_dim3A_297 : i32 to vector<16xi32>
      %gather3A_299 = tpu.vector_load_idx %arg8[%add3A_288, %broadcast_in_dim3A_298] : memref<128x16xf32, #tpu.memory_space<vmem>>[vector<16xi32>, vector<16xi32>], vector<16xf32>,
      %gather3A_300 = tpu.vector_load_idx %arg9[%add3A_288, %broadcast_in_dim3A_298] : memref<128x16xf32, #tpu.memory_space<vmem>>[vector<16xi32>, vector<16xi32>], vector<16xf32>,
      %mul3A_301 = arith.mulf %gather3A_299, %gather3A_300 : vector<16xf32>
      %add3A_302 = arith.addf %add3A_296, %mul3A_301 : vector<16xf32>
      %broadcast_in_dim3A_303 = arith.constant 2 : i32
      %broadcast_in_dim3A_304 = vector.broadcast %broadcast_in_dim3A_303 : i32 to vector<16xi32>
      %gather3A_305 = tpu.vector_load_idx %arg8[%add3A_288, %broadcast_in_dim3A_304] : memref<128x16xf32, #tpu.memory_space<vmem>>[vector<16xi32>, vector<16xi32>], vector<16xf32>,
      %gather3A_306 = tpu.vector_load_idx %arg9[%add3A_288, %broadcast_in_dim3A_304] : memref<128x16xf32, #tpu.memory_space<vmem>>[vector<16xi32>, vector<16xi32>], vector<16xf32>,
      %mul3A_307 = arith.mulf %gather3A_305, %gather3A_306 : vector<16xf32>
      %add3A_308 = arith.addf %add3A_302, %mul3A_307 : vector<16xf32>
      %broadcast_in_dim3A_309 = arith.constant 3 : i32
      %broadcast_in_dim3A_310 = vector.broadcast %broadcast_in_dim3A_309 : i32 to vector<16xi32>
      %gather3A_311 = tpu.vector_load_idx %arg8[%add3A_288, %broadcast_in_dim3A_310] : memref<128x16xf32, #tpu.memory_space<vmem>>[vector<16xi32>, vector<16xi32>], vector<16xf32>,
      %gather3A_312 = tpu.vector_load_idx %arg9[%add3A_288, %broadcast_in_dim3A_310] : memref<128x16xf32, #tpu.memory_space<vmem>>[vector<16xi32>, vector<16xi32>], vector<16xf32>,
      %mul3A_313 = arith.mulf %gather3A_311, %gather3A_312 : vector<16xf32>
      %add3A_314 = arith.addf %add3A_308, %mul3A_313 : vector<16xf32>
      %broadcast_in_dim3A_315 = arith.constant 4 : i32
      %broadcast_in_dim3A_316 = vector.broadcast %broadcast_in_dim3A_315 : i32 to vector<16xi32>
      %gather3A_317 = tpu.vector_load_idx %arg8[%add3A_288, %broadcast_in_dim3A_316] : memref<128x16xf32, #tpu.memory_space<vmem>>[vector<16xi32>, vector<16xi32>], vector<16xf32>,
      %gather3A_318 = tpu.vector_load_idx %arg9[%add3A_288, %broadcast_in_dim3A_316] : memref<128x16xf32, #tpu.memory_space<vmem>>[vector<16xi32>, vector<16xi32>], vector<16xf32>,
      %mul3A_319 = arith.mulf %gather3A_317, %gather3A_318 : vector<16xf32>
      %add3A_320 = arith.addf %add3A_314, %mul3A_319 : vector<16xf32>
      %broadcast_in_dim3A_321 = arith.constant 5 : i32
      %broadcast_in_dim3A_322 = vector.broadcast %broadcast_in_dim3A_321 : i32 to vector<16xi32>
      %gather3A_323 = tpu.vector_load_idx %arg8[%add3A_288, %broadcast_in_dim3A_322] : memref<128x16xf32, #tpu.memory_space<vmem>>[vector<16xi32>, vector<16xi32>], vector<16xf32>,
      %gather3A_324 = tpu.vector_load_idx %arg9[%add3A_288, %broadcast_in_dim3A_322] : memref<128x16xf32, #tpu.memory_space<vmem>>[vector<16xi32>, vector<16xi32>], vector<16xf32>,
      %mul3A_325 = arith.mulf %gather3A_323, %gather3A_324 : vector<16xf32>
      %add3A_326 = arith.addf %add3A_320, %mul3A_325 : vector<16xf32>
      %broadcast_in_dim3A_327 = arith.constant 6 : i32
      %broadcast_in_dim3A_328 = vector.broadcast %broadcast_in_dim3A_327 : i32 to vector<16xi32>
      %gather3A_329 = tpu.vector_load_idx %arg8[%add3A_288, %broadcast_in_dim3A_328] : memref<128x16xf32, #tpu.memory_space<vmem>>[vector<16xi32>, vector<16xi32>], vector<16xf32>,
      %gather3A_330 = tpu.vector_load_idx %arg9[%add3A_288, %broadcast_in_dim3A_328] : memref<128x16xf32, #tpu.memory_space<vmem>>[vector<16xi32>, vector<16xi32>], vector<16xf32>,
      %mul3A_331 = arith.mulf %gather3A_329, %gather3A_330 : vector<16xf32>
      %add3A_332 = arith.addf %add3A_326, %mul3A_331 : vector<16xf32>
      %broadcast_in_dim3A_333 = arith.constant 7 : i32
      %broadcast_in_dim3A_334 = vector.broadcast %broadcast_in_dim3A_333 : i32 to vector<16xi32>
      %gather3A_335 = tpu.vector_load_idx %arg8[%add3A_288, %broadcast_in_dim3A_334] : memref<128x16xf32, #tpu.memory_space<vmem>>[vector<16xi32>, vector<16xi32>], vector<16xf32>,
      %gather3A_336 = tpu.vector_load_idx %arg9[%add3A_288, %broadcast_in_dim3A_334] : memref<128x16xf32, #tpu.memory_space<vmem>>[vector<16xi32>, vector<16xi32>], vector<16xf32>,
      %mul3A_337 = arith.mulf %gather3A_335, %gather3A_336 : vector<16xf32>
      %add3A_338 = arith.addf %add3A_332, %mul3A_337 : vector<16xf32>
      %broadcast_in_dim3A_339 = arith.constant 8 : i32
      %broadcast_in_dim3A_340 = vector.broadcast %broadcast_in_dim3A_339 : i32 to vector<16xi32>
      %gather3A_341 = tpu.vector_load_idx %arg8[%add3A_288, %broadcast_in_dim3A_340] : memref<128x16xf32, #tpu.memory_space<vmem>>[vector<16xi32>, vector<16xi32>], vector<16xf32>,
      %gather3A_342 = tpu.vector_load_idx %arg9[%add3A_288, %broadcast_in_dim3A_340] : memref<128x16xf32, #tpu.memory_space<vmem>>[vector<16xi32>, vector<16xi32>], vector<16xf32>,
      %mul3A_343 = arith.mulf %gather3A_341, %gather3A_342 : vector<16xf32>
      %add3A_344 = arith.addf %add3A_338, %mul3A_343 : vector<16xf32>
      %broadcast_in_dim3A_345 = arith.constant 9 : i32
      %broadcast_in_dim3A_346 = vector.broadcast %broadcast_in_dim3A_345 : i32 to vector<16xi32>
      %gather3A_347 = tpu.vector_load_idx %arg8[%add3A_288, %broadcast_in_dim3A_346] : memref<128x16xf32, #tpu.memory_space<vmem>>[vector<16xi32>, vector<16xi32>], vector<16xf32>,
      %gather3A_348 = tpu.vector_load_idx %arg9[%add3A_288, %broadcast_in_dim3A_346] : memref<128x16xf32, #tpu.memory_space<vmem>>[vector<16xi32>, vector<16xi32>], vector<16xf32>,
      %mul3A_349 = arith.mulf %gather3A_347, %gather3A_348 : vector<16xf32>
      %add3A_350 = arith.addf %add3A_344, %mul3A_349 : vector<16xf32>
      %broadcast_in_dim3A_351 = arith.constant 10 : i32
      %broadcast_in_dim3A_352 = vector.broadcast %broadcast_in_dim3A_351 : i32 to vector<16xi32>
      %gather3A_353 = tpu.vector_load_idx %arg8[%add3A_288, %broadcast_in_dim3A_352] : memref<128x16xf32, #tpu.memory_space<vmem>>[vector<16xi32>, vector<16xi32>], vector<16xf32>,
      %gather3A_354 = tpu.vector_load_idx %arg9[%add3A_288, %broadcast_in_dim3A_352] : memref<128x16xf32, #tpu.memory_space<vmem>>[vector<16xi32>, vector<16xi32>], vector<16xf32>,
      %mul3A_355 = arith.mulf %gather3A_353, %gather3A_354 : vector<16xf32>
      %add3A_356 = arith.addf %add3A_350, %mul3A_355 : vector<16xf32>
      %broadcast_in_dim3A_357 = arith.constant 11 : i32
      %broadcast_in_dim3A_358 = vector.broadcast %broadcast_in_dim3A_357 : i32 to vector<16xi32>
      %gather3A_359 = tpu.vector_load_idx %arg8[%add3A_288, %broadcast_in_dim3A_358] : memref<128x16xf32, #tpu.memory_space<vmem>>[vector<16xi32>, vector<16xi32>], vector<16xf32>,
      %gather3A_360 = tpu.vector_load_idx %arg9[%add3A_288, %broadcast_in_dim3A_358] : memref<128x16xf32, #tpu.memory_space<vmem>>[vector<16xi32>, vector<16xi32>], vector<16xf32>,
      %mul3A_361 = arith.mulf %gather3A_359, %gather3A_360 : vector<16xf32>
      %add3A_362 = arith.addf %add3A_356, %mul3A_361 : vector<16xf32>
      %broadcast_in_dim3A_363 = arith.constant 12 : i32
      %broadcast_in_dim3A_364 = vector.broadcast %broadcast_in_dim3A_363 : i32 to vector<16xi32>
      %gather3A_365 = tpu.vector_load_idx %arg8[%add3A_288, %broadcast_in_dim3A_364] : memref<128x16xf32, #tpu.memory_space<vmem>>[vector<16xi32>, vector<16xi32>], vector<16xf32>,
      %gather3A_366 = tpu.vector_load_idx %arg9[%add3A_288, %broadcast_in_dim3A_364] : memref<128x16xf32, #tpu.memory_space<vmem>>[vector<16xi32>, vector<16xi32>], vector<16xf32>,
      %mul3A_367 = arith.mulf %gather3A_365, %gather3A_366 : vector<16xf32>
      %add3A_368 = arith.addf %add3A_362, %mul3A_367 : vector<16xf32>
      %broadcast_in_dim3A_369 = arith.constant 13 : i32
      %broadcast_in_dim3A_370 = vector.broadcast %broadcast_in_dim3A_369 : i32 to vector<16xi32>
      %gather3A_371 = tpu.vector_load_idx %arg8[%add3A_288, %broadcast_in_dim3A_370] : memref<128x16xf32, #tpu.memory_space<vmem>>[vector<16xi32>, vector<16xi32>], vector<16xf32>,
      %gather3A_372 = tpu.vector_load_idx %arg9[%add3A_288, %broadcast_in_dim3A_370] : memref<128x16xf32, #tpu.memory_space<vmem>>[vector<16xi32>, vector<16xi32>], vector<16xf32>,
      %mul3A_373 = arith.mulf %gather3A_371, %gather3A_372 : vector<16xf32>
      %add3A_374 = arith.addf %add3A_368, %mul3A_373 : vector<16xf32>
      %broadcast_in_dim3A_375 = arith.constant 14 : i32
      %broadcast_in_dim3A_376 = vector.broadcast %broadcast_in_dim3A_375 : i32 to vector<16xi32>
      %gather3A_377 = tpu.vector_load_idx %arg8[%add3A_288, %broadcast_in_dim3A_376] : memref<128x16xf32, #tpu.memory_space<vmem>>[vector<16xi32>, vector<16xi32>], vector<16xf32>,
      %gather3A_378 = tpu.vector_load_idx %arg9[%add3A_288, %broadcast_in_dim3A_376] : memref<128x16xf32, #tpu.memory_space<vmem>>[vector<16xi32>, vector<16xi32>], vector<16xf32>,
      %mul3A_379 = arith.mulf %gather3A_377, %gather3A_378 : vector<16xf32>
      %add3A_380 = arith.addf %add3A_374, %mul3A_379 : vector<16xf32>
      %broadcast_in_dim3A_381 = arith.constant 15 : i32
      %broadcast_in_dim3A_382 = vector.broadcast %broadcast_in_dim3A_381 : i32 to vector<16xi32>
      %gather3A_383 = tpu.vector_load_idx %arg8[%add3A_288, %broadcast_in_dim3A_382] : memref<128x16xf32, #tpu.memory_space<vmem>>[vector<16xi32>, vector<16xi32>], vector<16xf32>,
      %gather3A_384 = tpu.vector_load_idx %arg9[%add3A_288, %broadcast_in_dim3A_382] : memref<128x16xf32, #tpu.memory_space<vmem>>[vector<16xi32>, vector<16xi32>], vector<16xf32>,
      %mul3A_385 = arith.mulf %gather3A_383, %gather3A_384 : vector<16xf32>
      %add3A_386 = arith.addf %add3A_380, %mul3A_385 : vector<16xf32>
      %neg3A_387 = arith.constant 0.000000e+00 : f32
      %neg3A_388 = vector.broadcast %neg3A_387 : f32 to vector<16xf32>
      %neg3A_389 = arith.subf %neg3A_388, %add3A_386 : vector<16xf32>
      %exp3A_390 = math.exp %neg3A_389 : vector<16xf32>
      %add3A_391 = arith.constant 1.000000e+00 : f32
      %add3A_392 = vector.broadcast %add3A_391 : f32 to vector<16xf32>
      %add3A_393 = arith.addf %add3A_392, %exp3A_390 : vector<16xf32>
      %div3A_394 = arith.constant 1.000000e+00 : f32
      %div3A_395 = vector.broadcast %div3A_394 : f32 to vector<16xf32>
      %div3A_396 = arith.divf %div3A_395, %add3A_393 : vector<16xf32>
      %swap3A_397 = arith.constant 32 : index
      %swap3A_398 = tpu.vector_load %arg12[%swap3A_397] {strides = array<i32>} : memref<128xf32, #tpu.memory_space<vmem>>, vector<16xf32>,
      tpu.vector_store %arg12[%swap3A_397], %div3A_396 {strides = array<i32>} : memref<128xf32, #tpu.memory_space<vmem>>, vector<16xf32>,
      %iota3A_399 = tpu.iota {dimensions = array<i32: 0>} : vector<16xi32>
      %add3A_400 = arith.constant 48 : i32
      %add3A_401 = vector.broadcast %add3A_400 : i32 to vector<16xi32>
      %add3A_402 = arith.addi %iota3A_399, %add3A_401 : vector<16xi32>
      %broadcast_in_dim3A_403 = arith.constant 0.000000e+00 : f32
      %broadcast_in_dim3A_404 = vector.broadcast %broadcast_in_dim3A_403 : f32 to vector<16xf32>
      %broadcast_in_dim3A_405 = arith.constant 0 : i32
      %broadcast_in_dim3A_406 = vector.broadcast %broadcast_in_dim3A_405 : i32 to vector<16xi32>
      %gather3A_407 = tpu.vector_load_idx %arg8[%add3A_402, %broadcast_in_dim3A_406] : memref<128x16xf32, #tpu.memory_space<vmem>>[vector<16xi32>, vector<16xi32>], vector<16xf32>,
      %gather3A_408 = tpu.vector_load_idx %arg9[%add3A_402, %broadcast_in_dim3A_406] : memref<128x16xf32, #tpu.memory_space<vmem>>[vector<16xi32>, vector<16xi32>], vector<16xf32>,
      %mul3A_409 = arith.mulf %gather3A_407, %gather3A_408 : vector<16xf32>
      %add3A_410 = arith.addf %broadcast_in_dim3A_404, %mul3A_409 : vector<16xf32>
      %broadcast_in_dim3A_411 = arith.constant 1 : i32
      %broadcast_in_dim3A_412 = vector.broadcast %broadcast_in_dim3A_411 : i32 to vector<16xi32>
      %gather3A_413 = tpu.vector_load_idx %arg8[%add3A_402, %broadcast_in_dim3A_412] : memref<128x16xf32, #tpu.memory_space<vmem>>[vector<16xi32>, vector<16xi32>], vector<16xf32>,
      %gather3A_414 = tpu.vector_load_idx %arg9[%add3A_402, %broadcast_in_dim3A_412] : memref<128x16xf32, #tpu.memory_space<vmem>>[vector<16xi32>, vector<16xi32>], vector<16xf32>,
      %mul3A_415 = arith.mulf %gather3A_413, %gather3A_414 : vector<16xf32>
      %add3A_416 = arith.addf %add3A_410, %mul3A_415 : vector<16xf32>
      %broadcast_in_dim3A_417 = arith.constant 2 : i32
      %broadcast_in_dim3A_418 = vector.broadcast %broadcast_in_dim3A_417 : i32 to vector<16xi32>
      %gather3A_419 = tpu.vector_load_idx %arg8[%add3A_402, %broadcast_in_dim3A_418] : memref<128x16xf32, #tpu.memory_space<vmem>>[vector<16xi32>, vector<16xi32>], vector<16xf32>,
      %gather3A_420 = tpu.vector_load_idx %arg9[%add3A_402, %broadcast_in_dim3A_418] : memref<128x16xf32, #tpu.memory_space<vmem>>[vector<16xi32>, vector<16xi32>], vector<16xf32>,
      %mul3A_421 = arith.mulf %gather3A_419, %gather3A_420 : vector<16xf32>
      %add3A_422 = arith.addf %add3A_416, %mul3A_421 : vector<16xf32>
      %broadcast_in_dim3A_423 = arith.constant 3 : i32
      %broadcast_in_dim3A_424 = vector.broadcast %broadcast_in_dim3A_423 : i32 to vector<16xi32>
      %gather3A_425 = tpu.vector_load_idx %arg8[%add3A_402, %broadcast_in_dim3A_424] : memref<128x16xf32, #tpu.memory_space<vmem>>[vector<16xi32>, vector<16xi32>], vector<16xf32>,
      %gather3A_426 = tpu.vector_load_idx %arg9[%add3A_402, %broadcast_in_dim3A_424] : memref<128x16xf32, #tpu.memory_space<vmem>>[vector<16xi32>, vector<16xi32>], vector<16xf32>,
      %mul3A_427 = arith.mulf %gather3A_425, %gather3A_426 : vector<16xf32>
      %add3A_428 = arith.addf %add3A_422, %mul3A_427 : vector<16xf32>
      %broadcast_in_dim3A_429 = arith.constant 4 : i32
      %broadcast_in_dim3A_430 = vector.broadcast %broadcast_in_dim3A_429 : i32 to vector<16xi32>
      %gather3A_431 = tpu.vector_load_idx %arg8[%add3A_402, %broadcast_in_dim3A_430] : memref<128x16xf32, #tpu.memory_space<vmem>>[vector<16xi32>, vector<16xi32>], vector<16xf32>,
      %gather3A_432 = tpu.vector_load_idx %arg9[%add3A_402, %broadcast_in_dim3A_430] : memref<128x16xf32, #tpu.memory_space<vmem>>[vector<16xi32>, vector<16xi32>], vector<16xf32>,
      %mul3A_433 = arith.mulf %gather3A_431, %gather3A_432 : vector<16xf32>
      %add3A_434 = arith.addf %add3A_428, %mul3A_433 : vector<16xf32>
      %broadcast_in_dim3A_435 = arith.constant 5 : i32
      %broadcast_in_dim3A_436 = vector.broadcast %broadcast_in_dim3A_435 : i32 to vector<16xi32>
      %gather3A_437 = tpu.vector_load_idx %arg8[%add3A_402, %broadcast_in_dim3A_436] : memref<128x16xf32, #tpu.memory_space<vmem>>[vector<16xi32>, vector<16xi32>], vector<16xf32>,
      %gather3A_438 = tpu.vector_load_idx %arg9[%add3A_402, %broadcast_in_dim3A_436] : memref<128x16xf32, #tpu.memory_space<vmem>>[vector<16xi32>, vector<16xi32>], vector<16xf32>,
      %mul3A_439 = arith.mulf %gather3A_437, %gather3A_438 : vector<16xf32>
      %add3A_440 = arith.addf %add3A_434, %mul3A_439 : vector<16xf32>
      %broadcast_in_dim3A_441 = arith.constant 6 : i32
      %broadcast_in_dim3A_442 = vector.broadcast %broadcast_in_dim3A_441 : i32 to vector<16xi32>
      %gather3A_443 = tpu.vector_load_idx %arg8[%add3A_402, %broadcast_in_dim3A_442] : memref<128x16xf32, #tpu.memory_space<vmem>>[vector<16xi32>, vector<16xi32>], vector<16xf32>,
      %gather3A_444 = tpu.vector_load_idx %arg9[%add3A_402, %broadcast_in_dim3A_442] : memref<128x16xf32, #tpu.memory_space<vmem>>[vector<16xi32>, vector<16xi32>], vector<16xf32>,
      %mul3A_445 = arith.mulf %gather3A_443, %gather3A_444 : vector<16xf32>
      %add3A_446 = arith.addf %add3A_440, %mul3A_445 : vector<16xf32>
      %broadcast_in_dim3A_447 = arith.constant 7 : i32
      %broadcast_in_dim3A_448 = vector.broadcast %broadcast_in_dim3A_447 : i32 to vector<16xi32>
      %gather3A_449 = tpu.vector_load_idx %arg8[%add3A_402, %broadcast_in_dim3A_448] : memref<128x16xf32, #tpu.memory_space<vmem>>[vector<16xi32>, vector<16xi32>], vector<16xf32>,
      %gather3A_450 = tpu.vector_load_idx %arg9[%add3A_402, %broadcast_in_dim3A_448] : memref<128x16xf32, #tpu.memory_space<vmem>>[vector<16xi32>, vector<16xi32>], vector<16xf32>,
      %mul3A_451 = arith.mulf %gather3A_449, %gather3A_450 : vector<16xf32>
      %add3A_452 = arith.addf %add3A_446, %mul3A_451 : vector<16xf32>
      %broadcast_in_dim3A_453 = arith.constant 8 : i32
      %broadcast_in_dim3A_454 = vector.broadcast %broadcast_in_dim3A_453 : i32 to vector<16xi32>
      %gather3A_455 = tpu.vector_load_idx %arg8[%add3A_402, %broadcast_in_dim3A_454] : memref<128x16xf32, #tpu.memory_space<vmem>>[vector<16xi32>, vector<16xi32>], vector<16xf32>,
      %gather3A_456 = tpu.vector_load_idx %arg9[%add3A_402, %broadcast_in_dim3A_454] : memref<128x16xf32, #tpu.memory_space<vmem>>[vector<16xi32>, vector<16xi32>], vector<16xf32>,
      %mul3A_457 = arith.mulf %gather3A_455, %gather3A_456 : vector<16xf32>
      %add3A_458 = arith.addf %add3A_452, %mul3A_457 : vector<16xf32>
      %broadcast_in_dim3A_459 = arith.constant 9 : i32
      %broadcast_in_dim3A_460 = vector.broadcast %broadcast_in_dim3A_459 : i32 to vector<16xi32>
      %gather3A_461 = tpu.vector_load_idx %arg8[%add3A_402, %broadcast_in_dim3A_460] : memref<128x16xf32, #tpu.memory_space<vmem>>[vector<16xi32>, vector<16xi32>], vector<16xf32>,
      %gather3A_462 = tpu.vector_load_idx %arg9[%add3A_402, %broadcast_in_dim3A_460] : memref<128x16xf32, #tpu.memory_space<vmem>>[vector<16xi32>, vector<16xi32>], vector<16xf32>,
      %mul3A_463 = arith.mulf %gather3A_461, %gather3A_462 : vector<16xf32>
      %add3A_464 = arith.addf %add3A_458, %mul3A_463 : vector<16xf32>
      %broadcast_in_dim3A_465 = arith.constant 10 : i32
      %broadcast_in_dim3A_466 = vector.broadcast %broadcast_in_dim3A_465 : i32 to vector<16xi32>
      %gather3A_467 = tpu.vector_load_idx %arg8[%add3A_402, %broadcast_in_dim3A_466] : memref<128x16xf32, #tpu.memory_space<vmem>>[vector<16xi32>, vector<16xi32>], vector<16xf32>,
      %gather3A_468 = tpu.vector_load_idx %arg9[%add3A_402, %broadcast_in_dim3A_466] : memref<128x16xf32, #tpu.memory_space<vmem>>[vector<16xi32>, vector<16xi32>], vector<16xf32>,
      %mul3A_469 = arith.mulf %gather3A_467, %gather3A_468 : vector<16xf32>
      %add3A_470 = arith.addf %add3A_464, %mul3A_469 : vector<16xf32>
      %broadcast_in_dim3A_471 = arith.constant 11 : i32
      %broadcast_in_dim3A_472 = vector.broadcast %broadcast_in_dim3A_471 : i32 to vector<16xi32>
      %gather3A_473 = tpu.vector_load_idx %arg8[%add3A_402, %broadcast_in_dim3A_472] : memref<128x16xf32, #tpu.memory_space<vmem>>[vector<16xi32>, vector<16xi32>], vector<16xf32>,
      %gather3A_474 = tpu.vector_load_idx %arg9[%add3A_402, %broadcast_in_dim3A_472] : memref<128x16xf32, #tpu.memory_space<vmem>>[vector<16xi32>, vector<16xi32>], vector<16xf32>,
      %mul3A_475 = arith.mulf %gather3A_473, %gather3A_474 : vector<16xf32>
      %add3A_476 = arith.addf %add3A_470, %mul3A_475 : vector<16xf32>
      %broadcast_in_dim3A_477 = arith.constant 12 : i32
      %broadcast_in_dim3A_478 = vector.broadcast %broadcast_in_dim3A_477 : i32 to vector<16xi32>
      %gather3A_479 = tpu.vector_load_idx %arg8[%add3A_402, %broadcast_in_dim3A_478] : memref<128x16xf32, #tpu.memory_space<vmem>>[vector<16xi32>, vector<16xi32>], vector<16xf32>,
      %gather3A_480 = tpu.vector_load_idx %arg9[%add3A_402, %broadcast_in_dim3A_478] : memref<128x16xf32, #tpu.memory_space<vmem>>[vector<16xi32>, vector<16xi32>], vector<16xf32>,
      %mul3A_481 = arith.mulf %gather3A_479, %gather3A_480 : vector<16xf32>
      %add3A_482 = arith.addf %add3A_476, %mul3A_481 : vector<16xf32>
      %broadcast_in_dim3A_483 = arith.constant 13 : i32
      %broadcast_in_dim3A_484 = vector.broadcast %broadcast_in_dim3A_483 : i32 to vector<16xi32>
      %gather3A_485 = tpu.vector_load_idx %arg8[%add3A_402, %broadcast_in_dim3A_484] : memref<128x16xf32, #tpu.memory_space<vmem>>[vector<16xi32>, vector<16xi32>], vector<16xf32>,
      %gather3A_486 = tpu.vector_load_idx %arg9[%add3A_402, %broadcast_in_dim3A_484] : memref<128x16xf32, #tpu.memory_space<vmem>>[vector<16xi32>, vector<16xi32>], vector<16xf32>,
      %mul3A_487 = arith.mulf %gather3A_485, %gather3A_486 : vector<16xf32>
      %add3A_488 = arith.addf %add3A_482, %mul3A_487 : vector<16xf32>
      %broadcast_in_dim3A_489 = arith.constant 14 : i32
      %broadcast_in_dim3A_490 = vector.broadcast %broadcast_in_dim3A_489 : i32 to vector<16xi32>
      %gather3A_491 = tpu.vector_load_idx %arg8[%add3A_402, %broadcast_in_dim3A_490] : memref<128x16xf32, #tpu.memory_space<vmem>>[vector<16xi32>, vector<16xi32>], vector<16xf32>,
      %gather3A_492 = tpu.vector_load_idx %arg9[%add3A_402, %broadcast_in_dim3A_490] : memref<128x16xf32, #tpu.memory_space<vmem>>[vector<16xi32>, vector<16xi32>], vector<16xf32>,
      %mul3A_493 = arith.mulf %gather3A_491, %gather3A_492 : vector<16xf32>
      %add3A_494 = arith.addf %add3A_488, %mul3A_493 : vector<16xf32>
      %broadcast_in_dim3A_495 = arith.constant 15 : i32
      %broadcast_in_dim3A_496 = vector.broadcast %broadcast_in_dim3A_495 : i32 to vector<16xi32>
      %gather3A_497 = tpu.vector_load_idx %arg8[%add3A_402, %broadcast_in_dim3A_496] : memref<128x16xf32, #tpu.memory_space<vmem>>[vector<16xi32>, vector<16xi32>], vector<16xf32>,
      %gather3A_498 = tpu.vector_load_idx %arg9[%add3A_402, %broadcast_in_dim3A_496] : memref<128x16xf32, #tpu.memory_space<vmem>>[vector<16xi32>, vector<16xi32>], vector<16xf32>,
      %mul3A_499 = arith.mulf %gather3A_497, %gather3A_498 : vector<16xf32>
      %add3A_500 = arith.addf %add3A_494, %mul3A_499 : vector<16xf32>
      %neg3A_501 = arith.constant 0.000000e+00 : f32
      %neg3A_502 = vector.broadcast %neg3A_501 : f32 to vector<16xf32>
      %neg3A_503 = arith.subf %neg3A_502, %add3A_500 : vector<16xf32>
      %exp3A_504 = math.exp %neg3A_503 : vector<16xf32>
      %add3A_505 = arith.constant 1.000000e+00 : f32
      %add3A_506 = vector.broadcast %add3A_505 : f32 to vector<16xf32>
      %add3A_507 = arith.addf %add3A_506, %exp3A_504 : vector<16xf32>
      %div3A_508 = arith.constant 1.000000e+00 : f32
      %div3A_509 = vector.broadcast %div3A_508 : f32 to vector<16xf32>
      %div3A_510 = arith.divf %div3A_509, %add3A_507 : vector<16xf32>
      %swap3A_511 = arith.constant 48 : index
      %swap3A_512 = tpu.vector_load %arg12[%swap3A_511] {strides = array<i32>} : memref<128xf32, #tpu.memory_space<vmem>>, vector<16xf32>,
      tpu.vector_store %arg12[%swap3A_511], %div3A_510 {strides = array<i32>} : memref<128xf32, #tpu.memory_space<vmem>>, vector<16xf32>,
      %iota3A_513 = tpu.iota {dimensions = array<i32: 0>} : vector<16xi32>
      %add3A_514 = arith.constant 64 : i32
      %add3A_515 = vector.broadcast %add3A_514 : i32 to vector<16xi32>
      %add3A_516 = arith.addi %iota3A_513, %add3A_515 : vector<16xi32>
      %broadcast_in_dim3A_517 = arith.constant 0.000000e+00 : f32
      %broadcast_in_dim3A_518 = vector.broadcast %broadcast_in_dim3A_517 : f32 to vector<16xf32>
      %broadcast_in_dim3A_519 = arith.constant 0 : i32
      %broadcast_in_dim3A_520 = vector.broadcast %broadcast_in_dim3A_519 : i32 to vector<16xi32>
      %gather3A_521 = tpu.vector_load_idx %arg8[%add3A_516, %broadcast_in_dim3A_520] : memref<128x16xf32, #tpu.memory_space<vmem>>[vector<16xi32>, vector<16xi32>], vector<16xf32>,
      %gather3A_522 = tpu.vector_load_idx %arg9[%add3A_516, %broadcast_in_dim3A_520] : memref<128x16xf32, #tpu.memory_space<vmem>>[vector<16xi32>, vector<16xi32>], vector<16xf32>,
      %mul3A_523 = arith.mulf %gather3A_521, %gather3A_522 : vector<16xf32>
      %add3A_524 = arith.addf %broadcast_in_dim3A_518, %mul3A_523 : vector<16xf32>
      %broadcast_in_dim3A_525 = arith.constant 1 : i32
      %broadcast_in_dim3A_526 = vector.broadcast %broadcast_in_dim3A_525 : i32 to vector<16xi32>
      %gather3A_527 = tpu.vector_load_idx %arg8[%add3A_516, %broadcast_in_dim3A_526] : memref<128x16xf32, #tpu.memory_space<vmem>>[vector<16xi32>, vector<16xi32>], vector<16xf32>,
      %gather3A_528 = tpu.vector_load_idx %arg9[%add3A_516, %broadcast_in_dim3A_526] : memref<128x16xf32, #tpu.memory_space<vmem>>[vector<16xi32>, vector<16xi32>], vector<16xf32>,
      %mul3A_529 = arith.mulf %gather3A_527, %gather3A_528 : vector<16xf32>
      %add3A_530 = arith.addf %add3A_524, %mul3A_529 : vector<16xf32>
      %broadcast_in_dim3A_531 = arith.constant 2 : i32
      %broadcast_in_dim3A_532 = vector.broadcast %broadcast_in_dim3A_531 : i32 to vector<16xi32>
      %gather3A_533 = tpu.vector_load_idx %arg8[%add3A_516, %broadcast_in_dim3A_532] : memref<128x16xf32, #tpu.memory_space<vmem>>[vector<16xi32>, vector<16xi32>], vector<16xf32>,
      %gather3A_534 = tpu.vector_load_idx %arg9[%add3A_516, %broadcast_in_dim3A_532] : memref<128x16xf32, #tpu.memory_space<vmem>>[vector<16xi32>, vector<16xi32>], vector<16xf32>,
      %mul3A_535 = arith.mulf %gather3A_533, %gather3A_534 : vector<16xf32>
      %add3A_536 = arith.addf %add3A_530, %mul3A_535 : vector<16xf32>
      %broadcast_in_dim3A_537 = arith.constant 3 : i32
      %broadcast_in_dim3A_538 = vector.broadcast %broadcast_in_dim3A_537 : i32 to vector<16xi32>
      %gather3A_539 = tpu.vector_load_idx %arg8[%add3A_516, %broadcast_in_dim3A_538] : memref<128x16xf32, #tpu.memory_space<vmem>>[vector<16xi32>, vector<16xi32>], vector<16xf32>,
      %gather3A_540 = tpu.vector_load_idx %arg9[%add3A_516, %broadcast_in_dim3A_538] : memref<128x16xf32, #tpu.memory_space<vmem>>[vector<16xi32>, vector<16xi32>], vector<16xf32>,
      %mul3A_541 = arith.mulf %gather3A_539, %gather3A_540 : vector<16xf32>
      %add3A_542 = arith.addf %add3A_536, %mul3A_541 : vector<16xf32>
      %broadcast_in_dim3A_543 = arith.constant 4 : i32
      %broadcast_in_dim3A_544 = vector.broadcast %broadcast_in_dim3A_543 : i32 to vector<16xi32>
      %gather3A_545 = tpu.vector_load_idx %arg8[%add3A_516, %broadcast_in_dim3A_544] : memref<128x16xf32, #tpu.memory_space<vmem>>[vector<16xi32>, vector<16xi32>], vector<16xf32>,
      %gather3A_546 = tpu.vector_load_idx %arg9[%add3A_516, %broadcast_in_dim3A_544] : memref<128x16xf32, #tpu.memory_space<vmem>>[vector<16xi32>, vector<16xi32>], vector<16xf32>,
      %mul3A_547 = arith.mulf %gather3A_545, %gather3A_546 : vector<16xf32>
      %add3A_548 = arith.addf %add3A_542, %mul3A_547 : vector<16xf32>
      %broadcast_in_dim3A_549 = arith.constant 5 : i32
      %broadcast_in_dim3A_550 = vector.broadcast %broadcast_in_dim3A_549 : i32 to vector<16xi32>
      %gather3A_551 = tpu.vector_load_idx %arg8[%add3A_516, %broadcast_in_dim3A_550] : memref<128x16xf32, #tpu.memory_space<vmem>>[vector<16xi32>, vector<16xi32>], vector<16xf32>,
      %gather3A_552 = tpu.vector_load_idx %arg9[%add3A_516, %broadcast_in_dim3A_550] : memref<128x16xf32, #tpu.memory_space<vmem>>[vector<16xi32>, vector<16xi32>], vector<16xf32>,
      %mul3A_553 = arith.mulf %gather3A_551, %gather3A_552 : vector<16xf32>
      %add3A_554 = arith.addf %add3A_548, %mul3A_553 : vector<16xf32>
      %broadcast_in_dim3A_555 = arith.constant 6 : i32
      %broadcast_in_dim3A_556 = vector.broadcast %broadcast_in_dim3A_555 : i32 to vector<16xi32>
      %gather3A_557 = tpu.vector_load_idx %arg8[%add3A_516, %broadcast_in_dim3A_556] : memref<128x16xf32, #tpu.memory_space<vmem>>[vector<16xi32>, vector<16xi32>], vector<16xf32>,
      %gather3A_558 = tpu.vector_load_idx %arg9[%add3A_516, %broadcast_in_dim3A_556] : memref<128x16xf32, #tpu.memory_space<vmem>>[vector<16xi32>, vector<16xi32>], vector<16xf32>,
      %mul3A_559 = arith.mulf %gather3A_557, %gather3A_558 : vector<16xf32>
      %add3A_560 = arith.addf %add3A_554, %mul3A_559 : vector<16xf32>
      %broadcast_in_dim3A_561 = arith.constant 7 : i32
      %broadcast_in_dim3A_562 = vector.broadcast %broadcast_in_dim3A_561 : i32 to vector<16xi32>
      %gather3A_563 = tpu.vector_load_idx %arg8[%add3A_516, %broadcast_in_dim3A_562] : memref<128x16xf32, #tpu.memory_space<vmem>>[vector<16xi32>, vector<16xi32>], vector<16xf32>,
      %gather3A_564 = tpu.vector_load_idx %arg9[%add3A_516, %broadcast_in_dim3A_562] : memref<128x16xf32, #tpu.memory_space<vmem>>[vector<16xi32>, vector<16xi32>], vector<16xf32>,
      %mul3A_565 = arith.mulf %gather3A_563, %gather3A_564 : vector<16xf32>
      %add3A_566 = arith.addf %add3A_560, %mul3A_565 : vector<16xf32>
      %broadcast_in_dim3A_567 = arith.constant 8 : i32
      %broadcast_in_dim3A_568 = vector.broadcast %broadcast_in_dim3A_567 : i32 to vector<16xi32>
      %gather3A_569 = tpu.vector_load_idx %arg8[%add3A_516, %broadcast_in_dim3A_568] : memref<128x16xf32, #tpu.memory_space<vmem>>[vector<16xi32>, vector<16xi32>], vector<16xf32>,
      %gather3A_570 = tpu.vector_load_idx %arg9[%add3A_516, %broadcast_in_dim3A_568] : memref<128x16xf32, #tpu.memory_space<vmem>>[vector<16xi32>, vector<16xi32>], vector<16xf32>,
      %mul3A_571 = arith.mulf %gather3A_569, %gather3A_570 : vector<16xf32>
      %add3A_572 = arith.addf %add3A_566, %mul3A_571 : vector<16xf32>
      %broadcast_in_dim3A_573 = arith.constant 9 : i32
      %broadcast_in_dim3A_574 = vector.broadcast %broadcast_in_dim3A_573 : i32 to vector<16xi32>
      %gather3A_575 = tpu.vector_load_idx %arg8[%add3A_516, %broadcast_in_dim3A_574] : memref<128x16xf32, #tpu.memory_space<vmem>>[vector<16xi32>, vector<16xi32>], vector<16xf32>,
      %gather3A_576 = tpu.vector_load_idx %arg9[%add3A_516, %broadcast_in_dim3A_574] : memref<128x16xf32, #tpu.memory_space<vmem>>[vector<16xi32>, vector<16xi32>], vector<16xf32>,
      %mul3A_577 = arith.mulf %gather3A_575, %gather3A_576 : vector<16xf32>
      %add3A_578 = arith.addf %add3A_572, %mul3A_577 : vector<16xf32>
      %broadcast_in_dim3A_579 = arith.constant 10 : i32
      %broadcast_in_dim3A_580 = vector.broadcast %broadcast_in_dim3A_579 : i32 to vector<16xi32>
      %gather3A_581 = tpu.vector_load_idx %arg8[%add3A_516, %broadcast_in_dim3A_580] : memref<128x16xf32, #tpu.memory_space<vmem>>[vector<16xi32>, vector<16xi32>], vector<16xf32>,
      %gather3A_582 = tpu.vector_load_idx %arg9[%add3A_516, %broadcast_in_dim3A_580] : memref<128x16xf32, #tpu.memory_space<vmem>>[vector<16xi32>, vector<16xi32>], vector<16xf32>,
      %mul3A_583 = arith.mulf %gather3A_581, %gather3A_582 : vector<16xf32>
      %add3A_584 = arith.addf %add3A_578, %mul3A_583 : vector<16xf32>
      %broadcast_in_dim3A_585 = arith.constant 11 : i32
      %broadcast_in_dim3A_586 = vector.broadcast %broadcast_in_dim3A_585 : i32 to vector<16xi32>
      %gather3A_587 = tpu.vector_load_idx %arg8[%add3A_516, %broadcast_in_dim3A_586] : memref<128x16xf32, #tpu.memory_space<vmem>>[vector<16xi32>, vector<16xi32>], vector<16xf32>,
      %gather3A_588 = tpu.vector_load_idx %arg9[%add3A_516, %broadcast_in_dim3A_586] : memref<128x16xf32, #tpu.memory_space<vmem>>[vector<16xi32>, vector<16xi32>], vector<16xf32>,
      %mul3A_589 = arith.mulf %gather3A_587, %gather3A_588 : vector<16xf32>
      %add3A_590 = arith.addf %add3A_584, %mul3A_589 : vector<16xf32>
      %broadcast_in_dim3A_591 = arith.constant 12 : i32
      %broadcast_in_dim3A_592 = vector.broadcast %broadcast_in_dim3A_591 : i32 to vector<16xi32>
      %gather3A_593 = tpu.vector_load_idx %arg8[%add3A_516, %broadcast_in_dim3A_592] : memref<128x16xf32, #tpu.memory_space<vmem>>[vector<16xi32>, vector<16xi32>], vector<16xf32>,
      %gather3A_594 = tpu.vector_load_idx %arg9[%add3A_516, %broadcast_in_dim3A_592] : memref<128x16xf32, #tpu.memory_space<vmem>>[vector<16xi32>, vector<16xi32>], vector<16xf32>,
      %mul3A_595 = arith.mulf %gather3A_593, %gather3A_594 : vector<16xf32>
      %add3A_596 = arith.addf %add3A_590, %mul3A_595 : vector<16xf32>
      %broadcast_in_dim3A_597 = arith.constant 13 : i32
      %broadcast_in_dim3A_598 = vector.broadcast %broadcast_in_dim3A_597 : i32 to vector<16xi32>
      %gather3A_599 = tpu.vector_load_idx %arg8[%add3A_516, %broadcast_in_dim3A_598] : memref<128x16xf32, #tpu.memory_space<vmem>>[vector<16xi32>, vector<16xi32>], vector<16xf32>,
      %gather3A_600 = tpu.vector_load_idx %arg9[%add3A_516, %broadcast_in_dim3A_598] : memref<128x16xf32, #tpu.memory_space<vmem>>[vector<16xi32>, vector<16xi32>], vector<16xf32>,
      %mul3A_601 = arith.mulf %gather3A_599, %gather3A_600 : vector<16xf32>
      %add3A_602 = arith.addf %add3A_596, %mul3A_601 : vector<16xf32>
      %broadcast_in_dim3A_603 = arith.constant 14 : i32
      %broadcast_in_dim3A_604 = vector.broadcast %broadcast_in_dim3A_603 : i32 to vector<16xi32>
      %gather3A_605 = tpu.vector_load_idx %arg8[%add3A_516, %broadcast_in_dim3A_604] : memref<128x16xf32, #tpu.memory_space<vmem>>[vector<16xi32>, vector<16xi32>], vector<16xf32>,
      %gather3A_606 = tpu.vector_load_idx %arg9[%add3A_516, %broadcast_in_dim3A_604] : memref<128x16xf32, #tpu.memory_space<vmem>>[vector<16xi32>, vector<16xi32>], vector<16xf32>,
      %mul3A_607 = arith.mulf %gather3A_605, %gather3A_606 : vector<16xf32>
      %add3A_608 = arith.addf %add3A_602, %mul3A_607 : vector<16xf32>
      %broadcast_in_dim3A_609 = arith.constant 15 : i32
      %broadcast_in_dim3A_610 = vector.broadcast %broadcast_in_dim3A_609 : i32 to vector<16xi32>
      %gather3A_611 = tpu.vector_load_idx %arg8[%add3A_516, %broadcast_in_dim3A_610] : memref<128x16xf32, #tpu.memory_space<vmem>>[vector<16xi32>, vector<16xi32>], vector<16xf32>,
      %gather3A_612 = tpu.vector_load_idx %arg9[%add3A_516, %broadcast_in_dim3A_610] : memref<128x16xf32, #tpu.memory_space<vmem>>[vector<16xi32>, vector<16xi32>], vector<16xf32>,
      %mul3A_613 = arith.mulf %gather3A_611, %gather3A_612 : vector<16xf32>
      %add3A_614 = arith.addf %add3A_608, %mul3A_613 : vector<16xf32>
      %neg3A_615 = arith.constant 0.000000e+00 : f32
      %neg3A_616 = vector.broadcast %neg3A_615 : f32 to vector<16xf32>
      %neg3A_617 = arith.subf %neg3A_616, %add3A_614 : vector<16xf32>
      %exp3A_618 = math.exp %neg3A_617 : vector<16xf32>
      %add3A_619 = arith.constant 1.000000e+00 : f32
      %add3A_620 = vector.broadcast %add3A_619 : f32 to vector<16xf32>
      %add3A_621 = arith.addf %add3A_620, %exp3A_618 : vector<16xf32>
      %div3A_622 = arith.constant 1.000000e+00 : f32
      %div3A_623 = vector.broadcast %div3A_622 : f32 to vector<16xf32>
      %div3A_624 = arith.divf %div3A_623, %add3A_621 : vector<16xf32>
      %swap3A_625 = arith.constant 64 : index
      %swap3A_626 = tpu.vector_load %arg12[%swap3A_625] {strides = array<i32>} : memref<128xf32, #tpu.memory_space<vmem>>, vector<16xf32>,
      tpu.vector_store %arg12[%swap3A_625], %div3A_624 {strides = array<i32>} : memref<128xf32, #tpu.memory_space<vmem>>, vector<16xf32>,
      %iota3A_627 = tpu.iota {dimensions = array<i32: 0>} : vector<16xi32>
      %add3A_628 = arith.constant 80 : i32
      %add3A_629 = vector.broadcast %add3A_628 : i32 to vector<16xi32>
      %add3A_630 = arith.addi %iota3A_627, %add3A_629 : vector<16xi32>
      %broadcast_in_dim3A_631 = arith.constant 0.000000e+00 : f32
      %broadcast_in_dim3A_632 = vector.broadcast %broadcast_in_dim3A_631 : f32 to vector<16xf32>
      %broadcast_in_dim3A_633 = arith.constant 0 : i32
      %broadcast_in_dim3A_634 = vector.broadcast %broadcast_in_dim3A_633 : i32 to vector<16xi32>
      %gather3A_635 = tpu.vector_load_idx %arg8[%add3A_630, %broadcast_in_dim3A_634] : memref<128x16xf32, #tpu.memory_space<vmem>>[vector<16xi32>, vector<16xi32>], vector<16xf32>,
      %gather3A_636 = tpu.vector_load_idx %arg9[%add3A_630, %broadcast_in_dim3A_634] : memref<128x16xf32, #tpu.memory_space<vmem>>[vector<16xi32>, vector<16xi32>], vector<16xf32>,
      %mul3A_637 = arith.mulf %gather3A_635, %gather3A_636 : vector<16xf32>
      %add3A_638 = arith.addf %broadcast_in_dim3A_632, %mul3A_637 : vector<16xf32>
      %broadcast_in_dim3A_639 = arith.constant 1 : i32
      %broadcast_in_dim3A_640 = vector.broadcast %broadcast_in_dim3A_639 : i32 to vector<16xi32>
      %gather3A_641 = tpu.vector_load_idx %arg8[%add3A_630, %broadcast_in_dim3A_640] : memref<128x16xf32, #tpu.memory_space<vmem>>[vector<16xi32>, vector<16xi32>], vector<16xf32>,
      %gather3A_642 = tpu.vector_load_idx %arg9[%add3A_630, %broadcast_in_dim3A_640] : memref<128x16xf32, #tpu.memory_space<vmem>>[vector<16xi32>, vector<16xi32>], vector<16xf32>,
      %mul3A_643 = arith.mulf %gather3A_641, %gather3A_642 : vector<16xf32>
      %add3A_644 = arith.addf %add3A_638, %mul3A_643 : vector<16xf32>
      %broadcast_in_dim3A_645 = arith.constant 2 : i32
      %broadcast_in_dim3A_646 = vector.broadcast %broadcast_in_dim3A_645 : i32 to vector<16xi32>
      %gather3A_647 = tpu.vector_load_idx %arg8[%add3A_630, %broadcast_in_dim3A_646] : memref<128x16xf32, #tpu.memory_space<vmem>>[vector<16xi32>, vector<16xi32>], vector<16xf32>,
      %gather3A_648 = tpu.vector_load_idx %arg9[%add3A_630, %broadcast_in_dim3A_646] : memref<128x16xf32, #tpu.memory_space<vmem>>[vector<16xi32>, vector<16xi32>], vector<16xf32>,
      %mul3A_649 = arith.mulf %gather3A_647, %gather3A_648 : vector<16xf32>
      %add3A_650 = arith.addf %add3A_644, %mul3A_649 : vector<16xf32>
      %broadcast_in_dim3A_651 = arith.constant 3 : i32
      %broadcast_in_dim3A_652 = vector.broadcast %broadcast_in_dim3A_651 : i32 to vector<16xi32>
      %gather3A_653 = tpu.vector_load_idx %arg8[%add3A_630, %broadcast_in_dim3A_652] : memref<128x16xf32, #tpu.memory_space<vmem>>[vector<16xi32>, vector<16xi32>], vector<16xf32>,
      %gather3A_654 = tpu.vector_load_idx %arg9[%add3A_630, %broadcast_in_dim3A_652] : memref<128x16xf32, #tpu.memory_space<vmem>>[vector<16xi32>, vector<16xi32>], vector<16xf32>,
      %mul3A_655 = arith.mulf %gather3A_653, %gather3A_654 : vector<16xf32>
      %add3A_656 = arith.addf %add3A_650, %mul3A_655 : vector<16xf32>
      %broadcast_in_dim3A_657 = arith.constant 4 : i32
      %broadcast_in_dim3A_658 = vector.broadcast %broadcast_in_dim3A_657 : i32 to vector<16xi32>
      %gather3A_659 = tpu.vector_load_idx %arg8[%add3A_630, %broadcast_in_dim3A_658] : memref<128x16xf32, #tpu.memory_space<vmem>>[vector<16xi32>, vector<16xi32>], vector<16xf32>,
      %gather3A_660 = tpu.vector_load_idx %arg9[%add3A_630, %broadcast_in_dim3A_658] : memref<128x16xf32, #tpu.memory_space<vmem>>[vector<16xi32>, vector<16xi32>], vector<16xf32>,
      %mul3A_661 = arith.mulf %gather3A_659, %gather3A_660 : vector<16xf32>
      %add3A_662 = arith.addf %add3A_656, %mul3A_661 : vector<16xf32>
      %broadcast_in_dim3A_663 = arith.constant 5 : i32
      %broadcast_in_dim3A_664 = vector.broadcast %broadcast_in_dim3A_663 : i32 to vector<16xi32>
      %gather3A_665 = tpu.vector_load_idx %arg8[%add3A_630, %broadcast_in_dim3A_664] : memref<128x16xf32, #tpu.memory_space<vmem>>[vector<16xi32>, vector<16xi32>], vector<16xf32>,
      %gather3A_666 = tpu.vector_load_idx %arg9[%add3A_630, %broadcast_in_dim3A_664] : memref<128x16xf32, #tpu.memory_space<vmem>>[vector<16xi32>, vector<16xi32>], vector<16xf32>,
      %mul3A_667 = arith.mulf %gather3A_665, %gather3A_666 : vector<16xf32>
      %add3A_668 = arith.addf %add3A_662, %mul3A_667 : vector<16xf32>
      %broadcast_in_dim3A_669 = arith.constant 6 : i32
      %broadcast_in_dim3A_670 = vector.broadcast %broadcast_in_dim3A_669 : i32 to vector<16xi32>
      %gather3A_671 = tpu.vector_load_idx %arg8[%add3A_630, %broadcast_in_dim3A_670] : memref<128x16xf32, #tpu.memory_space<vmem>>[vector<16xi32>, vector<16xi32>], vector<16xf32>,
      %gather3A_672 = tpu.vector_load_idx %arg9[%add3A_630, %broadcast_in_dim3A_670] : memref<128x16xf32, #tpu.memory_space<vmem>>[vector<16xi32>, vector<16xi32>], vector<16xf32>,
      %mul3A_673 = arith.mulf %gather3A_671, %gather3A_672 : vector<16xf32>
      %add3A_674 = arith.addf %add3A_668, %mul3A_673 : vector<16xf32>
      %broadcast_in_dim3A_675 = arith.constant 7 : i32
      %broadcast_in_dim3A_676 = vector.broadcast %broadcast_in_dim3A_675 : i32 to vector<16xi32>
      %gather3A_677 = tpu.vector_load_idx %arg8[%add3A_630, %broadcast_in_dim3A_676] : memref<128x16xf32, #tpu.memory_space<vmem>>[vector<16xi32>, vector<16xi32>], vector<16xf32>,
      %gather3A_678 = tpu.vector_load_idx %arg9[%add3A_630, %broadcast_in_dim3A_676] : memref<128x16xf32, #tpu.memory_space<vmem>>[vector<16xi32>, vector<16xi32>], vector<16xf32>,
      %mul3A_679 = arith.mulf %gather3A_677, %gather3A_678 : vector<16xf32>
      %add3A_680 = arith.addf %add3A_674, %mul3A_679 : vector<16xf32>
      %broadcast_in_dim3A_681 = arith.constant 8 : i32
      %broadcast_in_dim3A_682 = vector.broadcast %broadcast_in_dim3A_681 : i32 to vector<16xi32>
      %gather3A_683 = tpu.vector_load_idx %arg8[%add3A_630, %broadcast_in_dim3A_682] : memref<128x16xf32, #tpu.memory_space<vmem>>[vector<16xi32>, vector<16xi32>], vector<16xf32>,
      %gather3A_684 = tpu.vector_load_idx %arg9[%add3A_630, %broadcast_in_dim3A_682] : memref<128x16xf32, #tpu.memory_space<vmem>>[vector<16xi32>, vector<16xi32>], vector<16xf32>,
      %mul3A_685 = arith.mulf %gather3A_683, %gather3A_684 : vector<16xf32>
      %add3A_686 = arith.addf %add3A_680, %mul3A_685 : vector<16xf32>
      %broadcast_in_dim3A_687 = arith.constant 9 : i32
      %broadcast_in_dim3A_688 = vector.broadcast %broadcast_in_dim3A_687 : i32 to vector<16xi32>
      %gather3A_689 = tpu.vector_load_idx %arg8[%add3A_630, %broadcast_in_dim3A_688] : memref<128x16xf32, #tpu.memory_space<vmem>>[vector<16xi32>, vector<16xi32>], vector<16xf32>,
      %gather3A_690 = tpu.vector_load_idx %arg9[%add3A_630, %broadcast_in_dim3A_688] : memref<128x16xf32, #tpu.memory_space<vmem>>[vector<16xi32>, vector<16xi32>], vector<16xf32>,
      %mul3A_691 = arith.mulf %gather3A_689, %gather3A_690 : vector<16xf32>
      %add3A_692 = arith.addf %add3A_686, %mul3A_691 : vector<16xf32>
      %broadcast_in_dim3A_693 = arith.constant 10 : i32
      %broadcast_in_dim3A_694 = vector.broadcast %broadcast_in_dim3A_693 : i32 to vector<16xi32>
      %gather3A_695 = tpu.vector_load_idx %arg8[%add3A_630, %broadcast_in_dim3A_694] : memref<128x16xf32, #tpu.memory_space<vmem>>[vector<16xi32>, vector<16xi32>], vector<16xf32>,
      %gather3A_696 = tpu.vector_load_idx %arg9[%add3A_630, %broadcast_in_dim3A_694] : memref<128x16xf32, #tpu.memory_space<vmem>>[vector<16xi32>, vector<16xi32>], vector<16xf32>,
      %mul3A_697 = arith.mulf %gather3A_695, %gather3A_696 : vector<16xf32>
      %add3A_698 = arith.addf %add3A_692, %mul3A_697 : vector<16xf32>
      %broadcast_in_dim3A_699 = arith.constant 11 : i32
      %broadcast_in_dim3A_700 = vector.broadcast %broadcast_in_dim3A_699 : i32 to vector<16xi32>
      %gather3A_701 = tpu.vector_load_idx %arg8[%add3A_630, %broadcast_in_dim3A_700] : memref<128x16xf32, #tpu.memory_space<vmem>>[vector<16xi32>, vector<16xi32>], vector<16xf32>,
      %gather3A_702 = tpu.vector_load_idx %arg9[%add3A_630, %broadcast_in_dim3A_700] : memref<128x16xf32, #tpu.memory_space<vmem>>[vector<16xi32>, vector<16xi32>], vector<16xf32>,
      %mul3A_703 = arith.mulf %gather3A_701, %gather3A_702 : vector<16xf32>
      %add3A_704 = arith.addf %add3A_698, %mul3A_703 : vector<16xf32>
      %broadcast_in_dim3A_705 = arith.constant 12 : i32
      %broadcast_in_dim3A_706 = vector.broadcast %broadcast_in_dim3A_705 : i32 to vector<16xi32>
      %gather3A_707 = tpu.vector_load_idx %arg8[%add3A_630, %broadcast_in_dim3A_706] : memref<128x16xf32, #tpu.memory_space<vmem>>[vector<16xi32>, vector<16xi32>], vector<16xf32>,
      %gather3A_708 = tpu.vector_load_idx %arg9[%add3A_630, %broadcast_in_dim3A_706] : memref<128x16xf32, #tpu.memory_space<vmem>>[vector<16xi32>, vector<16xi32>], vector<16xf32>,
      %mul3A_709 = arith.mulf %gather3A_707, %gather3A_708 : vector<16xf32>
      %add3A_710 = arith.addf %add3A_704, %mul3A_709 : vector<16xf32>
      %broadcast_in_dim3A_711 = arith.constant 13 : i32
      %broadcast_in_dim3A_712 = vector.broadcast %broadcast_in_dim3A_711 : i32 to vector<16xi32>
      %gather3A_713 = tpu.vector_load_idx %arg8[%add3A_630, %broadcast_in_dim3A_712] : memref<128x16xf32, #tpu.memory_space<vmem>>[vector<16xi32>, vector<16xi32>], vector<16xf32>,
      %gather3A_714 = tpu.vector_load_idx %arg9[%add3A_630, %broadcast_in_dim3A_712] : memref<128x16xf32, #tpu.memory_space<vmem>>[vector<16xi32>, vector<16xi32>], vector<16xf32>,
      %mul3A_715 = arith.mulf %gather3A_713, %gather3A_714 : vector<16xf32>
      %add3A_716 = arith.addf %add3A_710, %mul3A_715 : vector<16xf32>
      %broadcast_in_dim3A_717 = arith.constant 14 : i32
      %broadcast_in_dim3A_718 = vector.broadcast %broadcast_in_dim3A_717 : i32 to vector<16xi32>
      %gather3A_719 = tpu.vector_load_idx %arg8[%add3A_630, %broadcast_in_dim3A_718] : memref<128x16xf32, #tpu.memory_space<vmem>>[vector<16xi32>, vector<16xi32>], vector<16xf32>,
      %gather3A_720 = tpu.vector_load_idx %arg9[%add3A_630, %broadcast_in_dim3A_718] : memref<128x16xf32, #tpu.memory_space<vmem>>[vector<16xi32>, vector<16xi32>], vector<16xf32>,
      %mul3A_721 = arith.mulf %gather3A_719, %gather3A_720 : vector<16xf32>
      %add3A_722 = arith.addf %add3A_716, %mul3A_721 : vector<16xf32>
      %broadcast_in_dim3A_723 = arith.constant 15 : i32
      %broadcast_in_dim3A_724 = vector.broadcast %broadcast_in_dim3A_723 : i32 to vector<16xi32>
      %gather3A_725 = tpu.vector_load_idx %arg8[%add3A_630, %broadcast_in_dim3A_724] : memref<128x16xf32, #tpu.memory_space<vmem>>[vector<16xi32>, vector<16xi32>], vector<16xf32>,
      %gather3A_726 = tpu.vector_load_idx %arg9[%add3A_630, %broadcast_in_dim3A_724] : memref<128x16xf32, #tpu.memory_space<vmem>>[vector<16xi32>, vector<16xi32>], vector<16xf32>,
      %mul3A_727 = arith.mulf %gather3A_725, %gather3A_726 : vector<16xf32>
      %add3A_728 = arith.addf %add3A_722, %mul3A_727 : vector<16xf32>
      %neg3A_729 = arith.constant 0.000000e+00 : f32
      %neg3A_730 = vector.broadcast %neg3A_729 : f32 to vector<16xf32>
      %neg3A_731 = arith.subf %neg3A_730, %add3A_728 : vector<16xf32>
      %exp3A_732 = math.exp %neg3A_731 : vector<16xf32>
      %add3A_733 = arith.constant 1.000000e+00 : f32
      %add3A_734 = vector.broadcast %add3A_733 : f32 to vector<16xf32>
      %add3A_735 = arith.addf %add3A_734, %exp3A_732 : vector<16xf32>
      %div3A_736 = arith.constant 1.000000e+00 : f32
      %div3A_737 = vector.broadcast %div3A_736 : f32 to vector<16xf32>
      %div3A_738 = arith.divf %div3A_737, %add3A_735 : vector<16xf32>
      %swap3A_739 = arith.constant 80 : index
      %swap3A_740 = tpu.vector_load %arg12[%swap3A_739] {strides = array<i32>} : memref<128xf32, #tpu.memory_space<vmem>>, vector<16xf32>,
      tpu.vector_store %arg12[%swap3A_739], %div3A_738 {strides = array<i32>} : memref<128xf32, #tpu.memory_space<vmem>>, vector<16xf32>,
      %iota3A_741 = tpu.iota {dimensions = array<i32: 0>} : vector<16xi32>
      %add3A_742 = arith.constant 96 : i32
      %add3A_743 = vector.broadcast %add3A_742 : i32 to vector<16xi32>
      %add3A_744 = arith.addi %iota3A_741, %add3A_743 : vector<16xi32>
      %broadcast_in_dim3A_745 = arith.constant 0.000000e+00 : f32
      %broadcast_in_dim3A_746 = vector.broadcast %broadcast_in_dim3A_745 : f32 to vector<16xf32>
      %broadcast_in_dim3A_747 = arith.constant 0 : i32
      %broadcast_in_dim3A_748 = vector.broadcast %broadcast_in_dim3A_747 : i32 to vector<16xi32>
      %gather3A_749 = tpu.vector_load_idx %arg8[%add3A_744, %broadcast_in_dim3A_748] : memref<128x16xf32, #tpu.memory_space<vmem>>[vector<16xi32>, vector<16xi32>], vector<16xf32>,
      %gather3A_750 = tpu.vector_load_idx %arg9[%add3A_744, %broadcast_in_dim3A_748] : memref<128x16xf32, #tpu.memory_space<vmem>>[vector<16xi32>, vector<16xi32>], vector<16xf32>,
      %mul3A_751 = arith.mulf %gather3A_749, %gather3A_750 : vector<16xf32>
      %add3A_752 = arith.addf %broadcast_in_dim3A_746, %mul3A_751 : vector<16xf32>
      %broadcast_in_dim3A_753 = arith.constant 1 : i32
      %broadcast_in_dim3A_754 = vector.broadcast %broadcast_in_dim3A_753 : i32 to vector<16xi32>
      %gather3A_755 = tpu.vector_load_idx %arg8[%add3A_744, %broadcast_in_dim3A_754] : memref<128x16xf32, #tpu.memory_space<vmem>>[vector<16xi32>, vector<16xi32>], vector<16xf32>,
      %gather3A_756 = tpu.vector_load_idx %arg9[%add3A_744, %broadcast_in_dim3A_754] : memref<128x16xf32, #tpu.memory_space<vmem>>[vector<16xi32>, vector<16xi32>], vector<16xf32>,
      %mul3A_757 = arith.mulf %gather3A_755, %gather3A_756 : vector<16xf32>
      %add3A_758 = arith.addf %add3A_752, %mul3A_757 : vector<16xf32>
      %broadcast_in_dim3A_759 = arith.constant 2 : i32
      %broadcast_in_dim3A_760 = vector.broadcast %broadcast_in_dim3A_759 : i32 to vector<16xi32>
      %gather3A_761 = tpu.vector_load_idx %arg8[%add3A_744, %broadcast_in_dim3A_760] : memref<128x16xf32, #tpu.memory_space<vmem>>[vector<16xi32>, vector<16xi32>], vector<16xf32>,
      %gather3A_762 = tpu.vector_load_idx %arg9[%add3A_744, %broadcast_in_dim3A_760] : memref<128x16xf32, #tpu.memory_space<vmem>>[vector<16xi32>, vector<16xi32>], vector<16xf32>,
      %mul3A_763 = arith.mulf %gather3A_761, %gather3A_762 : vector<16xf32>
      %add3A_764 = arith.addf %add3A_758, %mul3A_763 : vector<16xf32>
      %broadcast_in_dim3A_765 = arith.constant 3 : i32
      %broadcast_in_dim3A_766 = vector.broadcast %broadcast_in_dim3A_765 : i32 to vector<16xi32>
      %gather3A_767 = tpu.vector_load_idx %arg8[%add3A_744, %broadcast_in_dim3A_766] : memref<128x16xf32, #tpu.memory_space<vmem>>[vector<16xi32>, vector<16xi32>], vector<16xf32>,
      %gather3A_768 = tpu.vector_load_idx %arg9[%add3A_744, %broadcast_in_dim3A_766] : memref<128x16xf32, #tpu.memory_space<vmem>>[vector<16xi32>, vector<16xi32>], vector<16xf32>,
      %mul3A_769 = arith.mulf %gather3A_767, %gather3A_768 : vector<16xf32>
      %add3A_770 = arith.addf %add3A_764, %mul3A_769 : vector<16xf32>
      %broadcast_in_dim3A_771 = arith.constant 4 : i32
      %broadcast_in_dim3A_772 = vector.broadcast %broadcast_in_dim3A_771 : i32 to vector<16xi32>
      %gather3A_773 = tpu.vector_load_idx %arg8[%add3A_744, %broadcast_in_dim3A_772] : memref<128x16xf32, #tpu.memory_space<vmem>>[vector<16xi32>, vector<16xi32>], vector<16xf32>,
      %gather3A_774 = tpu.vector_load_idx %arg9[%add3A_744, %broadcast_in_dim3A_772] : memref<128x16xf32, #tpu.memory_space<vmem>>[vector<16xi32>, vector<16xi32>], vector<16xf32>,
      %mul3A_775 = arith.mulf %gather3A_773, %gather3A_774 : vector<16xf32>
      %add3A_776 = arith.addf %add3A_770, %mul3A_775 : vector<16xf32>
      %broadcast_in_dim3A_777 = arith.constant 5 : i32
      %broadcast_in_dim3A_778 = vector.broadcast %broadcast_in_dim3A_777 : i32 to vector<16xi32>
      %gather3A_779 = tpu.vector_load_idx %arg8[%add3A_744, %broadcast_in_dim3A_778] : memref<128x16xf32, #tpu.memory_space<vmem>>[vector<16xi32>, vector<16xi32>], vector<16xf32>,
      %gather3A_780 = tpu.vector_load_idx %arg9[%add3A_744, %broadcast_in_dim3A_778] : memref<128x16xf32, #tpu.memory_space<vmem>>[vector<16xi32>, vector<16xi32>], vector<16xf32>,
      %mul3A_781 = arith.mulf %gather3A_779, %gather3A_780 : vector<16xf32>
      %add3A_782 = arith.addf %add3A_776, %mul3A_781 : vector<16xf32>
      %broadcast_in_dim3A_783 = arith.constant 6 : i32
      %broadcast_in_dim3A_784 = vector.broadcast %broadcast_in_dim3A_783 : i32 to vector<16xi32>
      %gather3A_785 = tpu.vector_load_idx %arg8[%add3A_744, %broadcast_in_dim3A_784] : memref<128x16xf32, #tpu.memory_space<vmem>>[vector<16xi32>, vector<16xi32>], vector<16xf32>,
      %gather3A_786 = tpu.vector_load_idx %arg9[%add3A_744, %broadcast_in_dim3A_784] : memref<128x16xf32, #tpu.memory_space<vmem>>[vector<16xi32>, vector<16xi32>], vector<16xf32>,
      %mul3A_787 = arith.mulf %gather3A_785, %gather3A_786 : vector<16xf32>
      %add3A_788 = arith.addf %add3A_782, %mul3A_787 : vector<16xf32>
      %broadcast_in_dim3A_789 = arith.constant 7 : i32
      %broadcast_in_dim3A_790 = vector.broadcast %broadcast_in_dim3A_789 : i32 to vector<16xi32>
      %gather3A_791 = tpu.vector_load_idx %arg8[%add3A_744, %broadcast_in_dim3A_790] : memref<128x16xf32, #tpu.memory_space<vmem>>[vector<16xi32>, vector<16xi32>], vector<16xf32>,
      %gather3A_792 = tpu.vector_load_idx %arg9[%add3A_744, %broadcast_in_dim3A_790] : memref<128x16xf32, #tpu.memory_space<vmem>>[vector<16xi32>, vector<16xi32>], vector<16xf32>,
      %mul3A_793 = arith.mulf %gather3A_791, %gather3A_792 : vector<16xf32>
      %add3A_794 = arith.addf %add3A_788, %mul3A_793 : vector<16xf32>
      %broadcast_in_dim3A_795 = arith.constant 8 : i32
      %broadcast_in_dim3A_796 = vector.broadcast %broadcast_in_dim3A_795 : i32 to vector<16xi32>
      %gather3A_797 = tpu.vector_load_idx %arg8[%add3A_744, %broadcast_in_dim3A_796] : memref<128x16xf32, #tpu.memory_space<vmem>>[vector<16xi32>, vector<16xi32>], vector<16xf32>,
      %gather3A_798 = tpu.vector_load_idx %arg9[%add3A_744, %broadcast_in_dim3A_796] : memref<128x16xf32, #tpu.memory_space<vmem>>[vector<16xi32>, vector<16xi32>], vector<16xf32>,
      %mul3A_799 = arith.mulf %gather3A_797, %gather3A_798 : vector<16xf32>
      %add3A_800 = arith.addf %add3A_794, %mul3A_799 : vector<16xf32>
      %broadcast_in_dim3A_801 = arith.constant 9 : i32
      %broadcast_in_dim3A_802 = vector.broadcast %broadcast_in_dim3A_801 : i32 to vector<16xi32>
      %gather3A_803 = tpu.vector_load_idx %arg8[%add3A_744, %broadcast_in_dim3A_802] : memref<128x16xf32, #tpu.memory_space<vmem>>[vector<16xi32>, vector<16xi32>], vector<16xf32>,
      %gather3A_804 = tpu.vector_load_idx %arg9[%add3A_744, %broadcast_in_dim3A_802] : memref<128x16xf32, #tpu.memory_space<vmem>>[vector<16xi32>, vector<16xi32>], vector<16xf32>,
      %mul3A_805 = arith.mulf %gather3A_803, %gather3A_804 : vector<16xf32>
      %add3A_806 = arith.addf %add3A_800, %mul3A_805 : vector<16xf32>
      %broadcast_in_dim3A_807 = arith.constant 10 : i32
      %broadcast_in_dim3A_808 = vector.broadcast %broadcast_in_dim3A_807 : i32 to vector<16xi32>
      %gather3A_809 = tpu.vector_load_idx %arg8[%add3A_744, %broadcast_in_dim3A_808] : memref<128x16xf32, #tpu.memory_space<vmem>>[vector<16xi32>, vector<16xi32>], vector<16xf32>,
      %gather3A_810 = tpu.vector_load_idx %arg9[%add3A_744, %broadcast_in_dim3A_808] : memref<128x16xf32, #tpu.memory_space<vmem>>[vector<16xi32>, vector<16xi32>], vector<16xf32>,
      %mul3A_811 = arith.mulf %gather3A_809, %gather3A_810 : vector<16xf32>
      %add3A_812 = arith.addf %add3A_806, %mul3A_811 : vector<16xf32>
      %broadcast_in_dim3A_813 = arith.constant 11 : i32
      %broadcast_in_dim3A_814 = vector.broadcast %broadcast_in_dim3A_813 : i32 to vector<16xi32>
      %gather3A_815 = tpu.vector_load_idx %arg8[%add3A_744, %broadcast_in_dim3A_814] : memref<128x16xf32, #tpu.memory_space<vmem>>[vector<16xi32>, vector<16xi32>], vector<16xf32>,
      %gather3A_816 = tpu.vector_load_idx %arg9[%add3A_744, %broadcast_in_dim3A_814] : memref<128x16xf32, #tpu.memory_space<vmem>>[vector<16xi32>, vector<16xi32>], vector<16xf32>,
      %mul3A_817 = arith.mulf %gather3A_815, %gather3A_816 : vector<16xf32>
      %add3A_818 = arith.addf %add3A_812, %mul3A_817 : vector<16xf32>
      %broadcast_in_dim3A_819 = arith.constant 12 : i32
      %broadcast_in_dim3A_820 = vector.broadcast %broadcast_in_dim3A_819 : i32 to vector<16xi32>
      %gather3A_821 = tpu.vector_load_idx %arg8[%add3A_744, %broadcast_in_dim3A_820] : memref<128x16xf32, #tpu.memory_space<vmem>>[vector<16xi32>, vector<16xi32>], vector<16xf32>,
      %gather3A_822 = tpu.vector_load_idx %arg9[%add3A_744, %broadcast_in_dim3A_820] : memref<128x16xf32, #tpu.memory_space<vmem>>[vector<16xi32>, vector<16xi32>], vector<16xf32>,
      %mul3A_823 = arith.mulf %gather3A_821, %gather3A_822 : vector<16xf32>
      %add3A_824 = arith.addf %add3A_818, %mul3A_823 : vector<16xf32>
      %broadcast_in_dim3A_825 = arith.constant 13 : i32
      %broadcast_in_dim3A_826 = vector.broadcast %broadcast_in_dim3A_825 : i32 to vector<16xi32>
      %gather3A_827 = tpu.vector_load_idx %arg8[%add3A_744, %broadcast_in_dim3A_826] : memref<128x16xf32, #tpu.memory_space<vmem>>[vector<16xi32>, vector<16xi32>], vector<16xf32>,
      %gather3A_828 = tpu.vector_load_idx %arg9[%add3A_744, %broadcast_in_dim3A_826] : memref<128x16xf32, #tpu.memory_space<vmem>>[vector<16xi32>, vector<16xi32>], vector<16xf32>,
      %mul3A_829 = arith.mulf %gather3A_827, %gather3A_828 : vector<16xf32>
      %add3A_830 = arith.addf %add3A_824, %mul3A_829 : vector<16xf32>
      %broadcast_in_dim3A_831 = arith.constant 14 : i32
      %broadcast_in_dim3A_832 = vector.broadcast %broadcast_in_dim3A_831 : i32 to vector<16xi32>
      %gather3A_833 = tpu.vector_load_idx %arg8[%add3A_744, %broadcast_in_dim3A_832] : memref<128x16xf32, #tpu.memory_space<vmem>>[vector<16xi32>, vector<16xi32>], vector<16xf32>,
      %gather3A_834 = tpu.vector_load_idx %arg9[%add3A_744, %broadcast_in_dim3A_832] : memref<128x16xf32, #tpu.memory_space<vmem>>[vector<16xi32>, vector<16xi32>], vector<16xf32>,
      %mul3A_835 = arith.mulf %gather3A_833, %gather3A_834 : vector<16xf32>
      %add3A_836 = arith.addf %add3A_830, %mul3A_835 : vector<16xf32>
      %broadcast_in_dim3A_837 = arith.constant 15 : i32
      %broadcast_in_dim3A_838 = vector.broadcast %broadcast_in_dim3A_837 : i32 to vector<16xi32>
      %gather3A_839 = tpu.vector_load_idx %arg8[%add3A_744, %broadcast_in_dim3A_838] : memref<128x16xf32, #tpu.memory_space<vmem>>[vector<16xi32>, vector<16xi32>], vector<16xf32>,
      %gather3A_840 = tpu.vector_load_idx %arg9[%add3A_744, %broadcast_in_dim3A_838] : memref<128x16xf32, #tpu.memory_space<vmem>>[vector<16xi32>, vector<16xi32>], vector<16xf32>,
      %mul3A_841 = arith.mulf %gather3A_839, %gather3A_840 : vector<16xf32>
      %add3A_842 = arith.addf %add3A_836, %mul3A_841 : vector<16xf32>
      %neg3A_843 = arith.constant 0.000000e+00 : f32
      %neg3A_844 = vector.broadcast %neg3A_843 : f32 to vector<16xf32>
      %neg3A_845 = arith.subf %neg3A_844, %add3A_842 : vector<16xf32>
      %exp3A_846 = math.exp %neg3A_845 : vector<16xf32>
      %add3A_847 = arith.constant 1.000000e+00 : f32
      %add3A_848 = vector.broadcast %add3A_847 : f32 to vector<16xf32>
      %add3A_849 = arith.addf %add3A_848, %exp3A_846 : vector<16xf32>
      %div3A_850 = arith.constant 1.000000e+00 : f32
      %div3A_851 = vector.broadcast %div3A_850 : f32 to vector<16xf32>
      %div3A_852 = arith.divf %div3A_851, %add3A_849 : vector<16xf32>
      %swap3A_853 = arith.constant 96 : index
      %swap3A_854 = tpu.vector_load %arg12[%swap3A_853] {strides = array<i32>} : memref<128xf32, #tpu.memory_space<vmem>>, vector<16xf32>,
      tpu.vector_store %arg12[%swap3A_853], %div3A_852 {strides = array<i32>} : memref<128xf32, #tpu.memory_space<vmem>>, vector<16xf32>,
      %iota3A_855 = tpu.iota {dimensions = array<i32: 0>} : vector<16xi32>
      %add3A_856 = arith.constant 112 : i32
      %add3A_857 = vector.broadcast %add3A_856 : i32 to vector<16xi32>
      %add3A_858 = arith.addi %iota3A_855, %add3A_857 : vector<16xi32>
      %broadcast_in_dim3A_859 = arith.constant 0.000000e+00 : f32
      %broadcast_in_dim3A_860 = vector.broadcast %broadcast_in_dim3A_859 : f32 to vector<16xf32>
      %broadcast_in_dim3A_861 = arith.constant 0 : i32
      %broadcast_in_dim3A_862 = vector.broadcast %broadcast_in_dim3A_861 : i32 to vector<16xi32>
      %gather3A_863 = tpu.vector_load_idx %arg8[%add3A_858, %broadcast_in_dim3A_862] : memref<128x16xf32, #tpu.memory_space<vmem>>[vector<16xi32>, vector<16xi32>], vector<16xf32>,
      %gather3A_864 = tpu.vector_load_idx %arg9[%add3A_858, %broadcast_in_dim3A_862] : memref<128x16xf32, #tpu.memory_space<vmem>>[vector<16xi32>, vector<16xi32>], vector<16xf32>,
      %mul3A_865 = arith.mulf %gather3A_863, %gather3A_864 : vector<16xf32>
      %add3A_866 = arith.addf %broadcast_in_dim3A_860, %mul3A_865 : vector<16xf32>
      %broadcast_in_dim3A_867 = arith.constant 1 : i32
      %broadcast_in_dim3A_868 = vector.broadcast %broadcast_in_dim3A_867 : i32 to vector<16xi32>
      %gather3A_869 = tpu.vector_load_idx %arg8[%add3A_858, %broadcast_in_dim3A_868] : memref<128x16xf32, #tpu.memory_space<vmem>>[vector<16xi32>, vector<16xi32>], vector<16xf32>,
      %gather3A_870 = tpu.vector_load_idx %arg9[%add3A_858, %broadcast_in_dim3A_868] : memref<128x16xf32, #tpu.memory_space<vmem>>[vector<16xi32>, vector<16xi32>], vector<16xf32>,
      %mul3A_871 = arith.mulf %gather3A_869, %gather3A_870 : vector<16xf32>
      %add3A_872 = arith.addf %add3A_866, %mul3A_871 : vector<16xf32>
      %broadcast_in_dim3A_873 = arith.constant 2 : i32
      %broadcast_in_dim3A_874 = vector.broadcast %broadcast_in_dim3A_873 : i32 to vector<16xi32>
      %gather3A_875 = tpu.vector_load_idx %arg8[%add3A_858, %broadcast_in_dim3A_874] : memref<128x16xf32, #tpu.memory_space<vmem>>[vector<16xi32>, vector<16xi32>], vector<16xf32>,
      %gather3A_876 = tpu.vector_load_idx %arg9[%add3A_858, %broadcast_in_dim3A_874] : memref<128x16xf32, #tpu.memory_space<vmem>>[vector<16xi32>, vector<16xi32>], vector<16xf32>,
      %mul3A_877 = arith.mulf %gather3A_875, %gather3A_876 : vector<16xf32>
      %add3A_878 = arith.addf %add3A_872, %mul3A_877 : vector<16xf32>
      %broadcast_in_dim3A_879 = arith.constant 3 : i32
      %broadcast_in_dim3A_880 = vector.broadcast %broadcast_in_dim3A_879 : i32 to vector<16xi32>
      %gather3A_881 = tpu.vector_load_idx %arg8[%add3A_858, %broadcast_in_dim3A_880] : memref<128x16xf32, #tpu.memory_space<vmem>>[vector<16xi32>, vector<16xi32>], vector<16xf32>,
      %gather3A_882 = tpu.vector_load_idx %arg9[%add3A_858, %broadcast_in_dim3A_880] : memref<128x16xf32, #tpu.memory_space<vmem>>[vector<16xi32>, vector<16xi32>], vector<16xf32>,
      %mul3A_883 = arith.mulf %gather3A_881, %gather3A_882 : vector<16xf32>
      %add3A_884 = arith.addf %add3A_878, %mul3A_883 : vector<16xf32>
      %broadcast_in_dim3A_885 = arith.constant 4 : i32
      %broadcast_in_dim3A_886 = vector.broadcast %broadcast_in_dim3A_885 : i32 to vector<16xi32>
      %gather3A_887 = tpu.vector_load_idx %arg8[%add3A_858, %broadcast_in_dim3A_886] : memref<128x16xf32, #tpu.memory_space<vmem>>[vector<16xi32>, vector<16xi32>], vector<16xf32>,
      %gather3A_888 = tpu.vector_load_idx %arg9[%add3A_858, %broadcast_in_dim3A_886] : memref<128x16xf32, #tpu.memory_space<vmem>>[vector<16xi32>, vector<16xi32>], vector<16xf32>,
      %mul3A_889 = arith.mulf %gather3A_887, %gather3A_888 : vector<16xf32>
      %add3A_890 = arith.addf %add3A_884, %mul3A_889 : vector<16xf32>
      %broadcast_in_dim3A_891 = arith.constant 5 : i32
      %broadcast_in_dim3A_892 = vector.broadcast %broadcast_in_dim3A_891 : i32 to vector<16xi32>
      %gather3A_893 = tpu.vector_load_idx %arg8[%add3A_858, %broadcast_in_dim3A_892] : memref<128x16xf32, #tpu.memory_space<vmem>>[vector<16xi32>, vector<16xi32>], vector<16xf32>,
      %gather3A_894 = tpu.vector_load_idx %arg9[%add3A_858, %broadcast_in_dim3A_892] : memref<128x16xf32, #tpu.memory_space<vmem>>[vector<16xi32>, vector<16xi32>], vector<16xf32>,
      %mul3A_895 = arith.mulf %gather3A_893, %gather3A_894 : vector<16xf32>
      %add3A_896 = arith.addf %add3A_890, %mul3A_895 : vector<16xf32>
      %broadcast_in_dim3A_897 = arith.constant 6 : i32
      %broadcast_in_dim3A_898 = vector.broadcast %broadcast_in_dim3A_897 : i32 to vector<16xi32>
      %gather3A_899 = tpu.vector_load_idx %arg8[%add3A_858, %broadcast_in_dim3A_898] : memref<128x16xf32, #tpu.memory_space<vmem>>[vector<16xi32>, vector<16xi32>], vector<16xf32>,
      %gather3A_900 = tpu.vector_load_idx %arg9[%add3A_858, %broadcast_in_dim3A_898] : memref<128x16xf32, #tpu.memory_space<vmem>>[vector<16xi32>, vector<16xi32>], vector<16xf32>,
      %mul3A_901 = arith.mulf %gather3A_899, %gather3A_900 : vector<16xf32>
      %add3A_902 = arith.addf %add3A_896, %mul3A_901 : vector<16xf32>
      %broadcast_in_dim3A_903 = arith.constant 7 : i32
      %broadcast_in_dim3A_904 = vector.broadcast %broadcast_in_dim3A_903 : i32 to vector<16xi32>
      %gather3A_905 = tpu.vector_load_idx %arg8[%add3A_858, %broadcast_in_dim3A_904] : memref<128x16xf32, #tpu.memory_space<vmem>>[vector<16xi32>, vector<16xi32>], vector<16xf32>,
      %gather3A_906 = tpu.vector_load_idx %arg9[%add3A_858, %broadcast_in_dim3A_904] : memref<128x16xf32, #tpu.memory_space<vmem>>[vector<16xi32>, vector<16xi32>], vector<16xf32>,
      %mul3A_907 = arith.mulf %gather3A_905, %gather3A_906 : vector<16xf32>
      %add3A_908 = arith.addf %add3A_902, %mul3A_907 : vector<16xf32>
      %broadcast_in_dim3A_909 = arith.constant 8 : i32
      %broadcast_in_dim3A_910 = vector.broadcast %broadcast_in_dim3A_909 : i32 to vector<16xi32>
      %gather3A_911 = tpu.vector_load_idx %arg8[%add3A_858, %broadcast_in_dim3A_910] : memref<128x16xf32, #tpu.memory_space<vmem>>[vector<16xi32>, vector<16xi32>], vector<16xf32>,
      %gather3A_912 = tpu.vector_load_idx %arg9[%add3A_858, %broadcast_in_dim3A_910] : memref<128x16xf32, #tpu.memory_space<vmem>>[vector<16xi32>, vector<16xi32>], vector<16xf32>,
      %mul3A_913 = arith.mulf %gather3A_911, %gather3A_912 : vector<16xf32>
      %add3A_914 = arith.addf %add3A_908, %mul3A_913 : vector<16xf32>
      %broadcast_in_dim3A_915 = arith.constant 9 : i32
      %broadcast_in_dim3A_916 = vector.broadcast %broadcast_in_dim3A_915 : i32 to vector<16xi32>
      %gather3A_917 = tpu.vector_load_idx %arg8[%add3A_858, %broadcast_in_dim3A_916] : memref<128x16xf32, #tpu.memory_space<vmem>>[vector<16xi32>, vector<16xi32>], vector<16xf32>,
      %gather3A_918 = tpu.vector_load_idx %arg9[%add3A_858, %broadcast_in_dim3A_916] : memref<128x16xf32, #tpu.memory_space<vmem>>[vector<16xi32>, vector<16xi32>], vector<16xf32>,
      %mul3A_919 = arith.mulf %gather3A_917, %gather3A_918 : vector<16xf32>
      %add3A_920 = arith.addf %add3A_914, %mul3A_919 : vector<16xf32>
      %broadcast_in_dim3A_921 = arith.constant 10 : i32
      %broadcast_in_dim3A_922 = vector.broadcast %broadcast_in_dim3A_921 : i32 to vector<16xi32>
      %gather3A_923 = tpu.vector_load_idx %arg8[%add3A_858, %broadcast_in_dim3A_922] : memref<128x16xf32, #tpu.memory_space<vmem>>[vector<16xi32>, vector<16xi32>], vector<16xf32>,
      %gather3A_924 = tpu.vector_load_idx %arg9[%add3A_858, %broadcast_in_dim3A_922] : memref<128x16xf32, #tpu.memory_space<vmem>>[vector<16xi32>, vector<16xi32>], vector<16xf32>,
      %mul3A_925 = arith.mulf %gather3A_923, %gather3A_924 : vector<16xf32>
      %add3A_926 = arith.addf %add3A_920, %mul3A_925 : vector<16xf32>
      %broadcast_in_dim3A_927 = arith.constant 11 : i32
      %broadcast_in_dim3A_928 = vector.broadcast %broadcast_in_dim3A_927 : i32 to vector<16xi32>
      %gather3A_929 = tpu.vector_load_idx %arg8[%add3A_858, %broadcast_in_dim3A_928] : memref<128x16xf32, #tpu.memory_space<vmem>>[vector<16xi32>, vector<16xi32>], vector<16xf32>,
      %gather3A_930 = tpu.vector_load_idx %arg9[%add3A_858, %broadcast_in_dim3A_928] : memref<128x16xf32, #tpu.memory_space<vmem>>[vector<16xi32>, vector<16xi32>], vector<16xf32>,
      %mul3A_931 = arith.mulf %gather3A_929, %gather3A_930 : vector<16xf32>
      %add3A_932 = arith.addf %add3A_926, %mul3A_931 : vector<16xf32>
      %broadcast_in_dim3A_933 = arith.constant 12 : i32
      %broadcast_in_dim3A_934 = vector.broadcast %broadcast_in_dim3A_933 : i32 to vector<16xi32>
      %gather3A_935 = tpu.vector_load_idx %arg8[%add3A_858, %broadcast_in_dim3A_934] : memref<128x16xf32, #tpu.memory_space<vmem>>[vector<16xi32>, vector<16xi32>], vector<16xf32>,
      %gather3A_936 = tpu.vector_load_idx %arg9[%add3A_858, %broadcast_in_dim3A_934] : memref<128x16xf32, #tpu.memory_space<vmem>>[vector<16xi32>, vector<16xi32>], vector<16xf32>,
      %mul3A_937 = arith.mulf %gather3A_935, %gather3A_936 : vector<16xf32>
      %add3A_938 = arith.addf %add3A_932, %mul3A_937 : vector<16xf32>
      %broadcast_in_dim3A_939 = arith.constant 13 : i32
      %broadcast_in_dim3A_940 = vector.broadcast %broadcast_in_dim3A_939 : i32 to vector<16xi32>
      %gather3A_941 = tpu.vector_load_idx %arg8[%add3A_858, %broadcast_in_dim3A_940] : memref<128x16xf32, #tpu.memory_space<vmem>>[vector<16xi32>, vector<16xi32>], vector<16xf32>,
      %gather3A_942 = tpu.vector_load_idx %arg9[%add3A_858, %broadcast_in_dim3A_940] : memref<128x16xf32, #tpu.memory_space<vmem>>[vector<16xi32>, vector<16xi32>], vector<16xf32>,
      %mul3A_943 = arith.mulf %gather3A_941, %gather3A_942 : vector<16xf32>
      %add3A_944 = arith.addf %add3A_938, %mul3A_943 : vector<16xf32>
      %broadcast_in_dim3A_945 = arith.constant 14 : i32
      %broadcast_in_dim3A_946 = vector.broadcast %broadcast_in_dim3A_945 : i32 to vector<16xi32>
      %gather3A_947 = tpu.vector_load_idx %arg8[%add3A_858, %broadcast_in_dim3A_946] : memref<128x16xf32, #tpu.memory_space<vmem>>[vector<16xi32>, vector<16xi32>], vector<16xf32>,
      %gather3A_948 = tpu.vector_load_idx %arg9[%add3A_858, %broadcast_in_dim3A_946] : memref<128x16xf32, #tpu.memory_space<vmem>>[vector<16xi32>, vector<16xi32>], vector<16xf32>,
      %mul3A_949 = arith.mulf %gather3A_947, %gather3A_948 : vector<16xf32>
      %add3A_950 = arith.addf %add3A_944, %mul3A_949 : vector<16xf32>
      %broadcast_in_dim3A_951 = arith.constant 15 : i32
      %broadcast_in_dim3A_952 = vector.broadcast %broadcast_in_dim3A_951 : i32 to vector<16xi32>
      %gather3A_953 = tpu.vector_load_idx %arg8[%add3A_858, %broadcast_in_dim3A_952] : memref<128x16xf32, #tpu.memory_space<vmem>>[vector<16xi32>, vector<16xi32>], vector<16xf32>,
      %gather3A_954 = tpu.vector_load_idx %arg9[%add3A_858, %broadcast_in_dim3A_952] : memref<128x16xf32, #tpu.memory_space<vmem>>[vector<16xi32>, vector<16xi32>], vector<16xf32>,
      %mul3A_955 = arith.mulf %gather3A_953, %gather3A_954 : vector<16xf32>
      %add3A_956 = arith.addf %add3A_950, %mul3A_955 : vector<16xf32>
      %neg3A_957 = arith.constant 0.000000e+00 : f32
      %neg3A_958 = vector.broadcast %neg3A_957 : f32 to vector<16xf32>
      %neg3A_959 = arith.subf %neg3A_958, %add3A_956 : vector<16xf32>
      %exp3A_960 = math.exp %neg3A_959 : vector<16xf32>
      %add3A_961 = arith.constant 1.000000e+00 : f32
      %add3A_962 = vector.broadcast %add3A_961 : f32 to vector<16xf32>
      %add3A_963 = arith.addf %add3A_962, %exp3A_960 : vector<16xf32>
      %div3A_964 = arith.constant 1.000000e+00 : f32
      %div3A_965 = vector.broadcast %div3A_964 : f32 to vector<16xf32>
      %div3A_966 = arith.divf %div3A_965, %add3A_963 : vector<16xf32>
      %swap3A_967 = arith.constant 112 : index
      %swap3A_968 = tpu.vector_load %arg12[%swap3A_967] {strides = array<i32>} : memref<128xf32, #tpu.memory_space<vmem>>, vector<16xf32>,
      tpu.vector_store %arg12[%swap3A_967], %div3A_966 {strides = array<i32>} : memref<128xf32, #tpu.memory_space<vmem>>, vector<16xf32>,
      %dma_start3A_969 = tpu.memref_slice %arg5[%add3A_49] : memref<327680xf32, #tpu.memory_space<hbm>> -> memref<128xf32, #tpu.memory_space<hbm>>
      %dma_start3A_970 = tpu.memref_slice %arg5[%add3A_49] : memref<327680xf32, #tpu.memory_space<hbm>> -> memref<128xf32, #tpu.memory_space<hbm>>
      tpu.enqueue_dma source(%arg12 : memref<128xf32, #tpu.memory_space<vmem>>) target(%dma_start3A_970 : memref<128xf32, #tpu.memory_space<hbm>>) target_semaphore(%arg18 : memref<!tpu.dma_semaphore, #tpu.memory_space<semaphore_mem>>)
      %add3A_971 = arith.constant 2 : i32
      %add3A_972 = arith.addi %mul3A_42, %add3A_971 : i32
      %lt3A = arith.constant 80 : i32
      %lt3A_973 = arith.cmpi slt, %add3A_972, %lt3A : i32
      %convert_element_type3A_974 = arith.extui %lt3A_973 : i1 to i32
      %cond3A_975 = arith.constant 0 : i32
      %cond3A_976 = arith.cmpi ne, %convert_element_type3A_974, %cond3A_975 : i32
      scf.if %cond3A_976 {
        %add3A_1920 = arith.constant 2 : i32
        %add3A_1921 = arith.addi %mul3A_42, %add3A_1920 : i32
        %dma_start3A_1922 = arith.constant 0 : i32
        %dma_start3A_1923 = tpu.memref_slice %arg6[%add3A_1921, %dma_start3A_1922] : memref<80x128xi32, #tpu.memory_space<vmem>> -> memref<1x128xi32, #tpu.memory_space<vmem>>
        %dma_start3A_1924 = tpu.memref_squeeze %dma_start3A_1923 : memref<1x128xi32, #tpu.memory_space<vmem>> -> memref<128xi32, #tpu.memory_space<vmem>>
        %dma_start3A_1925 = arith.constant 0 : i32
        %dma_start3A_1926 = arith.constant 0 : i32
        %dma_start3A_1927 = tpu.memref_slice %arg2[%dma_start3A_1925, %dma_start3A_1926] : memref<10240x16xf32, #tpu.memory_space<hbm>> -> memref<10240x16xf32, #tpu.memory_space<hbm>>
        tpu.enqueue_indirect_dma source(%dma_start3A_1927 : memref<10240x16xf32, #tpu.memory_space<hbm>>) target(%arg8 : memref<128x16xf32, #tpu.memory_space<vmem>>) offsets(%dma_start3A_1924 : memref<128xi32, #tpu.memory_space<vmem>>) semaphore(%arg14 : memref<!tpu.dma_semaphore, #tpu.memory_space<semaphore_mem>>)
        %add3A_1928 = arith.constant 2 : i32
        %add3A_1929 = arith.addi %mul3A_42, %add3A_1928 : i32
        %dma_start3A_1930 = arith.constant 0 : i32
        %dma_start3A_1931 = tpu.memref_slice %arg7[%add3A_1929, %dma_start3A_1930] : memref<80x128xi32, #tpu.memory_space<vmem>> -> memref<1x128xi32, #tpu.memory_space<vmem>>
        %dma_start3A_1932 = tpu.memref_squeeze %dma_start3A_1931 : memref<1x128xi32, #tpu.memory_space<vmem>> -> memref<128xi32, #tpu.memory_space<vmem>>
        %dma_start3A_1933 = arith.constant 0 : i32
        %dma_start3A_1934 = arith.constant 0 : i32
        %dma_start3A_1935 = tpu.memref_slice %arg2[%dma_start3A_1933, %dma_start3A_1934] : memref<10240x16xf32, #tpu.memory_space<hbm>> -> memref<10240x16xf32, #tpu.memory_space<hbm>>
        tpu.enqueue_indirect_dma source(%dma_start3A_1935 : memref<10240x16xf32, #tpu.memory_space<hbm>>) target(%arg9 : memref<128x16xf32, #tpu.memory_space<vmem>>) offsets(%dma_start3A_1932 : memref<128xi32, #tpu.memory_space<vmem>>) semaphore(%arg15 : memref<!tpu.dma_semaphore, #tpu.memory_space<semaphore_mem>>)
      } else {
      }
      %mul3A_977 = arith.constant 10240 : i32
      %mul3A_978 = arith.muli %add3A, %mul3A_977 : i32
      %mul3A_979 = arith.constant 128 : i32
      %mul3A_980 = arith.muli %add3A_44, %mul3A_979 : i32
      %add3A_981 = arith.addi %mul3A_978, %mul3A_980 : i32
      %dma_wait3A_982 = arith.constant 0 : i32
      %dma_wait3A_983 = tpu.memref_slice %arg6[%add3A_44, %dma_wait3A_982] : memref<80x128xi32, #tpu.memory_space<vmem>> -> memref<1x128xi32, #tpu.memory_space<vmem>>
      %dma_wait3A_984 = tpu.memref_squeeze %dma_wait3A_983 : memref<1x128xi32, #tpu.memory_space<vmem>> -> memref<128xi32, #tpu.memory_space<vmem>>
      %dma_wait3A_985 = arith.constant 0 : i32
      %dma_wait3A_986 = arith.constant 0 : i32
      %dma_wait3A_987 = tpu.memref_slice %arg2[%dma_wait3A_985, %dma_wait3A_986] : memref<10240x16xf32, #tpu.memory_space<hbm>> -> memref<10240x16xf32, #tpu.memory_space<hbm>>
      tpu.wait_indirect_dma semaphore(%arg16 : memref<!tpu.dma_semaphore, #tpu.memory_space<semaphore_mem>>) src(%dma_wait3A_987 : memref<10240x16xf32, #tpu.memory_space<hbm>>) dst(%arg10 : memref<128x16xf32, #tpu.memory_space<vmem>>)
      %dma_wait3A_988 = arith.constant 0 : i32
      %dma_wait3A_989 = tpu.memref_slice %arg7[%add3A_44, %dma_wait3A_988] : memref<80x128xi32, #tpu.memory_space<vmem>> -> memref<1x128xi32, #tpu.memory_space<vmem>>
      %dma_wait3A_990 = tpu.memref_squeeze %dma_wait3A_989 : memref<1x128xi32, #tpu.memory_space<vmem>> -> memref<128xi32, #tpu.memory_space<vmem>>
      %dma_wait3A_991 = arith.constant 0 : i32
      %dma_wait3A_992 = arith.constant 0 : i32
      %dma_wait3A_993 = tpu.memref_slice %arg2[%dma_wait3A_991, %dma_wait3A_992] : memref<10240x16xf32, #tpu.memory_space<hbm>> -> memref<10240x16xf32, #tpu.memory_space<hbm>>
      tpu.wait_indirect_dma semaphore(%arg17 : memref<!tpu.dma_semaphore, #tpu.memory_space<semaphore_mem>>) src(%dma_wait3A_993 : memref<10240x16xf32, #tpu.memory_space<hbm>>) dst(%arg11 : memref<128x16xf32, #tpu.memory_space<vmem>>)
      %gt3A_994 = arith.constant 0 : i32
      %gt3A_995 = arith.cmpi sgt, %scan3A_40, %gt3A_994 : i32
      %convert_element_type3A_996 = arith.extui %gt3A_995 : i1 to i32
      %cond3A_997 = arith.constant 0 : i32
      %cond3A_998 = arith.cmpi ne, %convert_element_type3A_996, %cond3A_997 : i32
      scf.if %cond3A_998 {
        %sub3A = arith.constant 256 : i32
        %sub3A_1920 = arith.subi %add3A_981, %sub3A : i32
        %dma_wait3A_1921 = tpu.memref_slice %arg5[%sub3A_1920] : memref<327680xf32, #tpu.memory_space<hbm>> -> memref<128xf32, #tpu.memory_space<hbm>>
        %dma_wait3A_1922 = tpu.memref_slice %arg5[%sub3A_1920] : memref<327680xf32, #tpu.memory_space<hbm>> -> memref<128xf32, #tpu.memory_space<hbm>>
        tpu.wait_dma2 semaphore(%arg19 : memref<!tpu.dma_semaphore, #tpu.memory_space<semaphore_mem>>) src(%arg13 : memref<128xf32, #tpu.memory_space<vmem>>) dst(%dma_wait3A_1922 : memref<128xf32, #tpu.memory_space<hbm>>)
      } else {
      }
      %iota3A_999 = tpu.iota {dimensions = array<i32: 0>} : vector<16xi32>
      %add3A_1000 = arith.constant 0 : i32
      %add3A_1001 = vector.broadcast %add3A_1000 : i32 to vector<16xi32>
      %add3A_1002 = arith.addi %iota3A_999, %add3A_1001 : vector<16xi32>
      %broadcast_in_dim3A_1003 = arith.constant 0.000000e+00 : f32
      %broadcast_in_dim3A_1004 = vector.broadcast %broadcast_in_dim3A_1003 : f32 to vector<16xf32>
      %broadcast_in_dim3A_1005 = arith.constant 0 : i32
      %broadcast_in_dim3A_1006 = vector.broadcast %broadcast_in_dim3A_1005 : i32 to vector<16xi32>
      %gather3A_1007 = tpu.vector_load_idx %arg10[%add3A_1002, %broadcast_in_dim3A_1006] : memref<128x16xf32, #tpu.memory_space<vmem>>[vector<16xi32>, vector<16xi32>], vector<16xf32>,
      %gather3A_1008 = tpu.vector_load_idx %arg11[%add3A_1002, %broadcast_in_dim3A_1006] : memref<128x16xf32, #tpu.memory_space<vmem>>[vector<16xi32>, vector<16xi32>], vector<16xf32>,
      %mul3A_1009 = arith.mulf %gather3A_1007, %gather3A_1008 : vector<16xf32>
      %add3A_1010 = arith.addf %broadcast_in_dim3A_1004, %mul3A_1009 : vector<16xf32>
      %broadcast_in_dim3A_1011 = arith.constant 1 : i32
      %broadcast_in_dim3A_1012 = vector.broadcast %broadcast_in_dim3A_1011 : i32 to vector<16xi32>
      %gather3A_1013 = tpu.vector_load_idx %arg10[%add3A_1002, %broadcast_in_dim3A_1012] : memref<128x16xf32, #tpu.memory_space<vmem>>[vector<16xi32>, vector<16xi32>], vector<16xf32>,
      %gather3A_1014 = tpu.vector_load_idx %arg11[%add3A_1002, %broadcast_in_dim3A_1012] : memref<128x16xf32, #tpu.memory_space<vmem>>[vector<16xi32>, vector<16xi32>], vector<16xf32>,
      %mul3A_1015 = arith.mulf %gather3A_1013, %gather3A_1014 : vector<16xf32>
      %add3A_1016 = arith.addf %add3A_1010, %mul3A_1015 : vector<16xf32>
      %broadcast_in_dim3A_1017 = arith.constant 2 : i32
      %broadcast_in_dim3A_1018 = vector.broadcast %broadcast_in_dim3A_1017 : i32 to vector<16xi32>
      %gather3A_1019 = tpu.vector_load_idx %arg10[%add3A_1002, %broadcast_in_dim3A_1018] : memref<128x16xf32, #tpu.memory_space<vmem>>[vector<16xi32>, vector<16xi32>], vector<16xf32>,
      %gather3A_1020 = tpu.vector_load_idx %arg11[%add3A_1002, %broadcast_in_dim3A_1018] : memref<128x16xf32, #tpu.memory_space<vmem>>[vector<16xi32>, vector<16xi32>], vector<16xf32>,
      %mul3A_1021 = arith.mulf %gather3A_1019, %gather3A_1020 : vector<16xf32>
      %add3A_1022 = arith.addf %add3A_1016, %mul3A_1021 : vector<16xf32>
      %broadcast_in_dim3A_1023 = arith.constant 3 : i32
      %broadcast_in_dim3A_1024 = vector.broadcast %broadcast_in_dim3A_1023 : i32 to vector<16xi32>
      %gather3A_1025 = tpu.vector_load_idx %arg10[%add3A_1002, %broadcast_in_dim3A_1024] : memref<128x16xf32, #tpu.memory_space<vmem>>[vector<16xi32>, vector<16xi32>], vector<16xf32>,
      %gather3A_1026 = tpu.vector_load_idx %arg11[%add3A_1002, %broadcast_in_dim3A_1024] : memref<128x16xf32, #tpu.memory_space<vmem>>[vector<16xi32>, vector<16xi32>], vector<16xf32>,
      %mul3A_1027 = arith.mulf %gather3A_1025, %gather3A_1026 : vector<16xf32>
      %add3A_1028 = arith.addf %add3A_1022, %mul3A_1027 : vector<16xf32>
      %broadcast_in_dim3A_1029 = arith.constant 4 : i32
      %broadcast_in_dim3A_1030 = vector.broadcast %broadcast_in_dim3A_1029 : i32 to vector<16xi32>
      %gather3A_1031 = tpu.vector_load_idx %arg10[%add3A_1002, %broadcast_in_dim3A_1030] : memref<128x16xf32, #tpu.memory_space<vmem>>[vector<16xi32>, vector<16xi32>], vector<16xf32>,
      %gather3A_1032 = tpu.vector_load_idx %arg11[%add3A_1002, %broadcast_in_dim3A_1030] : memref<128x16xf32, #tpu.memory_space<vmem>>[vector<16xi32>, vector<16xi32>], vector<16xf32>,
      %mul3A_1033 = arith.mulf %gather3A_1031, %gather3A_1032 : vector<16xf32>
      %add3A_1034 = arith.addf %add3A_1028, %mul3A_1033 : vector<16xf32>
      %broadcast_in_dim3A_1035 = arith.constant 5 : i32
      %broadcast_in_dim3A_1036 = vector.broadcast %broadcast_in_dim3A_1035 : i32 to vector<16xi32>
      %gather3A_1037 = tpu.vector_load_idx %arg10[%add3A_1002, %broadcast_in_dim3A_1036] : memref<128x16xf32, #tpu.memory_space<vmem>>[vector<16xi32>, vector<16xi32>], vector<16xf32>,
      %gather3A_1038 = tpu.vector_load_idx %arg11[%add3A_1002, %broadcast_in_dim3A_1036] : memref<128x16xf32, #tpu.memory_space<vmem>>[vector<16xi32>, vector<16xi32>], vector<16xf32>,
      %mul3A_1039 = arith.mulf %gather3A_1037, %gather3A_1038 : vector<16xf32>
      %add3A_1040 = arith.addf %add3A_1034, %mul3A_1039 : vector<16xf32>
      %broadcast_in_dim3A_1041 = arith.constant 6 : i32
      %broadcast_in_dim3A_1042 = vector.broadcast %broadcast_in_dim3A_1041 : i32 to vector<16xi32>
      %gather3A_1043 = tpu.vector_load_idx %arg10[%add3A_1002, %broadcast_in_dim3A_1042] : memref<128x16xf32, #tpu.memory_space<vmem>>[vector<16xi32>, vector<16xi32>], vector<16xf32>,
      %gather3A_1044 = tpu.vector_load_idx %arg11[%add3A_1002, %broadcast_in_dim3A_1042] : memref<128x16xf32, #tpu.memory_space<vmem>>[vector<16xi32>, vector<16xi32>], vector<16xf32>,
      %mul3A_1045 = arith.mulf %gather3A_1043, %gather3A_1044 : vector<16xf32>
      %add3A_1046 = arith.addf %add3A_1040, %mul3A_1045 : vector<16xf32>
      %broadcast_in_dim3A_1047 = arith.constant 7 : i32
      %broadcast_in_dim3A_1048 = vector.broadcast %broadcast_in_dim3A_1047 : i32 to vector<16xi32>
      %gather3A_1049 = tpu.vector_load_idx %arg10[%add3A_1002, %broadcast_in_dim3A_1048] : memref<128x16xf32, #tpu.memory_space<vmem>>[vector<16xi32>, vector<16xi32>], vector<16xf32>,
      %gather3A_1050 = tpu.vector_load_idx %arg11[%add3A_1002, %broadcast_in_dim3A_1048] : memref<128x16xf32, #tpu.memory_space<vmem>>[vector<16xi32>, vector<16xi32>], vector<16xf32>,
      %mul3A_1051 = arith.mulf %gather3A_1049, %gather3A_1050 : vector<16xf32>
      %add3A_1052 = arith.addf %add3A_1046, %mul3A_1051 : vector<16xf32>
      %broadcast_in_dim3A_1053 = arith.constant 8 : i32
      %broadcast_in_dim3A_1054 = vector.broadcast %broadcast_in_dim3A_1053 : i32 to vector<16xi32>
      %gather3A_1055 = tpu.vector_load_idx %arg10[%add3A_1002, %broadcast_in_dim3A_1054] : memref<128x16xf32, #tpu.memory_space<vmem>>[vector<16xi32>, vector<16xi32>], vector<16xf32>,
      %gather3A_1056 = tpu.vector_load_idx %arg11[%add3A_1002, %broadcast_in_dim3A_1054] : memref<128x16xf32, #tpu.memory_space<vmem>>[vector<16xi32>, vector<16xi32>], vector<16xf32>,
      %mul3A_1057 = arith.mulf %gather3A_1055, %gather3A_1056 : vector<16xf32>
      %add3A_1058 = arith.addf %add3A_1052, %mul3A_1057 : vector<16xf32>
      %broadcast_in_dim3A_1059 = arith.constant 9 : i32
      %broadcast_in_dim3A_1060 = vector.broadcast %broadcast_in_dim3A_1059 : i32 to vector<16xi32>
      %gather3A_1061 = tpu.vector_load_idx %arg10[%add3A_1002, %broadcast_in_dim3A_1060] : memref<128x16xf32, #tpu.memory_space<vmem>>[vector<16xi32>, vector<16xi32>], vector<16xf32>,
      %gather3A_1062 = tpu.vector_load_idx %arg11[%add3A_1002, %broadcast_in_dim3A_1060] : memref<128x16xf32, #tpu.memory_space<vmem>>[vector<16xi32>, vector<16xi32>], vector<16xf32>,
      %mul3A_1063 = arith.mulf %gather3A_1061, %gather3A_1062 : vector<16xf32>
      %add3A_1064 = arith.addf %add3A_1058, %mul3A_1063 : vector<16xf32>
      %broadcast_in_dim3A_1065 = arith.constant 10 : i32
      %broadcast_in_dim3A_1066 = vector.broadcast %broadcast_in_dim3A_1065 : i32 to vector<16xi32>
      %gather3A_1067 = tpu.vector_load_idx %arg10[%add3A_1002, %broadcast_in_dim3A_1066] : memref<128x16xf32, #tpu.memory_space<vmem>>[vector<16xi32>, vector<16xi32>], vector<16xf32>,
      %gather3A_1068 = tpu.vector_load_idx %arg11[%add3A_1002, %broadcast_in_dim3A_1066] : memref<128x16xf32, #tpu.memory_space<vmem>>[vector<16xi32>, vector<16xi32>], vector<16xf32>,
      %mul3A_1069 = arith.mulf %gather3A_1067, %gather3A_1068 : vector<16xf32>
      %add3A_1070 = arith.addf %add3A_1064, %mul3A_1069 : vector<16xf32>
      %broadcast_in_dim3A_1071 = arith.constant 11 : i32
      %broadcast_in_dim3A_1072 = vector.broadcast %broadcast_in_dim3A_1071 : i32 to vector<16xi32>
      %gather3A_1073 = tpu.vector_load_idx %arg10[%add3A_1002, %broadcast_in_dim3A_1072] : memref<128x16xf32, #tpu.memory_space<vmem>>[vector<16xi32>, vector<16xi32>], vector<16xf32>,
      %gather3A_1074 = tpu.vector_load_idx %arg11[%add3A_1002, %broadcast_in_dim3A_1072] : memref<128x16xf32, #tpu.memory_space<vmem>>[vector<16xi32>, vector<16xi32>], vector<16xf32>,
      %mul3A_1075 = arith.mulf %gather3A_1073, %gather3A_1074 : vector<16xf32>
      %add3A_1076 = arith.addf %add3A_1070, %mul3A_1075 : vector<16xf32>
      %broadcast_in_dim3A_1077 = arith.constant 12 : i32
      %broadcast_in_dim3A_1078 = vector.broadcast %broadcast_in_dim3A_1077 : i32 to vector<16xi32>
      %gather3A_1079 = tpu.vector_load_idx %arg10[%add3A_1002, %broadcast_in_dim3A_1078] : memref<128x16xf32, #tpu.memory_space<vmem>>[vector<16xi32>, vector<16xi32>], vector<16xf32>,
      %gather3A_1080 = tpu.vector_load_idx %arg11[%add3A_1002, %broadcast_in_dim3A_1078] : memref<128x16xf32, #tpu.memory_space<vmem>>[vector<16xi32>, vector<16xi32>], vector<16xf32>,
      %mul3A_1081 = arith.mulf %gather3A_1079, %gather3A_1080 : vector<16xf32>
      %add3A_1082 = arith.addf %add3A_1076, %mul3A_1081 : vector<16xf32>
      %broadcast_in_dim3A_1083 = arith.constant 13 : i32
      %broadcast_in_dim3A_1084 = vector.broadcast %broadcast_in_dim3A_1083 : i32 to vector<16xi32>
      %gather3A_1085 = tpu.vector_load_idx %arg10[%add3A_1002, %broadcast_in_dim3A_1084] : memref<128x16xf32, #tpu.memory_space<vmem>>[vector<16xi32>, vector<16xi32>], vector<16xf32>,
      %gather3A_1086 = tpu.vector_load_idx %arg11[%add3A_1002, %broadcast_in_dim3A_1084] : memref<128x16xf32, #tpu.memory_space<vmem>>[vector<16xi32>, vector<16xi32>], vector<16xf32>,
      %mul3A_1087 = arith.mulf %gather3A_1085, %gather3A_1086 : vector<16xf32>
      %add3A_1088 = arith.addf %add3A_1082, %mul3A_1087 : vector<16xf32>
      %broadcast_in_dim3A_1089 = arith.constant 14 : i32
      %broadcast_in_dim3A_1090 = vector.broadcast %broadcast_in_dim3A_1089 : i32 to vector<16xi32>
      %gather3A_1091 = tpu.vector_load_idx %arg10[%add3A_1002, %broadcast_in_dim3A_1090] : memref<128x16xf32, #tpu.memory_space<vmem>>[vector<16xi32>, vector<16xi32>], vector<16xf32>,
      %gather3A_1092 = tpu.vector_load_idx %arg11[%add3A_1002, %broadcast_in_dim3A_1090] : memref<128x16xf32, #tpu.memory_space<vmem>>[vector<16xi32>, vector<16xi32>], vector<16xf32>,
      %mul3A_1093 = arith.mulf %gather3A_1091, %gather3A_1092 : vector<16xf32>
      %add3A_1094 = arith.addf %add3A_1088, %mul3A_1093 : vector<16xf32>
      %broadcast_in_dim3A_1095 = arith.constant 15 : i32
      %broadcast_in_dim3A_1096 = vector.broadcast %broadcast_in_dim3A_1095 : i32 to vector<16xi32>
      %gather3A_1097 = tpu.vector_load_idx %arg10[%add3A_1002, %broadcast_in_dim3A_1096] : memref<128x16xf32, #tpu.memory_space<vmem>>[vector<16xi32>, vector<16xi32>], vector<16xf32>,
      %gather3A_1098 = tpu.vector_load_idx %arg11[%add3A_1002, %broadcast_in_dim3A_1096] : memref<128x16xf32, #tpu.memory_space<vmem>>[vector<16xi32>, vector<16xi32>], vector<16xf32>,
      %mul3A_1099 = arith.mulf %gather3A_1097, %gather3A_1098 : vector<16xf32>
      %add3A_1100 = arith.addf %add3A_1094, %mul3A_1099 : vector<16xf32>
      %neg3A_1101 = arith.constant 0.000000e+00 : f32
      %neg3A_1102 = vector.broadcast %neg3A_1101 : f32 to vector<16xf32>
      %neg3A_1103 = arith.subf %neg3A_1102, %add3A_1100 : vector<16xf32>
      %exp3A_1104 = math.exp %neg3A_1103 : vector<16xf32>
      %add3A_1105 = arith.constant 1.000000e+00 : f32
      %add3A_1106 = vector.broadcast %add3A_1105 : f32 to vector<16xf32>
      %add3A_1107 = arith.addf %add3A_1106, %exp3A_1104 : vector<16xf32>
      %div3A_1108 = arith.constant 1.000000e+00 : f32
      %div3A_1109 = vector.broadcast %div3A_1108 : f32 to vector<16xf32>
      %div3A_1110 = arith.divf %div3A_1109, %add3A_1107 : vector<16xf32>
      %swap3A_1111 = arith.constant 0 : index
      %swap3A_1112 = tpu.vector_load %arg13[%swap3A_1111] {strides = array<i32>} : memref<128xf32, #tpu.memory_space<vmem>>, vector<16xf32>,
      tpu.vector_store %arg13[%swap3A_1111], %div3A_1110 {strides = array<i32>} : memref<128xf32, #tpu.memory_space<vmem>>, vector<16xf32>,
      %iota3A_1113 = tpu.iota {dimensions = array<i32: 0>} : vector<16xi32>
      %add3A_1114 = arith.constant 16 : i32
      %add3A_1115 = vector.broadcast %add3A_1114 : i32 to vector<16xi32>
      %add3A_1116 = arith.addi %iota3A_1113, %add3A_1115 : vector<16xi32>
      %broadcast_in_dim3A_1117 = arith.constant 0.000000e+00 : f32
      %broadcast_in_dim3A_1118 = vector.broadcast %broadcast_in_dim3A_1117 : f32 to vector<16xf32>
      %broadcast_in_dim3A_1119 = arith.constant 0 : i32
      %broadcast_in_dim3A_1120 = vector.broadcast %broadcast_in_dim3A_1119 : i32 to vector<16xi32>
      %gather3A_1121 = tpu.vector_load_idx %arg10[%add3A_1116, %broadcast_in_dim3A_1120] : memref<128x16xf32, #tpu.memory_space<vmem>>[vector<16xi32>, vector<16xi32>], vector<16xf32>,
      %gather3A_1122 = tpu.vector_load_idx %arg11[%add3A_1116, %broadcast_in_dim3A_1120] : memref<128x16xf32, #tpu.memory_space<vmem>>[vector<16xi32>, vector<16xi32>], vector<16xf32>,
      %mul3A_1123 = arith.mulf %gather3A_1121, %gather3A_1122 : vector<16xf32>
      %add3A_1124 = arith.addf %broadcast_in_dim3A_1118, %mul3A_1123 : vector<16xf32>
      %broadcast_in_dim3A_1125 = arith.constant 1 : i32
      %broadcast_in_dim3A_1126 = vector.broadcast %broadcast_in_dim3A_1125 : i32 to vector<16xi32>
      %gather3A_1127 = tpu.vector_load_idx %arg10[%add3A_1116, %broadcast_in_dim3A_1126] : memref<128x16xf32, #tpu.memory_space<vmem>>[vector<16xi32>, vector<16xi32>], vector<16xf32>,
      %gather3A_1128 = tpu.vector_load_idx %arg11[%add3A_1116, %broadcast_in_dim3A_1126] : memref<128x16xf32, #tpu.memory_space<vmem>>[vector<16xi32>, vector<16xi32>], vector<16xf32>,
      %mul3A_1129 = arith.mulf %gather3A_1127, %gather3A_1128 : vector<16xf32>
      %add3A_1130 = arith.addf %add3A_1124, %mul3A_1129 : vector<16xf32>
      %broadcast_in_dim3A_1131 = arith.constant 2 : i32
      %broadcast_in_dim3A_1132 = vector.broadcast %broadcast_in_dim3A_1131 : i32 to vector<16xi32>
      %gather3A_1133 = tpu.vector_load_idx %arg10[%add3A_1116, %broadcast_in_dim3A_1132] : memref<128x16xf32, #tpu.memory_space<vmem>>[vector<16xi32>, vector<16xi32>], vector<16xf32>,
      %gather3A_1134 = tpu.vector_load_idx %arg11[%add3A_1116, %broadcast_in_dim3A_1132] : memref<128x16xf32, #tpu.memory_space<vmem>>[vector<16xi32>, vector<16xi32>], vector<16xf32>,
      %mul3A_1135 = arith.mulf %gather3A_1133, %gather3A_1134 : vector<16xf32>
      %add3A_1136 = arith.addf %add3A_1130, %mul3A_1135 : vector<16xf32>
      %broadcast_in_dim3A_1137 = arith.constant 3 : i32
      %broadcast_in_dim3A_1138 = vector.broadcast %broadcast_in_dim3A_1137 : i32 to vector<16xi32>
      %gather3A_1139 = tpu.vector_load_idx %arg10[%add3A_1116, %broadcast_in_dim3A_1138] : memref<128x16xf32, #tpu.memory_space<vmem>>[vector<16xi32>, vector<16xi32>], vector<16xf32>,
      %gather3A_1140 = tpu.vector_load_idx %arg11[%add3A_1116, %broadcast_in_dim3A_1138] : memref<128x16xf32, #tpu.memory_space<vmem>>[vector<16xi32>, vector<16xi32>], vector<16xf32>,
      %mul3A_1141 = arith.mulf %gather3A_1139, %gather3A_1140 : vector<16xf32>
      %add3A_1142 = arith.addf %add3A_1136, %mul3A_1141 : vector<16xf32>
      %broadcast_in_dim3A_1143 = arith.constant 4 : i32
      %broadcast_in_dim3A_1144 = vector.broadcast %broadcast_in_dim3A_1143 : i32 to vector<16xi32>
      %gather3A_1145 = tpu.vector_load_idx %arg10[%add3A_1116, %broadcast_in_dim3A_1144] : memref<128x16xf32, #tpu.memory_space<vmem>>[vector<16xi32>, vector<16xi32>], vector<16xf32>,
      %gather3A_1146 = tpu.vector_load_idx %arg11[%add3A_1116, %broadcast_in_dim3A_1144] : memref<128x16xf32, #tpu.memory_space<vmem>>[vector<16xi32>, vector<16xi32>], vector<16xf32>,
      %mul3A_1147 = arith.mulf %gather3A_1145, %gather3A_1146 : vector<16xf32>
      %add3A_1148 = arith.addf %add3A_1142, %mul3A_1147 : vector<16xf32>
      %broadcast_in_dim3A_1149 = arith.constant 5 : i32
      %broadcast_in_dim3A_1150 = vector.broadcast %broadcast_in_dim3A_1149 : i32 to vector<16xi32>
      %gather3A_1151 = tpu.vector_load_idx %arg10[%add3A_1116, %broadcast_in_dim3A_1150] : memref<128x16xf32, #tpu.memory_space<vmem>>[vector<16xi32>, vector<16xi32>], vector<16xf32>,
      %gather3A_1152 = tpu.vector_load_idx %arg11[%add3A_1116, %broadcast_in_dim3A_1150] : memref<128x16xf32, #tpu.memory_space<vmem>>[vector<16xi32>, vector<16xi32>], vector<16xf32>,
      %mul3A_1153 = arith.mulf %gather3A_1151, %gather3A_1152 : vector<16xf32>
      %add3A_1154 = arith.addf %add3A_1148, %mul3A_1153 : vector<16xf32>
      %broadcast_in_dim3A_1155 = arith.constant 6 : i32
      %broadcast_in_dim3A_1156 = vector.broadcast %broadcast_in_dim3A_1155 : i32 to vector<16xi32>
      %gather3A_1157 = tpu.vector_load_idx %arg10[%add3A_1116, %broadcast_in_dim3A_1156] : memref<128x16xf32, #tpu.memory_space<vmem>>[vector<16xi32>, vector<16xi32>], vector<16xf32>,
      %gather3A_1158 = tpu.vector_load_idx %arg11[%add3A_1116, %broadcast_in_dim3A_1156] : memref<128x16xf32, #tpu.memory_space<vmem>>[vector<16xi32>, vector<16xi32>], vector<16xf32>,
      %mul3A_1159 = arith.mulf %gather3A_1157, %gather3A_1158 : vector<16xf32>
      %add3A_1160 = arith.addf %add3A_1154, %mul3A_1159 : vector<16xf32>
      %broadcast_in_dim3A_1161 = arith.constant 7 : i32
      %broadcast_in_dim3A_1162 = vector.broadcast %broadcast_in_dim3A_1161 : i32 to vector<16xi32>
      %gather3A_1163 = tpu.vector_load_idx %arg10[%add3A_1116, %broadcast_in_dim3A_1162] : memref<128x16xf32, #tpu.memory_space<vmem>>[vector<16xi32>, vector<16xi32>], vector<16xf32>,
      %gather3A_1164 = tpu.vector_load_idx %arg11[%add3A_1116, %broadcast_in_dim3A_1162] : memref<128x16xf32, #tpu.memory_space<vmem>>[vector<16xi32>, vector<16xi32>], vector<16xf32>,
      %mul3A_1165 = arith.mulf %gather3A_1163, %gather3A_1164 : vector<16xf32>
      %add3A_1166 = arith.addf %add3A_1160, %mul3A_1165 : vector<16xf32>
      %broadcast_in_dim3A_1167 = arith.constant 8 : i32
      %broadcast_in_dim3A_1168 = vector.broadcast %broadcast_in_dim3A_1167 : i32 to vector<16xi32>
      %gather3A_1169 = tpu.vector_load_idx %arg10[%add3A_1116, %broadcast_in_dim3A_1168] : memref<128x16xf32, #tpu.memory_space<vmem>>[vector<16xi32>, vector<16xi32>], vector<16xf32>,
      %gather3A_1170 = tpu.vector_load_idx %arg11[%add3A_1116, %broadcast_in_dim3A_1168] : memref<128x16xf32, #tpu.memory_space<vmem>>[vector<16xi32>, vector<16xi32>], vector<16xf32>,
      %mul3A_1171 = arith.mulf %gather3A_1169, %gather3A_1170 : vector<16xf32>
      %add3A_1172 = arith.addf %add3A_1166, %mul3A_1171 : vector<16xf32>
      %broadcast_in_dim3A_1173 = arith.constant 9 : i32
      %broadcast_in_dim3A_1174 = vector.broadcast %broadcast_in_dim3A_1173 : i32 to vector<16xi32>
      %gather3A_1175 = tpu.vector_load_idx %arg10[%add3A_1116, %broadcast_in_dim3A_1174] : memref<128x16xf32, #tpu.memory_space<vmem>>[vector<16xi32>, vector<16xi32>], vector<16xf32>,
      %gather3A_1176 = tpu.vector_load_idx %arg11[%add3A_1116, %broadcast_in_dim3A_1174] : memref<128x16xf32, #tpu.memory_space<vmem>>[vector<16xi32>, vector<16xi32>], vector<16xf32>,
      %mul3A_1177 = arith.mulf %gather3A_1175, %gather3A_1176 : vector<16xf32>
      %add3A_1178 = arith.addf %add3A_1172, %mul3A_1177 : vector<16xf32>
      %broadcast_in_dim3A_1179 = arith.constant 10 : i32
      %broadcast_in_dim3A_1180 = vector.broadcast %broadcast_in_dim3A_1179 : i32 to vector<16xi32>
      %gather3A_1181 = tpu.vector_load_idx %arg10[%add3A_1116, %broadcast_in_dim3A_1180] : memref<128x16xf32, #tpu.memory_space<vmem>>[vector<16xi32>, vector<16xi32>], vector<16xf32>,
      %gather3A_1182 = tpu.vector_load_idx %arg11[%add3A_1116, %broadcast_in_dim3A_1180] : memref<128x16xf32, #tpu.memory_space<vmem>>[vector<16xi32>, vector<16xi32>], vector<16xf32>,
      %mul3A_1183 = arith.mulf %gather3A_1181, %gather3A_1182 : vector<16xf32>
      %add3A_1184 = arith.addf %add3A_1178, %mul3A_1183 : vector<16xf32>
      %broadcast_in_dim3A_1185 = arith.constant 11 : i32
      %broadcast_in_dim3A_1186 = vector.broadcast %broadcast_in_dim3A_1185 : i32 to vector<16xi32>
      %gather3A_1187 = tpu.vector_load_idx %arg10[%add3A_1116, %broadcast_in_dim3A_1186] : memref<128x16xf32, #tpu.memory_space<vmem>>[vector<16xi32>, vector<16xi32>], vector<16xf32>,
      %gather3A_1188 = tpu.vector_load_idx %arg11[%add3A_1116, %broadcast_in_dim3A_1186] : memref<128x16xf32, #tpu.memory_space<vmem>>[vector<16xi32>, vector<16xi32>], vector<16xf32>,
      %mul3A_1189 = arith.mulf %gather3A_1187, %gather3A_1188 : vector<16xf32>
      %add3A_1190 = arith.addf %add3A_1184, %mul3A_1189 : vector<16xf32>
      %broadcast_in_dim3A_1191 = arith.constant 12 : i32
      %broadcast_in_dim3A_1192 = vector.broadcast %broadcast_in_dim3A_1191 : i32 to vector<16xi32>
      %gather3A_1193 = tpu.vector_load_idx %arg10[%add3A_1116, %broadcast_in_dim3A_1192] : memref<128x16xf32, #tpu.memory_space<vmem>>[vector<16xi32>, vector<16xi32>], vector<16xf32>,
      %gather3A_1194 = tpu.vector_load_idx %arg11[%add3A_1116, %broadcast_in_dim3A_1192] : memref<128x16xf32, #tpu.memory_space<vmem>>[vector<16xi32>, vector<16xi32>], vector<16xf32>,
      %mul3A_1195 = arith.mulf %gather3A_1193, %gather3A_1194 : vector<16xf32>
      %add3A_1196 = arith.addf %add3A_1190, %mul3A_1195 : vector<16xf32>
      %broadcast_in_dim3A_1197 = arith.constant 13 : i32
      %broadcast_in_dim3A_1198 = vector.broadcast %broadcast_in_dim3A_1197 : i32 to vector<16xi32>
      %gather3A_1199 = tpu.vector_load_idx %arg10[%add3A_1116, %broadcast_in_dim3A_1198] : memref<128x16xf32, #tpu.memory_space<vmem>>[vector<16xi32>, vector<16xi32>], vector<16xf32>,
      %gather3A_1200 = tpu.vector_load_idx %arg11[%add3A_1116, %broadcast_in_dim3A_1198] : memref<128x16xf32, #tpu.memory_space<vmem>>[vector<16xi32>, vector<16xi32>], vector<16xf32>,
      %mul3A_1201 = arith.mulf %gather3A_1199, %gather3A_1200 : vector<16xf32>
      %add3A_1202 = arith.addf %add3A_1196, %mul3A_1201 : vector<16xf32>
      %broadcast_in_dim3A_1203 = arith.constant 14 : i32
      %broadcast_in_dim3A_1204 = vector.broadcast %broadcast_in_dim3A_1203 : i32 to vector<16xi32>
      %gather3A_1205 = tpu.vector_load_idx %arg10[%add3A_1116, %broadcast_in_dim3A_1204] : memref<128x16xf32, #tpu.memory_space<vmem>>[vector<16xi32>, vector<16xi32>], vector<16xf32>,
      %gather3A_1206 = tpu.vector_load_idx %arg11[%add3A_1116, %broadcast_in_dim3A_1204] : memref<128x16xf32, #tpu.memory_space<vmem>>[vector<16xi32>, vector<16xi32>], vector<16xf32>,
      %mul3A_1207 = arith.mulf %gather3A_1205, %gather3A_1206 : vector<16xf32>
      %add3A_1208 = arith.addf %add3A_1202, %mul3A_1207 : vector<16xf32>
      %broadcast_in_dim3A_1209 = arith.constant 15 : i32
      %broadcast_in_dim3A_1210 = vector.broadcast %broadcast_in_dim3A_1209 : i32 to vector<16xi32>
      %gather3A_1211 = tpu.vector_load_idx %arg10[%add3A_1116, %broadcast_in_dim3A_1210] : memref<128x16xf32, #tpu.memory_space<vmem>>[vector<16xi32>, vector<16xi32>], vector<16xf32>,
      %gather3A_1212 = tpu.vector_load_idx %arg11[%add3A_1116, %broadcast_in_dim3A_1210] : memref<128x16xf32, #tpu.memory_space<vmem>>[vector<16xi32>, vector<16xi32>], vector<16xf32>,
      %mul3A_1213 = arith.mulf %gather3A_1211, %gather3A_1212 : vector<16xf32>
      %add3A_1214 = arith.addf %add3A_1208, %mul3A_1213 : vector<16xf32>
      %neg3A_1215 = arith.constant 0.000000e+00 : f32
      %neg3A_1216 = vector.broadcast %neg3A_1215 : f32 to vector<16xf32>
      %neg3A_1217 = arith.subf %neg3A_1216, %add3A_1214 : vector<16xf32>
      %exp3A_1218 = math.exp %neg3A_1217 : vector<16xf32>
      %add3A_1219 = arith.constant 1.000000e+00 : f32
      %add3A_1220 = vector.broadcast %add3A_1219 : f32 to vector<16xf32>
      %add3A_1221 = arith.addf %add3A_1220, %exp3A_1218 : vector<16xf32>
      %div3A_1222 = arith.constant 1.000000e+00 : f32
      %div3A_1223 = vector.broadcast %div3A_1222 : f32 to vector<16xf32>
      %div3A_1224 = arith.divf %div3A_1223, %add3A_1221 : vector<16xf32>
      %swap3A_1225 = arith.constant 16 : index
      %swap3A_1226 = tpu.vector_load %arg13[%swap3A_1225] {strides = array<i32>} : memref<128xf32, #tpu.memory_space<vmem>>, vector<16xf32>,
      tpu.vector_store %arg13[%swap3A_1225], %div3A_1224 {strides = array<i32>} : memref<128xf32, #tpu.memory_space<vmem>>, vector<16xf32>,
      %iota3A_1227 = tpu.iota {dimensions = array<i32: 0>} : vector<16xi32>
      %add3A_1228 = arith.constant 32 : i32
      %add3A_1229 = vector.broadcast %add3A_1228 : i32 to vector<16xi32>
      %add3A_1230 = arith.addi %iota3A_1227, %add3A_1229 : vector<16xi32>
      %broadcast_in_dim3A_1231 = arith.constant 0.000000e+00 : f32
      %broadcast_in_dim3A_1232 = vector.broadcast %broadcast_in_dim3A_1231 : f32 to vector<16xf32>
      %broadcast_in_dim3A_1233 = arith.constant 0 : i32
      %broadcast_in_dim3A_1234 = vector.broadcast %broadcast_in_dim3A_1233 : i32 to vector<16xi32>
      %gather3A_1235 = tpu.vector_load_idx %arg10[%add3A_1230, %broadcast_in_dim3A_1234] : memref<128x16xf32, #tpu.memory_space<vmem>>[vector<16xi32>, vector<16xi32>], vector<16xf32>,
      %gather3A_1236 = tpu.vector_load_idx %arg11[%add3A_1230, %broadcast_in_dim3A_1234] : memref<128x16xf32, #tpu.memory_space<vmem>>[vector<16xi32>, vector<16xi32>], vector<16xf32>,
      %mul3A_1237 = arith.mulf %gather3A_1235, %gather3A_1236 : vector<16xf32>
      %add3A_1238 = arith.addf %broadcast_in_dim3A_1232, %mul3A_1237 : vector<16xf32>
      %broadcast_in_dim3A_1239 = arith.constant 1 : i32
      %broadcast_in_dim3A_1240 = vector.broadcast %broadcast_in_dim3A_1239 : i32 to vector<16xi32>
      %gather3A_1241 = tpu.vector_load_idx %arg10[%add3A_1230, %broadcast_in_dim3A_1240] : memref<128x16xf32, #tpu.memory_space<vmem>>[vector<16xi32>, vector<16xi32>], vector<16xf32>,
      %gather3A_1242 = tpu.vector_load_idx %arg11[%add3A_1230, %broadcast_in_dim3A_1240] : memref<128x16xf32, #tpu.memory_space<vmem>>[vector<16xi32>, vector<16xi32>], vector<16xf32>,
      %mul3A_1243 = arith.mulf %gather3A_1241, %gather3A_1242 : vector<16xf32>
      %add3A_1244 = arith.addf %add3A_1238, %mul3A_1243 : vector<16xf32>
      %broadcast_in_dim3A_1245 = arith.constant 2 : i32
      %broadcast_in_dim3A_1246 = vector.broadcast %broadcast_in_dim3A_1245 : i32 to vector<16xi32>
      %gather3A_1247 = tpu.vector_load_idx %arg10[%add3A_1230, %broadcast_in_dim3A_1246] : memref<128x16xf32, #tpu.memory_space<vmem>>[vector<16xi32>, vector<16xi32>], vector<16xf32>,
      %gather3A_1248 = tpu.vector_load_idx %arg11[%add3A_1230, %broadcast_in_dim3A_1246] : memref<128x16xf32, #tpu.memory_space<vmem>>[vector<16xi32>, vector<16xi32>], vector<16xf32>,
      %mul3A_1249 = arith.mulf %gather3A_1247, %gather3A_1248 : vector<16xf32>
      %add3A_1250 = arith.addf %add3A_1244, %mul3A_1249 : vector<16xf32>
      %broadcast_in_dim3A_1251 = arith.constant 3 : i32
      %broadcast_in_dim3A_1252 = vector.broadcast %broadcast_in_dim3A_1251 : i32 to vector<16xi32>
      %gather3A_1253 = tpu.vector_load_idx %arg10[%add3A_1230, %broadcast_in_dim3A_1252] : memref<128x16xf32, #tpu.memory_space<vmem>>[vector<16xi32>, vector<16xi32>], vector<16xf32>,
      %gather3A_1254 = tpu.vector_load_idx %arg11[%add3A_1230, %broadcast_in_dim3A_1252] : memref<128x16xf32, #tpu.memory_space<vmem>>[vector<16xi32>, vector<16xi32>], vector<16xf32>,
      %mul3A_1255 = arith.mulf %gather3A_1253, %gather3A_1254 : vector<16xf32>
      %add3A_1256 = arith.addf %add3A_1250, %mul3A_1255 : vector<16xf32>
      %broadcast_in_dim3A_1257 = arith.constant 4 : i32
      %broadcast_in_dim3A_1258 = vector.broadcast %broadcast_in_dim3A_1257 : i32 to vector<16xi32>
      %gather3A_1259 = tpu.vector_load_idx %arg10[%add3A_1230, %broadcast_in_dim3A_1258] : memref<128x16xf32, #tpu.memory_space<vmem>>[vector<16xi32>, vector<16xi32>], vector<16xf32>,
      %gather3A_1260 = tpu.vector_load_idx %arg11[%add3A_1230, %broadcast_in_dim3A_1258] : memref<128x16xf32, #tpu.memory_space<vmem>>[vector<16xi32>, vector<16xi32>], vector<16xf32>,
      %mul3A_1261 = arith.mulf %gather3A_1259, %gather3A_1260 : vector<16xf32>
      %add3A_1262 = arith.addf %add3A_1256, %mul3A_1261 : vector<16xf32>
      %broadcast_in_dim3A_1263 = arith.constant 5 : i32
      %broadcast_in_dim3A_1264 = vector.broadcast %broadcast_in_dim3A_1263 : i32 to vector<16xi32>
      %gather3A_1265 = tpu.vector_load_idx %arg10[%add3A_1230, %broadcast_in_dim3A_1264] : memref<128x16xf32, #tpu.memory_space<vmem>>[vector<16xi32>, vector<16xi32>], vector<16xf32>,
      %gather3A_1266 = tpu.vector_load_idx %arg11[%add3A_1230, %broadcast_in_dim3A_1264] : memref<128x16xf32, #tpu.memory_space<vmem>>[vector<16xi32>, vector<16xi32>], vector<16xf32>,
      %mul3A_1267 = arith.mulf %gather3A_1265, %gather3A_1266 : vector<16xf32>
      %add3A_1268 = arith.addf %add3A_1262, %mul3A_1267 : vector<16xf32>
      %broadcast_in_dim3A_1269 = arith.constant 6 : i32
      %broadcast_in_dim3A_1270 = vector.broadcast %broadcast_in_dim3A_1269 : i32 to vector<16xi32>
      %gather3A_1271 = tpu.vector_load_idx %arg10[%add3A_1230, %broadcast_in_dim3A_1270] : memref<128x16xf32, #tpu.memory_space<vmem>>[vector<16xi32>, vector<16xi32>], vector<16xf32>,
      %gather3A_1272 = tpu.vector_load_idx %arg11[%add3A_1230, %broadcast_in_dim3A_1270] : memref<128x16xf32, #tpu.memory_space<vmem>>[vector<16xi32>, vector<16xi32>], vector<16xf32>,
      %mul3A_1273 = arith.mulf %gather3A_1271, %gather3A_1272 : vector<16xf32>
      %add3A_1274 = arith.addf %add3A_1268, %mul3A_1273 : vector<16xf32>
      %broadcast_in_dim3A_1275 = arith.constant 7 : i32
      %broadcast_in_dim3A_1276 = vector.broadcast %broadcast_in_dim3A_1275 : i32 to vector<16xi32>
      %gather3A_1277 = tpu.vector_load_idx %arg10[%add3A_1230, %broadcast_in_dim3A_1276] : memref<128x16xf32, #tpu.memory_space<vmem>>[vector<16xi32>, vector<16xi32>], vector<16xf32>,
      %gather3A_1278 = tpu.vector_load_idx %arg11[%add3A_1230, %broadcast_in_dim3A_1276] : memref<128x16xf32, #tpu.memory_space<vmem>>[vector<16xi32>, vector<16xi32>], vector<16xf32>,
      %mul3A_1279 = arith.mulf %gather3A_1277, %gather3A_1278 : vector<16xf32>
      %add3A_1280 = arith.addf %add3A_1274, %mul3A_1279 : vector<16xf32>
      %broadcast_in_dim3A_1281 = arith.constant 8 : i32
      %broadcast_in_dim3A_1282 = vector.broadcast %broadcast_in_dim3A_1281 : i32 to vector<16xi32>
      %gather3A_1283 = tpu.vector_load_idx %arg10[%add3A_1230, %broadcast_in_dim3A_1282] : memref<128x16xf32, #tpu.memory_space<vmem>>[vector<16xi32>, vector<16xi32>], vector<16xf32>,
      %gather3A_1284 = tpu.vector_load_idx %arg11[%add3A_1230, %broadcast_in_dim3A_1282] : memref<128x16xf32, #tpu.memory_space<vmem>>[vector<16xi32>, vector<16xi32>], vector<16xf32>,
      %mul3A_1285 = arith.mulf %gather3A_1283, %gather3A_1284 : vector<16xf32>
      %add3A_1286 = arith.addf %add3A_1280, %mul3A_1285 : vector<16xf32>
      %broadcast_in_dim3A_1287 = arith.constant 9 : i32
      %broadcast_in_dim3A_1288 = vector.broadcast %broadcast_in_dim3A_1287 : i32 to vector<16xi32>
      %gather3A_1289 = tpu.vector_load_idx %arg10[%add3A_1230, %broadcast_in_dim3A_1288] : memref<128x16xf32, #tpu.memory_space<vmem>>[vector<16xi32>, vector<16xi32>], vector<16xf32>,
      %gather3A_1290 = tpu.vector_load_idx %arg11[%add3A_1230, %broadcast_in_dim3A_1288] : memref<128x16xf32, #tpu.memory_space<vmem>>[vector<16xi32>, vector<16xi32>], vector<16xf32>,
      %mul3A_1291 = arith.mulf %gather3A_1289, %gather3A_1290 : vector<16xf32>
      %add3A_1292 = arith.addf %add3A_1286, %mul3A_1291 : vector<16xf32>
      %broadcast_in_dim3A_1293 = arith.constant 10 : i32
      %broadcast_in_dim3A_1294 = vector.broadcast %broadcast_in_dim3A_1293 : i32 to vector<16xi32>
      %gather3A_1295 = tpu.vector_load_idx %arg10[%add3A_1230, %broadcast_in_dim3A_1294] : memref<128x16xf32, #tpu.memory_space<vmem>>[vector<16xi32>, vector<16xi32>], vector<16xf32>,
      %gather3A_1296 = tpu.vector_load_idx %arg11[%add3A_1230, %broadcast_in_dim3A_1294] : memref<128x16xf32, #tpu.memory_space<vmem>>[vector<16xi32>, vector<16xi32>], vector<16xf32>,
      %mul3A_1297 = arith.mulf %gather3A_1295, %gather3A_1296 : vector<16xf32>
      %add3A_1298 = arith.addf %add3A_1292, %mul3A_1297 : vector<16xf32>
      %broadcast_in_dim3A_1299 = arith.constant 11 : i32
      %broadcast_in_dim3A_1300 = vector.broadcast %broadcast_in_dim3A_1299 : i32 to vector<16xi32>
      %gather3A_1301 = tpu.vector_load_idx %arg10[%add3A_1230, %broadcast_in_dim3A_1300] : memref<128x16xf32, #tpu.memory_space<vmem>>[vector<16xi32>, vector<16xi32>], vector<16xf32>,
      %gather3A_1302 = tpu.vector_load_idx %arg11[%add3A_1230, %broadcast_in_dim3A_1300] : memref<128x16xf32, #tpu.memory_space<vmem>>[vector<16xi32>, vector<16xi32>], vector<16xf32>,
      %mul3A_1303 = arith.mulf %gather3A_1301, %gather3A_1302 : vector<16xf32>
      %add3A_1304 = arith.addf %add3A_1298, %mul3A_1303 : vector<16xf32>
      %broadcast_in_dim3A_1305 = arith.constant 12 : i32
      %broadcast_in_dim3A_1306 = vector.broadcast %broadcast_in_dim3A_1305 : i32 to vector<16xi32>
      %gather3A_1307 = tpu.vector_load_idx %arg10[%add3A_1230, %broadcast_in_dim3A_1306] : memref<128x16xf32, #tpu.memory_space<vmem>>[vector<16xi32>, vector<16xi32>], vector<16xf32>,
      %gather3A_1308 = tpu.vector_load_idx %arg11[%add3A_1230, %broadcast_in_dim3A_1306] : memref<128x16xf32, #tpu.memory_space<vmem>>[vector<16xi32>, vector<16xi32>], vector<16xf32>,
      %mul3A_1309 = arith.mulf %gather3A_1307, %gather3A_1308 : vector<16xf32>
      %add3A_1310 = arith.addf %add3A_1304, %mul3A_1309 : vector<16xf32>
      %broadcast_in_dim3A_1311 = arith.constant 13 : i32
      %broadcast_in_dim3A_1312 = vector.broadcast %broadcast_in_dim3A_1311 : i32 to vector<16xi32>
      %gather3A_1313 = tpu.vector_load_idx %arg10[%add3A_1230, %broadcast_in_dim3A_1312] : memref<128x16xf32, #tpu.memory_space<vmem>>[vector<16xi32>, vector<16xi32>], vector<16xf32>,
      %gather3A_1314 = tpu.vector_load_idx %arg11[%add3A_1230, %broadcast_in_dim3A_1312] : memref<128x16xf32, #tpu.memory_space<vmem>>[vector<16xi32>, vector<16xi32>], vector<16xf32>,
      %mul3A_1315 = arith.mulf %gather3A_1313, %gather3A_1314 : vector<16xf32>
      %add3A_1316 = arith.addf %add3A_1310, %mul3A_1315 : vector<16xf32>
      %broadcast_in_dim3A_1317 = arith.constant 14 : i32
      %broadcast_in_dim3A_1318 = vector.broadcast %broadcast_in_dim3A_1317 : i32 to vector<16xi32>
      %gather3A_1319 = tpu.vector_load_idx %arg10[%add3A_1230, %broadcast_in_dim3A_1318] : memref<128x16xf32, #tpu.memory_space<vmem>>[vector<16xi32>, vector<16xi32>], vector<16xf32>,
      %gather3A_1320 = tpu.vector_load_idx %arg11[%add3A_1230, %broadcast_in_dim3A_1318] : memref<128x16xf32, #tpu.memory_space<vmem>>[vector<16xi32>, vector<16xi32>], vector<16xf32>,
      %mul3A_1321 = arith.mulf %gather3A_1319, %gather3A_1320 : vector<16xf32>
      %add3A_1322 = arith.addf %add3A_1316, %mul3A_1321 : vector<16xf32>
      %broadcast_in_dim3A_1323 = arith.constant 15 : i32
      %broadcast_in_dim3A_1324 = vector.broadcast %broadcast_in_dim3A_1323 : i32 to vector<16xi32>
      %gather3A_1325 = tpu.vector_load_idx %arg10[%add3A_1230, %broadcast_in_dim3A_1324] : memref<128x16xf32, #tpu.memory_space<vmem>>[vector<16xi32>, vector<16xi32>], vector<16xf32>,
      %gather3A_1326 = tpu.vector_load_idx %arg11[%add3A_1230, %broadcast_in_dim3A_1324] : memref<128x16xf32, #tpu.memory_space<vmem>>[vector<16xi32>, vector<16xi32>], vector<16xf32>,
      %mul3A_1327 = arith.mulf %gather3A_1325, %gather3A_1326 : vector<16xf32>
      %add3A_1328 = arith.addf %add3A_1322, %mul3A_1327 : vector<16xf32>
      %neg3A_1329 = arith.constant 0.000000e+00 : f32
      %neg3A_1330 = vector.broadcast %neg3A_1329 : f32 to vector<16xf32>
      %neg3A_1331 = arith.subf %neg3A_1330, %add3A_1328 : vector<16xf32>
      %exp3A_1332 = math.exp %neg3A_1331 : vector<16xf32>
      %add3A_1333 = arith.constant 1.000000e+00 : f32
      %add3A_1334 = vector.broadcast %add3A_1333 : f32 to vector<16xf32>
      %add3A_1335 = arith.addf %add3A_1334, %exp3A_1332 : vector<16xf32>
      %div3A_1336 = arith.constant 1.000000e+00 : f32
      %div3A_1337 = vector.broadcast %div3A_1336 : f32 to vector<16xf32>
      %div3A_1338 = arith.divf %div3A_1337, %add3A_1335 : vector<16xf32>
      %swap3A_1339 = arith.constant 32 : index
      %swap3A_1340 = tpu.vector_load %arg13[%swap3A_1339] {strides = array<i32>} : memref<128xf32, #tpu.memory_space<vmem>>, vector<16xf32>,
      tpu.vector_store %arg13[%swap3A_1339], %div3A_1338 {strides = array<i32>} : memref<128xf32, #tpu.memory_space<vmem>>, vector<16xf32>,
      %iota3A_1341 = tpu.iota {dimensions = array<i32: 0>} : vector<16xi32>
      %add3A_1342 = arith.constant 48 : i32
      %add3A_1343 = vector.broadcast %add3A_1342 : i32 to vector<16xi32>
      %add3A_1344 = arith.addi %iota3A_1341, %add3A_1343 : vector<16xi32>
      %broadcast_in_dim3A_1345 = arith.constant 0.000000e+00 : f32
      %broadcast_in_dim3A_1346 = vector.broadcast %broadcast_in_dim3A_1345 : f32 to vector<16xf32>
      %broadcast_in_dim3A_1347 = arith.constant 0 : i32
      %broadcast_in_dim3A_1348 = vector.broadcast %broadcast_in_dim3A_1347 : i32 to vector<16xi32>
      %gather3A_1349 = tpu.vector_load_idx %arg10[%add3A_1344, %broadcast_in_dim3A_1348] : memref<128x16xf32, #tpu.memory_space<vmem>>[vector<16xi32>, vector<16xi32>], vector<16xf32>,
      %gather3A_1350 = tpu.vector_load_idx %arg11[%add3A_1344, %broadcast_in_dim3A_1348] : memref<128x16xf32, #tpu.memory_space<vmem>>[vector<16xi32>, vector<16xi32>], vector<16xf32>,
      %mul3A_1351 = arith.mulf %gather3A_1349, %gather3A_1350 : vector<16xf32>
      %add3A_1352 = arith.addf %broadcast_in_dim3A_1346, %mul3A_1351 : vector<16xf32>
      %broadcast_in_dim3A_1353 = arith.constant 1 : i32
      %broadcast_in_dim3A_1354 = vector.broadcast %broadcast_in_dim3A_1353 : i32 to vector<16xi32>
      %gather3A_1355 = tpu.vector_load_idx %arg10[%add3A_1344, %broadcast_in_dim3A_1354] : memref<128x16xf32, #tpu.memory_space<vmem>>[vector<16xi32>, vector<16xi32>], vector<16xf32>,
      %gather3A_1356 = tpu.vector_load_idx %arg11[%add3A_1344, %broadcast_in_dim3A_1354] : memref<128x16xf32, #tpu.memory_space<vmem>>[vector<16xi32>, vector<16xi32>], vector<16xf32>,
      %mul3A_1357 = arith.mulf %gather3A_1355, %gather3A_1356 : vector<16xf32>
      %add3A_1358 = arith.addf %add3A_1352, %mul3A_1357 : vector<16xf32>
      %broadcast_in_dim3A_1359 = arith.constant 2 : i32
      %broadcast_in_dim3A_1360 = vector.broadcast %broadcast_in_dim3A_1359 : i32 to vector<16xi32>
      %gather3A_1361 = tpu.vector_load_idx %arg10[%add3A_1344, %broadcast_in_dim3A_1360] : memref<128x16xf32, #tpu.memory_space<vmem>>[vector<16xi32>, vector<16xi32>], vector<16xf32>,
      %gather3A_1362 = tpu.vector_load_idx %arg11[%add3A_1344, %broadcast_in_dim3A_1360] : memref<128x16xf32, #tpu.memory_space<vmem>>[vector<16xi32>, vector<16xi32>], vector<16xf32>,
      %mul3A_1363 = arith.mulf %gather3A_1361, %gather3A_1362 : vector<16xf32>
      %add3A_1364 = arith.addf %add3A_1358, %mul3A_1363 : vector<16xf32>
      %broadcast_in_dim3A_1365 = arith.constant 3 : i32
      %broadcast_in_dim3A_1366 = vector.broadcast %broadcast_in_dim3A_1365 : i32 to vector<16xi32>
      %gather3A_1367 = tpu.vector_load_idx %arg10[%add3A_1344, %broadcast_in_dim3A_1366] : memref<128x16xf32, #tpu.memory_space<vmem>>[vector<16xi32>, vector<16xi32>], vector<16xf32>,
      %gather3A_1368 = tpu.vector_load_idx %arg11[%add3A_1344, %broadcast_in_dim3A_1366] : memref<128x16xf32, #tpu.memory_space<vmem>>[vector<16xi32>, vector<16xi32>], vector<16xf32>,
      %mul3A_1369 = arith.mulf %gather3A_1367, %gather3A_1368 : vector<16xf32>
      %add3A_1370 = arith.addf %add3A_1364, %mul3A_1369 : vector<16xf32>
      %broadcast_in_dim3A_1371 = arith.constant 4 : i32
      %broadcast_in_dim3A_1372 = vector.broadcast %broadcast_in_dim3A_1371 : i32 to vector<16xi32>
      %gather3A_1373 = tpu.vector_load_idx %arg10[%add3A_1344, %broadcast_in_dim3A_1372] : memref<128x16xf32, #tpu.memory_space<vmem>>[vector<16xi32>, vector<16xi32>], vector<16xf32>,
      %gather3A_1374 = tpu.vector_load_idx %arg11[%add3A_1344, %broadcast_in_dim3A_1372] : memref<128x16xf32, #tpu.memory_space<vmem>>[vector<16xi32>, vector<16xi32>], vector<16xf32>,
      %mul3A_1375 = arith.mulf %gather3A_1373, %gather3A_1374 : vector<16xf32>
      %add3A_1376 = arith.addf %add3A_1370, %mul3A_1375 : vector<16xf32>
      %broadcast_in_dim3A_1377 = arith.constant 5 : i32
      %broadcast_in_dim3A_1378 = vector.broadcast %broadcast_in_dim3A_1377 : i32 to vector<16xi32>
      %gather3A_1379 = tpu.vector_load_idx %arg10[%add3A_1344, %broadcast_in_dim3A_1378] : memref<128x16xf32, #tpu.memory_space<vmem>>[vector<16xi32>, vector<16xi32>], vector<16xf32>,
      %gather3A_1380 = tpu.vector_load_idx %arg11[%add3A_1344, %broadcast_in_dim3A_1378] : memref<128x16xf32, #tpu.memory_space<vmem>>[vector<16xi32>, vector<16xi32>], vector<16xf32>,
      %mul3A_1381 = arith.mulf %gather3A_1379, %gather3A_1380 : vector<16xf32>
      %add3A_1382 = arith.addf %add3A_1376, %mul3A_1381 : vector<16xf32>
      %broadcast_in_dim3A_1383 = arith.constant 6 : i32
      %broadcast_in_dim3A_1384 = vector.broadcast %broadcast_in_dim3A_1383 : i32 to vector<16xi32>
      %gather3A_1385 = tpu.vector_load_idx %arg10[%add3A_1344, %broadcast_in_dim3A_1384] : memref<128x16xf32, #tpu.memory_space<vmem>>[vector<16xi32>, vector<16xi32>], vector<16xf32>,
      %gather3A_1386 = tpu.vector_load_idx %arg11[%add3A_1344, %broadcast_in_dim3A_1384] : memref<128x16xf32, #tpu.memory_space<vmem>>[vector<16xi32>, vector<16xi32>], vector<16xf32>,
      %mul3A_1387 = arith.mulf %gather3A_1385, %gather3A_1386 : vector<16xf32>
      %add3A_1388 = arith.addf %add3A_1382, %mul3A_1387 : vector<16xf32>
      %broadcast_in_dim3A_1389 = arith.constant 7 : i32
      %broadcast_in_dim3A_1390 = vector.broadcast %broadcast_in_dim3A_1389 : i32 to vector<16xi32>
      %gather3A_1391 = tpu.vector_load_idx %arg10[%add3A_1344, %broadcast_in_dim3A_1390] : memref<128x16xf32, #tpu.memory_space<vmem>>[vector<16xi32>, vector<16xi32>], vector<16xf32>,
      %gather3A_1392 = tpu.vector_load_idx %arg11[%add3A_1344, %broadcast_in_dim3A_1390] : memref<128x16xf32, #tpu.memory_space<vmem>>[vector<16xi32>, vector<16xi32>], vector<16xf32>,
      %mul3A_1393 = arith.mulf %gather3A_1391, %gather3A_1392 : vector<16xf32>
      %add3A_1394 = arith.addf %add3A_1388, %mul3A_1393 : vector<16xf32>
      %broadcast_in_dim3A_1395 = arith.constant 8 : i32
      %broadcast_in_dim3A_1396 = vector.broadcast %broadcast_in_dim3A_1395 : i32 to vector<16xi32>
      %gather3A_1397 = tpu.vector_load_idx %arg10[%add3A_1344, %broadcast_in_dim3A_1396] : memref<128x16xf32, #tpu.memory_space<vmem>>[vector<16xi32>, vector<16xi32>], vector<16xf32>,
      %gather3A_1398 = tpu.vector_load_idx %arg11[%add3A_1344, %broadcast_in_dim3A_1396] : memref<128x16xf32, #tpu.memory_space<vmem>>[vector<16xi32>, vector<16xi32>], vector<16xf32>,
      %mul3A_1399 = arith.mulf %gather3A_1397, %gather3A_1398 : vector<16xf32>
      %add3A_1400 = arith.addf %add3A_1394, %mul3A_1399 : vector<16xf32>
      %broadcast_in_dim3A_1401 = arith.constant 9 : i32
      %broadcast_in_dim3A_1402 = vector.broadcast %broadcast_in_dim3A_1401 : i32 to vector<16xi32>
      %gather3A_1403 = tpu.vector_load_idx %arg10[%add3A_1344, %broadcast_in_dim3A_1402] : memref<128x16xf32, #tpu.memory_space<vmem>>[vector<16xi32>, vector<16xi32>], vector<16xf32>,
      %gather3A_1404 = tpu.vector_load_idx %arg11[%add3A_1344, %broadcast_in_dim3A_1402] : memref<128x16xf32, #tpu.memory_space<vmem>>[vector<16xi32>, vector<16xi32>], vector<16xf32>,
      %mul3A_1405 = arith.mulf %gather3A_1403, %gather3A_1404 : vector<16xf32>
      %add3A_1406 = arith.addf %add3A_1400, %mul3A_1405 : vector<16xf32>
      %broadcast_in_dim3A_1407 = arith.constant 10 : i32
      %broadcast_in_dim3A_1408 = vector.broadcast %broadcast_in_dim3A_1407 : i32 to vector<16xi32>
      %gather3A_1409 = tpu.vector_load_idx %arg10[%add3A_1344, %broadcast_in_dim3A_1408] : memref<128x16xf32, #tpu.memory_space<vmem>>[vector<16xi32>, vector<16xi32>], vector<16xf32>,
      %gather3A_1410 = tpu.vector_load_idx %arg11[%add3A_1344, %broadcast_in_dim3A_1408] : memref<128x16xf32, #tpu.memory_space<vmem>>[vector<16xi32>, vector<16xi32>], vector<16xf32>,
      %mul3A_1411 = arith.mulf %gather3A_1409, %gather3A_1410 : vector<16xf32>
      %add3A_1412 = arith.addf %add3A_1406, %mul3A_1411 : vector<16xf32>
      %broadcast_in_dim3A_1413 = arith.constant 11 : i32
      %broadcast_in_dim3A_1414 = vector.broadcast %broadcast_in_dim3A_1413 : i32 to vector<16xi32>
      %gather3A_1415 = tpu.vector_load_idx %arg10[%add3A_1344, %broadcast_in_dim3A_1414] : memref<128x16xf32, #tpu.memory_space<vmem>>[vector<16xi32>, vector<16xi32>], vector<16xf32>,
      %gather3A_1416 = tpu.vector_load_idx %arg11[%add3A_1344, %broadcast_in_dim3A_1414] : memref<128x16xf32, #tpu.memory_space<vmem>>[vector<16xi32>, vector<16xi32>], vector<16xf32>,
      %mul3A_1417 = arith.mulf %gather3A_1415, %gather3A_1416 : vector<16xf32>
      %add3A_1418 = arith.addf %add3A_1412, %mul3A_1417 : vector<16xf32>
      %broadcast_in_dim3A_1419 = arith.constant 12 : i32
      %broadcast_in_dim3A_1420 = vector.broadcast %broadcast_in_dim3A_1419 : i32 to vector<16xi32>
      %gather3A_1421 = tpu.vector_load_idx %arg10[%add3A_1344, %broadcast_in_dim3A_1420] : memref<128x16xf32, #tpu.memory_space<vmem>>[vector<16xi32>, vector<16xi32>], vector<16xf32>,
      %gather3A_1422 = tpu.vector_load_idx %arg11[%add3A_1344, %broadcast_in_dim3A_1420] : memref<128x16xf32, #tpu.memory_space<vmem>>[vector<16xi32>, vector<16xi32>], vector<16xf32>,
      %mul3A_1423 = arith.mulf %gather3A_1421, %gather3A_1422 : vector<16xf32>
      %add3A_1424 = arith.addf %add3A_1418, %mul3A_1423 : vector<16xf32>
      %broadcast_in_dim3A_1425 = arith.constant 13 : i32
      %broadcast_in_dim3A_1426 = vector.broadcast %broadcast_in_dim3A_1425 : i32 to vector<16xi32>
      %gather3A_1427 = tpu.vector_load_idx %arg10[%add3A_1344, %broadcast_in_dim3A_1426] : memref<128x16xf32, #tpu.memory_space<vmem>>[vector<16xi32>, vector<16xi32>], vector<16xf32>,
      %gather3A_1428 = tpu.vector_load_idx %arg11[%add3A_1344, %broadcast_in_dim3A_1426] : memref<128x16xf32, #tpu.memory_space<vmem>>[vector<16xi32>, vector<16xi32>], vector<16xf32>,
      %mul3A_1429 = arith.mulf %gather3A_1427, %gather3A_1428 : vector<16xf32>
      %add3A_1430 = arith.addf %add3A_1424, %mul3A_1429 : vector<16xf32>
      %broadcast_in_dim3A_1431 = arith.constant 14 : i32
      %broadcast_in_dim3A_1432 = vector.broadcast %broadcast_in_dim3A_1431 : i32 to vector<16xi32>
      %gather3A_1433 = tpu.vector_load_idx %arg10[%add3A_1344, %broadcast_in_dim3A_1432] : memref<128x16xf32, #tpu.memory_space<vmem>>[vector<16xi32>, vector<16xi32>], vector<16xf32>,
      %gather3A_1434 = tpu.vector_load_idx %arg11[%add3A_1344, %broadcast_in_dim3A_1432] : memref<128x16xf32, #tpu.memory_space<vmem>>[vector<16xi32>, vector<16xi32>], vector<16xf32>,
      %mul3A_1435 = arith.mulf %gather3A_1433, %gather3A_1434 : vector<16xf32>
      %add3A_1436 = arith.addf %add3A_1430, %mul3A_1435 : vector<16xf32>
      %broadcast_in_dim3A_1437 = arith.constant 15 : i32
      %broadcast_in_dim3A_1438 = vector.broadcast %broadcast_in_dim3A_1437 : i32 to vector<16xi32>
      %gather3A_1439 = tpu.vector_load_idx %arg10[%add3A_1344, %broadcast_in_dim3A_1438] : memref<128x16xf32, #tpu.memory_space<vmem>>[vector<16xi32>, vector<16xi32>], vector<16xf32>,
      %gather3A_1440 = tpu.vector_load_idx %arg11[%add3A_1344, %broadcast_in_dim3A_1438] : memref<128x16xf32, #tpu.memory_space<vmem>>[vector<16xi32>, vector<16xi32>], vector<16xf32>,
      %mul3A_1441 = arith.mulf %gather3A_1439, %gather3A_1440 : vector<16xf32>
      %add3A_1442 = arith.addf %add3A_1436, %mul3A_1441 : vector<16xf32>
      %neg3A_1443 = arith.constant 0.000000e+00 : f32
      %neg3A_1444 = vector.broadcast %neg3A_1443 : f32 to vector<16xf32>
      %neg3A_1445 = arith.subf %neg3A_1444, %add3A_1442 : vector<16xf32>
      %exp3A_1446 = math.exp %neg3A_1445 : vector<16xf32>
      %add3A_1447 = arith.constant 1.000000e+00 : f32
      %add3A_1448 = vector.broadcast %add3A_1447 : f32 to vector<16xf32>
      %add3A_1449 = arith.addf %add3A_1448, %exp3A_1446 : vector<16xf32>
      %div3A_1450 = arith.constant 1.000000e+00 : f32
      %div3A_1451 = vector.broadcast %div3A_1450 : f32 to vector<16xf32>
      %div3A_1452 = arith.divf %div3A_1451, %add3A_1449 : vector<16xf32>
      %swap3A_1453 = arith.constant 48 : index
      %swap3A_1454 = tpu.vector_load %arg13[%swap3A_1453] {strides = array<i32>} : memref<128xf32, #tpu.memory_space<vmem>>, vector<16xf32>,
      tpu.vector_store %arg13[%swap3A_1453], %div3A_1452 {strides = array<i32>} : memref<128xf32, #tpu.memory_space<vmem>>, vector<16xf32>,
      %iota3A_1455 = tpu.iota {dimensions = array<i32: 0>} : vector<16xi32>
      %add3A_1456 = arith.constant 64 : i32
      %add3A_1457 = vector.broadcast %add3A_1456 : i32 to vector<16xi32>
      %add3A_1458 = arith.addi %iota3A_1455, %add3A_1457 : vector<16xi32>
      %broadcast_in_dim3A_1459 = arith.constant 0.000000e+00 : f32
      %broadcast_in_dim3A_1460 = vector.broadcast %broadcast_in_dim3A_1459 : f32 to vector<16xf32>
      %broadcast_in_dim3A_1461 = arith.constant 0 : i32
      %broadcast_in_dim3A_1462 = vector.broadcast %broadcast_in_dim3A_1461 : i32 to vector<16xi32>
      %gather3A_1463 = tpu.vector_load_idx %arg10[%add3A_1458, %broadcast_in_dim3A_1462] : memref<128x16xf32, #tpu.memory_space<vmem>>[vector<16xi32>, vector<16xi32>], vector<16xf32>,
      %gather3A_1464 = tpu.vector_load_idx %arg11[%add3A_1458, %broadcast_in_dim3A_1462] : memref<128x16xf32, #tpu.memory_space<vmem>>[vector<16xi32>, vector<16xi32>], vector<16xf32>,
      %mul3A_1465 = arith.mulf %gather3A_1463, %gather3A_1464 : vector<16xf32>
      %add3A_1466 = arith.addf %broadcast_in_dim3A_1460, %mul3A_1465 : vector<16xf32>
      %broadcast_in_dim3A_1467 = arith.constant 1 : i32
      %broadcast_in_dim3A_1468 = vector.broadcast %broadcast_in_dim3A_1467 : i32 to vector<16xi32>
      %gather3A_1469 = tpu.vector_load_idx %arg10[%add3A_1458, %broadcast_in_dim3A_1468] : memref<128x16xf32, #tpu.memory_space<vmem>>[vector<16xi32>, vector<16xi32>], vector<16xf32>,
      %gather3A_1470 = tpu.vector_load_idx %arg11[%add3A_1458, %broadcast_in_dim3A_1468] : memref<128x16xf32, #tpu.memory_space<vmem>>[vector<16xi32>, vector<16xi32>], vector<16xf32>,
      %mul3A_1471 = arith.mulf %gather3A_1469, %gather3A_1470 : vector<16xf32>
      %add3A_1472 = arith.addf %add3A_1466, %mul3A_1471 : vector<16xf32>
      %broadcast_in_dim3A_1473 = arith.constant 2 : i32
      %broadcast_in_dim3A_1474 = vector.broadcast %broadcast_in_dim3A_1473 : i32 to vector<16xi32>
      %gather3A_1475 = tpu.vector_load_idx %arg10[%add3A_1458, %broadcast_in_dim3A_1474] : memref<128x16xf32, #tpu.memory_space<vmem>>[vector<16xi32>, vector<16xi32>], vector<16xf32>,
      %gather3A_1476 = tpu.vector_load_idx %arg11[%add3A_1458, %broadcast_in_dim3A_1474] : memref<128x16xf32, #tpu.memory_space<vmem>>[vector<16xi32>, vector<16xi32>], vector<16xf32>,
      %mul3A_1477 = arith.mulf %gather3A_1475, %gather3A_1476 : vector<16xf32>
      %add3A_1478 = arith.addf %add3A_1472, %mul3A_1477 : vector<16xf32>
      %broadcast_in_dim3A_1479 = arith.constant 3 : i32
      %broadcast_in_dim3A_1480 = vector.broadcast %broadcast_in_dim3A_1479 : i32 to vector<16xi32>
      %gather3A_1481 = tpu.vector_load_idx %arg10[%add3A_1458, %broadcast_in_dim3A_1480] : memref<128x16xf32, #tpu.memory_space<vmem>>[vector<16xi32>, vector<16xi32>], vector<16xf32>,
      %gather3A_1482 = tpu.vector_load_idx %arg11[%add3A_1458, %broadcast_in_dim3A_1480] : memref<128x16xf32, #tpu.memory_space<vmem>>[vector<16xi32>, vector<16xi32>], vector<16xf32>,
      %mul3A_1483 = arith.mulf %gather3A_1481, %gather3A_1482 : vector<16xf32>
      %add3A_1484 = arith.addf %add3A_1478, %mul3A_1483 : vector<16xf32>
      %broadcast_in_dim3A_1485 = arith.constant 4 : i32
      %broadcast_in_dim3A_1486 = vector.broadcast %broadcast_in_dim3A_1485 : i32 to vector<16xi32>
      %gather3A_1487 = tpu.vector_load_idx %arg10[%add3A_1458, %broadcast_in_dim3A_1486] : memref<128x16xf32, #tpu.memory_space<vmem>>[vector<16xi32>, vector<16xi32>], vector<16xf32>,
      %gather3A_1488 = tpu.vector_load_idx %arg11[%add3A_1458, %broadcast_in_dim3A_1486] : memref<128x16xf32, #tpu.memory_space<vmem>>[vector<16xi32>, vector<16xi32>], vector<16xf32>,
      %mul3A_1489 = arith.mulf %gather3A_1487, %gather3A_1488 : vector<16xf32>
      %add3A_1490 = arith.addf %add3A_1484, %mul3A_1489 : vector<16xf32>
      %broadcast_in_dim3A_1491 = arith.constant 5 : i32
      %broadcast_in_dim3A_1492 = vector.broadcast %broadcast_in_dim3A_1491 : i32 to vector<16xi32>
      %gather3A_1493 = tpu.vector_load_idx %arg10[%add3A_1458, %broadcast_in_dim3A_1492] : memref<128x16xf32, #tpu.memory_space<vmem>>[vector<16xi32>, vector<16xi32>], vector<16xf32>,
      %gather3A_1494 = tpu.vector_load_idx %arg11[%add3A_1458, %broadcast_in_dim3A_1492] : memref<128x16xf32, #tpu.memory_space<vmem>>[vector<16xi32>, vector<16xi32>], vector<16xf32>,
      %mul3A_1495 = arith.mulf %gather3A_1493, %gather3A_1494 : vector<16xf32>
      %add3A_1496 = arith.addf %add3A_1490, %mul3A_1495 : vector<16xf32>
      %broadcast_in_dim3A_1497 = arith.constant 6 : i32
      %broadcast_in_dim3A_1498 = vector.broadcast %broadcast_in_dim3A_1497 : i32 to vector<16xi32>
      %gather3A_1499 = tpu.vector_load_idx %arg10[%add3A_1458, %broadcast_in_dim3A_1498] : memref<128x16xf32, #tpu.memory_space<vmem>>[vector<16xi32>, vector<16xi32>], vector<16xf32>,
      %gather3A_1500 = tpu.vector_load_idx %arg11[%add3A_1458, %broadcast_in_dim3A_1498] : memref<128x16xf32, #tpu.memory_space<vmem>>[vector<16xi32>, vector<16xi32>], vector<16xf32>,
      %mul3A_1501 = arith.mulf %gather3A_1499, %gather3A_1500 : vector<16xf32>
      %add3A_1502 = arith.addf %add3A_1496, %mul3A_1501 : vector<16xf32>
      %broadcast_in_dim3A_1503 = arith.constant 7 : i32
      %broadcast_in_dim3A_1504 = vector.broadcast %broadcast_in_dim3A_1503 : i32 to vector<16xi32>
      %gather3A_1505 = tpu.vector_load_idx %arg10[%add3A_1458, %broadcast_in_dim3A_1504] : memref<128x16xf32, #tpu.memory_space<vmem>>[vector<16xi32>, vector<16xi32>], vector<16xf32>,
      %gather3A_1506 = tpu.vector_load_idx %arg11[%add3A_1458, %broadcast_in_dim3A_1504] : memref<128x16xf32, #tpu.memory_space<vmem>>[vector<16xi32>, vector<16xi32>], vector<16xf32>,
      %mul3A_1507 = arith.mulf %gather3A_1505, %gather3A_1506 : vector<16xf32>
      %add3A_1508 = arith.addf %add3A_1502, %mul3A_1507 : vector<16xf32>
      %broadcast_in_dim3A_1509 = arith.constant 8 : i32
      %broadcast_in_dim3A_1510 = vector.broadcast %broadcast_in_dim3A_1509 : i32 to vector<16xi32>
      %gather3A_1511 = tpu.vector_load_idx %arg10[%add3A_1458, %broadcast_in_dim3A_1510] : memref<128x16xf32, #tpu.memory_space<vmem>>[vector<16xi32>, vector<16xi32>], vector<16xf32>,
      %gather3A_1512 = tpu.vector_load_idx %arg11[%add3A_1458, %broadcast_in_dim3A_1510] : memref<128x16xf32, #tpu.memory_space<vmem>>[vector<16xi32>, vector<16xi32>], vector<16xf32>,
      %mul3A_1513 = arith.mulf %gather3A_1511, %gather3A_1512 : vector<16xf32>
      %add3A_1514 = arith.addf %add3A_1508, %mul3A_1513 : vector<16xf32>
      %broadcast_in_dim3A_1515 = arith.constant 9 : i32
      %broadcast_in_dim3A_1516 = vector.broadcast %broadcast_in_dim3A_1515 : i32 to vector<16xi32>
      %gather3A_1517 = tpu.vector_load_idx %arg10[%add3A_1458, %broadcast_in_dim3A_1516] : memref<128x16xf32, #tpu.memory_space<vmem>>[vector<16xi32>, vector<16xi32>], vector<16xf32>,
      %gather3A_1518 = tpu.vector_load_idx %arg11[%add3A_1458, %broadcast_in_dim3A_1516] : memref<128x16xf32, #tpu.memory_space<vmem>>[vector<16xi32>, vector<16xi32>], vector<16xf32>,
      %mul3A_1519 = arith.mulf %gather3A_1517, %gather3A_1518 : vector<16xf32>
      %add3A_1520 = arith.addf %add3A_1514, %mul3A_1519 : vector<16xf32>
      %broadcast_in_dim3A_1521 = arith.constant 10 : i32
      %broadcast_in_dim3A_1522 = vector.broadcast %broadcast_in_dim3A_1521 : i32 to vector<16xi32>
      %gather3A_1523 = tpu.vector_load_idx %arg10[%add3A_1458, %broadcast_in_dim3A_1522] : memref<128x16xf32, #tpu.memory_space<vmem>>[vector<16xi32>, vector<16xi32>], vector<16xf32>,
      %gather3A_1524 = tpu.vector_load_idx %arg11[%add3A_1458, %broadcast_in_dim3A_1522] : memref<128x16xf32, #tpu.memory_space<vmem>>[vector<16xi32>, vector<16xi32>], vector<16xf32>,
      %mul3A_1525 = arith.mulf %gather3A_1523, %gather3A_1524 : vector<16xf32>
      %add3A_1526 = arith.addf %add3A_1520, %mul3A_1525 : vector<16xf32>
      %broadcast_in_dim3A_1527 = arith.constant 11 : i32
      %broadcast_in_dim3A_1528 = vector.broadcast %broadcast_in_dim3A_1527 : i32 to vector<16xi32>
      %gather3A_1529 = tpu.vector_load_idx %arg10[%add3A_1458, %broadcast_in_dim3A_1528] : memref<128x16xf32, #tpu.memory_space<vmem>>[vector<16xi32>, vector<16xi32>], vector<16xf32>,
      %gather3A_1530 = tpu.vector_load_idx %arg11[%add3A_1458, %broadcast_in_dim3A_1528] : memref<128x16xf32, #tpu.memory_space<vmem>>[vector<16xi32>, vector<16xi32>], vector<16xf32>,
      %mul3A_1531 = arith.mulf %gather3A_1529, %gather3A_1530 : vector<16xf32>
      %add3A_1532 = arith.addf %add3A_1526, %mul3A_1531 : vector<16xf32>
      %broadcast_in_dim3A_1533 = arith.constant 12 : i32
      %broadcast_in_dim3A_1534 = vector.broadcast %broadcast_in_dim3A_1533 : i32 to vector<16xi32>
      %gather3A_1535 = tpu.vector_load_idx %arg10[%add3A_1458, %broadcast_in_dim3A_1534] : memref<128x16xf32, #tpu.memory_space<vmem>>[vector<16xi32>, vector<16xi32>], vector<16xf32>,
      %gather3A_1536 = tpu.vector_load_idx %arg11[%add3A_1458, %broadcast_in_dim3A_1534] : memref<128x16xf32, #tpu.memory_space<vmem>>[vector<16xi32>, vector<16xi32>], vector<16xf32>,
      %mul3A_1537 = arith.mulf %gather3A_1535, %gather3A_1536 : vector<16xf32>
      %add3A_1538 = arith.addf %add3A_1532, %mul3A_1537 : vector<16xf32>
      %broadcast_in_dim3A_1539 = arith.constant 13 : i32
      %broadcast_in_dim3A_1540 = vector.broadcast %broadcast_in_dim3A_1539 : i32 to vector<16xi32>
      %gather3A_1541 = tpu.vector_load_idx %arg10[%add3A_1458, %broadcast_in_dim3A_1540] : memref<128x16xf32, #tpu.memory_space<vmem>>[vector<16xi32>, vector<16xi32>], vector<16xf32>,
      %gather3A_1542 = tpu.vector_load_idx %arg11[%add3A_1458, %broadcast_in_dim3A_1540] : memref<128x16xf32, #tpu.memory_space<vmem>>[vector<16xi32>, vector<16xi32>], vector<16xf32>,
      %mul3A_1543 = arith.mulf %gather3A_1541, %gather3A_1542 : vector<16xf32>
      %add3A_1544 = arith.addf %add3A_1538, %mul3A_1543 : vector<16xf32>
      %broadcast_in_dim3A_1545 = arith.constant 14 : i32
      %broadcast_in_dim3A_1546 = vector.broadcast %broadcast_in_dim3A_1545 : i32 to vector<16xi32>
      %gather3A_1547 = tpu.vector_load_idx %arg10[%add3A_1458, %broadcast_in_dim3A_1546] : memref<128x16xf32, #tpu.memory_space<vmem>>[vector<16xi32>, vector<16xi32>], vector<16xf32>,
      %gather3A_1548 = tpu.vector_load_idx %arg11[%add3A_1458, %broadcast_in_dim3A_1546] : memref<128x16xf32, #tpu.memory_space<vmem>>[vector<16xi32>, vector<16xi32>], vector<16xf32>,
      %mul3A_1549 = arith.mulf %gather3A_1547, %gather3A_1548 : vector<16xf32>
      %add3A_1550 = arith.addf %add3A_1544, %mul3A_1549 : vector<16xf32>
      %broadcast_in_dim3A_1551 = arith.constant 15 : i32
      %broadcast_in_dim3A_1552 = vector.broadcast %broadcast_in_dim3A_1551 : i32 to vector<16xi32>
      %gather3A_1553 = tpu.vector_load_idx %arg10[%add3A_1458, %broadcast_in_dim3A_1552] : memref<128x16xf32, #tpu.memory_space<vmem>>[vector<16xi32>, vector<16xi32>], vector<16xf32>,
      %gather3A_1554 = tpu.vector_load_idx %arg11[%add3A_1458, %broadcast_in_dim3A_1552] : memref<128x16xf32, #tpu.memory_space<vmem>>[vector<16xi32>, vector<16xi32>], vector<16xf32>,
      %mul3A_1555 = arith.mulf %gather3A_1553, %gather3A_1554 : vector<16xf32>
      %add3A_1556 = arith.addf %add3A_1550, %mul3A_1555 : vector<16xf32>
      %neg3A_1557 = arith.constant 0.000000e+00 : f32
      %neg3A_1558 = vector.broadcast %neg3A_1557 : f32 to vector<16xf32>
      %neg3A_1559 = arith.subf %neg3A_1558, %add3A_1556 : vector<16xf32>
      %exp3A_1560 = math.exp %neg3A_1559 : vector<16xf32>
      %add3A_1561 = arith.constant 1.000000e+00 : f32
      %add3A_1562 = vector.broadcast %add3A_1561 : f32 to vector<16xf32>
      %add3A_1563 = arith.addf %add3A_1562, %exp3A_1560 : vector<16xf32>
      %div3A_1564 = arith.constant 1.000000e+00 : f32
      %div3A_1565 = vector.broadcast %div3A_1564 : f32 to vector<16xf32>
      %div3A_1566 = arith.divf %div3A_1565, %add3A_1563 : vector<16xf32>
      %swap3A_1567 = arith.constant 64 : index
      %swap3A_1568 = tpu.vector_load %arg13[%swap3A_1567] {strides = array<i32>} : memref<128xf32, #tpu.memory_space<vmem>>, vector<16xf32>,
      tpu.vector_store %arg13[%swap3A_1567], %div3A_1566 {strides = array<i32>} : memref<128xf32, #tpu.memory_space<vmem>>, vector<16xf32>,
      %iota3A_1569 = tpu.iota {dimensions = array<i32: 0>} : vector<16xi32>
      %add3A_1570 = arith.constant 80 : i32
      %add3A_1571 = vector.broadcast %add3A_1570 : i32 to vector<16xi32>
      %add3A_1572 = arith.addi %iota3A_1569, %add3A_1571 : vector<16xi32>
      %broadcast_in_dim3A_1573 = arith.constant 0.000000e+00 : f32
      %broadcast_in_dim3A_1574 = vector.broadcast %broadcast_in_dim3A_1573 : f32 to vector<16xf32>
      %broadcast_in_dim3A_1575 = arith.constant 0 : i32
      %broadcast_in_dim3A_1576 = vector.broadcast %broadcast_in_dim3A_1575 : i32 to vector<16xi32>
      %gather3A_1577 = tpu.vector_load_idx %arg10[%add3A_1572, %broadcast_in_dim3A_1576] : memref<128x16xf32, #tpu.memory_space<vmem>>[vector<16xi32>, vector<16xi32>], vector<16xf32>,
      %gather3A_1578 = tpu.vector_load_idx %arg11[%add3A_1572, %broadcast_in_dim3A_1576] : memref<128x16xf32, #tpu.memory_space<vmem>>[vector<16xi32>, vector<16xi32>], vector<16xf32>,
      %mul3A_1579 = arith.mulf %gather3A_1577, %gather3A_1578 : vector<16xf32>
      %add3A_1580 = arith.addf %broadcast_in_dim3A_1574, %mul3A_1579 : vector<16xf32>
      %broadcast_in_dim3A_1581 = arith.constant 1 : i32
      %broadcast_in_dim3A_1582 = vector.broadcast %broadcast_in_dim3A_1581 : i32 to vector<16xi32>
      %gather3A_1583 = tpu.vector_load_idx %arg10[%add3A_1572, %broadcast_in_dim3A_1582] : memref<128x16xf32, #tpu.memory_space<vmem>>[vector<16xi32>, vector<16xi32>], vector<16xf32>,
      %gather3A_1584 = tpu.vector_load_idx %arg11[%add3A_1572, %broadcast_in_dim3A_1582] : memref<128x16xf32, #tpu.memory_space<vmem>>[vector<16xi32>, vector<16xi32>], vector<16xf32>,
      %mul3A_1585 = arith.mulf %gather3A_1583, %gather3A_1584 : vector<16xf32>
      %add3A_1586 = arith.addf %add3A_1580, %mul3A_1585 : vector<16xf32>
      %broadcast_in_dim3A_1587 = arith.constant 2 : i32
      %broadcast_in_dim3A_1588 = vector.broadcast %broadcast_in_dim3A_1587 : i32 to vector<16xi32>
      %gather3A_1589 = tpu.vector_load_idx %arg10[%add3A_1572, %broadcast_in_dim3A_1588] : memref<128x16xf32, #tpu.memory_space<vmem>>[vector<16xi32>, vector<16xi32>], vector<16xf32>,
      %gather3A_1590 = tpu.vector_load_idx %arg11[%add3A_1572, %broadcast_in_dim3A_1588] : memref<128x16xf32, #tpu.memory_space<vmem>>[vector<16xi32>, vector<16xi32>], vector<16xf32>,
      %mul3A_1591 = arith.mulf %gather3A_1589, %gather3A_1590 : vector<16xf32>
      %add3A_1592 = arith.addf %add3A_1586, %mul3A_1591 : vector<16xf32>
      %broadcast_in_dim3A_1593 = arith.constant 3 : i32
      %broadcast_in_dim3A_1594 = vector.broadcast %broadcast_in_dim3A_1593 : i32 to vector<16xi32>
      %gather3A_1595 = tpu.vector_load_idx %arg10[%add3A_1572, %broadcast_in_dim3A_1594] : memref<128x16xf32, #tpu.memory_space<vmem>>[vector<16xi32>, vector<16xi32>], vector<16xf32>,
      %gather3A_1596 = tpu.vector_load_idx %arg11[%add3A_1572, %broadcast_in_dim3A_1594] : memref<128x16xf32, #tpu.memory_space<vmem>>[vector<16xi32>, vector<16xi32>], vector<16xf32>,
      %mul3A_1597 = arith.mulf %gather3A_1595, %gather3A_1596 : vector<16xf32>
      %add3A_1598 = arith.addf %add3A_1592, %mul3A_1597 : vector<16xf32>
      %broadcast_in_dim3A_1599 = arith.constant 4 : i32
      %broadcast_in_dim3A_1600 = vector.broadcast %broadcast_in_dim3A_1599 : i32 to vector<16xi32>
      %gather3A_1601 = tpu.vector_load_idx %arg10[%add3A_1572, %broadcast_in_dim3A_1600] : memref<128x16xf32, #tpu.memory_space<vmem>>[vector<16xi32>, vector<16xi32>], vector<16xf32>,
      %gather3A_1602 = tpu.vector_load_idx %arg11[%add3A_1572, %broadcast_in_dim3A_1600] : memref<128x16xf32, #tpu.memory_space<vmem>>[vector<16xi32>, vector<16xi32>], vector<16xf32>,
      %mul3A_1603 = arith.mulf %gather3A_1601, %gather3A_1602 : vector<16xf32>
      %add3A_1604 = arith.addf %add3A_1598, %mul3A_1603 : vector<16xf32>
      %broadcast_in_dim3A_1605 = arith.constant 5 : i32
      %broadcast_in_dim3A_1606 = vector.broadcast %broadcast_in_dim3A_1605 : i32 to vector<16xi32>
      %gather3A_1607 = tpu.vector_load_idx %arg10[%add3A_1572, %broadcast_in_dim3A_1606] : memref<128x16xf32, #tpu.memory_space<vmem>>[vector<16xi32>, vector<16xi32>], vector<16xf32>,
      %gather3A_1608 = tpu.vector_load_idx %arg11[%add3A_1572, %broadcast_in_dim3A_1606] : memref<128x16xf32, #tpu.memory_space<vmem>>[vector<16xi32>, vector<16xi32>], vector<16xf32>,
      %mul3A_1609 = arith.mulf %gather3A_1607, %gather3A_1608 : vector<16xf32>
      %add3A_1610 = arith.addf %add3A_1604, %mul3A_1609 : vector<16xf32>
      %broadcast_in_dim3A_1611 = arith.constant 6 : i32
      %broadcast_in_dim3A_1612 = vector.broadcast %broadcast_in_dim3A_1611 : i32 to vector<16xi32>
      %gather3A_1613 = tpu.vector_load_idx %arg10[%add3A_1572, %broadcast_in_dim3A_1612] : memref<128x16xf32, #tpu.memory_space<vmem>>[vector<16xi32>, vector<16xi32>], vector<16xf32>,
      %gather3A_1614 = tpu.vector_load_idx %arg11[%add3A_1572, %broadcast_in_dim3A_1612] : memref<128x16xf32, #tpu.memory_space<vmem>>[vector<16xi32>, vector<16xi32>], vector<16xf32>,
      %mul3A_1615 = arith.mulf %gather3A_1613, %gather3A_1614 : vector<16xf32>
      %add3A_1616 = arith.addf %add3A_1610, %mul3A_1615 : vector<16xf32>
      %broadcast_in_dim3A_1617 = arith.constant 7 : i32
      %broadcast_in_dim3A_1618 = vector.broadcast %broadcast_in_dim3A_1617 : i32 to vector<16xi32>
      %gather3A_1619 = tpu.vector_load_idx %arg10[%add3A_1572, %broadcast_in_dim3A_1618] : memref<128x16xf32, #tpu.memory_space<vmem>>[vector<16xi32>, vector<16xi32>], vector<16xf32>,
      %gather3A_1620 = tpu.vector_load_idx %arg11[%add3A_1572, %broadcast_in_dim3A_1618] : memref<128x16xf32, #tpu.memory_space<vmem>>[vector<16xi32>, vector<16xi32>], vector<16xf32>,
      %mul3A_1621 = arith.mulf %gather3A_1619, %gather3A_1620 : vector<16xf32>
      %add3A_1622 = arith.addf %add3A_1616, %mul3A_1621 : vector<16xf32>
      %broadcast_in_dim3A_1623 = arith.constant 8 : i32
      %broadcast_in_dim3A_1624 = vector.broadcast %broadcast_in_dim3A_1623 : i32 to vector<16xi32>
      %gather3A_1625 = tpu.vector_load_idx %arg10[%add3A_1572, %broadcast_in_dim3A_1624] : memref<128x16xf32, #tpu.memory_space<vmem>>[vector<16xi32>, vector<16xi32>], vector<16xf32>,
      %gather3A_1626 = tpu.vector_load_idx %arg11[%add3A_1572, %broadcast_in_dim3A_1624] : memref<128x16xf32, #tpu.memory_space<vmem>>[vector<16xi32>, vector<16xi32>], vector<16xf32>,
      %mul3A_1627 = arith.mulf %gather3A_1625, %gather3A_1626 : vector<16xf32>
      %add3A_1628 = arith.addf %add3A_1622, %mul3A_1627 : vector<16xf32>
      %broadcast_in_dim3A_1629 = arith.constant 9 : i32
      %broadcast_in_dim3A_1630 = vector.broadcast %broadcast_in_dim3A_1629 : i32 to vector<16xi32>
      %gather3A_1631 = tpu.vector_load_idx %arg10[%add3A_1572, %broadcast_in_dim3A_1630] : memref<128x16xf32, #tpu.memory_space<vmem>>[vector<16xi32>, vector<16xi32>], vector<16xf32>,
      %gather3A_1632 = tpu.vector_load_idx %arg11[%add3A_1572, %broadcast_in_dim3A_1630] : memref<128x16xf32, #tpu.memory_space<vmem>>[vector<16xi32>, vector<16xi32>], vector<16xf32>,
      %mul3A_1633 = arith.mulf %gather3A_1631, %gather3A_1632 : vector<16xf32>
      %add3A_1634 = arith.addf %add3A_1628, %mul3A_1633 : vector<16xf32>
      %broadcast_in_dim3A_1635 = arith.constant 10 : i32
      %broadcast_in_dim3A_1636 = vector.broadcast %broadcast_in_dim3A_1635 : i32 to vector<16xi32>
      %gather3A_1637 = tpu.vector_load_idx %arg10[%add3A_1572, %broadcast_in_dim3A_1636] : memref<128x16xf32, #tpu.memory_space<vmem>>[vector<16xi32>, vector<16xi32>], vector<16xf32>,
      %gather3A_1638 = tpu.vector_load_idx %arg11[%add3A_1572, %broadcast_in_dim3A_1636] : memref<128x16xf32, #tpu.memory_space<vmem>>[vector<16xi32>, vector<16xi32>], vector<16xf32>,
      %mul3A_1639 = arith.mulf %gather3A_1637, %gather3A_1638 : vector<16xf32>
      %add3A_1640 = arith.addf %add3A_1634, %mul3A_1639 : vector<16xf32>
      %broadcast_in_dim3A_1641 = arith.constant 11 : i32
      %broadcast_in_dim3A_1642 = vector.broadcast %broadcast_in_dim3A_1641 : i32 to vector<16xi32>
      %gather3A_1643 = tpu.vector_load_idx %arg10[%add3A_1572, %broadcast_in_dim3A_1642] : memref<128x16xf32, #tpu.memory_space<vmem>>[vector<16xi32>, vector<16xi32>], vector<16xf32>,
      %gather3A_1644 = tpu.vector_load_idx %arg11[%add3A_1572, %broadcast_in_dim3A_1642] : memref<128x16xf32, #tpu.memory_space<vmem>>[vector<16xi32>, vector<16xi32>], vector<16xf32>,
      %mul3A_1645 = arith.mulf %gather3A_1643, %gather3A_1644 : vector<16xf32>
      %add3A_1646 = arith.addf %add3A_1640, %mul3A_1645 : vector<16xf32>
      %broadcast_in_dim3A_1647 = arith.constant 12 : i32
      %broadcast_in_dim3A_1648 = vector.broadcast %broadcast_in_dim3A_1647 : i32 to vector<16xi32>
      %gather3A_1649 = tpu.vector_load_idx %arg10[%add3A_1572, %broadcast_in_dim3A_1648] : memref<128x16xf32, #tpu.memory_space<vmem>>[vector<16xi32>, vector<16xi32>], vector<16xf32>,
      %gather3A_1650 = tpu.vector_load_idx %arg11[%add3A_1572, %broadcast_in_dim3A_1648] : memref<128x16xf32, #tpu.memory_space<vmem>>[vector<16xi32>, vector<16xi32>], vector<16xf32>,
      %mul3A_1651 = arith.mulf %gather3A_1649, %gather3A_1650 : vector<16xf32>
      %add3A_1652 = arith.addf %add3A_1646, %mul3A_1651 : vector<16xf32>
      %broadcast_in_dim3A_1653 = arith.constant 13 : i32
      %broadcast_in_dim3A_1654 = vector.broadcast %broadcast_in_dim3A_1653 : i32 to vector<16xi32>
      %gather3A_1655 = tpu.vector_load_idx %arg10[%add3A_1572, %broadcast_in_dim3A_1654] : memref<128x16xf32, #tpu.memory_space<vmem>>[vector<16xi32>, vector<16xi32>], vector<16xf32>,
      %gather3A_1656 = tpu.vector_load_idx %arg11[%add3A_1572, %broadcast_in_dim3A_1654] : memref<128x16xf32, #tpu.memory_space<vmem>>[vector<16xi32>, vector<16xi32>], vector<16xf32>,
      %mul3A_1657 = arith.mulf %gather3A_1655, %gather3A_1656 : vector<16xf32>
      %add3A_1658 = arith.addf %add3A_1652, %mul3A_1657 : vector<16xf32>
      %broadcast_in_dim3A_1659 = arith.constant 14 : i32
      %broadcast_in_dim3A_1660 = vector.broadcast %broadcast_in_dim3A_1659 : i32 to vector<16xi32>
      %gather3A_1661 = tpu.vector_load_idx %arg10[%add3A_1572, %broadcast_in_dim3A_1660] : memref<128x16xf32, #tpu.memory_space<vmem>>[vector<16xi32>, vector<16xi32>], vector<16xf32>,
      %gather3A_1662 = tpu.vector_load_idx %arg11[%add3A_1572, %broadcast_in_dim3A_1660] : memref<128x16xf32, #tpu.memory_space<vmem>>[vector<16xi32>, vector<16xi32>], vector<16xf32>,
      %mul3A_1663 = arith.mulf %gather3A_1661, %gather3A_1662 : vector<16xf32>
      %add3A_1664 = arith.addf %add3A_1658, %mul3A_1663 : vector<16xf32>
      %broadcast_in_dim3A_1665 = arith.constant 15 : i32
      %broadcast_in_dim3A_1666 = vector.broadcast %broadcast_in_dim3A_1665 : i32 to vector<16xi32>
      %gather3A_1667 = tpu.vector_load_idx %arg10[%add3A_1572, %broadcast_in_dim3A_1666] : memref<128x16xf32, #tpu.memory_space<vmem>>[vector<16xi32>, vector<16xi32>], vector<16xf32>,
      %gather3A_1668 = tpu.vector_load_idx %arg11[%add3A_1572, %broadcast_in_dim3A_1666] : memref<128x16xf32, #tpu.memory_space<vmem>>[vector<16xi32>, vector<16xi32>], vector<16xf32>,
      %mul3A_1669 = arith.mulf %gather3A_1667, %gather3A_1668 : vector<16xf32>
      %add3A_1670 = arith.addf %add3A_1664, %mul3A_1669 : vector<16xf32>
      %neg3A_1671 = arith.constant 0.000000e+00 : f32
      %neg3A_1672 = vector.broadcast %neg3A_1671 : f32 to vector<16xf32>
      %neg3A_1673 = arith.subf %neg3A_1672, %add3A_1670 : vector<16xf32>
      %exp3A_1674 = math.exp %neg3A_1673 : vector<16xf32>
      %add3A_1675 = arith.constant 1.000000e+00 : f32
      %add3A_1676 = vector.broadcast %add3A_1675 : f32 to vector<16xf32>
      %add3A_1677 = arith.addf %add3A_1676, %exp3A_1674 : vector<16xf32>
      %div3A_1678 = arith.constant 1.000000e+00 : f32
      %div3A_1679 = vector.broadcast %div3A_1678 : f32 to vector<16xf32>
      %div3A_1680 = arith.divf %div3A_1679, %add3A_1677 : vector<16xf32>
      %swap3A_1681 = arith.constant 80 : index
      %swap3A_1682 = tpu.vector_load %arg13[%swap3A_1681] {strides = array<i32>} : memref<128xf32, #tpu.memory_space<vmem>>, vector<16xf32>,
      tpu.vector_store %arg13[%swap3A_1681], %div3A_1680 {strides = array<i32>} : memref<128xf32, #tpu.memory_space<vmem>>, vector<16xf32>,
      %iota3A_1683 = tpu.iota {dimensions = array<i32: 0>} : vector<16xi32>
      %add3A_1684 = arith.constant 96 : i32
      %add3A_1685 = vector.broadcast %add3A_1684 : i32 to vector<16xi32>
      %add3A_1686 = arith.addi %iota3A_1683, %add3A_1685 : vector<16xi32>
      %broadcast_in_dim3A_1687 = arith.constant 0.000000e+00 : f32
      %broadcast_in_dim3A_1688 = vector.broadcast %broadcast_in_dim3A_1687 : f32 to vector<16xf32>
      %broadcast_in_dim3A_1689 = arith.constant 0 : i32
      %broadcast_in_dim3A_1690 = vector.broadcast %broadcast_in_dim3A_1689 : i32 to vector<16xi32>
      %gather3A_1691 = tpu.vector_load_idx %arg10[%add3A_1686, %broadcast_in_dim3A_1690] : memref<128x16xf32, #tpu.memory_space<vmem>>[vector<16xi32>, vector<16xi32>], vector<16xf32>,
      %gather3A_1692 = tpu.vector_load_idx %arg11[%add3A_1686, %broadcast_in_dim3A_1690] : memref<128x16xf32, #tpu.memory_space<vmem>>[vector<16xi32>, vector<16xi32>], vector<16xf32>,
      %mul3A_1693 = arith.mulf %gather3A_1691, %gather3A_1692 : vector<16xf32>
      %add3A_1694 = arith.addf %broadcast_in_dim3A_1688, %mul3A_1693 : vector<16xf32>
      %broadcast_in_dim3A_1695 = arith.constant 1 : i32
      %broadcast_in_dim3A_1696 = vector.broadcast %broadcast_in_dim3A_1695 : i32 to vector<16xi32>
      %gather3A_1697 = tpu.vector_load_idx %arg10[%add3A_1686, %broadcast_in_dim3A_1696] : memref<128x16xf32, #tpu.memory_space<vmem>>[vector<16xi32>, vector<16xi32>], vector<16xf32>,
      %gather3A_1698 = tpu.vector_load_idx %arg11[%add3A_1686, %broadcast_in_dim3A_1696] : memref<128x16xf32, #tpu.memory_space<vmem>>[vector<16xi32>, vector<16xi32>], vector<16xf32>,
      %mul3A_1699 = arith.mulf %gather3A_1697, %gather3A_1698 : vector<16xf32>
      %add3A_1700 = arith.addf %add3A_1694, %mul3A_1699 : vector<16xf32>
      %broadcast_in_dim3A_1701 = arith.constant 2 : i32
      %broadcast_in_dim3A_1702 = vector.broadcast %broadcast_in_dim3A_1701 : i32 to vector<16xi32>
      %gather3A_1703 = tpu.vector_load_idx %arg10[%add3A_1686, %broadcast_in_dim3A_1702] : memref<128x16xf32, #tpu.memory_space<vmem>>[vector<16xi32>, vector<16xi32>], vector<16xf32>,
      %gather3A_1704 = tpu.vector_load_idx %arg11[%add3A_1686, %broadcast_in_dim3A_1702] : memref<128x16xf32, #tpu.memory_space<vmem>>[vector<16xi32>, vector<16xi32>], vector<16xf32>,
      %mul3A_1705 = arith.mulf %gather3A_1703, %gather3A_1704 : vector<16xf32>
      %add3A_1706 = arith.addf %add3A_1700, %mul3A_1705 : vector<16xf32>
      %broadcast_in_dim3A_1707 = arith.constant 3 : i32
      %broadcast_in_dim3A_1708 = vector.broadcast %broadcast_in_dim3A_1707 : i32 to vector<16xi32>
      %gather3A_1709 = tpu.vector_load_idx %arg10[%add3A_1686, %broadcast_in_dim3A_1708] : memref<128x16xf32, #tpu.memory_space<vmem>>[vector<16xi32>, vector<16xi32>], vector<16xf32>,
      %gather3A_1710 = tpu.vector_load_idx %arg11[%add3A_1686, %broadcast_in_dim3A_1708] : memref<128x16xf32, #tpu.memory_space<vmem>>[vector<16xi32>, vector<16xi32>], vector<16xf32>,
      %mul3A_1711 = arith.mulf %gather3A_1709, %gather3A_1710 : vector<16xf32>
      %add3A_1712 = arith.addf %add3A_1706, %mul3A_1711 : vector<16xf32>
      %broadcast_in_dim3A_1713 = arith.constant 4 : i32
      %broadcast_in_dim3A_1714 = vector.broadcast %broadcast_in_dim3A_1713 : i32 to vector<16xi32>
      %gather3A_1715 = tpu.vector_load_idx %arg10[%add3A_1686, %broadcast_in_dim3A_1714] : memref<128x16xf32, #tpu.memory_space<vmem>>[vector<16xi32>, vector<16xi32>], vector<16xf32>,
      %gather3A_1716 = tpu.vector_load_idx %arg11[%add3A_1686, %broadcast_in_dim3A_1714] : memref<128x16xf32, #tpu.memory_space<vmem>>[vector<16xi32>, vector<16xi32>], vector<16xf32>,
      %mul3A_1717 = arith.mulf %gather3A_1715, %gather3A_1716 : vector<16xf32>
      %add3A_1718 = arith.addf %add3A_1712, %mul3A_1717 : vector<16xf32>
      %broadcast_in_dim3A_1719 = arith.constant 5 : i32
      %broadcast_in_dim3A_1720 = vector.broadcast %broadcast_in_dim3A_1719 : i32 to vector<16xi32>
      %gather3A_1721 = tpu.vector_load_idx %arg10[%add3A_1686, %broadcast_in_dim3A_1720] : memref<128x16xf32, #tpu.memory_space<vmem>>[vector<16xi32>, vector<16xi32>], vector<16xf32>,
      %gather3A_1722 = tpu.vector_load_idx %arg11[%add3A_1686, %broadcast_in_dim3A_1720] : memref<128x16xf32, #tpu.memory_space<vmem>>[vector<16xi32>, vector<16xi32>], vector<16xf32>,
      %mul3A_1723 = arith.mulf %gather3A_1721, %gather3A_1722 : vector<16xf32>
      %add3A_1724 = arith.addf %add3A_1718, %mul3A_1723 : vector<16xf32>
      %broadcast_in_dim3A_1725 = arith.constant 6 : i32
      %broadcast_in_dim3A_1726 = vector.broadcast %broadcast_in_dim3A_1725 : i32 to vector<16xi32>
      %gather3A_1727 = tpu.vector_load_idx %arg10[%add3A_1686, %broadcast_in_dim3A_1726] : memref<128x16xf32, #tpu.memory_space<vmem>>[vector<16xi32>, vector<16xi32>], vector<16xf32>,
      %gather3A_1728 = tpu.vector_load_idx %arg11[%add3A_1686, %broadcast_in_dim3A_1726] : memref<128x16xf32, #tpu.memory_space<vmem>>[vector<16xi32>, vector<16xi32>], vector<16xf32>,
      %mul3A_1729 = arith.mulf %gather3A_1727, %gather3A_1728 : vector<16xf32>
      %add3A_1730 = arith.addf %add3A_1724, %mul3A_1729 : vector<16xf32>
      %broadcast_in_dim3A_1731 = arith.constant 7 : i32
      %broadcast_in_dim3A_1732 = vector.broadcast %broadcast_in_dim3A_1731 : i32 to vector<16xi32>
      %gather3A_1733 = tpu.vector_load_idx %arg10[%add3A_1686, %broadcast_in_dim3A_1732] : memref<128x16xf32, #tpu.memory_space<vmem>>[vector<16xi32>, vector<16xi32>], vector<16xf32>,
      %gather3A_1734 = tpu.vector_load_idx %arg11[%add3A_1686, %broadcast_in_dim3A_1732] : memref<128x16xf32, #tpu.memory_space<vmem>>[vector<16xi32>, vector<16xi32>], vector<16xf32>,
      %mul3A_1735 = arith.mulf %gather3A_1733, %gather3A_1734 : vector<16xf32>
      %add3A_1736 = arith.addf %add3A_1730, %mul3A_1735 : vector<16xf32>
      %broadcast_in_dim3A_1737 = arith.constant 8 : i32
      %broadcast_in_dim3A_1738 = vector.broadcast %broadcast_in_dim3A_1737 : i32 to vector<16xi32>
      %gather3A_1739 = tpu.vector_load_idx %arg10[%add3A_1686, %broadcast_in_dim3A_1738] : memref<128x16xf32, #tpu.memory_space<vmem>>[vector<16xi32>, vector<16xi32>], vector<16xf32>,
      %gather3A_1740 = tpu.vector_load_idx %arg11[%add3A_1686, %broadcast_in_dim3A_1738] : memref<128x16xf32, #tpu.memory_space<vmem>>[vector<16xi32>, vector<16xi32>], vector<16xf32>,
      %mul3A_1741 = arith.mulf %gather3A_1739, %gather3A_1740 : vector<16xf32>
      %add3A_1742 = arith.addf %add3A_1736, %mul3A_1741 : vector<16xf32>
      %broadcast_in_dim3A_1743 = arith.constant 9 : i32
      %broadcast_in_dim3A_1744 = vector.broadcast %broadcast_in_dim3A_1743 : i32 to vector<16xi32>
      %gather3A_1745 = tpu.vector_load_idx %arg10[%add3A_1686, %broadcast_in_dim3A_1744] : memref<128x16xf32, #tpu.memory_space<vmem>>[vector<16xi32>, vector<16xi32>], vector<16xf32>,
      %gather3A_1746 = tpu.vector_load_idx %arg11[%add3A_1686, %broadcast_in_dim3A_1744] : memref<128x16xf32, #tpu.memory_space<vmem>>[vector<16xi32>, vector<16xi32>], vector<16xf32>,
      %mul3A_1747 = arith.mulf %gather3A_1745, %gather3A_1746 : vector<16xf32>
      %add3A_1748 = arith.addf %add3A_1742, %mul3A_1747 : vector<16xf32>
      %broadcast_in_dim3A_1749 = arith.constant 10 : i32
      %broadcast_in_dim3A_1750 = vector.broadcast %broadcast_in_dim3A_1749 : i32 to vector<16xi32>
      %gather3A_1751 = tpu.vector_load_idx %arg10[%add3A_1686, %broadcast_in_dim3A_1750] : memref<128x16xf32, #tpu.memory_space<vmem>>[vector<16xi32>, vector<16xi32>], vector<16xf32>,
      %gather3A_1752 = tpu.vector_load_idx %arg11[%add3A_1686, %broadcast_in_dim3A_1750] : memref<128x16xf32, #tpu.memory_space<vmem>>[vector<16xi32>, vector<16xi32>], vector<16xf32>,
      %mul3A_1753 = arith.mulf %gather3A_1751, %gather3A_1752 : vector<16xf32>
      %add3A_1754 = arith.addf %add3A_1748, %mul3A_1753 : vector<16xf32>
      %broadcast_in_dim3A_1755 = arith.constant 11 : i32
      %broadcast_in_dim3A_1756 = vector.broadcast %broadcast_in_dim3A_1755 : i32 to vector<16xi32>
      %gather3A_1757 = tpu.vector_load_idx %arg10[%add3A_1686, %broadcast_in_dim3A_1756] : memref<128x16xf32, #tpu.memory_space<vmem>>[vector<16xi32>, vector<16xi32>], vector<16xf32>,
      %gather3A_1758 = tpu.vector_load_idx %arg11[%add3A_1686, %broadcast_in_dim3A_1756] : memref<128x16xf32, #tpu.memory_space<vmem>>[vector<16xi32>, vector<16xi32>], vector<16xf32>,
      %mul3A_1759 = arith.mulf %gather3A_1757, %gather3A_1758 : vector<16xf32>
      %add3A_1760 = arith.addf %add3A_1754, %mul3A_1759 : vector<16xf32>
      %broadcast_in_dim3A_1761 = arith.constant 12 : i32
      %broadcast_in_dim3A_1762 = vector.broadcast %broadcast_in_dim3A_1761 : i32 to vector<16xi32>
      %gather3A_1763 = tpu.vector_load_idx %arg10[%add3A_1686, %broadcast_in_dim3A_1762] : memref<128x16xf32, #tpu.memory_space<vmem>>[vector<16xi32>, vector<16xi32>], vector<16xf32>,
      %gather3A_1764 = tpu.vector_load_idx %arg11[%add3A_1686, %broadcast_in_dim3A_1762] : memref<128x16xf32, #tpu.memory_space<vmem>>[vector<16xi32>, vector<16xi32>], vector<16xf32>,
      %mul3A_1765 = arith.mulf %gather3A_1763, %gather3A_1764 : vector<16xf32>
      %add3A_1766 = arith.addf %add3A_1760, %mul3A_1765 : vector<16xf32>
      %broadcast_in_dim3A_1767 = arith.constant 13 : i32
      %broadcast_in_dim3A_1768 = vector.broadcast %broadcast_in_dim3A_1767 : i32 to vector<16xi32>
      %gather3A_1769 = tpu.vector_load_idx %arg10[%add3A_1686, %broadcast_in_dim3A_1768] : memref<128x16xf32, #tpu.memory_space<vmem>>[vector<16xi32>, vector<16xi32>], vector<16xf32>,
      %gather3A_1770 = tpu.vector_load_idx %arg11[%add3A_1686, %broadcast_in_dim3A_1768] : memref<128x16xf32, #tpu.memory_space<vmem>>[vector<16xi32>, vector<16xi32>], vector<16xf32>,
      %mul3A_1771 = arith.mulf %gather3A_1769, %gather3A_1770 : vector<16xf32>
      %add3A_1772 = arith.addf %add3A_1766, %mul3A_1771 : vector<16xf32>
      %broadcast_in_dim3A_1773 = arith.constant 14 : i32
      %broadcast_in_dim3A_1774 = vector.broadcast %broadcast_in_dim3A_1773 : i32 to vector<16xi32>
      %gather3A_1775 = tpu.vector_load_idx %arg10[%add3A_1686, %broadcast_in_dim3A_1774] : memref<128x16xf32, #tpu.memory_space<vmem>>[vector<16xi32>, vector<16xi32>], vector<16xf32>,
      %gather3A_1776 = tpu.vector_load_idx %arg11[%add3A_1686, %broadcast_in_dim3A_1774] : memref<128x16xf32, #tpu.memory_space<vmem>>[vector<16xi32>, vector<16xi32>], vector<16xf32>,
      %mul3A_1777 = arith.mulf %gather3A_1775, %gather3A_1776 : vector<16xf32>
      %add3A_1778 = arith.addf %add3A_1772, %mul3A_1777 : vector<16xf32>
      %broadcast_in_dim3A_1779 = arith.constant 15 : i32
      %broadcast_in_dim3A_1780 = vector.broadcast %broadcast_in_dim3A_1779 : i32 to vector<16xi32>
      %gather3A_1781 = tpu.vector_load_idx %arg10[%add3A_1686, %broadcast_in_dim3A_1780] : memref<128x16xf32, #tpu.memory_space<vmem>>[vector<16xi32>, vector<16xi32>], vector<16xf32>,
      %gather3A_1782 = tpu.vector_load_idx %arg11[%add3A_1686, %broadcast_in_dim3A_1780] : memref<128x16xf32, #tpu.memory_space<vmem>>[vector<16xi32>, vector<16xi32>], vector<16xf32>,
      %mul3A_1783 = arith.mulf %gather3A_1781, %gather3A_1782 : vector<16xf32>
      %add3A_1784 = arith.addf %add3A_1778, %mul3A_1783 : vector<16xf32>
      %neg3A_1785 = arith.constant 0.000000e+00 : f32
      %neg3A_1786 = vector.broadcast %neg3A_1785 : f32 to vector<16xf32>
      %neg3A_1787 = arith.subf %neg3A_1786, %add3A_1784 : vector<16xf32>
      %exp3A_1788 = math.exp %neg3A_1787 : vector<16xf32>
      %add3A_1789 = arith.constant 1.000000e+00 : f32
      %add3A_1790 = vector.broadcast %add3A_1789 : f32 to vector<16xf32>
      %add3A_1791 = arith.addf %add3A_1790, %exp3A_1788 : vector<16xf32>
      %div3A_1792 = arith.constant 1.000000e+00 : f32
      %div3A_1793 = vector.broadcast %div3A_1792 : f32 to vector<16xf32>
      %div3A_1794 = arith.divf %div3A_1793, %add3A_1791 : vector<16xf32>
      %swap3A_1795 = arith.constant 96 : index
      %swap3A_1796 = tpu.vector_load %arg13[%swap3A_1795] {strides = array<i32>} : memref<128xf32, #tpu.memory_space<vmem>>, vector<16xf32>,
      tpu.vector_store %arg13[%swap3A_1795], %div3A_1794 {strides = array<i32>} : memref<128xf32, #tpu.memory_space<vmem>>, vector<16xf32>,
      %iota3A_1797 = tpu.iota {dimensions = array<i32: 0>} : vector<16xi32>
      %add3A_1798 = arith.constant 112 : i32
      %add3A_1799 = vector.broadcast %add3A_1798 : i32 to vector<16xi32>
      %add3A_1800 = arith.addi %iota3A_1797, %add3A_1799 : vector<16xi32>
      %broadcast_in_dim3A_1801 = arith.constant 0.000000e+00 : f32
      %broadcast_in_dim3A_1802 = vector.broadcast %broadcast_in_dim3A_1801 : f32 to vector<16xf32>
      %broadcast_in_dim3A_1803 = arith.constant 0 : i32
      %broadcast_in_dim3A_1804 = vector.broadcast %broadcast_in_dim3A_1803 : i32 to vector<16xi32>
      %gather3A_1805 = tpu.vector_load_idx %arg10[%add3A_1800, %broadcast_in_dim3A_1804] : memref<128x16xf32, #tpu.memory_space<vmem>>[vector<16xi32>, vector<16xi32>], vector<16xf32>,
      %gather3A_1806 = tpu.vector_load_idx %arg11[%add3A_1800, %broadcast_in_dim3A_1804] : memref<128x16xf32, #tpu.memory_space<vmem>>[vector<16xi32>, vector<16xi32>], vector<16xf32>,
      %mul3A_1807 = arith.mulf %gather3A_1805, %gather3A_1806 : vector<16xf32>
      %add3A_1808 = arith.addf %broadcast_in_dim3A_1802, %mul3A_1807 : vector<16xf32>
      %broadcast_in_dim3A_1809 = arith.constant 1 : i32
      %broadcast_in_dim3A_1810 = vector.broadcast %broadcast_in_dim3A_1809 : i32 to vector<16xi32>
      %gather3A_1811 = tpu.vector_load_idx %arg10[%add3A_1800, %broadcast_in_dim3A_1810] : memref<128x16xf32, #tpu.memory_space<vmem>>[vector<16xi32>, vector<16xi32>], vector<16xf32>,
      %gather3A_1812 = tpu.vector_load_idx %arg11[%add3A_1800, %broadcast_in_dim3A_1810] : memref<128x16xf32, #tpu.memory_space<vmem>>[vector<16xi32>, vector<16xi32>], vector<16xf32>,
      %mul3A_1813 = arith.mulf %gather3A_1811, %gather3A_1812 : vector<16xf32>
      %add3A_1814 = arith.addf %add3A_1808, %mul3A_1813 : vector<16xf32>
      %broadcast_in_dim3A_1815 = arith.constant 2 : i32
      %broadcast_in_dim3A_1816 = vector.broadcast %broadcast_in_dim3A_1815 : i32 to vector<16xi32>
      %gather3A_1817 = tpu.vector_load_idx %arg10[%add3A_1800, %broadcast_in_dim3A_1816] : memref<128x16xf32, #tpu.memory_space<vmem>>[vector<16xi32>, vector<16xi32>], vector<16xf32>,
      %gather3A_1818 = tpu.vector_load_idx %arg11[%add3A_1800, %broadcast_in_dim3A_1816] : memref<128x16xf32, #tpu.memory_space<vmem>>[vector<16xi32>, vector<16xi32>], vector<16xf32>,
      %mul3A_1819 = arith.mulf %gather3A_1817, %gather3A_1818 : vector<16xf32>
      %add3A_1820 = arith.addf %add3A_1814, %mul3A_1819 : vector<16xf32>
      %broadcast_in_dim3A_1821 = arith.constant 3 : i32
      %broadcast_in_dim3A_1822 = vector.broadcast %broadcast_in_dim3A_1821 : i32 to vector<16xi32>
      %gather3A_1823 = tpu.vector_load_idx %arg10[%add3A_1800, %broadcast_in_dim3A_1822] : memref<128x16xf32, #tpu.memory_space<vmem>>[vector<16xi32>, vector<16xi32>], vector<16xf32>,
      %gather3A_1824 = tpu.vector_load_idx %arg11[%add3A_1800, %broadcast_in_dim3A_1822] : memref<128x16xf32, #tpu.memory_space<vmem>>[vector<16xi32>, vector<16xi32>], vector<16xf32>,
      %mul3A_1825 = arith.mulf %gather3A_1823, %gather3A_1824 : vector<16xf32>
      %add3A_1826 = arith.addf %add3A_1820, %mul3A_1825 : vector<16xf32>
      %broadcast_in_dim3A_1827 = arith.constant 4 : i32
      %broadcast_in_dim3A_1828 = vector.broadcast %broadcast_in_dim3A_1827 : i32 to vector<16xi32>
      %gather3A_1829 = tpu.vector_load_idx %arg10[%add3A_1800, %broadcast_in_dim3A_1828] : memref<128x16xf32, #tpu.memory_space<vmem>>[vector<16xi32>, vector<16xi32>], vector<16xf32>,
      %gather3A_1830 = tpu.vector_load_idx %arg11[%add3A_1800, %broadcast_in_dim3A_1828] : memref<128x16xf32, #tpu.memory_space<vmem>>[vector<16xi32>, vector<16xi32>], vector<16xf32>,
      %mul3A_1831 = arith.mulf %gather3A_1829, %gather3A_1830 : vector<16xf32>
      %add3A_1832 = arith.addf %add3A_1826, %mul3A_1831 : vector<16xf32>
      %broadcast_in_dim3A_1833 = arith.constant 5 : i32
      %broadcast_in_dim3A_1834 = vector.broadcast %broadcast_in_dim3A_1833 : i32 to vector<16xi32>
      %gather3A_1835 = tpu.vector_load_idx %arg10[%add3A_1800, %broadcast_in_dim3A_1834] : memref<128x16xf32, #tpu.memory_space<vmem>>[vector<16xi32>, vector<16xi32>], vector<16xf32>,
      %gather3A_1836 = tpu.vector_load_idx %arg11[%add3A_1800, %broadcast_in_dim3A_1834] : memref<128x16xf32, #tpu.memory_space<vmem>>[vector<16xi32>, vector<16xi32>], vector<16xf32>,
      %mul3A_1837 = arith.mulf %gather3A_1835, %gather3A_1836 : vector<16xf32>
      %add3A_1838 = arith.addf %add3A_1832, %mul3A_1837 : vector<16xf32>
      %broadcast_in_dim3A_1839 = arith.constant 6 : i32
      %broadcast_in_dim3A_1840 = vector.broadcast %broadcast_in_dim3A_1839 : i32 to vector<16xi32>
      %gather3A_1841 = tpu.vector_load_idx %arg10[%add3A_1800, %broadcast_in_dim3A_1840] : memref<128x16xf32, #tpu.memory_space<vmem>>[vector<16xi32>, vector<16xi32>], vector<16xf32>,
      %gather3A_1842 = tpu.vector_load_idx %arg11[%add3A_1800, %broadcast_in_dim3A_1840] : memref<128x16xf32, #tpu.memory_space<vmem>>[vector<16xi32>, vector<16xi32>], vector<16xf32>,
      %mul3A_1843 = arith.mulf %gather3A_1841, %gather3A_1842 : vector<16xf32>
      %add3A_1844 = arith.addf %add3A_1838, %mul3A_1843 : vector<16xf32>
      %broadcast_in_dim3A_1845 = arith.constant 7 : i32
      %broadcast_in_dim3A_1846 = vector.broadcast %broadcast_in_dim3A_1845 : i32 to vector<16xi32>
      %gather3A_1847 = tpu.vector_load_idx %arg10[%add3A_1800, %broadcast_in_dim3A_1846] : memref<128x16xf32, #tpu.memory_space<vmem>>[vector<16xi32>, vector<16xi32>], vector<16xf32>,
      %gather3A_1848 = tpu.vector_load_idx %arg11[%add3A_1800, %broadcast_in_dim3A_1846] : memref<128x16xf32, #tpu.memory_space<vmem>>[vector<16xi32>, vector<16xi32>], vector<16xf32>,
      %mul3A_1849 = arith.mulf %gather3A_1847, %gather3A_1848 : vector<16xf32>
      %add3A_1850 = arith.addf %add3A_1844, %mul3A_1849 : vector<16xf32>
      %broadcast_in_dim3A_1851 = arith.constant 8 : i32
      %broadcast_in_dim3A_1852 = vector.broadcast %broadcast_in_dim3A_1851 : i32 to vector<16xi32>
      %gather3A_1853 = tpu.vector_load_idx %arg10[%add3A_1800, %broadcast_in_dim3A_1852] : memref<128x16xf32, #tpu.memory_space<vmem>>[vector<16xi32>, vector<16xi32>], vector<16xf32>,
      %gather3A_1854 = tpu.vector_load_idx %arg11[%add3A_1800, %broadcast_in_dim3A_1852] : memref<128x16xf32, #tpu.memory_space<vmem>>[vector<16xi32>, vector<16xi32>], vector<16xf32>,
      %mul3A_1855 = arith.mulf %gather3A_1853, %gather3A_1854 : vector<16xf32>
      %add3A_1856 = arith.addf %add3A_1850, %mul3A_1855 : vector<16xf32>
      %broadcast_in_dim3A_1857 = arith.constant 9 : i32
      %broadcast_in_dim3A_1858 = vector.broadcast %broadcast_in_dim3A_1857 : i32 to vector<16xi32>
      %gather3A_1859 = tpu.vector_load_idx %arg10[%add3A_1800, %broadcast_in_dim3A_1858] : memref<128x16xf32, #tpu.memory_space<vmem>>[vector<16xi32>, vector<16xi32>], vector<16xf32>,
      %gather3A_1860 = tpu.vector_load_idx %arg11[%add3A_1800, %broadcast_in_dim3A_1858] : memref<128x16xf32, #tpu.memory_space<vmem>>[vector<16xi32>, vector<16xi32>], vector<16xf32>,
      %mul3A_1861 = arith.mulf %gather3A_1859, %gather3A_1860 : vector<16xf32>
      %add3A_1862 = arith.addf %add3A_1856, %mul3A_1861 : vector<16xf32>
      %broadcast_in_dim3A_1863 = arith.constant 10 : i32
      %broadcast_in_dim3A_1864 = vector.broadcast %broadcast_in_dim3A_1863 : i32 to vector<16xi32>
      %gather3A_1865 = tpu.vector_load_idx %arg10[%add3A_1800, %broadcast_in_dim3A_1864] : memref<128x16xf32, #tpu.memory_space<vmem>>[vector<16xi32>, vector<16xi32>], vector<16xf32>,
      %gather3A_1866 = tpu.vector_load_idx %arg11[%add3A_1800, %broadcast_in_dim3A_1864] : memref<128x16xf32, #tpu.memory_space<vmem>>[vector<16xi32>, vector<16xi32>], vector<16xf32>,
      %mul3A_1867 = arith.mulf %gather3A_1865, %gather3A_1866 : vector<16xf32>
      %add3A_1868 = arith.addf %add3A_1862, %mul3A_1867 : vector<16xf32>
      %broadcast_in_dim3A_1869 = arith.constant 11 : i32
      %broadcast_in_dim3A_1870 = vector.broadcast %broadcast_in_dim3A_1869 : i32 to vector<16xi32>
      %gather3A_1871 = tpu.vector_load_idx %arg10[%add3A_1800, %broadcast_in_dim3A_1870] : memref<128x16xf32, #tpu.memory_space<vmem>>[vector<16xi32>, vector<16xi32>], vector<16xf32>,
      %gather3A_1872 = tpu.vector_load_idx %arg11[%add3A_1800, %broadcast_in_dim3A_1870] : memref<128x16xf32, #tpu.memory_space<vmem>>[vector<16xi32>, vector<16xi32>], vector<16xf32>,
      %mul3A_1873 = arith.mulf %gather3A_1871, %gather3A_1872 : vector<16xf32>
      %add3A_1874 = arith.addf %add3A_1868, %mul3A_1873 : vector<16xf32>
      %broadcast_in_dim3A_1875 = arith.constant 12 : i32
      %broadcast_in_dim3A_1876 = vector.broadcast %broadcast_in_dim3A_1875 : i32 to vector<16xi32>
      %gather3A_1877 = tpu.vector_load_idx %arg10[%add3A_1800, %broadcast_in_dim3A_1876] : memref<128x16xf32, #tpu.memory_space<vmem>>[vector<16xi32>, vector<16xi32>], vector<16xf32>,
      %gather3A_1878 = tpu.vector_load_idx %arg11[%add3A_1800, %broadcast_in_dim3A_1876] : memref<128x16xf32, #tpu.memory_space<vmem>>[vector<16xi32>, vector<16xi32>], vector<16xf32>,
      %mul3A_1879 = arith.mulf %gather3A_1877, %gather3A_1878 : vector<16xf32>
      %add3A_1880 = arith.addf %add3A_1874, %mul3A_1879 : vector<16xf32>
      %broadcast_in_dim3A_1881 = arith.constant 13 : i32
      %broadcast_in_dim3A_1882 = vector.broadcast %broadcast_in_dim3A_1881 : i32 to vector<16xi32>
      %gather3A_1883 = tpu.vector_load_idx %arg10[%add3A_1800, %broadcast_in_dim3A_1882] : memref<128x16xf32, #tpu.memory_space<vmem>>[vector<16xi32>, vector<16xi32>], vector<16xf32>,
      %gather3A_1884 = tpu.vector_load_idx %arg11[%add3A_1800, %broadcast_in_dim3A_1882] : memref<128x16xf32, #tpu.memory_space<vmem>>[vector<16xi32>, vector<16xi32>], vector<16xf32>,
      %mul3A_1885 = arith.mulf %gather3A_1883, %gather3A_1884 : vector<16xf32>
      %add3A_1886 = arith.addf %add3A_1880, %mul3A_1885 : vector<16xf32>
      %broadcast_in_dim3A_1887 = arith.constant 14 : i32
      %broadcast_in_dim3A_1888 = vector.broadcast %broadcast_in_dim3A_1887 : i32 to vector<16xi32>
      %gather3A_1889 = tpu.vector_load_idx %arg10[%add3A_1800, %broadcast_in_dim3A_1888] : memref<128x16xf32, #tpu.memory_space<vmem>>[vector<16xi32>, vector<16xi32>], vector<16xf32>,
      %gather3A_1890 = tpu.vector_load_idx %arg11[%add3A_1800, %broadcast_in_dim3A_1888] : memref<128x16xf32, #tpu.memory_space<vmem>>[vector<16xi32>, vector<16xi32>], vector<16xf32>,
      %mul3A_1891 = arith.mulf %gather3A_1889, %gather3A_1890 : vector<16xf32>
      %add3A_1892 = arith.addf %add3A_1886, %mul3A_1891 : vector<16xf32>
      %broadcast_in_dim3A_1893 = arith.constant 15 : i32
      %broadcast_in_dim3A_1894 = vector.broadcast %broadcast_in_dim3A_1893 : i32 to vector<16xi32>
      %gather3A_1895 = tpu.vector_load_idx %arg10[%add3A_1800, %broadcast_in_dim3A_1894] : memref<128x16xf32, #tpu.memory_space<vmem>>[vector<16xi32>, vector<16xi32>], vector<16xf32>,
      %gather3A_1896 = tpu.vector_load_idx %arg11[%add3A_1800, %broadcast_in_dim3A_1894] : memref<128x16xf32, #tpu.memory_space<vmem>>[vector<16xi32>, vector<16xi32>], vector<16xf32>,
      %mul3A_1897 = arith.mulf %gather3A_1895, %gather3A_1896 : vector<16xf32>
      %add3A_1898 = arith.addf %add3A_1892, %mul3A_1897 : vector<16xf32>
      %neg3A_1899 = arith.constant 0.000000e+00 : f32
      %neg3A_1900 = vector.broadcast %neg3A_1899 : f32 to vector<16xf32>
      %neg3A_1901 = arith.subf %neg3A_1900, %add3A_1898 : vector<16xf32>
      %exp3A_1902 = math.exp %neg3A_1901 : vector<16xf32>
      %add3A_1903 = arith.constant 1.000000e+00 : f32
      %add3A_1904 = vector.broadcast %add3A_1903 : f32 to vector<16xf32>
      %add3A_1905 = arith.addf %add3A_1904, %exp3A_1902 : vector<16xf32>
      %div3A_1906 = arith.constant 1.000000e+00 : f32
      %div3A_1907 = vector.broadcast %div3A_1906 : f32 to vector<16xf32>
      %div3A_1908 = arith.divf %div3A_1907, %add3A_1905 : vector<16xf32>
      %swap3A_1909 = arith.constant 112 : index
      %swap3A_1910 = tpu.vector_load %arg13[%swap3A_1909] {strides = array<i32>} : memref<128xf32, #tpu.memory_space<vmem>>, vector<16xf32>,
      tpu.vector_store %arg13[%swap3A_1909], %div3A_1908 {strides = array<i32>} : memref<128xf32, #tpu.memory_space<vmem>>, vector<16xf32>,
      %dma_start3A_1911 = tpu.memref_slice %arg5[%add3A_981] : memref<327680xf32, #tpu.memory_space<hbm>> -> memref<128xf32, #tpu.memory_space<hbm>>
      %dma_start3A_1912 = tpu.memref_slice %arg5[%add3A_981] : memref<327680xf32, #tpu.memory_space<hbm>> -> memref<128xf32, #tpu.memory_space<hbm>>
      tpu.enqueue_dma source(%arg13 : memref<128xf32, #tpu.memory_space<vmem>>) target(%dma_start3A_1912 : memref<128xf32, #tpu.memory_space<hbm>>) target_semaphore(%arg19 : memref<!tpu.dma_semaphore, #tpu.memory_space<semaphore_mem>>)
      %add3A_1913 = arith.constant 2 : i32
      %add3A_1914 = arith.addi %add3A_44, %add3A_1913 : i32
      %lt3A_1915 = arith.constant 80 : i32
      %lt3A_1916 = arith.cmpi slt, %add3A_1914, %lt3A_1915 : i32
      %convert_element_type3A_1917 = arith.extui %lt3A_1916 : i1 to i32
      %cond3A_1918 = arith.constant 0 : i32
      %cond3A_1919 = arith.cmpi ne, %convert_element_type3A_1917, %cond3A_1918 : i32
      scf.if %cond3A_1919 {
        %add3A_1920 = arith.constant 2 : i32
        %add3A_1921 = arith.addi %add3A_44, %add3A_1920 : i32
        %dma_start3A_1922 = arith.constant 0 : i32
        %dma_start3A_1923 = tpu.memref_slice %arg6[%add3A_1921, %dma_start3A_1922] : memref<80x128xi32, #tpu.memory_space<vmem>> -> memref<1x128xi32, #tpu.memory_space<vmem>>
        %dma_start3A_1924 = tpu.memref_squeeze %dma_start3A_1923 : memref<1x128xi32, #tpu.memory_space<vmem>> -> memref<128xi32, #tpu.memory_space<vmem>>
        %dma_start3A_1925 = arith.constant 0 : i32
        %dma_start3A_1926 = arith.constant 0 : i32
        %dma_start3A_1927 = tpu.memref_slice %arg2[%dma_start3A_1925, %dma_start3A_1926] : memref<10240x16xf32, #tpu.memory_space<hbm>> -> memref<10240x16xf32, #tpu.memory_space<hbm>>
        tpu.enqueue_indirect_dma source(%dma_start3A_1927 : memref<10240x16xf32, #tpu.memory_space<hbm>>) target(%arg10 : memref<128x16xf32, #tpu.memory_space<vmem>>) offsets(%dma_start3A_1924 : memref<128xi32, #tpu.memory_space<vmem>>) semaphore(%arg16 : memref<!tpu.dma_semaphore, #tpu.memory_space<semaphore_mem>>)
        %add3A_1928 = arith.constant 2 : i32
        %add3A_1929 = arith.addi %add3A_44, %add3A_1928 : i32
        %dma_start3A_1930 = arith.constant 0 : i32
        %dma_start3A_1931 = tpu.memref_slice %arg7[%add3A_1929, %dma_start3A_1930] : memref<80x128xi32, #tpu.memory_space<vmem>> -> memref<1x128xi32, #tpu.memory_space<vmem>>
        %dma_start3A_1932 = tpu.memref_squeeze %dma_start3A_1931 : memref<1x128xi32, #tpu.memory_space<vmem>> -> memref<128xi32, #tpu.memory_space<vmem>>
        %dma_start3A_1933 = arith.constant 0 : i32
        %dma_start3A_1934 = arith.constant 0 : i32
        %dma_start3A_1935 = tpu.memref_slice %arg2[%dma_start3A_1933, %dma_start3A_1934] : memref<10240x16xf32, #tpu.memory_space<hbm>> -> memref<10240x16xf32, #tpu.memory_space<hbm>>
        tpu.enqueue_indirect_dma source(%dma_start3A_1935 : memref<10240x16xf32, #tpu.memory_space<hbm>>) target(%arg11 : memref<128x16xf32, #tpu.memory_space<vmem>>) offsets(%dma_start3A_1932 : memref<128xi32, #tpu.memory_space<vmem>>) semaphore(%arg17 : memref<!tpu.dma_semaphore, #tpu.memory_space<semaphore_mem>>)
      } else {
      }
    }
    %scan3A_32 = arith.constant 40 : i32
    %mul3A_33 = arith.constant 10240 : i32
    %mul3A_34 = arith.muli %add3A, %mul3A_33 : i32
    %dma_wait3A = tpu.memref_slice %arg5[%mul3A_34] : memref<327680xf32, #tpu.memory_space<hbm>> -> memref<128xf32, #tpu.memory_space<hbm>>
    %dma_wait3A_35 = tpu.memref_slice %arg5[%mul3A_34] : memref<327680xf32, #tpu.memory_space<hbm>> -> memref<128xf32, #tpu.memory_space<hbm>>
    tpu.wait_dma2 semaphore(%arg18 : memref<!tpu.dma_semaphore, #tpu.memory_space<semaphore_mem>>) src(%arg12 : memref<128xf32, #tpu.memory_space<vmem>>) dst(%dma_wait3A_35 : memref<128xf32, #tpu.memory_space<hbm>>)
    %mul3A_36 = arith.constant 10240 : i32
    %mul3A_37 = arith.muli %add3A, %mul3A_36 : i32
    %dma_wait3A_38 = tpu.memref_slice %arg5[%mul3A_37] : memref<327680xf32, #tpu.memory_space<hbm>> -> memref<128xf32, #tpu.memory_space<hbm>>
    %dma_wait3A_39 = tpu.memref_slice %arg5[%mul3A_37] : memref<327680xf32, #tpu.memory_space<hbm>> -> memref<128xf32, #tpu.memory_space<hbm>>
    tpu.wait_dma2 semaphore(%arg19 : memref<!tpu.dma_semaphore, #tpu.memory_space<semaphore_mem>>) src(%arg13 : memref<128xf32, #tpu.memory_space<vmem>>) dst(%dma_wait3A_39 : memref<128xf32, #tpu.memory_space<hbm>>)
    return
  }
}

#map = affine_map<(d0, d1) -> (0, 0)>
#map1 = affine_map<(d0, d1) -> (0, 0, 0)>
module attributes {stable_mosaic.version = 14 : i64} {
  func.func @_scatter_kernel(%arg0: i32, %arg1: i32, %arg2: memref<10240x16xf32, #tpu.memory_space<hbm>>, %arg3: memref<32x80x128xi32, #tpu.memory_space<hbm>>, %arg4: memref<32x80x128xi32, #tpu.memory_space<hbm>>, %arg5: memref<2x10240x16xf32, #tpu.memory_space<hbm>>, %arg6: memref<10240x16xf32, #tpu.memory_space<vmem_shared>>, %arg7: memref<80x128xi32, #tpu.memory_space<vmem>>, %arg8: memref<80x128xi32, #tpu.memory_space<vmem>>, %arg9: memref<128x16xf32, #tpu.memory_space<vmem>>, %arg10: memref<128x16xf32, #tpu.memory_space<vmem>>, %arg11: memref<!tpu.dma_semaphore, #tpu.memory_space<semaphore_mem>>, %arg12: memref<!tpu.dma_semaphore, #tpu.memory_space<semaphore_mem>>) attributes {dimension_semantics = [#tpu.dimension_semantics<core_parallel>, #tpu.dimension_semantics<subcore_parallel>], iteration_bounds = array<i64: 2, 16>, scalar_prefetch = 0 : i64, scratch_operands = 7 : i64, tpu.core_type = #tpu.core_type<sc_vector_subcore>, window_params = [{transform_indices = #map}, {transform_indices = #map1}, {transform_indices = #map1}, {transform_indices = #map1}]} {
    %mul3A = arith.constant 2 : i32
    %mul3A_0 = arith.muli %arg1, %mul3A : i32
    %add3A = arith.addi %mul3A_0, %arg0 : i32
    "tpu.region"() ({
      %run_scoped3A = tpu.sem_alloc : memref<!tpu.dma_semaphore, #tpu.memory_space<semaphore_mem>>
      %dma_start3A_50 = arith.constant 0 : i32
      %dma_start3A_51 = arith.constant 0 : i32
      %dma_start3A_52 = tpu.memref_slice %arg3[%add3A, %dma_start3A_50, %dma_start3A_51] : memref<32x80x128xi32, #tpu.memory_space<hbm>> -> memref<1x80x128xi32, #tpu.memory_space<hbm>>
      %dma_start3A_53 = tpu.memref_squeeze %dma_start3A_52 : memref<1x80x128xi32, #tpu.memory_space<hbm>> -> memref<80x128xi32, #tpu.memory_space<hbm>>
      %dma_start3A_54 = arith.constant 0 : i32
      %dma_start3A_55 = arith.constant 0 : i32
      %dma_start3A_56 = tpu.memref_slice %arg3[%add3A, %dma_start3A_54, %dma_start3A_55] : memref<32x80x128xi32, #tpu.memory_space<hbm>> -> memref<1x80x128xi32, #tpu.memory_space<hbm>>
      %dma_start3A_57 = tpu.memref_squeeze %dma_start3A_56 : memref<1x80x128xi32, #tpu.memory_space<hbm>> -> memref<80x128xi32, #tpu.memory_space<hbm>>
      tpu.enqueue_dma source(%dma_start3A_57 : memref<80x128xi32, #tpu.memory_space<hbm>>) target(%arg7 : memref<80x128xi32, #tpu.memory_space<vmem>>) target_semaphore(%run_scoped3A : memref<!tpu.dma_semaphore, #tpu.memory_space<semaphore_mem>>)
      %dma_wait3A = arith.constant 0 : i32
      %dma_wait3A_58 = arith.constant 0 : i32
      %dma_wait3A_59 = tpu.memref_slice %arg3[%add3A, %dma_wait3A, %dma_wait3A_58] : memref<32x80x128xi32, #tpu.memory_space<hbm>> -> memref<1x80x128xi32, #tpu.memory_space<hbm>>
      %dma_wait3A_60 = tpu.memref_squeeze %dma_wait3A_59 : memref<1x80x128xi32, #tpu.memory_space<hbm>> -> memref<80x128xi32, #tpu.memory_space<hbm>>
      %dma_wait3A_61 = arith.constant 0 : i32
      %dma_wait3A_62 = arith.constant 0 : i32
      %dma_wait3A_63 = tpu.memref_slice %arg3[%add3A, %dma_wait3A_61, %dma_wait3A_62] : memref<32x80x128xi32, #tpu.memory_space<hbm>> -> memref<1x80x128xi32, #tpu.memory_space<hbm>>
      %dma_wait3A_64 = tpu.memref_squeeze %dma_wait3A_63 : memref<1x80x128xi32, #tpu.memory_space<hbm>> -> memref<80x128xi32, #tpu.memory_space<hbm>>
      tpu.wait_dma2 semaphore(%run_scoped3A : memref<!tpu.dma_semaphore, #tpu.memory_space<semaphore_mem>>) src(%dma_wait3A_64 : memref<80x128xi32, #tpu.memory_space<hbm>>) dst(%arg7 : memref<80x128xi32, #tpu.memory_space<vmem>>)
      tpu.yield
    }) : () -> ()
    "tpu.region"() ({
      %run_scoped3A = tpu.sem_alloc : memref<!tpu.dma_semaphore, #tpu.memory_space<semaphore_mem>>
      %dma_start3A_50 = arith.constant 0 : i32
      %dma_start3A_51 = arith.constant 0 : i32
      %dma_start3A_52 = tpu.memref_slice %arg4[%add3A, %dma_start3A_50, %dma_start3A_51] : memref<32x80x128xi32, #tpu.memory_space<hbm>> -> memref<1x80x128xi32, #tpu.memory_space<hbm>>
      %dma_start3A_53 = tpu.memref_squeeze %dma_start3A_52 : memref<1x80x128xi32, #tpu.memory_space<hbm>> -> memref<80x128xi32, #tpu.memory_space<hbm>>
      %dma_start3A_54 = arith.constant 0 : i32
      %dma_start3A_55 = arith.constant 0 : i32
      %dma_start3A_56 = tpu.memref_slice %arg4[%add3A, %dma_start3A_54, %dma_start3A_55] : memref<32x80x128xi32, #tpu.memory_space<hbm>> -> memref<1x80x128xi32, #tpu.memory_space<hbm>>
      %dma_start3A_57 = tpu.memref_squeeze %dma_start3A_56 : memref<1x80x128xi32, #tpu.memory_space<hbm>> -> memref<80x128xi32, #tpu.memory_space<hbm>>
      tpu.enqueue_dma source(%dma_start3A_57 : memref<80x128xi32, #tpu.memory_space<hbm>>) target(%arg8 : memref<80x128xi32, #tpu.memory_space<vmem>>) target_semaphore(%run_scoped3A : memref<!tpu.dma_semaphore, #tpu.memory_space<semaphore_mem>>)
      %dma_wait3A = arith.constant 0 : i32
      %dma_wait3A_58 = arith.constant 0 : i32
      %dma_wait3A_59 = tpu.memref_slice %arg4[%add3A, %dma_wait3A, %dma_wait3A_58] : memref<32x80x128xi32, #tpu.memory_space<hbm>> -> memref<1x80x128xi32, #tpu.memory_space<hbm>>
      %dma_wait3A_60 = tpu.memref_squeeze %dma_wait3A_59 : memref<1x80x128xi32, #tpu.memory_space<hbm>> -> memref<80x128xi32, #tpu.memory_space<hbm>>
      %dma_wait3A_61 = arith.constant 0 : i32
      %dma_wait3A_62 = arith.constant 0 : i32
      %dma_wait3A_63 = tpu.memref_slice %arg4[%add3A, %dma_wait3A_61, %dma_wait3A_62] : memref<32x80x128xi32, #tpu.memory_space<hbm>> -> memref<1x80x128xi32, #tpu.memory_space<hbm>>
      %dma_wait3A_64 = tpu.memref_squeeze %dma_wait3A_63 : memref<1x80x128xi32, #tpu.memory_space<hbm>> -> memref<80x128xi32, #tpu.memory_space<hbm>>
      tpu.wait_dma2 semaphore(%run_scoped3A : memref<!tpu.dma_semaphore, #tpu.memory_space<semaphore_mem>>) src(%dma_wait3A_64 : memref<80x128xi32, #tpu.memory_space<hbm>>) dst(%arg8 : memref<80x128xi32, #tpu.memory_space<vmem>>)
      tpu.yield
    }) : () -> ()
    %scan3A = arith.constant 0 : i32
    %scan3A_1 = arith.constant 0 : i32
    %scan3A_2 = arith.constant 128 : i32
    %scan3A_3 = arith.addi %scan3A_1, %scan3A_2 : i32
    %scan3A_4 = arith.constant 1 : i32
    scf.for %scan3A_50 = %scan3A_1 to %scan3A_3 step %scan3A_4  : i32 {
      %broadcast_in_dim3A = arith.constant 0.000000e+00 : f32
      %broadcast_in_dim3A_51 = vector.broadcast %broadcast_in_dim3A : f32 to vector<16xf32>
      %swap3A = arith.index_cast %scan3A_50 : i32 to index
      %swap3A_52 = arith.constant 0 : index
      %swap3A_53 = tpu.vector_load %arg9[%swap3A, %swap3A_52] {strides = array<i32>} : memref<128x16xf32, #tpu.memory_space<vmem>>, vector<16xf32>,
      tpu.vector_store %arg9[%swap3A, %swap3A_52], %broadcast_in_dim3A_51 {strides = array<i32>} : memref<128x16xf32, #tpu.memory_space<vmem>>, vector<16xf32>,
    }
    %scan3A_5 = arith.constant 128 : i32
    %mul3A_6 = arith.constant 640 : i32
    %mul3A_7 = arith.muli %arg1, %mul3A_6 : i32
    %add3A_8 = arith.constant 0 : i32
    %add3A_9 = arith.addi %mul3A_7, %add3A_8 : i32
    "tpu.region"() ({
      %run_scoped3A = tpu.sem_alloc : memref<!tpu.dma_semaphore, #tpu.memory_space<semaphore_mem>>
      %dma_start3A_50 = arith.constant 0 : i32
      %dma_start3A_51 = tpu.memref_slice %arg6[%add3A_9, %dma_start3A_50] : memref<10240x16xf32, #tpu.memory_space<vmem_shared>> -> memref<128x16xf32, #tpu.memory_space<vmem_shared>>
      %dma_start3A_52 = arith.constant 0 : i32
      %dma_start3A_53 = tpu.memref_slice %arg6[%add3A_9, %dma_start3A_52] : memref<10240x16xf32, #tpu.memory_space<vmem_shared>> -> memref<128x16xf32, #tpu.memory_space<vmem_shared>>
      tpu.enqueue_dma source(%arg9 : memref<128x16xf32, #tpu.memory_space<vmem>>) target(%dma_start3A_53 : memref<128x16xf32, #tpu.memory_space<vmem_shared>>) target_semaphore(%run_scoped3A : memref<!tpu.dma_semaphore, #tpu.memory_space<semaphore_mem>>)
      %dma_wait3A = arith.constant 0 : i32
      %dma_wait3A_54 = tpu.memref_slice %arg6[%add3A_9, %dma_wait3A] : memref<10240x16xf32, #tpu.memory_space<vmem_shared>> -> memref<128x16xf32, #tpu.memory_space<vmem_shared>>
      %dma_wait3A_55 = arith.constant 0 : i32
      %dma_wait3A_56 = tpu.memref_slice %arg6[%add3A_9, %dma_wait3A_55] : memref<10240x16xf32, #tpu.memory_space<vmem_shared>> -> memref<128x16xf32, #tpu.memory_space<vmem_shared>>
      tpu.wait_dma2 semaphore(%run_scoped3A : memref<!tpu.dma_semaphore, #tpu.memory_space<semaphore_mem>>) src(%arg9 : memref<128x16xf32, #tpu.memory_space<vmem>>) dst(%dma_wait3A_56 : memref<128x16xf32, #tpu.memory_space<vmem_shared>>)
      tpu.yield
    }) : () -> ()
    %mul3A_10 = arith.constant 640 : i32
    %mul3A_11 = arith.muli %arg1, %mul3A_10 : i32
    %add3A_12 = arith.constant 128 : i32
    %add3A_13 = arith.addi %mul3A_11, %add3A_12 : i32
    "tpu.region"() ({
      %run_scoped3A = tpu.sem_alloc : memref<!tpu.dma_semaphore, #tpu.memory_space<semaphore_mem>>
      %dma_start3A_50 = arith.constant 0 : i32
      %dma_start3A_51 = tpu.memref_slice %arg6[%add3A_13, %dma_start3A_50] : memref<10240x16xf32, #tpu.memory_space<vmem_shared>> -> memref<128x16xf32, #tpu.memory_space<vmem_shared>>
      %dma_start3A_52 = arith.constant 0 : i32
      %dma_start3A_53 = tpu.memref_slice %arg6[%add3A_13, %dma_start3A_52] : memref<10240x16xf32, #tpu.memory_space<vmem_shared>> -> memref<128x16xf32, #tpu.memory_space<vmem_shared>>
      tpu.enqueue_dma source(%arg9 : memref<128x16xf32, #tpu.memory_space<vmem>>) target(%dma_start3A_53 : memref<128x16xf32, #tpu.memory_space<vmem_shared>>) target_semaphore(%run_scoped3A : memref<!tpu.dma_semaphore, #tpu.memory_space<semaphore_mem>>)
      %dma_wait3A = arith.constant 0 : i32
      %dma_wait3A_54 = tpu.memref_slice %arg6[%add3A_13, %dma_wait3A] : memref<10240x16xf32, #tpu.memory_space<vmem_shared>> -> memref<128x16xf32, #tpu.memory_space<vmem_shared>>
      %dma_wait3A_55 = arith.constant 0 : i32
      %dma_wait3A_56 = tpu.memref_slice %arg6[%add3A_13, %dma_wait3A_55] : memref<10240x16xf32, #tpu.memory_space<vmem_shared>> -> memref<128x16xf32, #tpu.memory_space<vmem_shared>>
      tpu.wait_dma2 semaphore(%run_scoped3A : memref<!tpu.dma_semaphore, #tpu.memory_space<semaphore_mem>>) src(%arg9 : memref<128x16xf32, #tpu.memory_space<vmem>>) dst(%dma_wait3A_56 : memref<128x16xf32, #tpu.memory_space<vmem_shared>>)
      tpu.yield
    }) : () -> ()
    %mul3A_14 = arith.constant 640 : i32
    %mul3A_15 = arith.muli %arg1, %mul3A_14 : i32
    %add3A_16 = arith.constant 256 : i32
    %add3A_17 = arith.addi %mul3A_15, %add3A_16 : i32
    "tpu.region"() ({
      %run_scoped3A = tpu.sem_alloc : memref<!tpu.dma_semaphore, #tpu.memory_space<semaphore_mem>>
      %dma_start3A_50 = arith.constant 0 : i32
      %dma_start3A_51 = tpu.memref_slice %arg6[%add3A_17, %dma_start3A_50] : memref<10240x16xf32, #tpu.memory_space<vmem_shared>> -> memref<128x16xf32, #tpu.memory_space<vmem_shared>>
      %dma_start3A_52 = arith.constant 0 : i32
      %dma_start3A_53 = tpu.memref_slice %arg6[%add3A_17, %dma_start3A_52] : memref<10240x16xf32, #tpu.memory_space<vmem_shared>> -> memref<128x16xf32, #tpu.memory_space<vmem_shared>>
      tpu.enqueue_dma source(%arg9 : memref<128x16xf32, #tpu.memory_space<vmem>>) target(%dma_start3A_53 : memref<128x16xf32, #tpu.memory_space<vmem_shared>>) target_semaphore(%run_scoped3A : memref<!tpu.dma_semaphore, #tpu.memory_space<semaphore_mem>>)
      %dma_wait3A = arith.constant 0 : i32
      %dma_wait3A_54 = tpu.memref_slice %arg6[%add3A_17, %dma_wait3A] : memref<10240x16xf32, #tpu.memory_space<vmem_shared>> -> memref<128x16xf32, #tpu.memory_space<vmem_shared>>
      %dma_wait3A_55 = arith.constant 0 : i32
      %dma_wait3A_56 = tpu.memref_slice %arg6[%add3A_17, %dma_wait3A_55] : memref<10240x16xf32, #tpu.memory_space<vmem_shared>> -> memref<128x16xf32, #tpu.memory_space<vmem_shared>>
      tpu.wait_dma2 semaphore(%run_scoped3A : memref<!tpu.dma_semaphore, #tpu.memory_space<semaphore_mem>>) src(%arg9 : memref<128x16xf32, #tpu.memory_space<vmem>>) dst(%dma_wait3A_56 : memref<128x16xf32, #tpu.memory_space<vmem_shared>>)
      tpu.yield
    }) : () -> ()
    %mul3A_18 = arith.constant 640 : i32
    %mul3A_19 = arith.muli %arg1, %mul3A_18 : i32
    %add3A_20 = arith.constant 384 : i32
    %add3A_21 = arith.addi %mul3A_19, %add3A_20 : i32
    "tpu.region"() ({
      %run_scoped3A = tpu.sem_alloc : memref<!tpu.dma_semaphore, #tpu.memory_space<semaphore_mem>>
      %dma_start3A_50 = arith.constant 0 : i32
      %dma_start3A_51 = tpu.memref_slice %arg6[%add3A_21, %dma_start3A_50] : memref<10240x16xf32, #tpu.memory_space<vmem_shared>> -> memref<128x16xf32, #tpu.memory_space<vmem_shared>>
      %dma_start3A_52 = arith.constant 0 : i32
      %dma_start3A_53 = tpu.memref_slice %arg6[%add3A_21, %dma_start3A_52] : memref<10240x16xf32, #tpu.memory_space<vmem_shared>> -> memref<128x16xf32, #tpu.memory_space<vmem_shared>>
      tpu.enqueue_dma source(%arg9 : memref<128x16xf32, #tpu.memory_space<vmem>>) target(%dma_start3A_53 : memref<128x16xf32, #tpu.memory_space<vmem_shared>>) target_semaphore(%run_scoped3A : memref<!tpu.dma_semaphore, #tpu.memory_space<semaphore_mem>>)
      %dma_wait3A = arith.constant 0 : i32
      %dma_wait3A_54 = tpu.memref_slice %arg6[%add3A_21, %dma_wait3A] : memref<10240x16xf32, #tpu.memory_space<vmem_shared>> -> memref<128x16xf32, #tpu.memory_space<vmem_shared>>
      %dma_wait3A_55 = arith.constant 0 : i32
      %dma_wait3A_56 = tpu.memref_slice %arg6[%add3A_21, %dma_wait3A_55] : memref<10240x16xf32, #tpu.memory_space<vmem_shared>> -> memref<128x16xf32, #tpu.memory_space<vmem_shared>>
      tpu.wait_dma2 semaphore(%run_scoped3A : memref<!tpu.dma_semaphore, #tpu.memory_space<semaphore_mem>>) src(%arg9 : memref<128x16xf32, #tpu.memory_space<vmem>>) dst(%dma_wait3A_56 : memref<128x16xf32, #tpu.memory_space<vmem_shared>>)
      tpu.yield
    }) : () -> ()
    %mul3A_22 = arith.constant 640 : i32
    %mul3A_23 = arith.muli %arg1, %mul3A_22 : i32
    %add3A_24 = arith.constant 512 : i32
    %add3A_25 = arith.addi %mul3A_23, %add3A_24 : i32
    "tpu.region"() ({
      %run_scoped3A = tpu.sem_alloc : memref<!tpu.dma_semaphore, #tpu.memory_space<semaphore_mem>>
      %dma_start3A_50 = arith.constant 0 : i32
      %dma_start3A_51 = tpu.memref_slice %arg6[%add3A_25, %dma_start3A_50] : memref<10240x16xf32, #tpu.memory_space<vmem_shared>> -> memref<128x16xf32, #tpu.memory_space<vmem_shared>>
      %dma_start3A_52 = arith.constant 0 : i32
      %dma_start3A_53 = tpu.memref_slice %arg6[%add3A_25, %dma_start3A_52] : memref<10240x16xf32, #tpu.memory_space<vmem_shared>> -> memref<128x16xf32, #tpu.memory_space<vmem_shared>>
      tpu.enqueue_dma source(%arg9 : memref<128x16xf32, #tpu.memory_space<vmem>>) target(%dma_start3A_53 : memref<128x16xf32, #tpu.memory_space<vmem_shared>>) target_semaphore(%run_scoped3A : memref<!tpu.dma_semaphore, #tpu.memory_space<semaphore_mem>>)
      %dma_wait3A = arith.constant 0 : i32
      %dma_wait3A_54 = tpu.memref_slice %arg6[%add3A_25, %dma_wait3A] : memref<10240x16xf32, #tpu.memory_space<vmem_shared>> -> memref<128x16xf32, #tpu.memory_space<vmem_shared>>
      %dma_wait3A_55 = arith.constant 0 : i32
      %dma_wait3A_56 = tpu.memref_slice %arg6[%add3A_25, %dma_wait3A_55] : memref<10240x16xf32, #tpu.memory_space<vmem_shared>> -> memref<128x16xf32, #tpu.memory_space<vmem_shared>>
      tpu.wait_dma2 semaphore(%run_scoped3A : memref<!tpu.dma_semaphore, #tpu.memory_space<semaphore_mem>>) src(%arg9 : memref<128x16xf32, #tpu.memory_space<vmem>>) dst(%dma_wait3A_56 : memref<128x16xf32, #tpu.memory_space<vmem_shared>>)
      tpu.yield
    }) : () -> ()
    %barrier3A = arith.constant 0 : index
    tpu.barrier barrier_id(%barrier3A)
    %dma_start3A = arith.constant 0 : i32
    %dma_start3A_26 = arith.constant 0 : i32
    %dma_start3A_27 = tpu.memref_slice %arg7[%dma_start3A, %dma_start3A_26] : memref<80x128xi32, #tpu.memory_space<vmem>> -> memref<1x128xi32, #tpu.memory_space<vmem>>
    %dma_start3A_28 = tpu.memref_squeeze %dma_start3A_27 : memref<1x128xi32, #tpu.memory_space<vmem>> -> memref<128xi32, #tpu.memory_space<vmem>>
    %dma_start3A_29 = arith.constant 0 : i32
    %dma_start3A_30 = arith.constant 0 : i32
    %dma_start3A_31 = tpu.memref_slice %arg2[%dma_start3A_29, %dma_start3A_30] : memref<10240x16xf32, #tpu.memory_space<hbm>> -> memref<10240x16xf32, #tpu.memory_space<hbm>>
    tpu.enqueue_indirect_dma source(%dma_start3A_31 : memref<10240x16xf32, #tpu.memory_space<hbm>>) target(%arg9 : memref<128x16xf32, #tpu.memory_space<vmem>>) offsets(%dma_start3A_28 : memref<128xi32, #tpu.memory_space<vmem>>) semaphore(%arg11 : memref<!tpu.dma_semaphore, #tpu.memory_space<semaphore_mem>>)
    %dma_start3A_32 = arith.constant 1 : i32
    %dma_start3A_33 = arith.constant 0 : i32
    %dma_start3A_34 = tpu.memref_slice %arg7[%dma_start3A_32, %dma_start3A_33] : memref<80x128xi32, #tpu.memory_space<vmem>> -> memref<1x128xi32, #tpu.memory_space<vmem>>
    %dma_start3A_35 = tpu.memref_squeeze %dma_start3A_34 : memref<1x128xi32, #tpu.memory_space<vmem>> -> memref<128xi32, #tpu.memory_space<vmem>>
    %dma_start3A_36 = arith.constant 0 : i32
    %dma_start3A_37 = arith.constant 0 : i32
    %dma_start3A_38 = tpu.memref_slice %arg2[%dma_start3A_36, %dma_start3A_37] : memref<10240x16xf32, #tpu.memory_space<hbm>> -> memref<10240x16xf32, #tpu.memory_space<hbm>>
    tpu.enqueue_indirect_dma source(%dma_start3A_38 : memref<10240x16xf32, #tpu.memory_space<hbm>>) target(%arg10 : memref<128x16xf32, #tpu.memory_space<vmem>>) offsets(%dma_start3A_35 : memref<128xi32, #tpu.memory_space<vmem>>) semaphore(%arg12 : memref<!tpu.dma_semaphore, #tpu.memory_space<semaphore_mem>>)
    %scan3A_39 = arith.constant 0 : i32
    %scan3A_40 = arith.constant 0 : i32
    %scan3A_41 = arith.constant 40 : i32
    %scan3A_42 = arith.addi %scan3A_40, %scan3A_41 : i32
    %scan3A_43 = arith.constant 1 : i32
    scf.for %scan3A_50 = %scan3A_40 to %scan3A_42 step %scan3A_43  : i32 {
      %mul3A_51 = arith.constant 2 : i32
      %mul3A_52 = arith.muli %mul3A_51, %scan3A_50 : i32
      %add3A_53 = arith.constant 1 : i32
      %add3A_54 = arith.addi %mul3A_52, %add3A_53 : i32
      %dma_wait3A = arith.constant 0 : i32
      %dma_wait3A_55 = tpu.memref_slice %arg7[%mul3A_52, %dma_wait3A] : memref<80x128xi32, #tpu.memory_space<vmem>> -> memref<1x128xi32, #tpu.memory_space<vmem>>
      %dma_wait3A_56 = tpu.memref_squeeze %dma_wait3A_55 : memref<1x128xi32, #tpu.memory_space<vmem>> -> memref<128xi32, #tpu.memory_space<vmem>>
      %dma_wait3A_57 = arith.constant 0 : i32
      %dma_wait3A_58 = arith.constant 0 : i32
      %dma_wait3A_59 = tpu.memref_slice %arg2[%dma_wait3A_57, %dma_wait3A_58] : memref<10240x16xf32, #tpu.memory_space<hbm>> -> memref<10240x16xf32, #tpu.memory_space<hbm>>
      tpu.wait_indirect_dma semaphore(%arg11 : memref<!tpu.dma_semaphore, #tpu.memory_space<semaphore_mem>>) src(%dma_wait3A_59 : memref<10240x16xf32, #tpu.memory_space<hbm>>) dst(%arg9 : memref<128x16xf32, #tpu.memory_space<vmem>>)
      "tpu.region"() ({
        %run_scoped3A = tpu.sem_alloc : memref<!tpu.dma_semaphore, #tpu.memory_space<semaphore_mem>>
        %dma_start3A_77 = arith.constant 0 : i32
        %dma_start3A_78 = tpu.memref_slice %arg8[%mul3A_52, %dma_start3A_77] : memref<80x128xi32, #tpu.memory_space<vmem>> -> memref<1x128xi32, #tpu.memory_space<vmem>>
        %dma_start3A_79 = tpu.memref_squeeze %dma_start3A_78 : memref<1x128xi32, #tpu.memory_space<vmem>> -> memref<128xi32, #tpu.memory_space<vmem>>
        %dma_start3A_80 = arith.constant 0 : i32
        %dma_start3A_81 = arith.constant 0 : i32
        %dma_start3A_82 = tpu.memref_slice %arg6[%dma_start3A_80, %dma_start3A_81] : memref<10240x16xf32, #tpu.memory_space<vmem_shared>> -> memref<10240x16xf32, #tpu.memory_space<vmem_shared>>
        tpu.enqueue_indirect_dma source(%arg9 : memref<128x16xf32, #tpu.memory_space<vmem>>) target(%dma_start3A_82 : memref<10240x16xf32, #tpu.memory_space<vmem_shared>>) offsets(%dma_start3A_79 : memref<128xi32, #tpu.memory_space<vmem>>) semaphore(%run_scoped3A : memref<!tpu.dma_semaphore, #tpu.memory_space<semaphore_mem>>) {add = true}
        %dma_wait3A_83 = arith.constant 0 : i32
        %dma_wait3A_84 = tpu.memref_slice %arg8[%mul3A_52, %dma_wait3A_83] : memref<80x128xi32, #tpu.memory_space<vmem>> -> memref<1x128xi32, #tpu.memory_space<vmem>>
        %dma_wait3A_85 = tpu.memref_squeeze %dma_wait3A_84 : memref<1x128xi32, #tpu.memory_space<vmem>> -> memref<128xi32, #tpu.memory_space<vmem>>
        %dma_wait3A_86 = arith.constant 0 : i32
        %dma_wait3A_87 = arith.constant 0 : i32
        %dma_wait3A_88 = tpu.memref_slice %arg6[%dma_wait3A_86, %dma_wait3A_87] : memref<10240x16xf32, #tpu.memory_space<vmem_shared>> -> memref<10240x16xf32, #tpu.memory_space<vmem_shared>>
        tpu.wait_indirect_dma semaphore(%run_scoped3A : memref<!tpu.dma_semaphore, #tpu.memory_space<semaphore_mem>>) src(%arg9 : memref<128x16xf32, #tpu.memory_space<vmem>>) dst(%dma_wait3A_88 : memref<10240x16xf32, #tpu.memory_space<vmem_shared>>)
        tpu.yield
      }) : () -> ()
      %add3A_60 = arith.constant 2 : i32
      %add3A_61 = arith.addi %mul3A_52, %add3A_60 : i32
      %lt3A = arith.constant 80 : i32
      %lt3A_62 = arith.cmpi slt, %add3A_61, %lt3A : i32
      %convert_element_type3A = arith.extui %lt3A_62 : i1 to i32
      %cond3A = arith.constant 0 : i32
      %cond3A_63 = arith.cmpi ne, %convert_element_type3A, %cond3A : i32
      scf.if %cond3A_63 {
        %add3A_77 = arith.constant 2 : i32
        %add3A_78 = arith.addi %mul3A_52, %add3A_77 : i32
        %dma_start3A_79 = arith.constant 0 : i32
        %dma_start3A_80 = tpu.memref_slice %arg7[%add3A_78, %dma_start3A_79] : memref<80x128xi32, #tpu.memory_space<vmem>> -> memref<1x128xi32, #tpu.memory_space<vmem>>
        %dma_start3A_81 = tpu.memref_squeeze %dma_start3A_80 : memref<1x128xi32, #tpu.memory_space<vmem>> -> memref<128xi32, #tpu.memory_space<vmem>>
        %dma_start3A_82 = arith.constant 0 : i32
        %dma_start3A_83 = arith.constant 0 : i32
        %dma_start3A_84 = tpu.memref_slice %arg2[%dma_start3A_82, %dma_start3A_83] : memref<10240x16xf32, #tpu.memory_space<hbm>> -> memref<10240x16xf32, #tpu.memory_space<hbm>>
        tpu.enqueue_indirect_dma source(%dma_start3A_84 : memref<10240x16xf32, #tpu.memory_space<hbm>>) target(%arg9 : memref<128x16xf32, #tpu.memory_space<vmem>>) offsets(%dma_start3A_81 : memref<128xi32, #tpu.memory_space<vmem>>) semaphore(%arg11 : memref<!tpu.dma_semaphore, #tpu.memory_space<semaphore_mem>>)
      } else {
      }
      %dma_wait3A_64 = arith.constant 0 : i32
      %dma_wait3A_65 = tpu.memref_slice %arg7[%add3A_54, %dma_wait3A_64] : memref<80x128xi32, #tpu.memory_space<vmem>> -> memref<1x128xi32, #tpu.memory_space<vmem>>
      %dma_wait3A_66 = tpu.memref_squeeze %dma_wait3A_65 : memref<1x128xi32, #tpu.memory_space<vmem>> -> memref<128xi32, #tpu.memory_space<vmem>>
      %dma_wait3A_67 = arith.constant 0 : i32
      %dma_wait3A_68 = arith.constant 0 : i32
      %dma_wait3A_69 = tpu.memref_slice %arg2[%dma_wait3A_67, %dma_wait3A_68] : memref<10240x16xf32, #tpu.memory_space<hbm>> -> memref<10240x16xf32, #tpu.memory_space<hbm>>
      tpu.wait_indirect_dma semaphore(%arg12 : memref<!tpu.dma_semaphore, #tpu.memory_space<semaphore_mem>>) src(%dma_wait3A_69 : memref<10240x16xf32, #tpu.memory_space<hbm>>) dst(%arg10 : memref<128x16xf32, #tpu.memory_space<vmem>>)
      "tpu.region"() ({
        %run_scoped3A = tpu.sem_alloc : memref<!tpu.dma_semaphore, #tpu.memory_space<semaphore_mem>>
        %dma_start3A_77 = arith.constant 0 : i32
        %dma_start3A_78 = tpu.memref_slice %arg8[%add3A_54, %dma_start3A_77] : memref<80x128xi32, #tpu.memory_space<vmem>> -> memref<1x128xi32, #tpu.memory_space<vmem>>
        %dma_start3A_79 = tpu.memref_squeeze %dma_start3A_78 : memref<1x128xi32, #tpu.memory_space<vmem>> -> memref<128xi32, #tpu.memory_space<vmem>>
        %dma_start3A_80 = arith.constant 0 : i32
        %dma_start3A_81 = arith.constant 0 : i32
        %dma_start3A_82 = tpu.memref_slice %arg6[%dma_start3A_80, %dma_start3A_81] : memref<10240x16xf32, #tpu.memory_space<vmem_shared>> -> memref<10240x16xf32, #tpu.memory_space<vmem_shared>>
        tpu.enqueue_indirect_dma source(%arg10 : memref<128x16xf32, #tpu.memory_space<vmem>>) target(%dma_start3A_82 : memref<10240x16xf32, #tpu.memory_space<vmem_shared>>) offsets(%dma_start3A_79 : memref<128xi32, #tpu.memory_space<vmem>>) semaphore(%run_scoped3A : memref<!tpu.dma_semaphore, #tpu.memory_space<semaphore_mem>>) {add = true}
        %dma_wait3A_83 = arith.constant 0 : i32
        %dma_wait3A_84 = tpu.memref_slice %arg8[%add3A_54, %dma_wait3A_83] : memref<80x128xi32, #tpu.memory_space<vmem>> -> memref<1x128xi32, #tpu.memory_space<vmem>>
        %dma_wait3A_85 = tpu.memref_squeeze %dma_wait3A_84 : memref<1x128xi32, #tpu.memory_space<vmem>> -> memref<128xi32, #tpu.memory_space<vmem>>
        %dma_wait3A_86 = arith.constant 0 : i32
        %dma_wait3A_87 = arith.constant 0 : i32
        %dma_wait3A_88 = tpu.memref_slice %arg6[%dma_wait3A_86, %dma_wait3A_87] : memref<10240x16xf32, #tpu.memory_space<vmem_shared>> -> memref<10240x16xf32, #tpu.memory_space<vmem_shared>>
        tpu.wait_indirect_dma semaphore(%run_scoped3A : memref<!tpu.dma_semaphore, #tpu.memory_space<semaphore_mem>>) src(%arg10 : memref<128x16xf32, #tpu.memory_space<vmem>>) dst(%dma_wait3A_88 : memref<10240x16xf32, #tpu.memory_space<vmem_shared>>)
        tpu.yield
      }) : () -> ()
      %add3A_70 = arith.constant 2 : i32
      %add3A_71 = arith.addi %add3A_54, %add3A_70 : i32
      %lt3A_72 = arith.constant 80 : i32
      %lt3A_73 = arith.cmpi slt, %add3A_71, %lt3A_72 : i32
      %convert_element_type3A_74 = arith.extui %lt3A_73 : i1 to i32
      %cond3A_75 = arith.constant 0 : i32
      %cond3A_76 = arith.cmpi ne, %convert_element_type3A_74, %cond3A_75 : i32
      scf.if %cond3A_76 {
        %add3A_77 = arith.constant 2 : i32
        %add3A_78 = arith.addi %add3A_54, %add3A_77 : i32
        %dma_start3A_79 = arith.constant 0 : i32
        %dma_start3A_80 = tpu.memref_slice %arg7[%add3A_78, %dma_start3A_79] : memref<80x128xi32, #tpu.memory_space<vmem>> -> memref<1x128xi32, #tpu.memory_space<vmem>>
        %dma_start3A_81 = tpu.memref_squeeze %dma_start3A_80 : memref<1x128xi32, #tpu.memory_space<vmem>> -> memref<128xi32, #tpu.memory_space<vmem>>
        %dma_start3A_82 = arith.constant 0 : i32
        %dma_start3A_83 = arith.constant 0 : i32
        %dma_start3A_84 = tpu.memref_slice %arg2[%dma_start3A_82, %dma_start3A_83] : memref<10240x16xf32, #tpu.memory_space<hbm>> -> memref<10240x16xf32, #tpu.memory_space<hbm>>
        tpu.enqueue_indirect_dma source(%dma_start3A_84 : memref<10240x16xf32, #tpu.memory_space<hbm>>) target(%arg10 : memref<128x16xf32, #tpu.memory_space<vmem>>) offsets(%dma_start3A_81 : memref<128xi32, #tpu.memory_space<vmem>>) semaphore(%arg12 : memref<!tpu.dma_semaphore, #tpu.memory_space<semaphore_mem>>)
      } else {
      }
    }
    %scan3A_44 = arith.constant 40 : i32
    %barrier3A_45 = arith.constant 0 : index
    tpu.barrier barrier_id(%barrier3A_45)
    %mul3A_46 = arith.constant 640 : i32
    %mul3A_47 = arith.muli %arg1, %mul3A_46 : i32
    %mul3A_48 = arith.constant 640 : i32
    %mul3A_49 = arith.muli %arg1, %mul3A_48 : i32
    "tpu.region"() ({
      %run_scoped3A = tpu.sem_alloc : memref<!tpu.dma_semaphore, #tpu.memory_space<semaphore_mem>>
      %dma_start3A_50 = arith.constant 0 : i32
      %dma_start3A_51 = tpu.memref_slice %arg5[%arg0, %mul3A_49, %dma_start3A_50] : memref<2x10240x16xf32, #tpu.memory_space<hbm>> -> memref<1x640x16xf32, #tpu.memory_space<hbm>>
      %dma_start3A_52 = tpu.memref_squeeze %dma_start3A_51 : memref<1x640x16xf32, #tpu.memory_space<hbm>> -> memref<640x16xf32, #tpu.memory_space<hbm>>
      %dma_start3A_53 = arith.constant 0 : i32
      %dma_start3A_54 = tpu.memref_slice %arg6[%mul3A_47, %dma_start3A_53] : memref<10240x16xf32, #tpu.memory_space<vmem_shared>> -> memref<640x16xf32, #tpu.memory_space<vmem_shared>>
      tpu.enqueue_dma source(%dma_start3A_54 : memref<640x16xf32, #tpu.memory_space<vmem_shared>>) target(%dma_start3A_52 : memref<640x16xf32, #tpu.memory_space<hbm>>) target_semaphore(%run_scoped3A : memref<!tpu.dma_semaphore, #tpu.memory_space<semaphore_mem>>)
      %dma_wait3A = arith.constant 0 : i32
      %dma_wait3A_55 = tpu.memref_slice %arg5[%arg0, %mul3A_49, %dma_wait3A] : memref<2x10240x16xf32, #tpu.memory_space<hbm>> -> memref<1x640x16xf32, #tpu.memory_space<hbm>>
      %dma_wait3A_56 = tpu.memref_squeeze %dma_wait3A_55 : memref<1x640x16xf32, #tpu.memory_space<hbm>> -> memref<640x16xf32, #tpu.memory_space<hbm>>
      %dma_wait3A_57 = arith.constant 0 : i32
      %dma_wait3A_58 = tpu.memref_slice %arg6[%mul3A_47, %dma_wait3A_57] : memref<10240x16xf32, #tpu.memory_space<vmem_shared>> -> memref<640x16xf32, #tpu.memory_space<vmem_shared>>
      tpu.wait_dma2 semaphore(%run_scoped3A : memref<!tpu.dma_semaphore, #tpu.memory_space<semaphore_mem>>) src(%dma_wait3A_58 : memref<640x16xf32, #tpu.memory_space<vmem_shared>>) dst(%dma_wait3A_56 : memref<640x16xf32, #tpu.memory_space<hbm>>)
      tpu.yield
    }) : () -> ()
    return
  }
}

#map = affine_map<(d0, d1) -> (0, 0)>
#map1 = affine_map<(d0, d1) -> (0, 0, 0)>
module attributes {stable_mosaic.version = 14 : i64} {
  func.func @_scatter_kernel(%arg0: i32, %arg1: i32, %arg2: memref<10240x16xf32, #tpu.memory_space<hbm>>, %arg3: memref<32x80x128xi32, #tpu.memory_space<hbm>>, %arg4: memref<32x80x128xi32, #tpu.memory_space<hbm>>, %arg5: memref<2x10240x16xf32, #tpu.memory_space<hbm>>, %arg6: memref<10240x16xf32, #tpu.memory_space<vmem_shared>>, %arg7: memref<80x128xi32, #tpu.memory_space<vmem>>, %arg8: memref<80x128xi32, #tpu.memory_space<vmem>>, %arg9: memref<128x16xf32, #tpu.memory_space<vmem>>, %arg10: memref<128x16xf32, #tpu.memory_space<vmem>>, %arg11: memref<!tpu.dma_semaphore, #tpu.memory_space<semaphore_mem>>, %arg12: memref<!tpu.dma_semaphore, #tpu.memory_space<semaphore_mem>>) attributes {dimension_semantics = [#tpu.dimension_semantics<core_parallel>, #tpu.dimension_semantics<subcore_parallel>], iteration_bounds = array<i64: 2, 16>, scalar_prefetch = 0 : i64, scratch_operands = 7 : i64, tpu.core_type = #tpu.core_type<sc_vector_subcore>, window_params = [{transform_indices = #map}, {transform_indices = #map1}, {transform_indices = #map1}, {transform_indices = #map1}]} {
    %mul3A = arith.constant 2 : i32
    %mul3A_0 = arith.muli %arg1, %mul3A : i32
    %add3A = arith.addi %mul3A_0, %arg0 : i32
    "tpu.region"() ({
      %run_scoped3A = tpu.sem_alloc : memref<!tpu.dma_semaphore, #tpu.memory_space<semaphore_mem>>
      %dma_start3A_50 = arith.constant 0 : i32
      %dma_start3A_51 = arith.constant 0 : i32
      %dma_start3A_52 = tpu.memref_slice %arg3[%add3A, %dma_start3A_50, %dma_start3A_51] : memref<32x80x128xi32, #tpu.memory_space<hbm>> -> memref<1x80x128xi32, #tpu.memory_space<hbm>>
      %dma_start3A_53 = tpu.memref_squeeze %dma_start3A_52 : memref<1x80x128xi32, #tpu.memory_space<hbm>> -> memref<80x128xi32, #tpu.memory_space<hbm>>
      %dma_start3A_54 = arith.constant 0 : i32
      %dma_start3A_55 = arith.constant 0 : i32
      %dma_start3A_56 = tpu.memref_slice %arg3[%add3A, %dma_start3A_54, %dma_start3A_55] : memref<32x80x128xi32, #tpu.memory_space<hbm>> -> memref<1x80x128xi32, #tpu.memory_space<hbm>>
      %dma_start3A_57 = tpu.memref_squeeze %dma_start3A_56 : memref<1x80x128xi32, #tpu.memory_space<hbm>> -> memref<80x128xi32, #tpu.memory_space<hbm>>
      tpu.enqueue_dma source(%dma_start3A_57 : memref<80x128xi32, #tpu.memory_space<hbm>>) target(%arg7 : memref<80x128xi32, #tpu.memory_space<vmem>>) target_semaphore(%run_scoped3A : memref<!tpu.dma_semaphore, #tpu.memory_space<semaphore_mem>>)
      %dma_wait3A = arith.constant 0 : i32
      %dma_wait3A_58 = arith.constant 0 : i32
      %dma_wait3A_59 = tpu.memref_slice %arg3[%add3A, %dma_wait3A, %dma_wait3A_58] : memref<32x80x128xi32, #tpu.memory_space<hbm>> -> memref<1x80x128xi32, #tpu.memory_space<hbm>>
      %dma_wait3A_60 = tpu.memref_squeeze %dma_wait3A_59 : memref<1x80x128xi32, #tpu.memory_space<hbm>> -> memref<80x128xi32, #tpu.memory_space<hbm>>
      %dma_wait3A_61 = arith.constant 0 : i32
      %dma_wait3A_62 = arith.constant 0 : i32
      %dma_wait3A_63 = tpu.memref_slice %arg3[%add3A, %dma_wait3A_61, %dma_wait3A_62] : memref<32x80x128xi32, #tpu.memory_space<hbm>> -> memref<1x80x128xi32, #tpu.memory_space<hbm>>
      %dma_wait3A_64 = tpu.memref_squeeze %dma_wait3A_63 : memref<1x80x128xi32, #tpu.memory_space<hbm>> -> memref<80x128xi32, #tpu.memory_space<hbm>>
      tpu.wait_dma2 semaphore(%run_scoped3A : memref<!tpu.dma_semaphore, #tpu.memory_space<semaphore_mem>>) src(%dma_wait3A_64 : memref<80x128xi32, #tpu.memory_space<hbm>>) dst(%arg7 : memref<80x128xi32, #tpu.memory_space<vmem>>)
      tpu.yield
    }) : () -> ()
    "tpu.region"() ({
      %run_scoped3A = tpu.sem_alloc : memref<!tpu.dma_semaphore, #tpu.memory_space<semaphore_mem>>
      %dma_start3A_50 = arith.constant 0 : i32
      %dma_start3A_51 = arith.constant 0 : i32
      %dma_start3A_52 = tpu.memref_slice %arg4[%add3A, %dma_start3A_50, %dma_start3A_51] : memref<32x80x128xi32, #tpu.memory_space<hbm>> -> memref<1x80x128xi32, #tpu.memory_space<hbm>>
      %dma_start3A_53 = tpu.memref_squeeze %dma_start3A_52 : memref<1x80x128xi32, #tpu.memory_space<hbm>> -> memref<80x128xi32, #tpu.memory_space<hbm>>
      %dma_start3A_54 = arith.constant 0 : i32
      %dma_start3A_55 = arith.constant 0 : i32
      %dma_start3A_56 = tpu.memref_slice %arg4[%add3A, %dma_start3A_54, %dma_start3A_55] : memref<32x80x128xi32, #tpu.memory_space<hbm>> -> memref<1x80x128xi32, #tpu.memory_space<hbm>>
      %dma_start3A_57 = tpu.memref_squeeze %dma_start3A_56 : memref<1x80x128xi32, #tpu.memory_space<hbm>> -> memref<80x128xi32, #tpu.memory_space<hbm>>
      tpu.enqueue_dma source(%dma_start3A_57 : memref<80x128xi32, #tpu.memory_space<hbm>>) target(%arg8 : memref<80x128xi32, #tpu.memory_space<vmem>>) target_semaphore(%run_scoped3A : memref<!tpu.dma_semaphore, #tpu.memory_space<semaphore_mem>>)
      %dma_wait3A = arith.constant 0 : i32
      %dma_wait3A_58 = arith.constant 0 : i32
      %dma_wait3A_59 = tpu.memref_slice %arg4[%add3A, %dma_wait3A, %dma_wait3A_58] : memref<32x80x128xi32, #tpu.memory_space<hbm>> -> memref<1x80x128xi32, #tpu.memory_space<hbm>>
      %dma_wait3A_60 = tpu.memref_squeeze %dma_wait3A_59 : memref<1x80x128xi32, #tpu.memory_space<hbm>> -> memref<80x128xi32, #tpu.memory_space<hbm>>
      %dma_wait3A_61 = arith.constant 0 : i32
      %dma_wait3A_62 = arith.constant 0 : i32
      %dma_wait3A_63 = tpu.memref_slice %arg4[%add3A, %dma_wait3A_61, %dma_wait3A_62] : memref<32x80x128xi32, #tpu.memory_space<hbm>> -> memref<1x80x128xi32, #tpu.memory_space<hbm>>
      %dma_wait3A_64 = tpu.memref_squeeze %dma_wait3A_63 : memref<1x80x128xi32, #tpu.memory_space<hbm>> -> memref<80x128xi32, #tpu.memory_space<hbm>>
      tpu.wait_dma2 semaphore(%run_scoped3A : memref<!tpu.dma_semaphore, #tpu.memory_space<semaphore_mem>>) src(%dma_wait3A_64 : memref<80x128xi32, #tpu.memory_space<hbm>>) dst(%arg8 : memref<80x128xi32, #tpu.memory_space<vmem>>)
      tpu.yield
    }) : () -> ()
    %scan3A = arith.constant 0 : i32
    %scan3A_1 = arith.constant 0 : i32
    %scan3A_2 = arith.constant 128 : i32
    %scan3A_3 = arith.addi %scan3A_1, %scan3A_2 : i32
    %scan3A_4 = arith.constant 1 : i32
    scf.for %scan3A_50 = %scan3A_1 to %scan3A_3 step %scan3A_4  : i32 {
      %broadcast_in_dim3A = arith.constant 0.000000e+00 : f32
      %broadcast_in_dim3A_51 = vector.broadcast %broadcast_in_dim3A : f32 to vector<16xf32>
      %swap3A = arith.index_cast %scan3A_50 : i32 to index
      %swap3A_52 = arith.constant 0 : index
      %swap3A_53 = tpu.vector_load %arg9[%swap3A, %swap3A_52] {strides = array<i32>} : memref<128x16xf32, #tpu.memory_space<vmem>>, vector<16xf32>,
      tpu.vector_store %arg9[%swap3A, %swap3A_52], %broadcast_in_dim3A_51 {strides = array<i32>} : memref<128x16xf32, #tpu.memory_space<vmem>>, vector<16xf32>,
    }
    %scan3A_5 = arith.constant 128 : i32
    %mul3A_6 = arith.constant 640 : i32
    %mul3A_7 = arith.muli %arg1, %mul3A_6 : i32
    %add3A_8 = arith.constant 0 : i32
    %add3A_9 = arith.addi %mul3A_7, %add3A_8 : i32
    "tpu.region"() ({
      %run_scoped3A = tpu.sem_alloc : memref<!tpu.dma_semaphore, #tpu.memory_space<semaphore_mem>>
      %dma_start3A_50 = arith.constant 0 : i32
      %dma_start3A_51 = tpu.memref_slice %arg6[%add3A_9, %dma_start3A_50] : memref<10240x16xf32, #tpu.memory_space<vmem_shared>> -> memref<128x16xf32, #tpu.memory_space<vmem_shared>>
      %dma_start3A_52 = arith.constant 0 : i32
      %dma_start3A_53 = tpu.memref_slice %arg6[%add3A_9, %dma_start3A_52] : memref<10240x16xf32, #tpu.memory_space<vmem_shared>> -> memref<128x16xf32, #tpu.memory_space<vmem_shared>>
      tpu.enqueue_dma source(%arg9 : memref<128x16xf32, #tpu.memory_space<vmem>>) target(%dma_start3A_53 : memref<128x16xf32, #tpu.memory_space<vmem_shared>>) target_semaphore(%run_scoped3A : memref<!tpu.dma_semaphore, #tpu.memory_space<semaphore_mem>>)
      %dma_wait3A = arith.constant 0 : i32
      %dma_wait3A_54 = tpu.memref_slice %arg6[%add3A_9, %dma_wait3A] : memref<10240x16xf32, #tpu.memory_space<vmem_shared>> -> memref<128x16xf32, #tpu.memory_space<vmem_shared>>
      %dma_wait3A_55 = arith.constant 0 : i32
      %dma_wait3A_56 = tpu.memref_slice %arg6[%add3A_9, %dma_wait3A_55] : memref<10240x16xf32, #tpu.memory_space<vmem_shared>> -> memref<128x16xf32, #tpu.memory_space<vmem_shared>>
      tpu.wait_dma2 semaphore(%run_scoped3A : memref<!tpu.dma_semaphore, #tpu.memory_space<semaphore_mem>>) src(%arg9 : memref<128x16xf32, #tpu.memory_space<vmem>>) dst(%dma_wait3A_56 : memref<128x16xf32, #tpu.memory_space<vmem_shared>>)
      tpu.yield
    }) : () -> ()
    %mul3A_10 = arith.constant 640 : i32
    %mul3A_11 = arith.muli %arg1, %mul3A_10 : i32
    %add3A_12 = arith.constant 128 : i32
    %add3A_13 = arith.addi %mul3A_11, %add3A_12 : i32
    "tpu.region"() ({
      %run_scoped3A = tpu.sem_alloc : memref<!tpu.dma_semaphore, #tpu.memory_space<semaphore_mem>>
      %dma_start3A_50 = arith.constant 0 : i32
      %dma_start3A_51 = tpu.memref_slice %arg6[%add3A_13, %dma_start3A_50] : memref<10240x16xf32, #tpu.memory_space<vmem_shared>> -> memref<128x16xf32, #tpu.memory_space<vmem_shared>>
      %dma_start3A_52 = arith.constant 0 : i32
      %dma_start3A_53 = tpu.memref_slice %arg6[%add3A_13, %dma_start3A_52] : memref<10240x16xf32, #tpu.memory_space<vmem_shared>> -> memref<128x16xf32, #tpu.memory_space<vmem_shared>>
      tpu.enqueue_dma source(%arg9 : memref<128x16xf32, #tpu.memory_space<vmem>>) target(%dma_start3A_53 : memref<128x16xf32, #tpu.memory_space<vmem_shared>>) target_semaphore(%run_scoped3A : memref<!tpu.dma_semaphore, #tpu.memory_space<semaphore_mem>>)
      %dma_wait3A = arith.constant 0 : i32
      %dma_wait3A_54 = tpu.memref_slice %arg6[%add3A_13, %dma_wait3A] : memref<10240x16xf32, #tpu.memory_space<vmem_shared>> -> memref<128x16xf32, #tpu.memory_space<vmem_shared>>
      %dma_wait3A_55 = arith.constant 0 : i32
      %dma_wait3A_56 = tpu.memref_slice %arg6[%add3A_13, %dma_wait3A_55] : memref<10240x16xf32, #tpu.memory_space<vmem_shared>> -> memref<128x16xf32, #tpu.memory_space<vmem_shared>>
      tpu.wait_dma2 semaphore(%run_scoped3A : memref<!tpu.dma_semaphore, #tpu.memory_space<semaphore_mem>>) src(%arg9 : memref<128x16xf32, #tpu.memory_space<vmem>>) dst(%dma_wait3A_56 : memref<128x16xf32, #tpu.memory_space<vmem_shared>>)
      tpu.yield
    }) : () -> ()
    %mul3A_14 = arith.constant 640 : i32
    %mul3A_15 = arith.muli %arg1, %mul3A_14 : i32
    %add3A_16 = arith.constant 256 : i32
    %add3A_17 = arith.addi %mul3A_15, %add3A_16 : i32
    "tpu.region"() ({
      %run_scoped3A = tpu.sem_alloc : memref<!tpu.dma_semaphore, #tpu.memory_space<semaphore_mem>>
      %dma_start3A_50 = arith.constant 0 : i32
      %dma_start3A_51 = tpu.memref_slice %arg6[%add3A_17, %dma_start3A_50] : memref<10240x16xf32, #tpu.memory_space<vmem_shared>> -> memref<128x16xf32, #tpu.memory_space<vmem_shared>>
      %dma_start3A_52 = arith.constant 0 : i32
      %dma_start3A_53 = tpu.memref_slice %arg6[%add3A_17, %dma_start3A_52] : memref<10240x16xf32, #tpu.memory_space<vmem_shared>> -> memref<128x16xf32, #tpu.memory_space<vmem_shared>>
      tpu.enqueue_dma source(%arg9 : memref<128x16xf32, #tpu.memory_space<vmem>>) target(%dma_start3A_53 : memref<128x16xf32, #tpu.memory_space<vmem_shared>>) target_semaphore(%run_scoped3A : memref<!tpu.dma_semaphore, #tpu.memory_space<semaphore_mem>>)
      %dma_wait3A = arith.constant 0 : i32
      %dma_wait3A_54 = tpu.memref_slice %arg6[%add3A_17, %dma_wait3A] : memref<10240x16xf32, #tpu.memory_space<vmem_shared>> -> memref<128x16xf32, #tpu.memory_space<vmem_shared>>
      %dma_wait3A_55 = arith.constant 0 : i32
      %dma_wait3A_56 = tpu.memref_slice %arg6[%add3A_17, %dma_wait3A_55] : memref<10240x16xf32, #tpu.memory_space<vmem_shared>> -> memref<128x16xf32, #tpu.memory_space<vmem_shared>>
      tpu.wait_dma2 semaphore(%run_scoped3A : memref<!tpu.dma_semaphore, #tpu.memory_space<semaphore_mem>>) src(%arg9 : memref<128x16xf32, #tpu.memory_space<vmem>>) dst(%dma_wait3A_56 : memref<128x16xf32, #tpu.memory_space<vmem_shared>>)
      tpu.yield
    }) : () -> ()
    %mul3A_18 = arith.constant 640 : i32
    %mul3A_19 = arith.muli %arg1, %mul3A_18 : i32
    %add3A_20 = arith.constant 384 : i32
    %add3A_21 = arith.addi %mul3A_19, %add3A_20 : i32
    "tpu.region"() ({
      %run_scoped3A = tpu.sem_alloc : memref<!tpu.dma_semaphore, #tpu.memory_space<semaphore_mem>>
      %dma_start3A_50 = arith.constant 0 : i32
      %dma_start3A_51 = tpu.memref_slice %arg6[%add3A_21, %dma_start3A_50] : memref<10240x16xf32, #tpu.memory_space<vmem_shared>> -> memref<128x16xf32, #tpu.memory_space<vmem_shared>>
      %dma_start3A_52 = arith.constant 0 : i32
      %dma_start3A_53 = tpu.memref_slice %arg6[%add3A_21, %dma_start3A_52] : memref<10240x16xf32, #tpu.memory_space<vmem_shared>> -> memref<128x16xf32, #tpu.memory_space<vmem_shared>>
      tpu.enqueue_dma source(%arg9 : memref<128x16xf32, #tpu.memory_space<vmem>>) target(%dma_start3A_53 : memref<128x16xf32, #tpu.memory_space<vmem_shared>>) target_semaphore(%run_scoped3A : memref<!tpu.dma_semaphore, #tpu.memory_space<semaphore_mem>>)
      %dma_wait3A = arith.constant 0 : i32
      %dma_wait3A_54 = tpu.memref_slice %arg6[%add3A_21, %dma_wait3A] : memref<10240x16xf32, #tpu.memory_space<vmem_shared>> -> memref<128x16xf32, #tpu.memory_space<vmem_shared>>
      %dma_wait3A_55 = arith.constant 0 : i32
      %dma_wait3A_56 = tpu.memref_slice %arg6[%add3A_21, %dma_wait3A_55] : memref<10240x16xf32, #tpu.memory_space<vmem_shared>> -> memref<128x16xf32, #tpu.memory_space<vmem_shared>>
      tpu.wait_dma2 semaphore(%run_scoped3A : memref<!tpu.dma_semaphore, #tpu.memory_space<semaphore_mem>>) src(%arg9 : memref<128x16xf32, #tpu.memory_space<vmem>>) dst(%dma_wait3A_56 : memref<128x16xf32, #tpu.memory_space<vmem_shared>>)
      tpu.yield
    }) : () -> ()
    %mul3A_22 = arith.constant 640 : i32
    %mul3A_23 = arith.muli %arg1, %mul3A_22 : i32
    %add3A_24 = arith.constant 512 : i32
    %add3A_25 = arith.addi %mul3A_23, %add3A_24 : i32
    "tpu.region"() ({
      %run_scoped3A = tpu.sem_alloc : memref<!tpu.dma_semaphore, #tpu.memory_space<semaphore_mem>>
      %dma_start3A_50 = arith.constant 0 : i32
      %dma_start3A_51 = tpu.memref_slice %arg6[%add3A_25, %dma_start3A_50] : memref<10240x16xf32, #tpu.memory_space<vmem_shared>> -> memref<128x16xf32, #tpu.memory_space<vmem_shared>>
      %dma_start3A_52 = arith.constant 0 : i32
      %dma_start3A_53 = tpu.memref_slice %arg6[%add3A_25, %dma_start3A_52] : memref<10240x16xf32, #tpu.memory_space<vmem_shared>> -> memref<128x16xf32, #tpu.memory_space<vmem_shared>>
      tpu.enqueue_dma source(%arg9 : memref<128x16xf32, #tpu.memory_space<vmem>>) target(%dma_start3A_53 : memref<128x16xf32, #tpu.memory_space<vmem_shared>>) target_semaphore(%run_scoped3A : memref<!tpu.dma_semaphore, #tpu.memory_space<semaphore_mem>>)
      %dma_wait3A = arith.constant 0 : i32
      %dma_wait3A_54 = tpu.memref_slice %arg6[%add3A_25, %dma_wait3A] : memref<10240x16xf32, #tpu.memory_space<vmem_shared>> -> memref<128x16xf32, #tpu.memory_space<vmem_shared>>
      %dma_wait3A_55 = arith.constant 0 : i32
      %dma_wait3A_56 = tpu.memref_slice %arg6[%add3A_25, %dma_wait3A_55] : memref<10240x16xf32, #tpu.memory_space<vmem_shared>> -> memref<128x16xf32, #tpu.memory_space<vmem_shared>>
      tpu.wait_dma2 semaphore(%run_scoped3A : memref<!tpu.dma_semaphore, #tpu.memory_space<semaphore_mem>>) src(%arg9 : memref<128x16xf32, #tpu.memory_space<vmem>>) dst(%dma_wait3A_56 : memref<128x16xf32, #tpu.memory_space<vmem_shared>>)
      tpu.yield
    }) : () -> ()
    %barrier3A = arith.constant 0 : index
    tpu.barrier barrier_id(%barrier3A)
    %dma_start3A = arith.constant 0 : i32
    %dma_start3A_26 = arith.constant 0 : i32
    %dma_start3A_27 = tpu.memref_slice %arg7[%dma_start3A, %dma_start3A_26] : memref<80x128xi32, #tpu.memory_space<vmem>> -> memref<1x128xi32, #tpu.memory_space<vmem>>
    %dma_start3A_28 = tpu.memref_squeeze %dma_start3A_27 : memref<1x128xi32, #tpu.memory_space<vmem>> -> memref<128xi32, #tpu.memory_space<vmem>>
    %dma_start3A_29 = arith.constant 0 : i32
    %dma_start3A_30 = arith.constant 0 : i32
    %dma_start3A_31 = tpu.memref_slice %arg2[%dma_start3A_29, %dma_start3A_30] : memref<10240x16xf32, #tpu.memory_space<hbm>> -> memref<10240x16xf32, #tpu.memory_space<hbm>>
    tpu.enqueue_indirect_dma source(%dma_start3A_31 : memref<10240x16xf32, #tpu.memory_space<hbm>>) target(%arg9 : memref<128x16xf32, #tpu.memory_space<vmem>>) offsets(%dma_start3A_28 : memref<128xi32, #tpu.memory_space<vmem>>) semaphore(%arg11 : memref<!tpu.dma_semaphore, #tpu.memory_space<semaphore_mem>>)
    %dma_start3A_32 = arith.constant 1 : i32
    %dma_start3A_33 = arith.constant 0 : i32
    %dma_start3A_34 = tpu.memref_slice %arg7[%dma_start3A_32, %dma_start3A_33] : memref<80x128xi32, #tpu.memory_space<vmem>> -> memref<1x128xi32, #tpu.memory_space<vmem>>
    %dma_start3A_35 = tpu.memref_squeeze %dma_start3A_34 : memref<1x128xi32, #tpu.memory_space<vmem>> -> memref<128xi32, #tpu.memory_space<vmem>>
    %dma_start3A_36 = arith.constant 0 : i32
    %dma_start3A_37 = arith.constant 0 : i32
    %dma_start3A_38 = tpu.memref_slice %arg2[%dma_start3A_36, %dma_start3A_37] : memref<10240x16xf32, #tpu.memory_space<hbm>> -> memref<10240x16xf32, #tpu.memory_space<hbm>>
    tpu.enqueue_indirect_dma source(%dma_start3A_38 : memref<10240x16xf32, #tpu.memory_space<hbm>>) target(%arg10 : memref<128x16xf32, #tpu.memory_space<vmem>>) offsets(%dma_start3A_35 : memref<128xi32, #tpu.memory_space<vmem>>) semaphore(%arg12 : memref<!tpu.dma_semaphore, #tpu.memory_space<semaphore_mem>>)
    %scan3A_39 = arith.constant 0 : i32
    %scan3A_40 = arith.constant 0 : i32
    %scan3A_41 = arith.constant 40 : i32
    %scan3A_42 = arith.addi %scan3A_40, %scan3A_41 : i32
    %scan3A_43 = arith.constant 1 : i32
    scf.for %scan3A_50 = %scan3A_40 to %scan3A_42 step %scan3A_43  : i32 {
      %mul3A_51 = arith.constant 2 : i32
      %mul3A_52 = arith.muli %mul3A_51, %scan3A_50 : i32
      %add3A_53 = arith.constant 1 : i32
      %add3A_54 = arith.addi %mul3A_52, %add3A_53 : i32
      %dma_wait3A = arith.constant 0 : i32
      %dma_wait3A_55 = tpu.memref_slice %arg7[%mul3A_52, %dma_wait3A] : memref<80x128xi32, #tpu.memory_space<vmem>> -> memref<1x128xi32, #tpu.memory_space<vmem>>
      %dma_wait3A_56 = tpu.memref_squeeze %dma_wait3A_55 : memref<1x128xi32, #tpu.memory_space<vmem>> -> memref<128xi32, #tpu.memory_space<vmem>>
      %dma_wait3A_57 = arith.constant 0 : i32
      %dma_wait3A_58 = arith.constant 0 : i32
      %dma_wait3A_59 = tpu.memref_slice %arg2[%dma_wait3A_57, %dma_wait3A_58] : memref<10240x16xf32, #tpu.memory_space<hbm>> -> memref<10240x16xf32, #tpu.memory_space<hbm>>
      tpu.wait_indirect_dma semaphore(%arg11 : memref<!tpu.dma_semaphore, #tpu.memory_space<semaphore_mem>>) src(%dma_wait3A_59 : memref<10240x16xf32, #tpu.memory_space<hbm>>) dst(%arg9 : memref<128x16xf32, #tpu.memory_space<vmem>>)
      "tpu.region"() ({
        %run_scoped3A = tpu.sem_alloc : memref<!tpu.dma_semaphore, #tpu.memory_space<semaphore_mem>>
        %dma_start3A_77 = arith.constant 0 : i32
        %dma_start3A_78 = tpu.memref_slice %arg8[%mul3A_52, %dma_start3A_77] : memref<80x128xi32, #tpu.memory_space<vmem>> -> memref<1x128xi32, #tpu.memory_space<vmem>>
        %dma_start3A_79 = tpu.memref_squeeze %dma_start3A_78 : memref<1x128xi32, #tpu.memory_space<vmem>> -> memref<128xi32, #tpu.memory_space<vmem>>
        %dma_start3A_80 = arith.constant 0 : i32
        %dma_start3A_81 = arith.constant 0 : i32
        %dma_start3A_82 = tpu.memref_slice %arg6[%dma_start3A_80, %dma_start3A_81] : memref<10240x16xf32, #tpu.memory_space<vmem_shared>> -> memref<10240x16xf32, #tpu.memory_space<vmem_shared>>
        tpu.enqueue_indirect_dma source(%arg9 : memref<128x16xf32, #tpu.memory_space<vmem>>) target(%dma_start3A_82 : memref<10240x16xf32, #tpu.memory_space<vmem_shared>>) offsets(%dma_start3A_79 : memref<128xi32, #tpu.memory_space<vmem>>) semaphore(%run_scoped3A : memref<!tpu.dma_semaphore, #tpu.memory_space<semaphore_mem>>) {add = true}
        %dma_wait3A_83 = arith.constant 0 : i32
        %dma_wait3A_84 = tpu.memref_slice %arg8[%mul3A_52, %dma_wait3A_83] : memref<80x128xi32, #tpu.memory_space<vmem>> -> memref<1x128xi32, #tpu.memory_space<vmem>>
        %dma_wait3A_85 = tpu.memref_squeeze %dma_wait3A_84 : memref<1x128xi32, #tpu.memory_space<vmem>> -> memref<128xi32, #tpu.memory_space<vmem>>
        %dma_wait3A_86 = arith.constant 0 : i32
        %dma_wait3A_87 = arith.constant 0 : i32
        %dma_wait3A_88 = tpu.memref_slice %arg6[%dma_wait3A_86, %dma_wait3A_87] : memref<10240x16xf32, #tpu.memory_space<vmem_shared>> -> memref<10240x16xf32, #tpu.memory_space<vmem_shared>>
        tpu.wait_indirect_dma semaphore(%run_scoped3A : memref<!tpu.dma_semaphore, #tpu.memory_space<semaphore_mem>>) src(%arg9 : memref<128x16xf32, #tpu.memory_space<vmem>>) dst(%dma_wait3A_88 : memref<10240x16xf32, #tpu.memory_space<vmem_shared>>)
        tpu.yield
      }) : () -> ()
      %add3A_60 = arith.constant 2 : i32
      %add3A_61 = arith.addi %mul3A_52, %add3A_60 : i32
      %lt3A = arith.constant 80 : i32
      %lt3A_62 = arith.cmpi slt, %add3A_61, %lt3A : i32
      %convert_element_type3A = arith.extui %lt3A_62 : i1 to i32
      %cond3A = arith.constant 0 : i32
      %cond3A_63 = arith.cmpi ne, %convert_element_type3A, %cond3A : i32
      scf.if %cond3A_63 {
        %add3A_77 = arith.constant 2 : i32
        %add3A_78 = arith.addi %mul3A_52, %add3A_77 : i32
        %dma_start3A_79 = arith.constant 0 : i32
        %dma_start3A_80 = tpu.memref_slice %arg7[%add3A_78, %dma_start3A_79] : memref<80x128xi32, #tpu.memory_space<vmem>> -> memref<1x128xi32, #tpu.memory_space<vmem>>
        %dma_start3A_81 = tpu.memref_squeeze %dma_start3A_80 : memref<1x128xi32, #tpu.memory_space<vmem>> -> memref<128xi32, #tpu.memory_space<vmem>>
        %dma_start3A_82 = arith.constant 0 : i32
        %dma_start3A_83 = arith.constant 0 : i32
        %dma_start3A_84 = tpu.memref_slice %arg2[%dma_start3A_82, %dma_start3A_83] : memref<10240x16xf32, #tpu.memory_space<hbm>> -> memref<10240x16xf32, #tpu.memory_space<hbm>>
        tpu.enqueue_indirect_dma source(%dma_start3A_84 : memref<10240x16xf32, #tpu.memory_space<hbm>>) target(%arg9 : memref<128x16xf32, #tpu.memory_space<vmem>>) offsets(%dma_start3A_81 : memref<128xi32, #tpu.memory_space<vmem>>) semaphore(%arg11 : memref<!tpu.dma_semaphore, #tpu.memory_space<semaphore_mem>>)
      } else {
      }
      %dma_wait3A_64 = arith.constant 0 : i32
      %dma_wait3A_65 = tpu.memref_slice %arg7[%add3A_54, %dma_wait3A_64] : memref<80x128xi32, #tpu.memory_space<vmem>> -> memref<1x128xi32, #tpu.memory_space<vmem>>
      %dma_wait3A_66 = tpu.memref_squeeze %dma_wait3A_65 : memref<1x128xi32, #tpu.memory_space<vmem>> -> memref<128xi32, #tpu.memory_space<vmem>>
      %dma_wait3A_67 = arith.constant 0 : i32
      %dma_wait3A_68 = arith.constant 0 : i32
      %dma_wait3A_69 = tpu.memref_slice %arg2[%dma_wait3A_67, %dma_wait3A_68] : memref<10240x16xf32, #tpu.memory_space<hbm>> -> memref<10240x16xf32, #tpu.memory_space<hbm>>
      tpu.wait_indirect_dma semaphore(%arg12 : memref<!tpu.dma_semaphore, #tpu.memory_space<semaphore_mem>>) src(%dma_wait3A_69 : memref<10240x16xf32, #tpu.memory_space<hbm>>) dst(%arg10 : memref<128x16xf32, #tpu.memory_space<vmem>>)
      "tpu.region"() ({
        %run_scoped3A = tpu.sem_alloc : memref<!tpu.dma_semaphore, #tpu.memory_space<semaphore_mem>>
        %dma_start3A_77 = arith.constant 0 : i32
        %dma_start3A_78 = tpu.memref_slice %arg8[%add3A_54, %dma_start3A_77] : memref<80x128xi32, #tpu.memory_space<vmem>> -> memref<1x128xi32, #tpu.memory_space<vmem>>
        %dma_start3A_79 = tpu.memref_squeeze %dma_start3A_78 : memref<1x128xi32, #tpu.memory_space<vmem>> -> memref<128xi32, #tpu.memory_space<vmem>>
        %dma_start3A_80 = arith.constant 0 : i32
        %dma_start3A_81 = arith.constant 0 : i32
        %dma_start3A_82 = tpu.memref_slice %arg6[%dma_start3A_80, %dma_start3A_81] : memref<10240x16xf32, #tpu.memory_space<vmem_shared>> -> memref<10240x16xf32, #tpu.memory_space<vmem_shared>>
        tpu.enqueue_indirect_dma source(%arg10 : memref<128x16xf32, #tpu.memory_space<vmem>>) target(%dma_start3A_82 : memref<10240x16xf32, #tpu.memory_space<vmem_shared>>) offsets(%dma_start3A_79 : memref<128xi32, #tpu.memory_space<vmem>>) semaphore(%run_scoped3A : memref<!tpu.dma_semaphore, #tpu.memory_space<semaphore_mem>>) {add = true}
        %dma_wait3A_83 = arith.constant 0 : i32
        %dma_wait3A_84 = tpu.memref_slice %arg8[%add3A_54, %dma_wait3A_83] : memref<80x128xi32, #tpu.memory_space<vmem>> -> memref<1x128xi32, #tpu.memory_space<vmem>>
        %dma_wait3A_85 = tpu.memref_squeeze %dma_wait3A_84 : memref<1x128xi32, #tpu.memory_space<vmem>> -> memref<128xi32, #tpu.memory_space<vmem>>
        %dma_wait3A_86 = arith.constant 0 : i32
        %dma_wait3A_87 = arith.constant 0 : i32
        %dma_wait3A_88 = tpu.memref_slice %arg6[%dma_wait3A_86, %dma_wait3A_87] : memref<10240x16xf32, #tpu.memory_space<vmem_shared>> -> memref<10240x16xf32, #tpu.memory_space<vmem_shared>>
        tpu.wait_indirect_dma semaphore(%run_scoped3A : memref<!tpu.dma_semaphore, #tpu.memory_space<semaphore_mem>>) src(%arg10 : memref<128x16xf32, #tpu.memory_space<vmem>>) dst(%dma_wait3A_88 : memref<10240x16xf32, #tpu.memory_space<vmem_shared>>)
        tpu.yield
      }) : () -> ()
      %add3A_70 = arith.constant 2 : i32
      %add3A_71 = arith.addi %add3A_54, %add3A_70 : i32
      %lt3A_72 = arith.constant 80 : i32
      %lt3A_73 = arith.cmpi slt, %add3A_71, %lt3A_72 : i32
      %convert_element_type3A_74 = arith.extui %lt3A_73 : i1 to i32
      %cond3A_75 = arith.constant 0 : i32
      %cond3A_76 = arith.cmpi ne, %convert_element_type3A_74, %cond3A_75 : i32
      scf.if %cond3A_76 {
        %add3A_77 = arith.constant 2 : i32
        %add3A_78 = arith.addi %add3A_54, %add3A_77 : i32
        %dma_start3A_79 = arith.constant 0 : i32
        %dma_start3A_80 = tpu.memref_slice %arg7[%add3A_78, %dma_start3A_79] : memref<80x128xi32, #tpu.memory_space<vmem>> -> memref<1x128xi32, #tpu.memory_space<vmem>>
        %dma_start3A_81 = tpu.memref_squeeze %dma_start3A_80 : memref<1x128xi32, #tpu.memory_space<vmem>> -> memref<128xi32, #tpu.memory_space<vmem>>
        %dma_start3A_82 = arith.constant 0 : i32
        %dma_start3A_83 = arith.constant 0 : i32
        %dma_start3A_84 = tpu.memref_slice %arg2[%dma_start3A_82, %dma_start3A_83] : memref<10240x16xf32, #tpu.memory_space<hbm>> -> memref<10240x16xf32, #tpu.memory_space<hbm>>
        tpu.enqueue_indirect_dma source(%dma_start3A_84 : memref<10240x16xf32, #tpu.memory_space<hbm>>) target(%arg10 : memref<128x16xf32, #tpu.memory_space<vmem>>) offsets(%dma_start3A_81 : memref<128xi32, #tpu.memory_space<vmem>>) semaphore(%arg12 : memref<!tpu.dma_semaphore, #tpu.memory_space<semaphore_mem>>)
      } else {
      }
    }
    %scan3A_44 = arith.constant 40 : i32
    %barrier3A_45 = arith.constant 0 : index
    tpu.barrier barrier_id(%barrier3A_45)
    %mul3A_46 = arith.constant 640 : i32
    %mul3A_47 = arith.muli %arg1, %mul3A_46 : i32
    %mul3A_48 = arith.constant 640 : i32
    %mul3A_49 = arith.muli %arg1, %mul3A_48 : i32
    "tpu.region"() ({
      %run_scoped3A = tpu.sem_alloc : memref<!tpu.dma_semaphore, #tpu.memory_space<semaphore_mem>>
      %dma_start3A_50 = arith.constant 0 : i32
      %dma_start3A_51 = tpu.memref_slice %arg5[%arg0, %mul3A_49, %dma_start3A_50] : memref<2x10240x16xf32, #tpu.memory_space<hbm>> -> memref<1x640x16xf32, #tpu.memory_space<hbm>>
      %dma_start3A_52 = tpu.memref_squeeze %dma_start3A_51 : memref<1x640x16xf32, #tpu.memory_space<hbm>> -> memref<640x16xf32, #tpu.memory_space<hbm>>
      %dma_start3A_53 = arith.constant 0 : i32
      %dma_start3A_54 = tpu.memref_slice %arg6[%mul3A_47, %dma_start3A_53] : memref<10240x16xf32, #tpu.memory_space<vmem_shared>> -> memref<640x16xf32, #tpu.memory_space<vmem_shared>>
      tpu.enqueue_dma source(%dma_start3A_54 : memref<640x16xf32, #tpu.memory_space<vmem_shared>>) target(%dma_start3A_52 : memref<640x16xf32, #tpu.memory_space<hbm>>) target_semaphore(%run_scoped3A : memref<!tpu.dma_semaphore, #tpu.memory_space<semaphore_mem>>)
      %dma_wait3A = arith.constant 0 : i32
      %dma_wait3A_55 = tpu.memref_slice %arg5[%arg0, %mul3A_49, %dma_wait3A] : memref<2x10240x16xf32, #tpu.memory_space<hbm>> -> memref<1x640x16xf32, #tpu.memory_space<hbm>>
      %dma_wait3A_56 = tpu.memref_squeeze %dma_wait3A_55 : memref<1x640x16xf32, #tpu.memory_space<hbm>> -> memref<640x16xf32, #tpu.memory_space<hbm>>
      %dma_wait3A_57 = arith.constant 0 : i32
      %dma_wait3A_58 = tpu.memref_slice %arg6[%mul3A_47, %dma_wait3A_57] : memref<10240x16xf32, #tpu.memory_space<vmem_shared>> -> memref<640x16xf32, #tpu.memory_space<vmem_shared>>
      tpu.wait_dma2 semaphore(%run_scoped3A : memref<!tpu.dma_semaphore, #tpu.memory_space<semaphore_mem>>) src(%dma_wait3A_58 : memref<640x16xf32, #tpu.memory_space<vmem_shared>>) dst(%dma_wait3A_56 : memref<640x16xf32, #tpu.memory_space<hbm>>)
      tpu.yield
    }) : () -> ()
    return
  }
}

module attributes {stable_mosaic.version = 14 : i64} {
  func.func @_tc1_body(%arg0: i32, %arg1: memref<2x2048xf32, #tpu.memory_space<vmem>>, %arg2: memref<2048x128xf32, #tpu.memory_space<vmem>>, %arg3: memref<128x16xf32, #tpu.memory_space<vmem>>, %arg4: memref<2048x1xf32, #tpu.memory_space<vmem>>, %arg5: memref<2048x16xf32, #tpu.memory_space<vmem>>) attributes {dimension_semantics = [#tpu.dimension_semantics<arbitrary>], iteration_bounds = array<i64: 5>, scalar_prefetch = 0 : i64, scratch_operands = 0 : i64, tpu.core_type = #tpu.core_type<tc>, window_params = [{transform_indices = @transform_0, window_bounds = array<i64: 2, 2048>}, {transform_indices = @transform_1, window_bounds = array<i64: 2048, 128>}, {pipeline_mode = #tpu.pipeline_mode<synchronous>, transform_indices = @transform_2, window_bounds = array<i64: 128, 16>}, {transform_indices = @transform_3, window_bounds = array<i64: 2048, 1>}, {transform_indices = @transform_4, window_bounds = array<i64: 2048, 16>}]} {
    %get3A = arith.constant 0 : index
    %get3A_0 = arith.constant 0 : index
    %get3A_1 = vector.load %arg1[%get3A, %get3A_0] : memref<2x2048xf32, #tpu.memory_space<vmem>>, vector<1x2048xf32>
    %get3A_2 = vector.shape_cast %get3A_1 : vector<1x2048xf32> to vector<2048xf32>
    %get3A_3 = arith.constant 1 : index
    %get3A_4 = arith.constant 0 : index
    %get3A_5 = vector.load %arg1[%get3A_3, %get3A_4] : memref<2x2048xf32, #tpu.memory_space<vmem>>, vector<1x2048xf32>
    %get3A_6 = vector.shape_cast %get3A_5 : vector<1x2048xf32> to vector<2048xf32>
    %add3A = arith.addf %get3A_2, %get3A_6 : vector<2048xf32>
    %add3A_7 = arith.constant 1.000000e+00 : f32
    %add3A_8 = vector.broadcast %add3A_7 : f32 to vector<2048xf32>
    %add3A_9 = arith.addf %add3A, %add3A_8 : vector<2048xf32>
    %rsqrt3A = math.rsqrt %add3A_9 : vector<2048xf32>
    %broadcast_in_dim3A = vector.shape_cast %rsqrt3A : vector<2048xf32> to vector<2048x1xf32>
    %swap3A = arith.constant 0 : index
    %swap3A_10 = arith.constant 0 : index
    %swap3A_11 = vector.load %arg4[%swap3A, %swap3A_10] : memref<2048x1xf32, #tpu.memory_space<vmem>>, vector<2048x1xf32>
    tpu.vector_store %arg4[%swap3A, %swap3A_10], %broadcast_in_dim3A {strides = array<i32>} : memref<2048x1xf32, #tpu.memory_space<vmem>>, vector<2048x1xf32>,
    %get3A_12 = arith.constant 0 : index
    %get3A_13 = arith.constant 0 : index
    %get3A_14 = vector.load %arg2[%get3A_12, %get3A_13] : memref<2048x128xf32, #tpu.memory_space<vmem>>, vector<2048x128xf32>
    %get3A_15 = arith.constant 0 : index
    %get3A_16 = arith.constant 0 : index
    %get3A_17 = vector.load %arg3[%get3A_15, %get3A_16] : memref<128x16xf32, #tpu.memory_space<vmem>>, vector<128x16xf32>
    %dot_general3A = arith.constant dense<0.000000e+00> : vector<2048x16xf32>
    %dot_general3A_18 = tpu.matmul %get3A_14, %get3A_17, %dot_general3A {dimension_numbers = #tpu.dot_dimension_numbers<[1], [0], [0], [1], [0, 0, 1, 1], [], []>, transpose_lhs_hint = false} : vector<2048x128xf32>, vector<128x16xf32>, vector<2048x16xf32> -> vector<2048x16xf32>
    %broadcast_in_dim3A_19 = vector.shape_cast %rsqrt3A : vector<2048xf32> to vector<2048x1xf32>
    %mul3A = vector.broadcast %broadcast_in_dim3A_19 : vector<2048x1xf32> to vector<2048x16xf32>
    %mul3A_20 = arith.mulf %dot_general3A_18, %mul3A : vector<2048x16xf32>
    %swap3A_21 = arith.constant 0 : index
    %swap3A_22 = arith.constant 0 : index
    %swap3A_23 = vector.load %arg5[%swap3A_21, %swap3A_22] : memref<2048x16xf32, #tpu.memory_space<vmem>>, vector<2048x16xf32>
    tpu.vector_store %arg5[%swap3A_21, %swap3A_22], %mul3A_20 {strides = array<i32>} : memref<2048x16xf32, #tpu.memory_space<vmem>>, vector<2048x16xf32>,
    return
  }
  func.func @transform_0(%arg0: i32) -> (i32, i32) {
    %c0_i32 = arith.constant 0 : i32
    %c0_i32_0 = arith.constant 0 : i32
    return %c0_i32, %arg0 : i32, i32
  }
  func.func @transform_1(%arg0: i32) -> (i32, i32) {
    %c0_i32 = arith.constant 0 : i32
    %c0_i32_0 = arith.constant 0 : i32
    return %arg0, %c0_i32 : i32, i32
  }
  func.func @transform_2(%arg0: i32) -> (i32, i32) {
    %c0_i32 = arith.constant 0 : i32
    %c0_i32_0 = arith.constant 0 : i32
    %c0_i32_1 = arith.constant 0 : i32
    return %c0_i32, %c0_i32_0 : i32, i32
  }
  func.func @transform_3(%arg0: i32) -> (i32, i32) {
    %c0_i32 = arith.constant 0 : i32
    %c0_i32_0 = arith.constant 0 : i32
    return %arg0, %c0_i32 : i32, i32
  }
  func.func @transform_4(%arg0: i32) -> (i32, i32) {
    %c0_i32 = arith.constant 0 : i32
    %c0_i32_0 = arith.constant 0 : i32
    return %arg0, %c0_i32 : i32, i32
  }
}

module attributes {stable_mosaic.version = 14 : i64} {
  func.func @_tc2_body(%arg0: i32, %arg1: memref<2x2048x16xf32, #tpu.memory_space<vmem>>, %arg2: memref<2048x16xf32, #tpu.memory_space<vmem>>, %arg3: memref<2048x1xf32, #tpu.memory_space<vmem>>, %arg4: memref<1x16xf32, #tpu.memory_space<vmem>>, %arg5: memref<16x16xf32, #tpu.memory_space<vmem>>, %arg6: memref<2048x16xf32, #tpu.memory_space<vmem>>) attributes {dimension_semantics = [#tpu.dimension_semantics<arbitrary>], iteration_bounds = array<i64: 5>, scalar_prefetch = 0 : i64, scratch_operands = 0 : i64, tpu.core_type = #tpu.core_type<tc>, window_params = [{transform_indices = @transform_0, window_bounds = array<i64: 2, 2048, 16>}, {transform_indices = @transform_1, window_bounds = array<i64: 2048, 16>}, {transform_indices = @transform_2, window_bounds = array<i64: 2048, 1>}, {pipeline_mode = #tpu.pipeline_mode<synchronous>, transform_indices = @transform_3, window_bounds = array<i64: 1, 16>}, {pipeline_mode = #tpu.pipeline_mode<synchronous>, transform_indices = @transform_4, window_bounds = array<i64: 16, 16>}, {transform_indices = @transform_5, window_bounds = array<i64: 2048, 16>}]} {
    %get3A = arith.constant 0 : index
    %get3A_0 = arith.constant 0 : index
    %get3A_1 = arith.constant 0 : index
    %get3A_2 = vector.load %arg1[%get3A, %get3A_0, %get3A_1] : memref<2x2048x16xf32, #tpu.memory_space<vmem>>, vector<1x2048x16xf32>
    %get3A_3 = vector.shape_cast %get3A_2 : vector<1x2048x16xf32> to vector<2048x16xf32>
    %get3A_4 = arith.constant 1 : index
    %get3A_5 = arith.constant 0 : index
    %get3A_6 = arith.constant 0 : index
    %get3A_7 = vector.load %arg1[%get3A_4, %get3A_5, %get3A_6] : memref<2x2048x16xf32, #tpu.memory_space<vmem>>, vector<1x2048x16xf32>
    %get3A_8 = vector.shape_cast %get3A_7 : vector<1x2048x16xf32> to vector<2048x16xf32>
    %add3A = arith.addf %get3A_3, %get3A_8 : vector<2048x16xf32>
    %get3A_9 = arith.constant 0 : index
    %get3A_10 = arith.constant 0 : index
    %get3A_11 = vector.load %arg2[%get3A_9, %get3A_10] : memref<2048x16xf32, #tpu.memory_space<vmem>>, vector<2048x16xf32>
    %add3A_12 = arith.addf %add3A, %get3A_11 : vector<2048x16xf32>
    %get3A_13 = arith.constant 0 : index
    %get3A_14 = arith.constant 0 : index
    %get3A_15 = vector.load %arg3[%get3A_13, %get3A_14] : memref<2048x1xf32, #tpu.memory_space<vmem>>, vector<2048x1xf32>
    %mul3A = vector.broadcast %get3A_15 : vector<2048x1xf32> to vector<2048x16xf32>
    %mul3A_16 = arith.mulf %mul3A, %add3A_12 : vector<2048x16xf32>
    %get3A_17 = arith.constant 0 : index
    %get3A_18 = arith.constant 0 : index
    %get3A_19 = vector.load %arg4[%get3A_17, %get3A_18] : memref<1x16xf32, #tpu.memory_space<vmem>>, vector<1x16xf32>
    %add3A_20 = vector.broadcast %get3A_19 : vector<1x16xf32> to vector<2048x16xf32>
    %add3A_21 = arith.addf %mul3A_16, %add3A_20 : vector<2048x16xf32>
    %max3A = arith.constant 0.000000e+00 : f32
    %max3A_22 = vector.broadcast %max3A : f32 to vector<2048x16xf32>
    %max3A_23 = arith.maximumf %add3A_21, %max3A_22 : vector<2048x16xf32>
    %get3A_24 = arith.constant 0 : index
    %get3A_25 = arith.constant 0 : index
    %get3A_26 = vector.load %arg5[%get3A_24, %get3A_25] : memref<16x16xf32, #tpu.memory_space<vmem>>, vector<16x16xf32>
    %dot_general3A = arith.constant dense<0.000000e+00> : vector<2048x16xf32>
    %dot_general3A_27 = tpu.matmul %max3A_23, %get3A_26, %dot_general3A {dimension_numbers = #tpu.dot_dimension_numbers<[1], [0], [0], [1], [0, 0, 1, 1], [], []>, transpose_lhs_hint = false} : vector<2048x16xf32>, vector<16x16xf32>, vector<2048x16xf32> -> vector<2048x16xf32>
    %mul3A_28 = vector.broadcast %get3A_15 : vector<2048x1xf32> to vector<2048x16xf32>
    %mul3A_29 = arith.mulf %mul3A_28, %dot_general3A_27 : vector<2048x16xf32>
    %swap3A = arith.constant 0 : index
    %swap3A_30 = arith.constant 0 : index
    %swap3A_31 = vector.load %arg6[%swap3A, %swap3A_30] : memref<2048x16xf32, #tpu.memory_space<vmem>>, vector<2048x16xf32>
    tpu.vector_store %arg6[%swap3A, %swap3A_30], %mul3A_29 {strides = array<i32>} : memref<2048x16xf32, #tpu.memory_space<vmem>>, vector<2048x16xf32>,
    return
  }
  func.func @transform_0(%arg0: i32) -> (i32, i32, i32) {
    %c0_i32 = arith.constant 0 : i32
    %c0_i32_0 = arith.constant 0 : i32
    %c0_i32_1 = arith.constant 0 : i32
    return %c0_i32, %arg0, %c0_i32_0 : i32, i32, i32
  }
  func.func @transform_1(%arg0: i32) -> (i32, i32) {
    %c0_i32 = arith.constant 0 : i32
    %c0_i32_0 = arith.constant 0 : i32
    return %arg0, %c0_i32 : i32, i32
  }
  func.func @transform_2(%arg0: i32) -> (i32, i32) {
    %c0_i32 = arith.constant 0 : i32
    %c0_i32_0 = arith.constant 0 : i32
    return %arg0, %c0_i32 : i32, i32
  }
  func.func @transform_3(%arg0: i32) -> (i32, i32) {
    %c0_i32 = arith.constant 0 : i32
    %c0_i32_0 = arith.constant 0 : i32
    %c0_i32_1 = arith.constant 0 : i32
    return %c0_i32, %c0_i32_0 : i32, i32
  }
  func.func @transform_4(%arg0: i32) -> (i32, i32) {
    %c0_i32 = arith.constant 0 : i32
    %c0_i32_0 = arith.constant 0 : i32
    %c0_i32_1 = arith.constant 0 : i32
    return %c0_i32, %c0_i32_0 : i32, i32
  }
  func.func @transform_5(%arg0: i32) -> (i32, i32) {
    %c0_i32 = arith.constant 0 : i32
    %c0_i32_0 = arith.constant 0 : i32
    return %arg0, %c0_i32 : i32, i32
  }
}

module attributes {stable_mosaic.version = 14 : i64} {
  func.func @_tc3_body(%arg0: i32, %arg1: memref<2x2048x16xf32, #tpu.memory_space<vmem>>, %arg2: memref<2048x16xf32, #tpu.memory_space<vmem>>, %arg3: memref<2048x1xf32, #tpu.memory_space<vmem>>, %arg4: memref<1x16xf32, #tpu.memory_space<vmem>>, %arg5: memref<2048x16xf32, #tpu.memory_space<vmem>>) attributes {dimension_semantics = [#tpu.dimension_semantics<arbitrary>], iteration_bounds = array<i64: 5>, scalar_prefetch = 0 : i64, scratch_operands = 0 : i64, tpu.core_type = #tpu.core_type<tc>, window_params = [{transform_indices = @transform_0, window_bounds = array<i64: 2, 2048, 16>}, {transform_indices = @transform_1, window_bounds = array<i64: 2048, 16>}, {transform_indices = @transform_2, window_bounds = array<i64: 2048, 1>}, {pipeline_mode = #tpu.pipeline_mode<synchronous>, transform_indices = @transform_3, window_bounds = array<i64: 1, 16>}, {transform_indices = @transform_4, window_bounds = array<i64: 2048, 16>}]} {
    %get3A = arith.constant 0 : index
    %get3A_0 = arith.constant 0 : index
    %get3A_1 = arith.constant 0 : index
    %get3A_2 = vector.load %arg1[%get3A, %get3A_0, %get3A_1] : memref<2x2048x16xf32, #tpu.memory_space<vmem>>, vector<1x2048x16xf32>
    %get3A_3 = vector.shape_cast %get3A_2 : vector<1x2048x16xf32> to vector<2048x16xf32>
    %get3A_4 = arith.constant 1 : index
    %get3A_5 = arith.constant 0 : index
    %get3A_6 = arith.constant 0 : index
    %get3A_7 = vector.load %arg1[%get3A_4, %get3A_5, %get3A_6] : memref<2x2048x16xf32, #tpu.memory_space<vmem>>, vector<1x2048x16xf32>
    %get3A_8 = vector.shape_cast %get3A_7 : vector<1x2048x16xf32> to vector<2048x16xf32>
    %add3A = arith.addf %get3A_3, %get3A_8 : vector<2048x16xf32>
    %get3A_9 = arith.constant 0 : index
    %get3A_10 = arith.constant 0 : index
    %get3A_11 = vector.load %arg2[%get3A_9, %get3A_10] : memref<2048x16xf32, #tpu.memory_space<vmem>>, vector<2048x16xf32>
    %add3A_12 = arith.addf %add3A, %get3A_11 : vector<2048x16xf32>
    %get3A_13 = arith.constant 0 : index
    %get3A_14 = arith.constant 0 : index
    %get3A_15 = vector.load %arg3[%get3A_13, %get3A_14] : memref<2048x1xf32, #tpu.memory_space<vmem>>, vector<2048x1xf32>
    %mul3A = vector.broadcast %get3A_15 : vector<2048x1xf32> to vector<2048x16xf32>
    %mul3A_16 = arith.mulf %mul3A, %add3A_12 : vector<2048x16xf32>
    %get3A_17 = arith.constant 0 : index
    %get3A_18 = arith.constant 0 : index
    %get3A_19 = vector.load %arg4[%get3A_17, %get3A_18] : memref<1x16xf32, #tpu.memory_space<vmem>>, vector<1x16xf32>
    %add3A_20 = vector.broadcast %get3A_19 : vector<1x16xf32> to vector<2048x16xf32>
    %add3A_21 = arith.addf %mul3A_16, %add3A_20 : vector<2048x16xf32>
    %swap3A = arith.constant 0 : index
    %swap3A_22 = arith.constant 0 : index
    %swap3A_23 = vector.load %arg5[%swap3A, %swap3A_22] : memref<2048x16xf32, #tpu.memory_space<vmem>>, vector<2048x16xf32>
    tpu.vector_store %arg5[%swap3A, %swap3A_22], %add3A_21 {strides = array<i32>} : memref<2048x16xf32, #tpu.memory_space<vmem>>, vector<2048x16xf32>,
    return
  }
  func.func @transform_0(%arg0: i32) -> (i32, i32, i32) {
    %c0_i32 = arith.constant 0 : i32
    %c0_i32_0 = arith.constant 0 : i32
    %c0_i32_1 = arith.constant 0 : i32
    return %c0_i32, %arg0, %c0_i32_0 : i32, i32, i32
  }
  func.func @transform_1(%arg0: i32) -> (i32, i32) {
    %c0_i32 = arith.constant 0 : i32
    %c0_i32_0 = arith.constant 0 : i32
    return %arg0, %c0_i32 : i32, i32
  }
  func.func @transform_2(%arg0: i32) -> (i32, i32) {
    %c0_i32 = arith.constant 0 : i32
    %c0_i32_0 = arith.constant 0 : i32
    return %arg0, %c0_i32 : i32, i32
  }
  func.func @transform_3(%arg0: i32) -> (i32, i32) {
    %c0_i32 = arith.constant 0 : i32
    %c0_i32_0 = arith.constant 0 : i32
    %c0_i32_1 = arith.constant 0 : i32
    return %c0_i32, %c0_i32_0 : i32, i32
  }
  func.func @transform_4(%arg0: i32) -> (i32, i32) {
    %c0_i32 = arith.constant 0 : i32
    %c0_i32_0 = arith.constant 0 : i32
    return %arg0, %c0_i32 : i32, i32
  }
}

</mosaic_0001>

<sc_bundles>
// kernel: kernel.12.cloned.1.call-start
scs
__scs_entry_jumppad:
0x0: {  	(pc) =	sbr.rel $0x88, $3  }
0x1: {  	(tag) =	ssettag $0x0;
	lr =	simm.s32 $0x1  }
0x2: {  	[smem:$0x3F9B] =	sst lr;
	_ =	strace $0xD0000000  }
0x3: {  	_ = 	snop  }
0x4: {  	_ = 	snop  }
0x5: {  	_ = 	snop  }
0x6: {  	_ = 	snop  }
0x7: {  	_ = 	snop  }
__scs_overlays_trampoline_lowered:
0x8: {  	[smem:$0x3FAA] =	sst s0  }
0x9: {  	[smem:$0x3FAB] =	sst s1  }
0xa: {  	[smem:$0x3FAC] =	sst s2  }
0xb: {  	[smem:$0x3FAD] =	sst s3  }
0xc: {  	[smem:$0x3FAE] =	sst s4  }
0xd: {  	[smem:$0x3FAF] =	sst s5  }
0xe: {  	[smem:$0x3FB0] =	sst s6  }
0xf: {  	[smem:$0x3FB1] =	sst s7  }
0x10: {  	[smem:$0x3FB2] =	sst s8  }
0x11: {  	[smem:$0x3FB3] =	sst s9;
	s0 =	simm.s32 @!p0 $0x0  }
0x12: {  	s1 =	sld [smem:$0x3F99];
	s0 =	simm.s32 @p0 $0x1  }
0x13: {  	[smem:$0x3FB4] =	sst s0;
	s0 =	simm.s32 @!p1 $0x0  }
0x14: {  	s2 =	sld [smem:$0x3F98];
	s0 =	simm.s32 @p1 $0x1  }
0x15: {  	[smem:$0x3FB5] =	sst s0;
	s0 =	simm.s32 @!p2 $0x0  }
0x16: {  	s3 =	sld [smem:$0x3FDB];
	s0 =	simm.s32 @p2 $0x1  }
0x17: {  	s4 =	simm.s32 $0x1BF5;
	[smem:$0x3FB7] =	sst s0  }
0x18: {  	s0 =	sld [smem:$0x3F9A];
	_ =	swait.ge [sflag:s4], $0x0  }
0x19: {  	s7 =	sld [smem:$0x3F9B]  }
0x1a: {  	s8 =	sadd.s32 $0xFFFFE003, lr  }
0x1b: {  	s9 =	sadd.s32 $0xFFFFFEF7, lr;
	s5 =	simm.s32 $0xFFFFFFFF;
	p2 =	slt.u32 s8, $0xFFFFF086  }
0x1c: {  	p1 =	slt.u32 s9, $0xF7A;
	s5 =	simm.s32 @!p2 $0x0  }
0x1d: {  	s5 =	simm.s32 @p1 $0x1;
	p0 =	seq.s32 s7, s2  }
0x1e: {  	s7 =	smul.u32 @!p0 $0xF7A, s2;
	p2 =	seq.s32 @!p0 s5, $0x0  }
0x1f: {  	s9 =	smul.u32 $0xF7A, s1;
	s8 =	simm.s32 @!p0 $0x1BF5;
	p2 =	por !p2, p0  }
0x20: {  	[sflag:s8] =	ssyncset.s32 @!p0 $0xFFFFF086;
	s6 =	sadd.s32 @!p0 s3, s7;
	s7 =	simm.s32 @!p0 $0x108  }
0x21: {  	s3 =	sadd.s32 s3, s9;
	s6 =	sadd.s32 @!p0 $0x88, s6;
	s7 =	simm.s32 @p2 $0x1082  }
0x22: {  	[simem:s7], [sflag:s8] =	dma.local @!p0 [hbm:s6], $0xF7A  }
0x23: {  	s9 =	sor.u32 $0xD0000000, s2;
	s6 =	simm.s32 $0x108;
	_ =	swait.ge @!p0 [sflag:s8], $0x0  }
0x24: {  	s3 =	sadd.s32 $0x88, s3;
	s6 =	simm.s32 @!p1 $0x1082;
	[sflag:s4] =	ssyncset.s32 $0xFFFFF086  }
0x25: {  	[simem:s6], [sflag:s4] =	dma.local [hbm:s3], $0xF7A  }
0x26: {  	[smem:$0x3F9B] =	sst s1;
	(tag) =	ssettag s2;
	_ =	strace s9  }
0x27: {  	s1 =	sld [smem:$0x3FAB]  }
0x28: {  	s2 =	sld [smem:$0x3FAC]  }
0x29: {  	s4 =	sld [smem:$0x3FAE]  }
0x2a: {  	p0 =	seq.s32 s5, $0x0;
	s5 =	sld [smem:$0x3FAF]  }
0x2b: {  	s6 =	sld [smem:$0x3FB0]  }
0x2c: {  	s7 =	sld [smem:$0x3FB1]  }
0x2d: {  	s3 =	simm.s32 $0x108;
	s8 =	sld [smem:$0x3FB2]  }
0x2e: {  	s3 =	simm.s32 @!p0 $0x1082;
	s9 =	sld [smem:$0x3FB3]  }
0x2f: {  	lr =	sadd.s32 s0, s3;
	s0 =	sld [smem:$0x3FAA]  }
0x30: {  	s3 =	sld [smem:$0x3FAD]  }
0x31: {  	[smem:$0x3FB6] =	sst s10  }
0x32: {  	s10 =	sld [smem:$0x3FB4];
	_ =	sdelay $0x3  }
0x33: {  	p0 =	seq.s32 s10, $0x1;
	s10 =	sld [smem:$0x3FB6];
	_ =	sdelay $0x3  }
0x34: {  	[smem:$0x3FB6] =	sst s10  }
0x35: {  	s10 =	sld [smem:$0x3FB5];
	_ =	sdelay $0x3  }
0x36: {  	p1 =	seq.s32 s10, $0x1;
	s10 =	sld [smem:$0x3FB6];
	_ =	sdelay $0x3  }
0x37: {  	[smem:$0x3FB6] =	sst s10  }
0x38: {  	s10 =	sld [smem:$0x3FB7]  }
0x39: {  	_ = 	snop;
	(pc) =	sbr.ind lr, $3  }
0x3a: {  	_ = 	snop  }
0x3b: {  	_ = 	snop  }
0x3c: {  	p2 =	seq.s32 s10, $0x1;
	s10 =	sld [smem:$0x3FB6]  }
0x3d: {  	_ =	shalt  }
0x3e: {  	_ =	shalt  }
0x3f: {  	_ =	shalt  }
0x40: {  	_ =	shalt  }
0x41: {  	_ =	shalt  }
0x42: {  	_ =	shalt  }
0x43: {  	_ =	shalt  }
0x44: {  	_ =	shalt  }
0x45: {  	_ =	shalt  }
0x46: {  	_ =	shalt  }
0x47: {  	_ =	shalt  }
0x48: {  	_ =	shalt  }
0x49: {  	_ =	shalt  }
0x4a: {  	_ =	shalt  }
0x4b: {  	_ =	shalt  }
0x4c: {  	_ =	shalt  }
0x4d: {  	_ =	shalt  }
0x4e: {  	_ =	shalt  }
0x4f: {  	_ =	shalt  }
0x50: {  	_ =	shalt  }
0x51: {  	_ =	shalt  }
0x52: {  	_ =	shalt  }
0x53: {  	_ =	shalt  }
0x54: {  	_ =	shalt  }
0x55: {  	_ =	shalt  }
0x56: {  	_ =	shalt  }
0x57: {  	_ =	shalt  }
0x58: {  	_ =	shalt  }
0x59: {  	_ =	shalt  }
0x5a: {  	_ =	shalt  }
0x5b: {  	_ =	shalt  }
0x5c: {  	_ =	shalt  }
0x5d: {  	_ =	shalt  }
0x5e: {  	_ =	shalt  }
0x5f: {  	_ =	shalt  }
0x60: {  	_ =	shalt  }
0x61: {  	_ =	shalt  }
0x62: {  	_ =	shalt  }
0x63: {  	_ =	shalt  }
0x64: {  	_ =	shalt  }
0x65: {  	_ =	shalt  }
0x66: {  	_ =	shalt  }
0x67: {  	_ =	shalt  }
0x68: {  	_ =	shalt  }
0x69: {  	_ =	shalt  }
0x6a: {  	_ =	shalt  }
0x6b: {  	_ =	shalt  }
0x6c: {  	_ =	shalt  }
0x6d: {  	_ =	shalt  }
0x6e: {  	_ =	shalt  }
0x6f: {  	_ =	shalt  }
0x70: {  	_ =	shalt  }
0x71: {  	_ =	shalt  }
0x72: {  	_ =	shalt  }
0x73: {  	_ =	shalt  }
0x74: {  	_ =	shalt  }
0x75: {  	_ =	shalt  }
0x76: {  	_ =	shalt  }
0x77: {  	_ =	shalt  }
0x78: {  	_ =	shalt  }
0x79: {  	_ =	shalt  }
0x7a: {  	_ =	shalt  }
0x7b: {  	_ =	shalt  }
0x7c: {  	_ =	shalt  }
0x7d: {  	_ =	shalt  }
0x7e: {  	_ =	shalt  }
0x7f: {  	_ =	shalt  }
0x80: {  	_ =	shalt  }
0x81: {  	_ =	shalt  }
0x82: {  	_ =	shalt  }
0x83: {  	_ =	shalt  }
0x84: {  	_ =	shalt  }
0x85: {  	_ =	shalt  }
0x86: {  	_ =	shalt  }
0x87: {  	_ =	shalt  }
.Lfunc_end0:
.L_simem_size_0:
called_computation.1_lowered:
.L_overlay_start_0:
0x88: {  	s2 =	sld [smem:$0x3FD9]  }
0x89: {  	s3 =	sld [smem:$0x3FFE];
	_ =	sdelay $0x1  }
0x8a: {  	s1 =	srdreg.scid  }
0x8b: {  	s0 =	sand.u32 $0x1, s1  }
0x8c: {  	s17 =	sshll.u32 s0, $0xA;
	s2 =	sadd.s32 s3, s2  }
0x8d: {  	s2 =	sadd.s32 s2, s17  }
0x8e: {  	[smem:$0x3FC2] =	sst s2  }
0x8f: {  	_ = 	snop  }
0x90: {  	s2 =	sld [smem:$0x3FD0];
	(tm) =	ssettm $0x1  }
0x91: {  	s18 =	sld [smem:$0x3FFB];
	_ =	sdelay $0x3  }
0x92: {  	_ =	strace s18  }
0x93: {  	s3 =	sld [smem:$0x3FFC];
	_ =	sdelay $0x3  }
0x94: {  	_ =	strace s3  }
0x95: {  	s3 =	sld [smem:$0x3FFD];
	_ =	sdelay $0x3  }
0x96: {  	_ =	strace s3  }
0x97: {  	_ =	strace $0x8FFFFFFF  }
0x98: {  	s19 =	sld [smem:$0x3FDB];
	_ =	sdelay $0x1  }
0x99: {  	s4 =	simm.s32 $_scs_section_size  }
0x9a: {  	s5 =	simm.s32 $_size__tile_overlayer_lowered;
	s6 =	simm.s32 $_tile_overlayer_lowered  }
0x9b: {  	s22 =	simm.s32 $0x1BFF;
	s21 =	sshll.u32 s6, $0x1;
	s3 =	sadd.s32 s4, s19  }
0x9c: {  	s7 =	simm.s32 $0x0;
	s20 =	sshll.u32 s5, $0x1;
	s5 =	sadd.s32 s21, s3  }
0x9d: {  	[timem:s7], [sflag:s22] =	dma.local [hbm:s5], s20  }
0x9e: {  	_ =	swait.ge [sflag:s22], s20  }
0x9f: {  	s4 =	ssub.s32 $0x0, s20;
	[sflag:s22] =	ssyncset.done $0x0  }
0xa0: {  	[sflag:s22] =	ssyncadd.s32 s4;
	_ =	sdelay $0x1  }
0xa1: {  	s23 =	simm.s32 $0x1B8B  }
0xa2: {  	_ =	swait.ge [sflag:s23], $0x1  }
0xa3: {  	[sflag:s23] =	ssyncset.done $0x0  }
0xa4: {  	s25 =	simm.s32 $0x1B8E;
	s24 =	sld [smem:$0x3FFE];
	[sflag:s23] =	ssyncadd.s32 $0xFFFFFFFF  }
0xa5: {  	s26 =	simm.s32 $execute0_lowered;
	[smem:$0x3FD2] =	sst s25  }
0xa6: {  	s5 =	sshll.u32 s26, $0x1;
	_ =	strace $0x80000049;
	[dreg:$0x1] =	wrdreg $0xFFFFFFFF  }
0xa7: {  	s28 =	simm.s32 $_size_execute0_lowered;
	s3 =	sadd.s32 s3, s5;
	[dreg:$0x0] =	wrdreg $0x0  }
0xa8: {  	s5 =	sshll.u32 s28, $0x1;
	[dreg:$0x2] =	wrdreg s3  }
0xa9: {  	[dreg:$0x3] =	wrdreg s5  }
0xaa: {  	[dreg:$0x4] =	wrdreg $0xC0  }
0xab: {  	_ =	task [dreg:s7], $0x5FFFF  }
0xac: {  	[dreg:$0x1] =	wrdreg $0xFFFFFFFF  }
0xad: {  	[dreg:$0x0] =	wrdreg $0x60  }
0xae: {  	[dreg:$0x2] =	wrdreg s2  }
0xaf: {  	[dreg:$0x3] =	wrdreg s24  }
0xb0: {  	[dreg:$0x4] =	wrdreg $0x0  }
0xb1: {  	[dreg:$0x5] =	wrdreg $0x9  }
0xb2: {  	_ =	task.clear_ibuf [dreg:s7], $0x6FFFF;
	_ =	strace $0x90000049  }
0xb3: {  	s29 =	simm.s32 $0x9;
	_ =	strace $0x8000004B  }
0xb4: {  	_ =	swait.ge [sflag:s29], $0x1  }
0xb5: {  	[sflag:s29] =	ssyncadd.s32 $0xFFFFFFFF  }
0xb6: {  	_ =	strace $0x9000004B  }
0xb7: {  	_ =	sfence  }
0xb8: {  	s30 =	sld [smem:$0x0];
	_ =	sdelay $0x2  }
0xb9: {  	s31 =	sshll.u32 s1, $0xD;
	s1 =	sshrl.u32 s1, $0x2  }
0xba: {  	s3 =	sand.u32 $0x4000, s31;
	s1 =	sadd.s32 s1, s30  }
0xbb: {  	s0 =	sor.u32 s3, s0;
	s1 =	sshll.u32 s1, $0x11  }
0xbc: {  	s0 =	sor.u32 s1, s0  }
0xbd: {  	s0 =	sadd.s32 $0x8F2B, s0  }
0xbe: {  	[sflag:s0] =	ssyncadd.remote.s32 $0x1  }
0xbf: {  	_ =	sfence.sel $0xFFFF  }
0xc0: {  	[dreg:$0x0] =	wrdreg $0xFFFFFFFF;
	(pc) =	sbr.abs _section_cstart, $3  }
0xc1: {  	[dreg:$0x1] =	wrdreg $0xFFFFFFFF  }
0xc2: {  	_ =	task.clear_ibuf [dreg:s7], $0x2FFFF;
	_ =	strace $0x9FFFFFFF  }
0xc3: {  	(tm) =	ssettm $0x7FFFFFFF  }
tec
execute0_lowered:
.L_overlay_start_1:
0x0: {  	(tag) =	ssettag $0x1  }
0x1: {  	s2 =	rddreg [dreg:$0x0]  }
0x2: {  	s5 =	rddreg [dreg:$0x1]  }
0x3: {  	s3 =	rddreg [dreg:$0x2];
	s4 =	srdreg.scid  }
0x4: {  	s1 =	stileid.u32;
	s0 =	rddreg [dreg:$0x3];
	s14 =	simm.s32 $0x2800  }
0x5: {  	s15 =	simm.s32 $0x3;
	s16 =	simm.s32 $0x5000;
	s17 =	simm.s32 $0x7800  }
0x6: {  	s18 =	simm.s32 $0x80;
	s19 =	simm.s32 $0x2880;
	s20 =	simm.s32 $0x8000  }
0x7: {  	s21 =	simm.s32 $0x1;
	s22 =	simm.s32 $0x2;
	s23 =	simm.s32 $0x7700  }
0x8: {  	s24 =	simm.s32 $0x7780;
	s25 =	simm.s32 $0x0;
	s7 =	smul.u32 $0x2800, s1  }
0x9: {  	s6 =	sand.u32 $0x1, s4;
	s4 =	simm.s32 $0x0;
	s10 =	smul.u32 $0xA000, s1  }
0xa: {  	s8 =	sshll.u32 s1, $0x1;
	s9 =	smul.u32 $0x28000, s6;
	[smem:$0x7FF] =	sst s4  }
0xb: {  	s8 =	sor.u32 s6, s8;
	s6 =	ssub.s32 $0x2, s6;
	_ =	strace $0x8000004A  }
0xc: {  	s8 =	smul.u32 $0x500, s8;
	s30 =	sshrl.u32 s6, $0x1;
	s31 =	sshrl.u32 s10, $0x2  }
0xd: {  	s9 =	sadd.s32 s7, s9;
	s13 =	ssub.s32 s6, s30;
	s7 =	sadd.s32 s7, s3  }
0xe: {  	s11 =	sadd.s32 s31, s3;
	s9 =	sshrl.u32 s9, $0x3;
	s8 =	sadd.s32 s8, s5  }
0xf: {  	s10 =	sadd.s32 $0x1800, s11;
	s13 =	smax.u32 s13, $0x1;
	s12 =	sadd.s32 s9, s5  }
0x10: {  	s5 =	sadd.s32 $0xBA00, s8;
	s6 =	sadd.s32 $0x1A00, s8;
	s8 =	sadd.s32 $0x800, s11  }
0x11: {  	v0 =	vimm.f32 $0.0e+00;
	s9 =	sadd.s32 $0x1000, s11;
	s11 =	sadd.s32 $0x2000, s11;
	s12 =	sadd.s32 $0x15A00, s12  }
.LBB2_1:
0x12: {  	[tilespmem:s14], [sflag:$0x3] =	stream.linear.gather [hbm4b:s5+s4], $0x2800, $0x38;
	[tilespmem:$0x8800] =	vst v63  }
0x13: {  	_ =	swait.ge [sflag:s15], $0x2800  }
0x14: {  	[sflag:s15] =	ssyncset.done $0x0  }
0x15: {  	[sflag:s15] =	ssyncadd.s32 $0xFFFFD800  }
0x16: {  	[tilespmem:s16], [sflag:$0x3] =	stream.linear.gather [hbm4b:s6+s4], $0x2800, $0x38;
	[tilespmem:$0x8800] =	vst v63  }
0x17: {  	_ =	swait.ge [sflag:s15], $0x2800  }
0x18: {  	[sflag:s15] =	ssyncset.done $0x0  }
0x19: {  	s26 =	simm.s32 $0x40;
	s28 =	simm.s32 $0x0;
	[sflag:s15] =	ssyncadd.s32 $0xFFFFD800  }
.LBB2_2:
0x1a: {  	p0 =	sne.s32 s26, $0x1FC0;
	[tilespmem:s28+$0x7800] =	vst v0;
	s28 =	smov.u32 s26;
	s26 =	sadd.s32 $0x40, s26  }
.Ltmp0:
0x1b: {  	(pc) =	sbr.rel @p0 .LBB2_2-.Ltmp0, $2  }
0x1c: {  	_ =	sdelay $0x2  }
0x1d: {  	s28 =	sshra.s32 s28, $0x2  }
0x1e: {  	[tilespmem:s28+$0x7800] =	vst v0  }
0x1f: {  	[spmem:s7] =	stream.linear.scatter [tilespmem:s17], [sflag:$0x3], $0x800, $0x38;
	[tilespmem:$0x8800] =	vst v63  }
0x20: {  	_ =	swait.ge [sflag:s15], $0x800  }
0x21: {  	[sflag:s15] =	ssyncset.done $0x0  }
0x22: {  	[sflag:s15] =	ssyncadd.s32 $0xFFFFF800  }
0x23: {  	[spmem:s8] =	stream.linear.scatter [tilespmem:s17], [sflag:$0x3], $0x800, $0x38;
	[tilespmem:$0x8800] =	vst v63  }
0x24: {  	_ =	swait.ge [sflag:s15], $0x800  }
0x25: {  	[sflag:s15] =	ssyncset.done $0x0  }
0x26: {  	[sflag:s15] =	ssyncadd.s32 $0xFFFFF800  }
0x27: {  	[spmem:s9] =	stream.linear.scatter [tilespmem:s17], [sflag:$0x3], $0x800, $0x38;
	[tilespmem:$0x8800] =	vst v63  }
0x28: {  	_ =	swait.ge [sflag:s15], $0x800  }
0x29: {  	[sflag:s15] =	ssyncset.done $0x0  }
0x2a: {  	[sflag:s15] =	ssyncadd.s32 $0xFFFFF800  }
0x2b: {  	[spmem:s10] =	stream.linear.scatter [tilespmem:s17], [sflag:$0x3], $0x800, $0x38;
	[tilespmem:$0x8800] =	vst v63  }
0x2c: {  	_ =	swait.ge [sflag:s15], $0x800  }
0x2d: {  	[sflag:s15] =	ssyncset.done $0x0  }
0x2e: {  	[sflag:s15] =	ssyncadd.s32 $0xFFFFF800  }
0x2f: {  	[spmem:s11] =	stream.linear.scatter [tilespmem:s17], [sflag:$0x3], $0x800, $0x38;
	[tilespmem:$0x8800] =	vst v63  }
0x30: {  	_ =	swait.ge [sflag:s15], $0x800  }
0x31: {  	[sflag:s15] =	ssyncset.done $0x0  }
0x32: {  	[sflag:s15] =	ssyncadd.s32 $0xFFFFF800  }
0x33: {  	[bflag:$0x0] =	sbarrier.arrive $0xFFFF  }
0x34: {  	[tilespmem:s17], [sflag:$0x1] =	stream.indirect.gather [hbm4b:s2+s18], $0x10, s14, s18, $0xb8;
	[tilespmem:$0x8800] =	vst v63  }
0x35: {  	_ = 	snop  }
0x36: {  	[tilespmem:s20], [sflag:$0x2] =	stream.indirect.gather [hbm4b:s2+s18], $0x10, s19, s18, $0xb8;
	[tilespmem:$0x8800] =	vst v63  }
0x37: {  	_ =	swait.ge [sflag:s21], $0x800  }
0x38: {  	[sflag:s21] =	ssyncset.done $0x0  }
0x39: {  	s26 =	simm.s32 $0x5000;
	[sflag:s21] =	ssyncadd.s32 $0xFFFFF800  }
0x3a: {  	[spmem:s3] =	stream.indirect.scatter.add.f32 [tilespmem:s17], [sflag:$0x3], $0x10, s26, s18, $0xb8;
	[tilespmem:$0x8800] =	vst v63  }
0x3b: {  	_ =	swait.ge [sflag:s15], $0x800  }
0x3c: {  	[sflag:s15] =	ssyncset.done $0x0  }
0x3d: {  	s30 =	simm.s32 $0x2900;
	[sflag:s15] =	ssyncadd.s32 $0xFFFFF800  }
0x3e: {  	[tilespmem:s17], [sflag:$0x1] =	stream.indirect.gather [hbm4b:s2+s18], $0x10, s30, s18, $0xb8;
	[tilespmem:$0x8800] =	vst v63  }
0x3f: {  	_ =	swait.ge [sflag:s22], $0x800  }
0x40: {  	[sflag:s22] =	ssyncset.done $0x0  }
0x41: {  	s31 =	simm.s32 $0x5080;
	[sflag:s22] =	ssyncadd.s32 $0xFFFFF800  }
0x42: {  	[spmem:s3] =	stream.indirect.scatter.add.f32 [tilespmem:s20], [sflag:$0x3], $0x10, s31, s18, $0xb8;
	[tilespmem:$0x8800] =	vst v63  }
0x43: {  	_ =	swait.ge [sflag:s15], $0x800  }
0x44: {  	[sflag:s15] =	ssyncset.done $0x0  }
0x45: {  	s28 =	simm.s32 $0x2980;
	s26 =	simm.s32 $0x400;
	[sflag:s15] =	ssyncadd.s32 $0xFFFFF800  }
.LBB2_4:
0x46: {  	[tilespmem:s20], [sflag:$0x2] =	stream.indirect.gather [hbm4b:s2+s18], $0x10, s28, s18, $0xb8;
	[tilespmem:$0x8800] =	vst v63  }
0x47: {  	s28 =	smov.u32 s26  }
0x48: {  	p0 =	sne.s32 s26, $0x9800;
	s26 =	sadd.s32 $0x400, s26;
	_ =	swait.ge [sflag:s21], $0x800  }
0x49: {  	s28 =	sshra.s32 s28, $0x2;
	[sflag:s21] =	ssyncset.done $0x0  }
0x4a: {  	s29 =	sadd.s32 $0x5000, s28;
	[sflag:s21] =	ssyncadd.s32 $0xFFFFF800  }
0x4b: {  	[spmem:s3] =	stream.indirect.scatter.add.f32 [tilespmem:s17], [sflag:$0x3], $0x10, s29, s18, $0xb8;
	[tilespmem:$0x8800] =	vst v63  }
0x4c: {  	_ =	swait.ge [sflag:s15], $0x800  }
0x4d: {  	[sflag:s15] =	ssyncset.done $0x0  }
0x4e: {  	s29 =	sadd.s32 $0x2900, s28;
	[sflag:s15] =	ssyncadd.s32 $0xFFFFF800  }
0x4f: {  	[tilespmem:s17], [sflag:$0x1] =	stream.indirect.gather [hbm4b:s2+s18], $0x10, s29, s18, $0xb8;
	[tilespmem:$0x8800] =	vst v63  }
0x50: {  	_ =	swait.ge [sflag:s22], $0x800  }
0x51: {  	[sflag:s22] =	ssyncset.done $0x0  }
.Ltmp1:
0x52: {  	s29 =	sadd.s32 $0x5080, s28;
	[sflag:s22] =	ssyncadd.s32 $0xFFFFF800;
	(pc) =	sbr.rel @p0 .LBB2_4-.Ltmp1, $4  }
0x53: {  	[spmem:s3] =	stream.indirect.scatter.add.f32 [tilespmem:s20], [sflag:$0x3], $0x10, s29, s18, $0xb8;
	[tilespmem:$0x8800] =	vst v63  }
0x54: {  	_ =	swait.ge [sflag:s15], $0x800  }
0x55: {  	[sflag:s15] =	ssyncset.done $0x0  }
0x56: {  	s28 =	sadd.s32 $0x2980, s28;
	[sflag:s15] =	ssyncadd.s32 $0xFFFFF800  }
0x57: {  	[tilespmem:s20], [sflag:$0x2] =	stream.indirect.gather [hbm4b:s2+s18], $0x10, s28, s18, $0xb8;
	[tilespmem:$0x8800] =	vst v63  }
0x58: {  	_ =	swait.ge [sflag:s21], $0x800  }
0x59: {  	[sflag:s21] =	ssyncset.done $0x0  }
0x5a: {  	[sflag:s21] =	ssyncadd.s32 $0xFFFFF800  }
0x5b: {  	[spmem:s3] =	stream.indirect.scatter.add.f32 [tilespmem:s17], [sflag:$0x3], $0x10, s23, s18, $0xb8;
	[tilespmem:$0x8800] =	vst v63  }
0x5c: {  	_ =	swait.ge [sflag:s15], $0x800  }
0x5d: {  	[sflag:s15] =	ssyncset.done $0x0  }
0x5e: {  	[sflag:s15] =	ssyncadd.s32 $0xFFFFF800  }
0x5f: {  	_ =	swait.ge [sflag:s22], $0x800  }
0x60: {  	[sflag:s22] =	ssyncset.done $0x0  }
0x61: {  	[sflag:s22] =	ssyncadd.s32 $0xFFFFF800  }
0x62: {  	[spmem:s3] =	stream.indirect.scatter.add.f32 [tilespmem:s20], [sflag:$0x3], $0x10, s24, s18, $0xb8;
	[tilespmem:$0x8800] =	vst v63  }
0x63: {  	_ =	swait.ge [sflag:s15], $0x800  }
0x64: {  	s26 =	sshll.u32 s1, $0x6;
	s25 =	sadd.s32 $0x1, s25;
	[sflag:s15] =	ssyncset.done $0x0  }
0x65: {  	s31 =	sshrl.u32 s7, $0x3;
	p0 =	sne.s32 s25, s13;
	[sflag:s15] =	ssyncadd.s32 $0xFFFFF800  }
.Ltmp2:
0x66: {  	s26 =	sor.u32 $0x1C03, s26;
	[bflag:$0x0] =	sbarrier.arrive $0xFFFF;
	(pc) =	sbr.rel @p0 .LBB2_1-.Ltmp2, $4  }
0x67: {  	[hbm:s12], [sflag:s26] =	dma.local [spmem:s31], $0x500  }
0x68: {  	_ =	swait.ge [sflag:s15], $0x500  }
0x69: {  	[sflag:s15] =	ssyncset.done $0x0  }
0x6a: {  	[sflag:s15] =	ssyncadd.s32 $0xFFFFFB00  }
0x6b: {  	_ =	sfence.sel $0x180000  }
0x6c: {  	[bflag:$0x0] =	sbarrier.arrive $0xFFFF  }
0x6d: {  	p0 =	sne.s32 s1, $0x0;
	_ =	strace $0x9000004A  }
0x6e: {  	s0 =	sadd.s32 @!p0 $0x100000, s0;
	[bflag:$0x2] =	sbarrier.arrive $0xFFFF  }
0x6f: {  	[sflag:s0] =	ssyncadd.tile.s32 @!p0 $0x1;
	_ =	shalt  }
.Lfunc_end2:
_tile_overlayer_lowered:
.L_overlay_start_2:
0x70: {  	(tag) =	ssettag $0x2  }
0x71: {  	s0 =	rddreg [dreg:$0x0];
	s2 =	stileid.u32  }
0x72: {  	s1 =	rddreg [dreg:$0x1];
	p0 =	sne.s32 s2, $0x0  }
0x73: {  	s3 =	rddreg [dreg:$0x2];
	[bflag:$0x3] =	sbarrier.arrive $0xFFFF;
	s2 =	simm.s32 @!p0 $0x1C03  }
0x74: {  	[timem:s3], [sflag:s2] =	dma.local @!p0 [hbm:s0], s1  }
0x75: {  	s0 =	simm.s32 @!p0 $0x3  }
0x76: {  	_ =	swait.ge @!p0 [sflag:s0], s1  }
0x77: {  	s1 =	ssub.s32 @!p0 $0x0, s1;
	[sflag:s0] =	ssyncset.done @!p0 $0x0  }
0x78: {  	[sflag:s0] =	ssyncadd.s32 @!p0 s1  }
0x79: {  	[bflag:$0x3] =	sbarrier.arrive $0xFFFF  }
0x7a: {  	_ =	shalt  }

// kernel: kernel.15.cloned.1.call-start
scs
__scs_entry_jumppad:
0x0: {  	(pc) =	sbr.rel $0x88, $3  }
0x1: {  	(tag) =	ssettag $0x0;
	lr =	simm.s32 $0x1  }
0x2: {  	[smem:$0x3F9B] =	sst lr;
	_ =	strace $0xD0000000  }
0x3: {  	_ = 	snop  }
0x4: {  	_ = 	snop  }
0x5: {  	_ = 	snop  }
0x6: {  	_ = 	snop  }
0x7: {  	_ = 	snop  }
__scs_overlays_trampoline_lowered:
0x8: {  	[smem:$0x3FAA] =	sst s0  }
0x9: {  	[smem:$0x3FAB] =	sst s1  }
0xa: {  	[smem:$0x3FAC] =	sst s2  }
0xb: {  	[smem:$0x3FAD] =	sst s3  }
0xc: {  	[smem:$0x3FAE] =	sst s4  }
0xd: {  	[smem:$0x3FAF] =	sst s5  }
0xe: {  	[smem:$0x3FB0] =	sst s6  }
0xf: {  	[smem:$0x3FB1] =	sst s7  }
0x10: {  	[smem:$0x3FB2] =	sst s8  }
0x11: {  	[smem:$0x3FB3] =	sst s9;
	s0 =	simm.s32 @!p0 $0x0  }
0x12: {  	s1 =	sld [smem:$0x3F99];
	s0 =	simm.s32 @p0 $0x1  }
0x13: {  	[smem:$0x3FB4] =	sst s0;
	s0 =	simm.s32 @!p1 $0x0  }
0x14: {  	s2 =	sld [smem:$0x3F98];
	s0 =	simm.s32 @p1 $0x1  }
0x15: {  	[smem:$0x3FB5] =	sst s0;
	s0 =	simm.s32 @!p2 $0x0  }
0x16: {  	s3 =	sld [smem:$0x3FDB];
	s0 =	simm.s32 @p2 $0x1  }
0x17: {  	s4 =	simm.s32 $0x1BF5;
	[smem:$0x3FB7] =	sst s0  }
0x18: {  	s0 =	sld [smem:$0x3F9A];
	_ =	swait.ge [sflag:s4], $0x0  }
0x19: {  	s7 =	sld [smem:$0x3F9B]  }
0x1a: {  	s8 =	sadd.s32 $0xFFFFE003, lr  }
0x1b: {  	s9 =	sadd.s32 $0xFFFFFEF7, lr;
	s5 =	simm.s32 $0xFFFFFFFF;
	p2 =	slt.u32 s8, $0xFFFFF086  }
0x1c: {  	p1 =	slt.u32 s9, $0xF7A;
	s5 =	simm.s32 @!p2 $0x0  }
0x1d: {  	s5 =	simm.s32 @p1 $0x1;
	p0 =	seq.s32 s7, s2  }
0x1e: {  	s7 =	smul.u32 @!p0 $0xF7A, s2;
	p2 =	seq.s32 @!p0 s5, $0x0  }
0x1f: {  	s9 =	smul.u32 $0xF7A, s1;
	s8 =	simm.s32 @!p0 $0x1BF5;
	p2 =	por !p2, p0  }
0x20: {  	[sflag:s8] =	ssyncset.s32 @!p0 $0xFFFFF086;
	s6 =	sadd.s32 @!p0 s3, s7;
	s7 =	simm.s32 @!p0 $0x108  }
0x21: {  	s3 =	sadd.s32 s3, s9;
	s6 =	sadd.s32 @!p0 $0x88, s6;
	s7 =	simm.s32 @p2 $0x1082  }
0x22: {  	[simem:s7], [sflag:s8] =	dma.local @!p0 [hbm:s6], $0xF7A  }
0x23: {  	s9 =	sor.u32 $0xD0000000, s2;
	s6 =	simm.s32 $0x108;
	_ =	swait.ge @!p0 [sflag:s8], $0x0  }
0x24: {  	s3 =	sadd.s32 $0x88, s3;
	s6 =	simm.s32 @!p1 $0x1082;
	[sflag:s4] =	ssyncset.s32 $0xFFFFF086  }
0x25: {  	[simem:s6], [sflag:s4] =	dma.local [hbm:s3], $0xF7A  }
0x26: {  	[smem:$0x3F9B] =	sst s1;
	(tag) =	ssettag s2;
	_ =	strace s9  }
0x27: {  	s1 =	sld [smem:$0x3FAB]  }
0x28: {  	s2 =	sld [smem:$0x3FAC]  }
0x29: {  	s4 =	sld [smem:$0x3FAE]  }
0x2a: {  	p0 =	seq.s32 s5, $0x0;
	s5 =	sld [smem:$0x3FAF]  }
0x2b: {  	s6 =	sld [smem:$0x3FB0]  }
0x2c: {  	s7 =	sld [smem:$0x3FB1]  }
0x2d: {  	s3 =	simm.s32 $0x108;
	s8 =	sld [smem:$0x3FB2]  }
0x2e: {  	s3 =	simm.s32 @!p0 $0x1082;
	s9 =	sld [smem:$0x3FB3]  }
0x2f: {  	lr =	sadd.s32 s0, s3;
	s0 =	sld [smem:$0x3FAA]  }
0x30: {  	s3 =	sld [smem:$0x3FAD]  }
0x31: {  	[smem:$0x3FB6] =	sst s10  }
0x32: {  	s10 =	sld [smem:$0x3FB4];
	_ =	sdelay $0x3  }
0x33: {  	p0 =	seq.s32 s10, $0x1;
	s10 =	sld [smem:$0x3FB6];
	_ =	sdelay $0x3  }
0x34: {  	[smem:$0x3FB6] =	sst s10  }
0x35: {  	s10 =	sld [smem:$0x3FB5];
	_ =	sdelay $0x3  }
0x36: {  	p1 =	seq.s32 s10, $0x1;
	s10 =	sld [smem:$0x3FB6];
	_ =	sdelay $0x3  }
0x37: {  	[smem:$0x3FB6] =	sst s10  }
0x38: {  	s10 =	sld [smem:$0x3FB7]  }
0x39: {  	_ = 	snop;
	(pc) =	sbr.ind lr, $3  }
0x3a: {  	_ = 	snop  }
0x3b: {  	_ = 	snop  }
0x3c: {  	p2 =	seq.s32 s10, $0x1;
	s10 =	sld [smem:$0x3FB6]  }
0x3d: {  	_ =	shalt  }
0x3e: {  	_ =	shalt  }
0x3f: {  	_ =	shalt  }
0x40: {  	_ =	shalt  }
0x41: {  	_ =	shalt  }
0x42: {  	_ =	shalt  }
0x43: {  	_ =	shalt  }
0x44: {  	_ =	shalt  }
0x45: {  	_ =	shalt  }
0x46: {  	_ =	shalt  }
0x47: {  	_ =	shalt  }
0x48: {  	_ =	shalt  }
0x49: {  	_ =	shalt  }
0x4a: {  	_ =	shalt  }
0x4b: {  	_ =	shalt  }
0x4c: {  	_ =	shalt  }
0x4d: {  	_ =	shalt  }
0x4e: {  	_ =	shalt  }
0x4f: {  	_ =	shalt  }
0x50: {  	_ =	shalt  }
0x51: {  	_ =	shalt  }
0x52: {  	_ =	shalt  }
0x53: {  	_ =	shalt  }
0x54: {  	_ =	shalt  }
0x55: {  	_ =	shalt  }
0x56: {  	_ =	shalt  }
0x57: {  	_ =	shalt  }
0x58: {  	_ =	shalt  }
0x59: {  	_ =	shalt  }
0x5a: {  	_ =	shalt  }
0x5b: {  	_ =	shalt  }
0x5c: {  	_ =	shalt  }
0x5d: {  	_ =	shalt  }
0x5e: {  	_ =	shalt  }
0x5f: {  	_ =	shalt  }
0x60: {  	_ =	shalt  }
0x61: {  	_ =	shalt  }
0x62: {  	_ =	shalt  }
0x63: {  	_ =	shalt  }
0x64: {  	_ =	shalt  }
0x65: {  	_ =	shalt  }
0x66: {  	_ =	shalt  }
0x67: {  	_ =	shalt  }
0x68: {  	_ =	shalt  }
0x69: {  	_ =	shalt  }
0x6a: {  	_ =	shalt  }
0x6b: {  	_ =	shalt  }
0x6c: {  	_ =	shalt  }
0x6d: {  	_ =	shalt  }
0x6e: {  	_ =	shalt  }
0x6f: {  	_ =	shalt  }
0x70: {  	_ =	shalt  }
0x71: {  	_ =	shalt  }
0x72: {  	_ =	shalt  }
0x73: {  	_ =	shalt  }
0x74: {  	_ =	shalt  }
0x75: {  	_ =	shalt  }
0x76: {  	_ =	shalt  }
0x77: {  	_ =	shalt  }
0x78: {  	_ =	shalt  }
0x79: {  	_ =	shalt  }
0x7a: {  	_ =	shalt  }
0x7b: {  	_ =	shalt  }
0x7c: {  	_ =	shalt  }
0x7d: {  	_ =	shalt  }
0x7e: {  	_ =	shalt  }
0x7f: {  	_ =	shalt  }
0x80: {  	_ =	shalt  }
0x81: {  	_ =	shalt  }
0x82: {  	_ =	shalt  }
0x83: {  	_ =	shalt  }
0x84: {  	_ =	shalt  }
0x85: {  	_ =	shalt  }
0x86: {  	_ =	shalt  }
0x87: {  	_ =	shalt  }
.Lfunc_end0:
.L_simem_size_0:
called_computation.2_lowered:
.L_overlay_start_0:
0x88: {  	s2 =	sld [smem:$0x3FD9]  }
0x89: {  	s3 =	sld [smem:$0x3FFE];
	_ =	sdelay $0x1  }
0x8a: {  	s1 =	srdreg.scid  }
0x8b: {  	s0 =	sand.u32 $0x1, s1  }
0x8c: {  	s17 =	sshll.u32 s0, $0xA;
	s2 =	sadd.s32 s3, s2  }
0x8d: {  	s2 =	sadd.s32 s2, s17  }
0x8e: {  	[smem:$0x3FC2] =	sst s2  }
0x8f: {  	_ = 	snop  }
0x90: {  	s2 =	sld [smem:$0x3FD0];
	(tm) =	ssettm $0x1  }
0x91: {  	s18 =	sld [smem:$0x3FFB];
	_ =	sdelay $0x3  }
0x92: {  	_ =	strace s18  }
0x93: {  	s3 =	sld [smem:$0x3FFC];
	_ =	sdelay $0x3  }
0x94: {  	_ =	strace s3  }
0x95: {  	s3 =	sld [smem:$0x3FFD];
	_ =	sdelay $0x3  }
0x96: {  	_ =	strace s3  }
0x97: {  	_ =	strace $0x8FFFFFFF  }
0x98: {  	s19 =	sld [smem:$0x3FDB];
	_ =	sdelay $0x1  }
0x99: {  	s4 =	simm.s32 $_scs_section_size  }
0x9a: {  	s5 =	simm.s32 $_size__tile_overlayer_lowered;
	s6 =	simm.s32 $_tile_overlayer_lowered  }
0x9b: {  	s22 =	simm.s32 $0x1BFF;
	s21 =	sshll.u32 s6, $0x1;
	s3 =	sadd.s32 s4, s19  }
0x9c: {  	s7 =	simm.s32 $0x0;
	s20 =	sshll.u32 s5, $0x1;
	s5 =	sadd.s32 s21, s3  }
0x9d: {  	[timem:s7], [sflag:s22] =	dma.local [hbm:s5], s20  }
0x9e: {  	_ =	swait.ge [sflag:s22], s20  }
0x9f: {  	s4 =	ssub.s32 $0x0, s20;
	[sflag:s22] =	ssyncset.done $0x0  }
0xa0: {  	[sflag:s22] =	ssyncadd.s32 s4;
	_ =	sdelay $0x1  }
0xa1: {  	s23 =	simm.s32 $0x1B8B  }
0xa2: {  	_ =	swait.ge [sflag:s23], $0x1  }
0xa3: {  	[sflag:s23] =	ssyncset.done $0x0  }
0xa4: {  	s25 =	simm.s32 $0x1B8E;
	s24 =	sld [smem:$0x3FFE];
	[sflag:s23] =	ssyncadd.s32 $0xFFFFFFFF  }
0xa5: {  	s26 =	simm.s32 $execute0_lowered;
	[smem:$0x3FD2] =	sst s25  }
0xa6: {  	s5 =	sshll.u32 s26, $0x1;
	_ =	strace $0x8000004C;
	[dreg:$0x1] =	wrdreg $0xFFFFFFFF  }
0xa7: {  	s28 =	simm.s32 $_size_execute0_lowered;
	s3 =	sadd.s32 s3, s5;
	[dreg:$0x0] =	wrdreg $0x0  }
0xa8: {  	s5 =	sshll.u32 s28, $0x1;
	[dreg:$0x2] =	wrdreg s3  }
0xa9: {  	[dreg:$0x3] =	wrdreg s5  }
0xaa: {  	[dreg:$0x4] =	wrdreg $0xC0  }
0xab: {  	_ =	task [dreg:s7], $0x5FFFF  }
0xac: {  	[dreg:$0x1] =	wrdreg $0xFFFFFFFF  }
0xad: {  	[dreg:$0x0] =	wrdreg $0x60  }
0xae: {  	[dreg:$0x2] =	wrdreg s2  }
0xaf: {  	[dreg:$0x3] =	wrdreg s24  }
0xb0: {  	[dreg:$0x4] =	wrdreg $0x0  }
0xb1: {  	[dreg:$0x5] =	wrdreg $0x9  }
0xb2: {  	_ =	task.clear_ibuf [dreg:s7], $0x6FFFF;
	_ =	strace $0x9000004C  }
0xb3: {  	s29 =	simm.s32 $0x9;
	_ =	strace $0x8000004E  }
0xb4: {  	_ =	swait.ge [sflag:s29], $0x1  }
0xb5: {  	[sflag:s29] =	ssyncadd.s32 $0xFFFFFFFF  }
0xb6: {  	_ =	strace $0x9000004E  }
0xb7: {  	_ =	sfence  }
0xb8: {  	s30 =	sld [smem:$0x0];
	_ =	sdelay $0x2  }
0xb9: {  	s31 =	sshll.u32 s1, $0xD;
	s1 =	sshrl.u32 s1, $0x2  }
0xba: {  	s3 =	sand.u32 $0x4000, s31;
	s1 =	sadd.s32 s1, s30  }
0xbb: {  	s0 =	sor.u32 s3, s0;
	s1 =	sshll.u32 s1, $0x11  }
0xbc: {  	s0 =	sor.u32 s1, s0  }
0xbd: {  	s0 =	sadd.s32 $0x8F2B, s0  }
0xbe: {  	[sflag:s0] =	ssyncadd.remote.s32 $0x1  }
0xbf: {  	_ =	sfence.sel $0xFFFF  }
0xc0: {  	[dreg:$0x0] =	wrdreg $0xFFFFFFFF;
	(pc) =	sbr.abs _section_cstart, $3  }
0xc1: {  	[dreg:$0x1] =	wrdreg $0xFFFFFFFF  }
0xc2: {  	_ =	task.clear_ibuf [dreg:s7], $0x2FFFF;
	_ =	strace $0x9FFFFFFF  }
0xc3: {  	(tm) =	ssettm $0x7FFFFFFF  }
tec
execute0_lowered:
.L_overlay_start_1:
0x0: {  	(tag) =	ssettag $0x1  }
0x1: {  	s2 =	rddreg [dreg:$0x0]  }
0x2: {  	s5 =	rddreg [dreg:$0x1]  }
0x3: {  	s3 =	rddreg [dreg:$0x2];
	s4 =	srdreg.scid  }
0x4: {  	s1 =	stileid.u32;
	s0 =	rddreg [dreg:$0x3];
	s14 =	simm.s32 $0x2800  }
0x5: {  	s15 =	simm.s32 $0x3;
	s16 =	simm.s32 $0x5000;
	s17 =	simm.s32 $0x7800  }
0x6: {  	s18 =	simm.s32 $0x80;
	s19 =	simm.s32 $0x2880;
	s20 =	simm.s32 $0x8000  }
0x7: {  	s21 =	simm.s32 $0x1;
	s22 =	simm.s32 $0x2;
	s23 =	simm.s32 $0x7700  }
0x8: {  	s24 =	simm.s32 $0x7780;
	s25 =	simm.s32 $0x0;
	s7 =	smul.u32 $0x2800, s1  }
0x9: {  	s6 =	sand.u32 $0x1, s4;
	s4 =	simm.s32 $0x0;
	s10 =	smul.u32 $0xA000, s1  }
0xa: {  	s8 =	sshll.u32 s1, $0x1;
	s9 =	smul.u32 $0x28000, s6;
	[smem:$0x7FF] =	sst s4  }
0xb: {  	s8 =	sor.u32 s6, s8;
	s6 =	ssub.s32 $0x2, s6;
	_ =	strace $0x8000004D  }
0xc: {  	s8 =	smul.u32 $0x500, s8;
	s30 =	sshrl.u32 s6, $0x1;
	s31 =	sshrl.u32 s10, $0x2  }
0xd: {  	s9 =	sadd.s32 s7, s9;
	s13 =	ssub.s32 s6, s30;
	s7 =	sadd.s32 s7, s3  }
0xe: {  	s11 =	sadd.s32 s31, s3;
	s9 =	sshrl.u32 s9, $0x3;
	s8 =	sadd.s32 s8, s5  }
0xf: {  	s10 =	sadd.s32 $0x1800, s11;
	s13 =	smax.u32 s13, $0x1;
	s12 =	sadd.s32 s9, s5  }
0x10: {  	s5 =	sadd.s32 $0xBA00, s8;
	s6 =	sadd.s32 $0x1A00, s8;
	s8 =	sadd.s32 $0x800, s11  }
0x11: {  	v0 =	vimm.f32 $0.0e+00;
	s9 =	sadd.s32 $0x1000, s11;
	s11 =	sadd.s32 $0x2000, s11;
	s12 =	sadd.s32 $0x15A00, s12  }
.LBB2_1:
0x12: {  	[tilespmem:s14], [sflag:$0x3] =	stream.linear.gather [hbm4b:s5+s4], $0x2800, $0x38;
	[tilespmem:$0x8800] =	vst v63  }
0x13: {  	_ =	swait.ge [sflag:s15], $0x2800  }
0x14: {  	[sflag:s15] =	ssyncset.done $0x0  }
0x15: {  	[sflag:s15] =	ssyncadd.s32 $0xFFFFD800  }
0x16: {  	[tilespmem:s16], [sflag:$0x3] =	stream.linear.gather [hbm4b:s6+s4], $0x2800, $0x38;
	[tilespmem:$0x8800] =	vst v63  }
0x17: {  	_ =	swait.ge [sflag:s15], $0x2800  }
0x18: {  	[sflag:s15] =	ssyncset.done $0x0  }
0x19: {  	s26 =	simm.s32 $0x40;
	s28 =	simm.s32 $0x0;
	[sflag:s15] =	ssyncadd.s32 $0xFFFFD800  }
.LBB2_2:
0x1a: {  	p0 =	sne.s32 s26, $0x1FC0;
	[tilespmem:s28+$0x7800] =	vst v0;
	s28 =	smov.u32 s26;
	s26 =	sadd.s32 $0x40, s26  }
.Ltmp0:
0x1b: {  	(pc) =	sbr.rel @p0 .LBB2_2-.Ltmp0, $2  }
0x1c: {  	_ =	sdelay $0x2  }
0x1d: {  	s28 =	sshra.s32 s28, $0x2  }
0x1e: {  	[tilespmem:s28+$0x7800] =	vst v0  }
0x1f: {  	[spmem:s7] =	stream.linear.scatter [tilespmem:s17], [sflag:$0x3], $0x800, $0x38;
	[tilespmem:$0x8800] =	vst v63  }
0x20: {  	_ =	swait.ge [sflag:s15], $0x800  }
0x21: {  	[sflag:s15] =	ssyncset.done $0x0  }
0x22: {  	[sflag:s15] =	ssyncadd.s32 $0xFFFFF800  }
0x23: {  	[spmem:s8] =	stream.linear.scatter [tilespmem:s17], [sflag:$0x3], $0x800, $0x38;
	[tilespmem:$0x8800] =	vst v63  }
0x24: {  	_ =	swait.ge [sflag:s15], $0x800  }
0x25: {  	[sflag:s15] =	ssyncset.done $0x0  }
0x26: {  	[sflag:s15] =	ssyncadd.s32 $0xFFFFF800  }
0x27: {  	[spmem:s9] =	stream.linear.scatter [tilespmem:s17], [sflag:$0x3], $0x800, $0x38;
	[tilespmem:$0x8800] =	vst v63  }
0x28: {  	_ =	swait.ge [sflag:s15], $0x800  }
0x29: {  	[sflag:s15] =	ssyncset.done $0x0  }
0x2a: {  	[sflag:s15] =	ssyncadd.s32 $0xFFFFF800  }
0x2b: {  	[spmem:s10] =	stream.linear.scatter [tilespmem:s17], [sflag:$0x3], $0x800, $0x38;
	[tilespmem:$0x8800] =	vst v63  }
0x2c: {  	_ =	swait.ge [sflag:s15], $0x800  }
0x2d: {  	[sflag:s15] =	ssyncset.done $0x0  }
0x2e: {  	[sflag:s15] =	ssyncadd.s32 $0xFFFFF800  }
0x2f: {  	[spmem:s11] =	stream.linear.scatter [tilespmem:s17], [sflag:$0x3], $0x800, $0x38;
	[tilespmem:$0x8800] =	vst v63  }
0x30: {  	_ =	swait.ge [sflag:s15], $0x800  }
0x31: {  	[sflag:s15] =	ssyncset.done $0x0  }
0x32: {  	[sflag:s15] =	ssyncadd.s32 $0xFFFFF800  }
0x33: {  	[bflag:$0x0] =	sbarrier.arrive $0xFFFF  }
0x34: {  	[tilespmem:s17], [sflag:$0x1] =	stream.indirect.gather [hbm4b:s2+s18], $0x10, s14, s18, $0xb8;
	[tilespmem:$0x8800] =	vst v63  }
0x35: {  	_ = 	snop  }
0x36: {  	[tilespmem:s20], [sflag:$0x2] =	stream.indirect.gather [hbm4b:s2+s18], $0x10, s19, s18, $0xb8;
	[tilespmem:$0x8800] =	vst v63  }
0x37: {  	_ =	swait.ge [sflag:s21], $0x800  }
0x38: {  	[sflag:s21] =	ssyncset.done $0x0  }
0x39: {  	s26 =	simm.s32 $0x5000;
	[sflag:s21] =	ssyncadd.s32 $0xFFFFF800  }
0x3a: {  	[spmem:s3] =	stream.indirect.scatter.add.f32 [tilespmem:s17], [sflag:$0x3], $0x10, s26, s18, $0xb8;
	[tilespmem:$0x8800] =	vst v63  }
0x3b: {  	_ =	swait.ge [sflag:s15], $0x800  }
0x3c: {  	[sflag:s15] =	ssyncset.done $0x0  }
0x3d: {  	s30 =	simm.s32 $0x2900;
	[sflag:s15] =	ssyncadd.s32 $0xFFFFF800  }
0x3e: {  	[tilespmem:s17], [sflag:$0x1] =	stream.indirect.gather [hbm4b:s2+s18], $0x10, s30, s18, $0xb8;
	[tilespmem:$0x8800] =	vst v63  }
0x3f: {  	_ =	swait.ge [sflag:s22], $0x800  }
0x40: {  	[sflag:s22] =	ssyncset.done $0x0  }
0x41: {  	s31 =	simm.s32 $0x5080;
	[sflag:s22] =	ssyncadd.s32 $0xFFFFF800  }
0x42: {  	[spmem:s3] =	stream.indirect.scatter.add.f32 [tilespmem:s20], [sflag:$0x3], $0x10, s31, s18, $0xb8;
	[tilespmem:$0x8800] =	vst v63  }
0x43: {  	_ =	swait.ge [sflag:s15], $0x800  }
0x44: {  	[sflag:s15] =	ssyncset.done $0x0  }
0x45: {  	s28 =	simm.s32 $0x2980;
	s26 =	simm.s32 $0x400;
	[sflag:s15] =	ssyncadd.s32 $0xFFFFF800  }
.LBB2_4:
0x46: {  	[tilespmem:s20], [sflag:$0x2] =	stream.indirect.gather [hbm4b:s2+s18], $0x10, s28, s18, $0xb8;
	[tilespmem:$0x8800] =	vst v63  }
0x47: {  	s28 =	smov.u32 s26  }
0x48: {  	p0 =	sne.s32 s26, $0x9800;
	s26 =	sadd.s32 $0x400, s26;
	_ =	swait.ge [sflag:s21], $0x800  }
0x49: {  	s28 =	sshra.s32 s28, $0x2;
	[sflag:s21] =	ssyncset.done $0x0  }
0x4a: {  	s29 =	sadd.s32 $0x5000, s28;
	[sflag:s21] =	ssyncadd.s32 $0xFFFFF800  }
0x4b: {  	[spmem:s3] =	stream.indirect.scatter.add.f32 [tilespmem:s17], [sflag:$0x3], $0x10, s29, s18, $0xb8;
	[tilespmem:$0x8800] =	vst v63  }
0x4c: {  	_ =	swait.ge [sflag:s15], $0x800  }
0x4d: {  	[sflag:s15] =	ssyncset.done $0x0  }
0x4e: {  	s29 =	sadd.s32 $0x2900, s28;
	[sflag:s15] =	ssyncadd.s32 $0xFFFFF800  }
0x4f: {  	[tilespmem:s17], [sflag:$0x1] =	stream.indirect.gather [hbm4b:s2+s18], $0x10, s29, s18, $0xb8;
	[tilespmem:$0x8800] =	vst v63  }
0x50: {  	_ =	swait.ge [sflag:s22], $0x800  }
0x51: {  	[sflag:s22] =	ssyncset.done $0x0  }
.Ltmp1:
0x52: {  	s29 =	sadd.s32 $0x5080, s28;
	[sflag:s22] =	ssyncadd.s32 $0xFFFFF800;
	(pc) =	sbr.rel @p0 .LBB2_4-.Ltmp1, $4  }
0x53: {  	[spmem:s3] =	stream.indirect.scatter.add.f32 [tilespmem:s20], [sflag:$0x3], $0x10, s29, s18, $0xb8;
	[tilespmem:$0x8800] =	vst v63  }
0x54: {  	_ =	swait.ge [sflag:s15], $0x800  }
0x55: {  	[sflag:s15] =	ssyncset.done $0x0  }
0x56: {  	s28 =	sadd.s32 $0x2980, s28;
	[sflag:s15] =	ssyncadd.s32 $0xFFFFF800  }
0x57: {  	[tilespmem:s20], [sflag:$0x2] =	stream.indirect.gather [hbm4b:s2+s18], $0x10, s28, s18, $0xb8;
	[tilespmem:$0x8800] =	vst v63  }
0x58: {  	_ =	swait.ge [sflag:s21], $0x800  }
0x59: {  	[sflag:s21] =	ssyncset.done $0x0  }
0x5a: {  	[sflag:s21] =	ssyncadd.s32 $0xFFFFF800  }
0x5b: {  	[spmem:s3] =	stream.indirect.scatter.add.f32 [tilespmem:s17], [sflag:$0x3], $0x10, s23, s18, $0xb8;
	[tilespmem:$0x8800] =	vst v63  }
0x5c: {  	_ =	swait.ge [sflag:s15], $0x800  }
0x5d: {  	[sflag:s15] =	ssyncset.done $0x0  }
0x5e: {  	[sflag:s15] =	ssyncadd.s32 $0xFFFFF800  }
0x5f: {  	_ =	swait.ge [sflag:s22], $0x800  }
0x60: {  	[sflag:s22] =	ssyncset.done $0x0  }
0x61: {  	[sflag:s22] =	ssyncadd.s32 $0xFFFFF800  }
0x62: {  	[spmem:s3] =	stream.indirect.scatter.add.f32 [tilespmem:s20], [sflag:$0x3], $0x10, s24, s18, $0xb8;
	[tilespmem:$0x8800] =	vst v63  }
0x63: {  	_ =	swait.ge [sflag:s15], $0x800  }
0x64: {  	s26 =	sshll.u32 s1, $0x6;
	s25 =	sadd.s32 $0x1, s25;
	[sflag:s15] =	ssyncset.done $0x0  }
0x65: {  	s31 =	sshrl.u32 s7, $0x3;
	p0 =	sne.s32 s25, s13;
	[sflag:s15] =	ssyncadd.s32 $0xFFFFF800  }
.Ltmp2:
0x66: {  	s26 =	sor.u32 $0x1C03, s26;
	[bflag:$0x0] =	sbarrier.arrive $0xFFFF;
	(pc) =	sbr.rel @p0 .LBB2_1-.Ltmp2, $4  }
0x67: {  	[hbm:s12], [sflag:s26] =	dma.local [spmem:s31], $0x500  }
0x68: {  	_ =	swait.ge [sflag:s15], $0x500  }
0x69: {  	[sflag:s15] =	ssyncset.done $0x0  }
0x6a: {  	[sflag:s15] =	ssyncadd.s32 $0xFFFFFB00  }
0x6b: {  	_ =	sfence.sel $0x180000  }
0x6c: {  	[bflag:$0x0] =	sbarrier.arrive $0xFFFF  }
0x6d: {  	p0 =	sne.s32 s1, $0x0;
	_ =	strace $0x9000004D  }
0x6e: {  	s0 =	sadd.s32 @!p0 $0x100000, s0;
	[bflag:$0x2] =	sbarrier.arrive $0xFFFF  }
0x6f: {  	[sflag:s0] =	ssyncadd.tile.s32 @!p0 $0x1;
	_ =	shalt  }
.Lfunc_end2:
_tile_overlayer_lowered:
.L_overlay_start_2:
0x70: {  	(tag) =	ssettag $0x2  }
0x71: {  	s0 =	rddreg [dreg:$0x0];
	s2 =	stileid.u32  }
0x72: {  	s1 =	rddreg [dreg:$0x1];
	p0 =	sne.s32 s2, $0x0  }
0x73: {  	s3 =	rddreg [dreg:$0x2];
	[bflag:$0x3] =	sbarrier.arrive $0xFFFF;
	s2 =	simm.s32 @!p0 $0x1C03  }
0x74: {  	[timem:s3], [sflag:s2] =	dma.local @!p0 [hbm:s0], s1  }
0x75: {  	s0 =	simm.s32 @!p0 $0x3  }
0x76: {  	_ =	swait.ge @!p0 [sflag:s0], s1  }
0x77: {  	s1 =	ssub.s32 @!p0 $0x0, s1;
	[sflag:s0] =	ssyncset.done @!p0 $0x0  }
0x78: {  	[sflag:s0] =	ssyncadd.s32 @!p0 s1  }
0x79: {  	[bflag:$0x3] =	sbarrier.arrive $0xFFFF  }
0x7a: {  	_ =	shalt  }

// kernel: kernel.18.cloned.1.call-start
scs
__scs_entry_jumppad:
0x0: {  	(pc) =	sbr.rel $0x88, $3  }
0x1: {  	(tag) =	ssettag $0x0;
	lr =	simm.s32 $0x1  }
0x2: {  	[smem:$0x3F9B] =	sst lr;
	_ =	strace $0xD0000000  }
0x3: {  	_ = 	snop  }
0x4: {  	_ = 	snop  }
0x5: {  	_ = 	snop  }
0x6: {  	_ = 	snop  }
0x7: {  	_ = 	snop  }
__scs_overlays_trampoline_lowered:
0x8: {  	[smem:$0x3FAA] =	sst s0  }
0x9: {  	[smem:$0x3FAB] =	sst s1  }
0xa: {  	[smem:$0x3FAC] =	sst s2  }
0xb: {  	[smem:$0x3FAD] =	sst s3  }
0xc: {  	[smem:$0x3FAE] =	sst s4  }
0xd: {  	[smem:$0x3FAF] =	sst s5  }
0xe: {  	[smem:$0x3FB0] =	sst s6  }
0xf: {  	[smem:$0x3FB1] =	sst s7  }
0x10: {  	[smem:$0x3FB2] =	sst s8  }
0x11: {  	[smem:$0x3FB3] =	sst s9;
	s0 =	simm.s32 @!p0 $0x0  }
0x12: {  	s1 =	sld [smem:$0x3F99];
	s0 =	simm.s32 @p0 $0x1  }
0x13: {  	[smem:$0x3FB4] =	sst s0;
	s0 =	simm.s32 @!p1 $0x0  }
0x14: {  	s2 =	sld [smem:$0x3F98];
	s0 =	simm.s32 @p1 $0x1  }
0x15: {  	[smem:$0x3FB5] =	sst s0;
	s0 =	simm.s32 @!p2 $0x0  }
0x16: {  	s3 =	sld [smem:$0x3FDB];
	s0 =	simm.s32 @p2 $0x1  }
0x17: {  	s4 =	simm.s32 $0x1BF5;
	[smem:$0x3FB7] =	sst s0  }
0x18: {  	s0 =	sld [smem:$0x3F9A];
	_ =	swait.ge [sflag:s4], $0x0  }
0x19: {  	s7 =	sld [smem:$0x3F9B]  }
0x1a: {  	s8 =	sadd.s32 $0xFFFFE003, lr  }
0x1b: {  	s9 =	sadd.s32 $0xFFFFFEF7, lr;
	s5 =	simm.s32 $0xFFFFFFFF;
	p2 =	slt.u32 s8, $0xFFFFF086  }
0x1c: {  	p1 =	slt.u32 s9, $0xF7A;
	s5 =	simm.s32 @!p2 $0x0  }
0x1d: {  	s5 =	simm.s32 @p1 $0x1;
	p0 =	seq.s32 s7, s2  }
0x1e: {  	s7 =	smul.u32 @!p0 $0xF7A, s2;
	p2 =	seq.s32 @!p0 s5, $0x0  }
0x1f: {  	s9 =	smul.u32 $0xF7A, s1;
	s8 =	simm.s32 @!p0 $0x1BF5;
	p2 =	por !p2, p0  }
0x20: {  	[sflag:s8] =	ssyncset.s32 @!p0 $0xFFFFF086;
	s6 =	sadd.s32 @!p0 s3, s7;
	s7 =	simm.s32 @!p0 $0x108  }
0x21: {  	s3 =	sadd.s32 s3, s9;
	s6 =	sadd.s32 @!p0 $0x88, s6;
	s7 =	simm.s32 @p2 $0x1082  }
0x22: {  	[simem:s7], [sflag:s8] =	dma.local @!p0 [hbm:s6], $0xF7A  }
0x23: {  	s9 =	sor.u32 $0xD0000000, s2;
	s6 =	simm.s32 $0x108;
	_ =	swait.ge @!p0 [sflag:s8], $0x0  }
0x24: {  	s3 =	sadd.s32 $0x88, s3;
	s6 =	simm.s32 @!p1 $0x1082;
	[sflag:s4] =	ssyncset.s32 $0xFFFFF086  }
0x25: {  	[simem:s6], [sflag:s4] =	dma.local [hbm:s3], $0xF7A  }
0x26: {  	[smem:$0x3F9B] =	sst s1;
	(tag) =	ssettag s2;
	_ =	strace s9  }
0x27: {  	s1 =	sld [smem:$0x3FAB]  }
0x28: {  	s2 =	sld [smem:$0x3FAC]  }
0x29: {  	s4 =	sld [smem:$0x3FAE]  }
0x2a: {  	p0 =	seq.s32 s5, $0x0;
	s5 =	sld [smem:$0x3FAF]  }
0x2b: {  	s6 =	sld [smem:$0x3FB0]  }
0x2c: {  	s7 =	sld [smem:$0x3FB1]  }
0x2d: {  	s3 =	simm.s32 $0x108;
	s8 =	sld [smem:$0x3FB2]  }
0x2e: {  	s3 =	simm.s32 @!p0 $0x1082;
	s9 =	sld [smem:$0x3FB3]  }
0x2f: {  	lr =	sadd.s32 s0, s3;
	s0 =	sld [smem:$0x3FAA]  }
0x30: {  	s3 =	sld [smem:$0x3FAD]  }
0x31: {  	[smem:$0x3FB6] =	sst s10  }
0x32: {  	s10 =	sld [smem:$0x3FB4];
	_ =	sdelay $0x3  }
0x33: {  	p0 =	seq.s32 s10, $0x1;
	s10 =	sld [smem:$0x3FB6];
	_ =	sdelay $0x3  }
0x34: {  	[smem:$0x3FB6] =	sst s10  }
0x35: {  	s10 =	sld [smem:$0x3FB5];
	_ =	sdelay $0x3  }
0x36: {  	p1 =	seq.s32 s10, $0x1;
	s10 =	sld [smem:$0x3FB6];
	_ =	sdelay $0x3  }
0x37: {  	[smem:$0x3FB6] =	sst s10  }
0x38: {  	s10 =	sld [smem:$0x3FB7]  }
0x39: {  	_ = 	snop;
	(pc) =	sbr.ind lr, $3  }
0x3a: {  	_ = 	snop  }
0x3b: {  	_ = 	snop  }
0x3c: {  	p2 =	seq.s32 s10, $0x1;
	s10 =	sld [smem:$0x3FB6]  }
0x3d: {  	_ =	shalt  }
0x3e: {  	_ =	shalt  }
0x3f: {  	_ =	shalt  }
0x40: {  	_ =	shalt  }
0x41: {  	_ =	shalt  }
0x42: {  	_ =	shalt  }
0x43: {  	_ =	shalt  }
0x44: {  	_ =	shalt  }
0x45: {  	_ =	shalt  }
0x46: {  	_ =	shalt  }
0x47: {  	_ =	shalt  }
0x48: {  	_ =	shalt  }
0x49: {  	_ =	shalt  }
0x4a: {  	_ =	shalt  }
0x4b: {  	_ =	shalt  }
0x4c: {  	_ =	shalt  }
0x4d: {  	_ =	shalt  }
0x4e: {  	_ =	shalt  }
0x4f: {  	_ =	shalt  }
0x50: {  	_ =	shalt  }
0x51: {  	_ =	shalt  }
0x52: {  	_ =	shalt  }
0x53: {  	_ =	shalt  }
0x54: {  	_ =	shalt  }
0x55: {  	_ =	shalt  }
0x56: {  	_ =	shalt  }
0x57: {  	_ =	shalt  }
0x58: {  	_ =	shalt  }
0x59: {  	_ =	shalt  }
0x5a: {  	_ =	shalt  }
0x5b: {  	_ =	shalt  }
0x5c: {  	_ =	shalt  }
0x5d: {  	_ =	shalt  }
0x5e: {  	_ =	shalt  }
0x5f: {  	_ =	shalt  }
0x60: {  	_ =	shalt  }
0x61: {  	_ =	shalt  }
0x62: {  	_ =	shalt  }
0x63: {  	_ =	shalt  }
0x64: {  	_ =	shalt  }
0x65: {  	_ =	shalt  }
0x66: {  	_ =	shalt  }
0x67: {  	_ =	shalt  }
0x68: {  	_ =	shalt  }
0x69: {  	_ =	shalt  }
0x6a: {  	_ =	shalt  }
0x6b: {  	_ =	shalt  }
0x6c: {  	_ =	shalt  }
0x6d: {  	_ =	shalt  }
0x6e: {  	_ =	shalt  }
0x6f: {  	_ =	shalt  }
0x70: {  	_ =	shalt  }
0x71: {  	_ =	shalt  }
0x72: {  	_ =	shalt  }
0x73: {  	_ =	shalt  }
0x74: {  	_ =	shalt  }
0x75: {  	_ =	shalt  }
0x76: {  	_ =	shalt  }
0x77: {  	_ =	shalt  }
0x78: {  	_ =	shalt  }
0x79: {  	_ =	shalt  }
0x7a: {  	_ =	shalt  }
0x7b: {  	_ =	shalt  }
0x7c: {  	_ =	shalt  }
0x7d: {  	_ =	shalt  }
0x7e: {  	_ =	shalt  }
0x7f: {  	_ =	shalt  }
0x80: {  	_ =	shalt  }
0x81: {  	_ =	shalt  }
0x82: {  	_ =	shalt  }
0x83: {  	_ =	shalt  }
0x84: {  	_ =	shalt  }
0x85: {  	_ =	shalt  }
0x86: {  	_ =	shalt  }
0x87: {  	_ =	shalt  }
.Lfunc_end0:
.L_simem_size_0:
called_computation.3_lowered:
.L_overlay_start_0:
0x88: {  	s2 =	sld [smem:$0x3FD9]  }
0x89: {  	s3 =	sld [smem:$0x3FFE];
	_ =	sdelay $0x1  }
0x8a: {  	s1 =	srdreg.scid  }
0x8b: {  	s0 =	sand.u32 $0x1, s1  }
0x8c: {  	s17 =	sshll.u32 s0, $0xA;
	s2 =	sadd.s32 s3, s2  }
0x8d: {  	s2 =	sadd.s32 s2, s17  }
0x8e: {  	[smem:$0x3FC2] =	sst s2  }
0x8f: {  	_ = 	snop  }
0x90: {  	s2 =	sld [smem:$0x3FD0];
	(tm) =	ssettm $0x1  }
0x91: {  	s18 =	sld [smem:$0x3FFB];
	_ =	sdelay $0x3  }
0x92: {  	_ =	strace s18  }
0x93: {  	s3 =	sld [smem:$0x3FFC];
	_ =	sdelay $0x3  }
0x94: {  	_ =	strace s3  }
0x95: {  	s3 =	sld [smem:$0x3FFD];
	_ =	sdelay $0x3  }
0x96: {  	_ =	strace s3  }
0x97: {  	_ =	strace $0x8FFFFFFF  }
0x98: {  	s19 =	sld [smem:$0x3FDB];
	_ =	sdelay $0x1  }
0x99: {  	s4 =	simm.s32 $_scs_section_size  }
0x9a: {  	s5 =	simm.s32 $_size__tile_overlayer_lowered;
	s6 =	simm.s32 $_tile_overlayer_lowered  }
0x9b: {  	s22 =	simm.s32 $0x1BFF;
	s21 =	sshll.u32 s6, $0x1;
	s3 =	sadd.s32 s4, s19  }
0x9c: {  	s7 =	simm.s32 $0x0;
	s20 =	sshll.u32 s5, $0x1;
	s5 =	sadd.s32 s21, s3  }
0x9d: {  	[timem:s7], [sflag:s22] =	dma.local [hbm:s5], s20  }
0x9e: {  	_ =	swait.ge [sflag:s22], s20  }
0x9f: {  	s4 =	ssub.s32 $0x0, s20;
	[sflag:s22] =	ssyncset.done $0x0  }
0xa0: {  	[sflag:s22] =	ssyncadd.s32 s4;
	_ =	sdelay $0x1  }
0xa1: {  	s23 =	simm.s32 $0x1B8B  }
0xa2: {  	_ =	swait.ge [sflag:s23], $0x1  }
0xa3: {  	[sflag:s23] =	ssyncset.done $0x0  }
0xa4: {  	s25 =	simm.s32 $0x1B8E;
	s24 =	sld [smem:$0x3FFE];
	[sflag:s23] =	ssyncadd.s32 $0xFFFFFFFF  }
0xa5: {  	s26 =	simm.s32 $execute0_lowered;
	[smem:$0x3FD2] =	sst s25  }
0xa6: {  	s5 =	sshll.u32 s26, $0x1;
	_ =	strace $0x8000004F;
	[dreg:$0x1] =	wrdreg $0xFFFFFFFF  }
0xa7: {  	s28 =	simm.s32 $_size_execute0_lowered;
	s3 =	sadd.s32 s3, s5;
	[dreg:$0x0] =	wrdreg $0x0  }
0xa8: {  	s5 =	sshll.u32 s28, $0x1;
	[dreg:$0x2] =	wrdreg s3  }
0xa9: {  	[dreg:$0x3] =	wrdreg s5  }
0xaa: {  	[dreg:$0x4] =	wrdreg $0xC0  }
0xab: {  	_ =	task [dreg:s7], $0x5FFFF  }
0xac: {  	[dreg:$0x1] =	wrdreg $0xFFFFFFFF  }
0xad: {  	[dreg:$0x0] =	wrdreg $0x60  }
0xae: {  	[dreg:$0x2] =	wrdreg s2  }
0xaf: {  	[dreg:$0x3] =	wrdreg s24  }
0xb0: {  	[dreg:$0x4] =	wrdreg $0x9  }
0xb1: {  	_ =	task.clear_ibuf [dreg:s7], $0x5FFFF;
	_ =	strace $0x9000004F  }
0xb2: {  	s29 =	simm.s32 $0x9;
	_ =	strace $0x80000051  }
0xb3: {  	_ =	swait.ge [sflag:s29], $0x1  }
0xb4: {  	[sflag:s29] =	ssyncadd.s32 $0xFFFFFFFF  }
0xb5: {  	_ =	strace $0x90000051  }
0xb6: {  	_ =	sfence  }
0xb7: {  	s30 =	sld [smem:$0x0];
	_ =	sdelay $0x2  }
0xb8: {  	s31 =	sshll.u32 s1, $0xD;
	s1 =	sshrl.u32 s1, $0x2  }
0xb9: {  	s3 =	sand.u32 $0x4000, s31;
	s1 =	sadd.s32 s1, s30  }
0xba: {  	s0 =	sor.u32 s3, s0;
	s1 =	sshll.u32 s1, $0x11  }
0xbb: {  	s0 =	sor.u32 s1, s0  }
0xbc: {  	s0 =	sadd.s32 $0x8F2B, s0  }
0xbd: {  	[sflag:s0] =	ssyncadd.remote.s32 $0x1  }
0xbe: {  	_ =	sfence.sel $0xFFFF  }
0xbf: {  	[dreg:$0x0] =	wrdreg $0xFFFFFFFF;
	(pc) =	sbr.abs _section_cstart, $3  }
0xc0: {  	[dreg:$0x1] =	wrdreg $0xFFFFFFFF  }
0xc1: {  	_ =	task.clear_ibuf [dreg:s7], $0x2FFFF;
	_ =	strace $0x9FFFFFFF  }
0xc2: {  	(tm) =	ssettm $0x7FFFFFFF  }
0xc3: {  	_ =	shalt  }
tec
execute0_lowered:
.L_overlay_start_1:
0x0: {  	(tag) =	ssettag $0x1  }
0x1: {  	v0 =	vlaneseq.u32  }
0x2: {  	v0 =	vmul.u32 $0x10, v0;
	_ =	sdelay $0x1  }
0x3: {  	v1 =	vor.u32 $0x1, v0  }
0x4: {  	v63 =	vor.u32 $0x2, v0;
	[tilespmem:$0x1FC00] =	vst v1  }
0x5: {  	v4 =	vor.u32 $0x3, v0;
	[tilespmem:$0x1FC10] =	vst v63  }
0x6: {  	v5 =	vor.u32 $0x4, v0;
	[tilespmem:$0x1FC20] =	vst v4  }
0x7: {  	v6 =	vor.u32 $0x5, v0;
	[tilespmem:$0x1FC30] =	vst v5  }
0x8: {  	v7 =	vor.u32 $0x6, v0;
	[tilespmem:$0x1FC40] =	vst v6  }
0x9: {  	v8 =	vor.u32 $0x7, v0;
	[tilespmem:$0x1FC50] =	vst v7  }
0xa: {  	v9 =	vor.u32 $0x8, v0;
	[tilespmem:$0x1FC60] =	vst v8  }
0xb: {  	v10 =	vor.u32 $0x9, v0;
	[tilespmem:$0x1FC70] =	vst v9  }
0xc: {  	v11 =	vor.u32 $0xA, v0;
	[tilespmem:$0x1FC80] =	vst v10  }
0xd: {  	v12 =	vor.u32 $0xB, v0;
	[tilespmem:$0x1FC90] =	vst v11  }
0xe: {  	v13 =	vor.u32 $0xC, v0;
	[tilespmem:$0x1FCA0] =	vst v12  }
0xf: {  	v14 =	vor.u32 $0xD, v0;
	[tilespmem:$0x1FCB0] =	vst v13  }
0x10: {  	v15 =	vor.u32 $0xE, v0;
	[tilespmem:$0x1FCC0] =	vst v14  }
0x11: {  	v16 =	vor.u32 $0xF, v0;
	[tilespmem:$0x1FCD0] =	vst v15  }
0x12: {  	v17 =	vor.u32 $0x100, v0;
	[tilespmem:$0x1FCE0] =	vst v16  }
0x13: {  	v18 =	vor.u32 $0x101, v0;
	[tilespmem:$0x1FCF0] =	vst v17  }
0x14: {  	v19 =	vor.u32 $0x102, v0;
	[tilespmem:$0x1FD00] =	vst v18  }
0x15: {  	v20 =	vor.u32 $0x103, v0;
	[tilespmem:$0x1FD10] =	vst v19  }
0x16: {  	v21 =	vor.u32 $0x104, v0;
	[tilespmem:$0x1FD20] =	vst v20  }
0x17: {  	v22 =	vor.u32 $0x105, v0;
	[tilespmem:$0x1FD30] =	vst v21  }
0x18: {  	v23 =	vor.u32 $0x106, v0;
	[tilespmem:$0x1FD40] =	vst v22  }
0x19: {  	v24 =	vor.u32 $0x107, v0;
	[tilespmem:$0x1FD50] =	vst v23  }
0x1a: {  	v25 =	vor.u32 $0x108, v0;
	[tilespmem:$0x1FD60] =	vst v24  }
0x1b: {  	v26 =	vor.u32 $0x109, v0;
	[tilespmem:$0x1FD70] =	vst v25  }
0x1c: {  	v27 =	vor.u32 $0x10A, v0;
	[tilespmem:$0x1FD80] =	vst v26  }
0x1d: {  	v28 =	vor.u32 $0x10B, v0;
	[tilespmem:$0x1FD90] =	vst v27  }
0x1e: {  	v29 =	vor.u32 $0x10C, v0;
	[tilespmem:$0x1FDA0] =	vst v28  }
0x1f: {  	v30 =	vor.u32 $0x10D, v0;
	[tilespmem:$0x1FDB0] =	vst v29  }
0x20: {  	s5 =	rddreg [dreg:$0x1];
	s3 =	simm.s32 $0x0;
	v31 =	vor.u32 $0x10E, v0;
	[tilespmem:$0x1FDC0] =	vst v30  }
0x21: {  	s1 =	srdreg.scid;
	[smem:$0x7FF] =	sst s3;
	v32 =	vor.u32 $0x10F, v0;
	[tilespmem:$0x1FDD0] =	vst v31  }
0x22: {  	s4 =	sand.u32 $0x1, s1;
	s1 =	rddreg [dreg:$0x0];
	v33 =	vor.u32 $0x200, v0;
	_ =	strace $0x80000050;
	[tilespmem:$0x1FDE0] =	vst v32  }
0x23: {  	v34 =	vor.u32 $0x201, v0;
	[tilespmem:$0x1FDF0] =	vst v33  }
0x24: {  	v35 =	vor.u32 $0x202, v0;
	[tilespmem:$0x1FE00] =	vst v34  }
0x25: {  	v36 =	vor.u32 $0x203, v0;
	[tilespmem:$0x1FE10] =	vst v35  }
0x26: {  	v37 =	vor.u32 $0x204, v0;
	[tilespmem:$0x1FE20] =	vst v36  }
0x27: {  	v38 =	vor.u32 $0x205, v0;
	[tilespmem:$0x1FE30] =	vst v37  }
0x28: {  	v39 =	vor.u32 $0x206, v0;
	[tilespmem:$0x1FE40] =	vst v38  }
0x29: {  	v40 =	vor.u32 $0x207, v0;
	[tilespmem:$0x1FE50] =	vst v39  }
0x2a: {  	v41 =	vor.u32 $0x208, v0;
	[tilespmem:$0x1FE60] =	vst v40  }
0x2b: {  	v42 =	vor.u32 $0x209, v0;
	[tilespmem:$0x1FE70] =	vst v41  }
0x2c: {  	v43 =	vor.u32 $0x20A, v0;
	[tilespmem:$0x1FE80] =	vst v42  }
0x2d: {  	v44 =	vor.u32 $0x20B, v0;
	[tilespmem:$0x1FE90] =	vst v43  }
0x2e: {  	v45 =	vor.u32 $0x20C, v0;
	[tilespmem:$0x1FEA0] =	vst v44  }
0x2f: {  	v46 =	vor.u32 $0x20D, v0;
	[tilespmem:$0x1FEB0] =	vst v45  }
0x30: {  	v47 =	vor.u32 $0x20E, v0;
	[tilespmem:$0x1FEC0] =	vst v46  }
0x31: {  	v48 =	vor.u32 $0x20F, v0;
	[tilespmem:$0x1FED0] =	vst v47  }
0x32: {  	v49 =	vor.u32 $0x300, v0;
	[tilespmem:$0x1FEE0] =	vst v48  }
0x33: {  	v50 =	vor.u32 $0x301, v0;
	[tilespmem:$0x1FEF0] =	vst v49  }
0x34: {  	v51 =	vor.u32 $0x302, v0;
	[tilespmem:$0x1FF00] =	vst v50  }
0x35: {  	v52 =	vor.u32 $0x303, v0;
	[tilespmem:$0x1FF10] =	vst v51  }
0x36: {  	v53 =	vor.u32 $0x304, v0;
	[tilespmem:$0x1FF20] =	vst v52  }
0x37: {  	s0 =	stileid.u32;
	s11 =	simm.s32 $0x80;
	s12 =	simm.s32 $0x5000;
	v54 =	vor.u32 $0x305, v0;
	[tilespmem:$0x1FF30] =	vst v53  }
0x38: {  	s13 =	simm.s32 $0x5800;
	s14 =	simm.s32 $0x6000;
	s15 =	simm.s32 $0x2880;
	v55 =	vor.u32 $0x306, v0;
	[tilespmem:$0x1FF40] =	vst v54  }
0x39: {  	s16 =	simm.s32 $0x6800;
	s17 =	simm.s32 $0x1;
	s18 =	simm.s32 $0x2;
	v56 =	vor.u32 $0x307, v0;
	[tilespmem:$0x1FF50] =	vst v55  }
0x3a: {  	s19 =	simm.s32 $0x7000;
	s20 =	simm.s32 $0x3;
	s21 =	simm.s32 $0x4;
	v57 =	vor.u32 $0x308, v0;
	[tilespmem:$0x1FF60] =	vst v56  }
0x3b: {  	s22 =	simm.s32 $0x7080;
	s23 =	simm.s32 $0x5;
	s24 =	simm.s32 $0x6;
	v58 =	vor.u32 $0x309, v0;
	[tilespmem:$0x1FF70] =	vst v57  }
0x3c: {  	s25 =	simm.s32 $0x0;
	s2 =	sshll.u32 s0, $0x1;
	s7 =	smul.u32 $0x5000, s0;
	v59 =	vor.u32 $0x30A, v0;
	[tilespmem:$0x1FF80] =	vst v58  }
0x3d: {  	s2 =	sor.u32 s4, s2;
	s8 =	smul.u32 $0x2800, s4;
	s4 =	ssub.s32 $0x2, s4;
	v60 =	vor.u32 $0x30B, v0;
	[tilespmem:$0x1FF90] =	vst v59  }
0x3e: {  	s10 =	sadd.s32 $0x15A00, s5;
	s6 =	smul.u32 $0x2800, s2;
	s9 =	sshrl.u32 s4, $0x1;
	v61 =	vor.u32 $0x30C, v0;
	[tilespmem:$0x1FFA0] =	vst v60  }
.Ltmp0:
0x3f: {  	v62 =	vor.u32 $0x30D, v0;
	s8 =	sadd.s32 s8, s7;
	s30 =	ssub.s32 s4, s9;
	[tilespmem:$0x1FFB0] =	vst v61;
	(pc) =	sbr.rel .LBB2_1-.Ltmp0, $4  }
0x40: {  	v63 =	vor.u32 $0x30E, v0;
	s6 =	sshrl.u32 s6, $0x3;
	s31 =	sor.u32 $0x80, s8;
	s8 =	sshrl.u32 s8, $0x3;
	[tilespmem:$0x1FFC0] =	vst v62  }
0x41: {  	[tilespmem:$0x1FFD0] =	vst v63;
	s6 =	sadd.s32 s6, s5;
	s9 =	sshrl.u32 s31, $0x3;
	s8 =	sadd.s32 s8, s10  }
0x42: {  	[tilespmem:$0x1FFE0] =	vst v0;
	v0 =	vor.u32 $0x30F, v0;
	s4 =	sadd.s32 $0xBA00, s6;
	s5 =	sadd.s32 $0x1A00, s6;
	s6 =	smax.u32 s30, $0x1  }
0x43: {  	[tilespmem:$0x1FFF0] =	vst v0;
	s7 =	sadd.s32 s9, s10;
	s9 =	simm.s32 $0x7;
	s10 =	simm.s32 $0x2800  }
.LBB2_4:
0x44: {  	s25 =	sadd.s32 $0x1, s25  }
0x45: {  	_ =	swait.ge [sflag:s23], $0x80;
	p0 =	sne.s32 s25, s6  }
.Ltmp1:
0x46: {  	[sflag:s23] =	ssyncset.done $0x0;
	(pc) =	sbr.rel @!p0 .LBB2_5-.Ltmp1, $4  }
0x47: {  	[sflag:s23] =	ssyncadd.s32 $0xFFFFFF80  }
0x48: {  	_ =	swait.ge [sflag:s24], $0x80  }
0x49: {  	[sflag:s24] =	ssyncset.done $0x0  }
0x4a: {  	[sflag:s24] =	ssyncadd.s32 $0xFFFFFF80  }
.LBB2_1:
0x4b: {  	[tilespmem:s3], [sflag:$0x7] =	stream.linear.gather [hbm4b:s4+s3], $0x2800, $0x38;
	[tilespmem:$0x7100] =	vst v63  }
0x4c: {  	_ =	swait.ge [sflag:s9], $0x2800  }
0x4d: {  	[sflag:s9] =	ssyncset.done $0x0  }
0x4e: {  	[sflag:s9] =	ssyncadd.s32 $0xFFFFD800  }
0x4f: {  	[tilespmem:s10], [sflag:$0x7] =	stream.linear.gather [hbm4b:s5+s3], $0x2800, $0x38;
	[tilespmem:$0x7100] =	vst v63  }
0x50: {  	_ =	swait.ge [sflag:s9], $0x2800  }
0x51: {  	[sflag:s9] =	ssyncset.done $0x0  }
0x52: {  	[sflag:s9] =	ssyncadd.s32 $0xFFFFD800  }
0x53: {  	[tilespmem:s12], [sflag:$0x1] =	stream.indirect.gather [hbm4b:s1+s11], $0x10, s3, s11, $0xb8;
	[tilespmem:$0x7100] =	vst v63  }
0x54: {  	_ = 	snop  }
0x55: {  	[tilespmem:s13], [sflag:$0x2] =	stream.indirect.gather [hbm4b:s1+s11], $0x10, s10, s11, $0xb8;
	[tilespmem:$0x7100] =	vst v63  }
0x56: {  	_ = 	snop  }
0x57: {  	[tilespmem:s14], [sflag:$0x3] =	stream.indirect.gather [hbm4b:s1+s11], $0x10, s11, s11, $0xb8;
	[tilespmem:$0x7100] =	vst v63  }
0x58: {  	s26 =	smov.u32 s8;
	s28 =	simm.s32 $0x0;
	s29 =	smov.u32 s7  }
0x59: {  	[tilespmem:s16], [sflag:$0x4] =	stream.indirect.gather [hbm4b:s1+s11], $0x10, s15, s11, $0xb8;
	[tilespmem:$0x7100] =	vst v63  }
.LBB2_2:
0x5a: {  	_ =	swait.ge [sflag:s17], $0x800  }
0x5b: {  	[sflag:s17] =	ssyncset.done $0x0  }
0x5c: {  	[sflag:s17] =	ssyncadd.s32 $0xFFFFF800  }
0x5d: {  	_ =	swait.ge [sflag:s18], $0x800  }
0x5e: {  	p0 =	seq.s32 s28, $0x0;
	[sflag:s18] =	ssyncset.done $0x0  }
0x5f: {  	s30 =	simm.s32 @!p0 $0x5;
	[sflag:s18] =	ssyncadd.s32 $0xFFFFF800  }
0x60: {  	_ =	swait.ge @!p0 [sflag:s30], $0x80  }
0x61: {  	v9 =	vld [tilespmem:$0x1FFE0]  }
0x62: {  	v0 =	vld [tilespmem:$0x1FC00]  }
0x63: {  	v11 =	vld [tilespmem:$0x1FC10]  }
0x64: {  	v12 =	vld [tilespmem:$0x1FC20]  }
0x65: {  	v14 =	vld [tilespmem:$0x1FC30]  }
0x66: {  	v17 =	vld [tilespmem:$0x1FC40]  }
0x67: {  	v20 =	vld [tilespmem:$0x1FC50]  }
0x68: {  	v24 =	vld [tilespmem:$0x1FC60]  }
0x69: {  	v28 =	vld [tilespmem:$0x1FC70]  }
0x6a: {  	v32 =	vld [tilespmem:$0x1FC80]  }
0x6b: {  	v36 =	vld [tilespmem:$0x1FC90]  }
0x6c: {  	v40 =	vld [tilespmem:$0x1FCA0]  }
0x6d: {  	v44 =	vld [tilespmem:$0x1FCB0]  }
0x6e: {  	v48 =	vld [tilespmem:$0x1FCC0]  }
0x6f: {  	[sflag:s30] =	ssyncset.done @!p0 $0x0;
	v52 =	vld [tilespmem:$0x1FCD0]  }
0x70: {  	v56 =	vld [tilespmem:$0x1FCE0];
	[sflag:s30] =	ssyncadd.s32 @!p0 $0xFFFFFF80  }
0x71: {  	v1 =	vld.idx.msk [tilespmem:v9+s12+$0x0], $0xffff  }
0x72: {  	v2 =	vld.idx.msk [tilespmem:v9+s13+$0x0], $0xffff  }
0x73: {  	v3 =	vld.idx.msk [tilespmem:v0+s12+$0x0], $0xffff  }
0x74: {  	v4 =	vld.idx.msk [tilespmem:v0+s13+$0x0], $0xffff  }
0x75: {  	v5 =	vld.idx.msk [tilespmem:v11+s12+$0x0], $0xffff  }
0x76: {  	v6 =	vld.idx.msk [tilespmem:v11+s13+$0x0], $0xffff  }
0x77: {  	v13 =	vld.idx.msk [tilespmem:v12+s12+$0x0], $0xffff;
	v1 =	vmul.f32 v2, v1  }
0x78: {  	v7 =	vld.idx.msk [tilespmem:v12+s13+$0x0], $0xffff  }
0x79: {  	v15 =	vld.idx.msk [tilespmem:v14+s12+$0x0], $0xffff;
	v3 =	vmul.f32 v4, v3;
	v1 =	vadd.f32 $0.0e+00, v1  }
0x7a: {  	v8 =	vld.idx.msk [tilespmem:v14+s13+$0x0], $0xffff  }
0x7b: {  	v18 =	vld.idx.msk [tilespmem:v17+s12+$0x0], $0xffff;
	v16 =	vmul.f32 v6, v5;
	v1 =	vadd.f32 v3, v1  }
0x7c: {  	v19 =	vld.idx.msk [tilespmem:v17+s13+$0x0], $0xffff  }
0x7d: {  	v21 =	vld.idx.msk [tilespmem:v20+s12+$0x0], $0xffff;
	v2 =	vmul.f32 v7, v13;
	v1 =	vadd.f32 v16, v1  }
0x7e: {  	v22 =	vld.idx.msk [tilespmem:v20+s13+$0x0], $0xffff  }
0x7f: {  	v25 =	vld.idx.msk [tilespmem:v24+s12+$0x0], $0xffff;
	v23 =	vmul.f32 v8, v15;
	v1 =	vadd.f32 v2, v1  }
0x80: {  	v26 =	vld.idx.msk [tilespmem:v24+s13+$0x0], $0xffff  }
0x81: {  	v29 =	vld.idx.msk [tilespmem:v28+s12+$0x0], $0xffff;
	v27 =	vmul.f32 v19, v18;
	v1 =	vadd.f32 v23, v1  }
0x82: {  	v30 =	vld.idx.msk [tilespmem:v28+s13+$0x0], $0xffff  }
0x83: {  	v33 =	vld.idx.msk [tilespmem:v32+s12+$0x0], $0xffff;
	v31 =	vmul.f32 v22, v21;
	v1 =	vadd.f32 v27, v1  }
0x84: {  	v34 =	vld.idx.msk [tilespmem:v32+s13+$0x0], $0xffff  }
0x85: {  	v37 =	vld.idx.msk [tilespmem:v36+s12+$0x0], $0xffff;
	v35 =	vmul.f32 v26, v25;
	v1 =	vadd.f32 v31, v1  }
0x86: {  	v38 =	vld.idx.msk [tilespmem:v36+s13+$0x0], $0xffff  }
0x87: {  	v41 =	vld.idx.msk [tilespmem:v40+s12+$0x0], $0xffff;
	v39 =	vmul.f32 v30, v29;
	v1 =	vadd.f32 v35, v1  }
0x88: {  	v42 =	vld.idx.msk [tilespmem:v40+s13+$0x0], $0xffff  }
0x89: {  	v45 =	vld.idx.msk [tilespmem:v44+s12+$0x0], $0xffff;
	v43 =	vmul.f32 v34, v33;
	v1 =	vadd.f32 v39, v1  }
0x8a: {  	v46 =	vld.idx.msk [tilespmem:v44+s13+$0x0], $0xffff  }
0x8b: {  	v49 =	vld.idx.msk [tilespmem:v48+s12+$0x0], $0xffff;
	v47 =	vmul.f32 v38, v37;
	v1 =	vadd.f32 v43, v1  }
0x8c: {  	v50 =	vld.idx.msk [tilespmem:v48+s13+$0x0], $0xffff  }
0x8d: {  	v53 =	vld.idx.msk [tilespmem:v52+s12+$0x0], $0xffff;
	v51 =	vmul.f32 v42, v41;
	v1 =	vadd.f32 v47, v1  }
0x8e: {  	v54 =	vld.idx.msk [tilespmem:v52+s13+$0x0], $0xffff  }
0x8f: {  	v57 =	vld.idx.msk [tilespmem:v56+s12+$0x0], $0xffff;
	v55 =	vmul.f32 v46, v45;
	v1 =	vadd.f32 v51, v1  }
0x90: {  	v58 =	vld.idx.msk [tilespmem:v56+s13+$0x0], $0xffff  }
0x91: {  	v59 =	vmul.f32 v50, v49;
	v1 =	vadd.f32 v55, v1;
	_ =	sdelay $0x1  }
0x92: {  	v60 =	vmul.f32 v54, v53;
	v1 =	vadd.f32 v59, v1;
	_ =	sdelay $0x1  }
0x93: {  	v61 =	vmul.f32 v58, v57;
	v1 =	vadd.f32 v60, v1;
	_ =	sdelay $0x1  }
0x94: {  	v1 =	vadd.f32 v61, v1;
	_ =	sdelay $0x1  }
0x95: {  	v1 =	vsub.f32 $0.0e+00, v1;
	_ =	sdelay $0x1  }
0x96: {  	v1 =	vmul.f32 $1.442695020e+00, v1;
	_ =	sdelay $0x1  }
0x97: {  	(erf) = vpow2.f32 v1;
	_ =	sdelay $0x6  }
0x98: {  	v62 =	vld [tilespmem:$0x1FCF0]  }
0x99: {  	v12 =	vld [tilespmem:$0x1FD10]  }
0x9a: {  	v8 =	vld [tilespmem:$0x1FD00];
	v1 =	vpop (erf)  }
0x9b: {  	v15 =	vld [tilespmem:$0x1FD20];
	v1 =	vadd.f32 $1.000000000e+00, v1  }
0x9c: {  	v18 =	vld [tilespmem:$0x1FD30]  }
0x9d: {  	v22 =	vld [tilespmem:$0x1FD40];
	(erf) = vrcp.f32 v1  }
0x9e: {  	v25 =	vld [tilespmem:$0x1FD50]  }
0x9f: {  	v29 =	vld [tilespmem:$0x1FD60]  }
0xa0: {  	v33 =	vld [tilespmem:$0x1FD70]  }
0xa1: {  	v37 =	vld [tilespmem:$0x1FD80]  }
0xa2: {  	v41 =	vld [tilespmem:$0x1FD90]  }
0xa3: {  	v45 =	vld [tilespmem:$0x1FDA0]  }
0xa4: {  	v49 =	vld [tilespmem:$0x1FDB0]  }
0xa5: {  	v53 =	vld [tilespmem:$0x1FDC0]  }
0xa6: {  	v57 =	vld [tilespmem:$0x1FDD0];
	v1 =	vpop (erf)  }
0xa7: {  	v61 =	vld [tilespmem:$0x1FDE0];
	[tilespmem:$0x7000] =	vst v1  }
0xa8: {  	v1 =	vld.idx.msk [tilespmem:v62+s12+$0x0], $0xffff  }
0xa9: {  	v63 =	vld.idx.msk [tilespmem:v62+s13+$0x0], $0xffff  }
0xaa: {  	v10 =	vld.idx.msk [tilespmem:v8+s12+$0x0], $0xffff  }
0xab: {  	v11 =	vld.idx.msk [tilespmem:v8+s13+$0x0], $0xffff  }
0xac: {  	v13 =	vld.idx.msk [tilespmem:v12+s12+$0x0], $0xffff  }
0xad: {  	v14 =	vld.idx.msk [tilespmem:v12+s13+$0x0], $0xffff  }
0xae: {  	v16 =	vld.idx.msk [tilespmem:v15+s12+$0x0], $0xffff;
	v1 =	vmul.f32 v63, v1  }
0xaf: {  	v17 =	vld.idx.msk [tilespmem:v15+s13+$0x0], $0xffff  }
0xb0: {  	v19 =	vld.idx.msk [tilespmem:v18+s12+$0x0], $0xffff;
	v3 =	vmul.f32 v11, v10;
	v1 =	vadd.f32 $0.0e+00, v1  }
0xb1: {  	v20 =	vld.idx.msk [tilespmem:v18+s13+$0x0], $0xffff  }
0xb2: {  	v23 =	vld.idx.msk [tilespmem:v22+s12+$0x0], $0xffff;
	v21 =	vmul.f32 v14, v13;
	v1 =	vadd.f32 v3, v1  }
0xb3: {  	v24 =	vld.idx.msk [tilespmem:v22+s13+$0x0], $0xffff  }
0xb4: {  	v26 =	vld.idx.msk [tilespmem:v25+s12+$0x0], $0xffff;
	v2 =	vmul.f32 v17, v16;
	v1 =	vadd.f32 v21, v1  }
0xb5: {  	v27 =	vld.idx.msk [tilespmem:v25+s13+$0x0], $0xffff  }
0xb6: {  	v30 =	vld.idx.msk [tilespmem:v29+s12+$0x0], $0xffff;
	v28 =	vmul.f32 v20, v19;
	v1 =	vadd.f32 v2, v1  }
0xb7: {  	v31 =	vld.idx.msk [tilespmem:v29+s13+$0x0], $0xffff  }
0xb8: {  	v34 =	vld.idx.msk [tilespmem:v33+s12+$0x0], $0xffff;
	v32 =	vmul.f32 v24, v23;
	v1 =	vadd.f32 v28, v1  }
0xb9: {  	v35 =	vld.idx.msk [tilespmem:v33+s13+$0x0], $0xffff  }
0xba: {  	v38 =	vld.idx.msk [tilespmem:v37+s12+$0x0], $0xffff;
	v36 =	vmul.f32 v27, v26;
	v1 =	vadd.f32 v32, v1  }
0xbb: {  	v39 =	vld.idx.msk [tilespmem:v37+s13+$0x0], $0xffff  }
0xbc: {  	v42 =	vld.idx.msk [tilespmem:v41+s12+$0x0], $0xffff;
	v40 =	vmul.f32 v31, v30;
	v1 =	vadd.f32 v36, v1  }
0xbd: {  	v43 =	vld.idx.msk [tilespmem:v41+s13+$0x0], $0xffff  }
0xbe: {  	v46 =	vld.idx.msk [tilespmem:v45+s12+$0x0], $0xffff;
	v44 =	vmul.f32 v35, v34;
	v1 =	vadd.f32 v40, v1  }
0xbf: {  	v47 =	vld.idx.msk [tilespmem:v45+s13+$0x0], $0xffff  }
0xc0: {  	v50 =	vld.idx.msk [tilespmem:v49+s12+$0x0], $0xffff;
	v48 =	vmul.f32 v39, v38;
	v1 =	vadd.f32 v44, v1  }
0xc1: {  	v51 =	vld.idx.msk [tilespmem:v49+s13+$0x0], $0xffff  }
0xc2: {  	v54 =	vld.idx.msk [tilespmem:v53+s12+$0x0], $0xffff;
	v52 =	vmul.f32 v43, v42;
	v1 =	vadd.f32 v48, v1  }
0xc3: {  	v55 =	vld.idx.msk [tilespmem:v53+s13+$0x0], $0xffff  }
0xc4: {  	v58 =	vld.idx.msk [tilespmem:v57+s12+$0x0], $0xffff;
	v56 =	vmul.f32 v47, v46;
	v1 =	vadd.f32 v52, v1  }
0xc5: {  	v59 =	vld.idx.msk [tilespmem:v57+s13+$0x0], $0xffff  }
0xc6: {  	v62 =	vld.idx.msk [tilespmem:v61+s12+$0x0], $0xffff;
	v60 =	vmul.f32 v51, v50;
	v1 =	vadd.f32 v56, v1  }
0xc7: {  	v63 =	vld.idx.msk [tilespmem:v61+s13+$0x0], $0xffff  }
0xc8: {  	v4 =	vmul.f32 v55, v54;
	v1 =	vadd.f32 v60, v1;
	_ =	sdelay $0x1  }
0xc9: {  	v6 =	vmul.f32 v59, v58;
	v1 =	vadd.f32 v4, v1;
	_ =	sdelay $0x1  }
0xca: {  	v8 =	vmul.f32 v63, v62;
	v1 =	vadd.f32 v6, v1;
	_ =	sdelay $0x1  }
0xcb: {  	v1 =	vadd.f32 v8, v1;
	_ =	sdelay $0x1  }
0xcc: {  	v1 =	vsub.f32 $0.0e+00, v1;
	_ =	sdelay $0x1  }
0xcd: {  	v1 =	vmul.f32 $1.442695020e+00, v1;
	_ =	sdelay $0x1  }
0xce: {  	(erf) = vpow2.f32 v1;
	_ =	sdelay $0x6  }
0xcf: {  	v7 =	vld [tilespmem:$0x1FEE0]  }
0xd0: {  	v12 =	vld [tilespmem:$0x1FE00]  }
0xd1: {  	v15 =	vld [tilespmem:$0x1FE10];
	v1 =	vpop (erf)  }
0xd2: {  	v18 =	vld [tilespmem:$0x1FE20];
	v1 =	vadd.f32 $1.000000000e+00, v1  }
0xd3: {  	v25 =	vld [tilespmem:$0x1FE40]  }
0xd4: {  	v10 =	vld [tilespmem:$0x1FDF0];
	(erf) = vrcp.f32 v1  }
0xd5: {  	v21 =	vld [tilespmem:$0x1FE30]  }
0xd6: {  	v28 =	vld [tilespmem:$0x1FE50]  }
0xd7: {  	v32 =	vld [tilespmem:$0x1FE60]  }
0xd8: {  	v36 =	vld [tilespmem:$0x1FE70]  }
0xd9: {  	v40 =	vld [tilespmem:$0x1FE80]  }
0xda: {  	v44 =	vld [tilespmem:$0x1FE90]  }
0xdb: {  	v48 =	vld [tilespmem:$0x1FEA0]  }
0xdc: {  	v52 =	vld [tilespmem:$0x1FEB0]  }
0xdd: {  	v56 =	vld [tilespmem:$0x1FEC0];
	v1 =	vpop (erf)  }
0xde: {  	v60 =	vld [tilespmem:$0x1FED0];
	[tilespmem:$0x7010] =	vst v1  }
0xdf: {  	v1 =	vld.idx.msk [tilespmem:v10+s12+$0x0], $0xffff  }
0xe0: {  	v11 =	vld.idx.msk [tilespmem:v10+s13+$0x0], $0xffff  }
0xe1: {  	v13 =	vld.idx.msk [tilespmem:v12+s12+$0x0], $0xffff  }
0xe2: {  	v14 =	vld.idx.msk [tilespmem:v12+s13+$0x0], $0xffff  }
0xe3: {  	v16 =	vld.idx.msk [tilespmem:v15+s12+$0x0], $0xffff  }
0xe4: {  	v17 =	vld.idx.msk [tilespmem:v15+s13+$0x0], $0xffff  }
0xe5: {  	v19 =	vld.idx.msk [tilespmem:v18+s12+$0x0], $0xffff;
	v1 =	vmul.f32 v11, v1  }
0xe6: {  	v20 =	vld.idx.msk [tilespmem:v18+s13+$0x0], $0xffff  }
0xe7: {  	v22 =	vld.idx.msk [tilespmem:v21+s12+$0x0], $0xffff;
	v3 =	vmul.f32 v14, v13;
	v1 =	vadd.f32 $0.0e+00, v1  }
0xe8: {  	v23 =	vld.idx.msk [tilespmem:v21+s13+$0x0], $0xffff  }
0xe9: {  	v26 =	vld.idx.msk [tilespmem:v25+s12+$0x0], $0xffff;
	v24 =	vmul.f32 v17, v16;
	v1 =	vadd.f32 v3, v1  }
0xea: {  	v27 =	vld.idx.msk [tilespmem:v25+s13+$0x0], $0xffff  }
0xeb: {  	v29 =	vld.idx.msk [tilespmem:v28+s12+$0x0], $0xffff;
	v2 =	vmul.f32 v20, v19;
	v1 =	vadd.f32 v24, v1  }
0xec: {  	v30 =	vld.idx.msk [tilespmem:v28+s13+$0x0], $0xffff  }
0xed: {  	v33 =	vld.idx.msk [tilespmem:v32+s12+$0x0], $0xffff;
	v31 =	vmul.f32 v23, v22;
	v1 =	vadd.f32 v2, v1  }
0xee: {  	v34 =	vld.idx.msk [tilespmem:v32+s13+$0x0], $0xffff  }
0xef: {  	v37 =	vld.idx.msk [tilespmem:v36+s12+$0x0], $0xffff;
	v35 =	vmul.f32 v27, v26;
	v1 =	vadd.f32 v31, v1  }
0xf0: {  	v38 =	vld.idx.msk [tilespmem:v36+s13+$0x0], $0xffff  }
0xf1: {  	v41 =	vld.idx.msk [tilespmem:v40+s12+$0x0], $0xffff;
	v39 =	vmul.f32 v30, v29;
	v1 =	vadd.f32 v35, v1  }
0xf2: {  	v42 =	vld.idx.msk [tilespmem:v40+s13+$0x0], $0xffff  }
0xf3: {  	v45 =	vld.idx.msk [tilespmem:v44+s12+$0x0], $0xffff;
	v43 =	vmul.f32 v34, v33;
	v1 =	vadd.f32 v39, v1  }
0xf4: {  	v46 =	vld.idx.msk [tilespmem:v44+s13+$0x0], $0xffff  }
0xf5: {  	v49 =	vld.idx.msk [tilespmem:v48+s12+$0x0], $0xffff;
	v47 =	vmul.f32 v38, v37;
	v1 =	vadd.f32 v43, v1  }
0xf6: {  	v50 =	vld.idx.msk [tilespmem:v48+s13+$0x0], $0xffff  }
0xf7: {  	v53 =	vld.idx.msk [tilespmem:v52+s12+$0x0], $0xffff;
	v51 =	vmul.f32 v42, v41;
	v1 =	vadd.f32 v47, v1  }
0xf8: {  	v54 =	vld.idx.msk [tilespmem:v52+s13+$0x0], $0xffff  }
0xf9: {  	v57 =	vld.idx.msk [tilespmem:v56+s12+$0x0], $0xffff;
	v55 =	vmul.f32 v46, v45;
	v1 =	vadd.f32 v51, v1  }
0xfa: {  	v58 =	vld.idx.msk [tilespmem:v56+s13+$0x0], $0xffff  }
0xfb: {  	v61 =	vld.idx.msk [tilespmem:v60+s12+$0x0], $0xffff;
	v59 =	vmul.f32 v50, v49;
	v1 =	vadd.f32 v55, v1  }
0xfc: {  	v62 =	vld.idx.msk [tilespmem:v60+s13+$0x0], $0xffff  }
0xfd: {  	v10 =	vld.idx.msk [tilespmem:v7+s12+$0x0], $0xffff;
	v63 =	vmul.f32 v54, v53;
	v1 =	vadd.f32 v59, v1  }
0xfe: {  	v11 =	vld.idx.msk [tilespmem:v7+s13+$0x0], $0xffff  }
0xff: {  	v12 =	vmul.f32 v58, v57;
	v1 =	vadd.f32 v63, v1;
	_ =	sdelay $0x1  }
0x100: {  	v13 =	vmul.f32 v62, v61;
	v1 =	vadd.f32 v12, v1;
	_ =	sdelay $0x1  }
0x101: {  	v14 =	vmul.f32 v11, v10;
	v1 =	vadd.f32 v13, v1;
	_ =	sdelay $0x1  }
0x102: {  	v1 =	vadd.f32 v14, v1;
	_ =	sdelay $0x1  }
0x103: {  	v1 =	vsub.f32 $0.0e+00, v1;
	_ =	sdelay $0x1  }
0x104: {  	v1 =	vmul.f32 $1.442695020e+00, v1;
	_ =	sdelay $0x1  }
0x105: {  	(erf) = vpow2.f32 v1;
	_ =	sdelay $0x7  }
0x106: {  	v15 =	vld [tilespmem:$0x1FEF0]  }
0x107: {  	v17 =	vld [tilespmem:$0x1FF00];
	v1 =	vpop (erf)  }
0x108: {  	v20 =	vld [tilespmem:$0x1FF10];
	v1 =	vadd.f32 $1.000000000e+00, v1  }
0x109: {  	v23 =	vld [tilespmem:$0x1FF20]  }
0x10a: {  	v26 =	vld [tilespmem:$0x1FF30];
	(erf) = vrcp.f32 v1  }
0x10b: {  	v30 =	vld [tilespmem:$0x1FF40]  }
0x10c: {  	v33 =	vld [tilespmem:$0x1FF50]  }
0x10d: {  	v37 =	vld [tilespmem:$0x1FF60]  }
0x10e: {  	v41 =	vld [tilespmem:$0x1FF70]  }
0x10f: {  	v45 =	vld [tilespmem:$0x1FF80]  }
0x110: {  	v49 =	vld [tilespmem:$0x1FF90]  }
0x111: {  	v53 =	vld [tilespmem:$0x1FFA0]  }
0x112: {  	v57 =	vld [tilespmem:$0x1FFB0]  }
0x113: {  	v61 =	vld [tilespmem:$0x1FFC0];
	v1 =	vpop (erf)  }
0x114: {  	v11 =	vld [tilespmem:$0x1FFD0];
	[tilespmem:$0x7020] =	vst v1  }
0x115: {  	v1 =	vld.idx.msk [tilespmem:v15+s12+$0x0], $0xffff  }
0x116: {  	v16 =	vld.idx.msk [tilespmem:v15+s13+$0x0], $0xffff  }
0x117: {  	v18 =	vld.idx.msk [tilespmem:v17+s12+$0x0], $0xffff  }
0x118: {  	v19 =	vld.idx.msk [tilespmem:v17+s13+$0x0], $0xffff  }
0x119: {  	v21 =	vld.idx.msk [tilespmem:v20+s12+$0x0], $0xffff  }
0x11a: {  	v22 =	vld.idx.msk [tilespmem:v20+s13+$0x0], $0xffff  }
0x11b: {  	v24 =	vld.idx.msk [tilespmem:v23+s12+$0x0], $0xffff  }
0x11c: {  	v25 =	vld.idx.msk [tilespmem:v23+s13+$0x0], $0xffff;
	v1 =	vmul.f32 v16, v1  }
0x11d: {  	v27 =	vld.idx.msk [tilespmem:v26+s12+$0x0], $0xffff  }
0x11e: {  	v28 =	vld.idx.msk [tilespmem:v26+s13+$0x0], $0xffff;
	v3 =	vmul.f32 v19, v18;
	v1 =	vadd.f32 $0.0e+00, v1  }
0x11f: {  	v31 =	vld.idx.msk [tilespmem:v30+s12+$0x0], $0xffff  }
0x120: {  	v32 =	vld.idx.msk [tilespmem:v30+s13+$0x0], $0xffff;
	v29 =	vmul.f32 v22, v21;
	v1 =	vadd.f32 v3, v1  }
0x121: {  	v34 =	vld.idx.msk [tilespmem:v33+s12+$0x0], $0xffff  }
0x122: {  	v35 =	vld.idx.msk [tilespmem:v33+s13+$0x0], $0xffff;
	v2 =	vmul.f32 v25, v24;
	v1 =	vadd.f32 v29, v1  }
0x123: {  	v38 =	vld.idx.msk [tilespmem:v37+s12+$0x0], $0xffff  }
0x124: {  	v39 =	vld.idx.msk [tilespmem:v37+s13+$0x0], $0xffff;
	v36 =	vmul.f32 v28, v27;
	v1 =	vadd.f32 v2, v1  }
0x125: {  	v42 =	vld.idx.msk [tilespmem:v41+s12+$0x0], $0xffff  }
0x126: {  	v43 =	vld.idx.msk [tilespmem:v41+s13+$0x0], $0xffff;
	v40 =	vmul.f32 v32, v31;
	v1 =	vadd.f32 v36, v1  }
0x127: {  	v46 =	vld.idx.msk [tilespmem:v45+s12+$0x0], $0xffff  }
0x128: {  	v47 =	vld.idx.msk [tilespmem:v45+s13+$0x0], $0xffff;
	v44 =	vmul.f32 v35, v34;
	v1 =	vadd.f32 v40, v1  }
0x129: {  	v50 =	vld.idx.msk [tilespmem:v49+s12+$0x0], $0xffff  }
0x12a: {  	v51 =	vld.idx.msk [tilespmem:v49+s13+$0x0], $0xffff;
	v48 =	vmul.f32 v39, v38;
	v1 =	vadd.f32 v44, v1  }
0x12b: {  	v54 =	vld.idx.msk [tilespmem:v53+s12+$0x0], $0xffff  }
0x12c: {  	v15 =	vld [tilespmem:$0x1FFF0];
	v52 =	vmul.f32 v43, v42;
	v1 =	vadd.f32 v48, v1  }
0x12d: {  	v55 =	vld.idx.msk [tilespmem:v53+s13+$0x0], $0xffff  }
0x12e: {  	v58 =	vld.idx.msk [tilespmem:v57+s12+$0x0], $0xffff;
	v56 =	vmul.f32 v47, v46;
	v1 =	vadd.f32 v52, v1  }
0x12f: {  	v59 =	vld.idx.msk [tilespmem:v57+s13+$0x0], $0xffff  }
0x130: {  	v62 =	vld.idx.msk [tilespmem:v61+s12+$0x0], $0xffff;
	v60 =	vmul.f32 v51, v50;
	v1 =	vadd.f32 v56, v1  }
0x131: {  	v63 =	vld.idx.msk [tilespmem:v61+s13+$0x0], $0xffff  }
0x132: {  	v12 =	vld.idx.msk [tilespmem:v11+s12+$0x0], $0xffff;
	v10 =	vmul.f32 v55, v54;
	v1 =	vadd.f32 v60, v1  }
0x133: {  	v13 =	vld.idx.msk [tilespmem:v11+s13+$0x0], $0xffff  }
0x134: {  	v14 =	vmul.f32 v59, v58;
	v16 =	vld.idx.msk [tilespmem:v15+s12+$0x0], $0xffff;
	v1 =	vadd.f32 v10, v1  }
0x135: {  	v17 =	vld.idx.msk [tilespmem:v15+s13+$0x0], $0xffff  }
0x136: {  	v18 =	vmul.f32 v63, v62;
	v1 =	vadd.f32 v14, v1;
	_ =	sdelay $0x1  }
0x137: {  	v19 =	vmul.f32 v13, v12;
	v1 =	vadd.f32 v18, v1;
	_ =	sdelay $0x1  }
0x138: {  	v20 =	vmul.f32 v17, v16;
	v1 =	vadd.f32 v19, v1;
	_ =	sdelay $0x1  }
0x139: {  	v1 =	vadd.f32 v20, v1;
	_ =	sdelay $0x1  }
0x13a: {  	v1 =	vsub.f32 $0.0e+00, v1;
	_ =	sdelay $0x1  }
0x13b: {  	v1 =	vmul.f32 $1.442695020e+00, v1;
	_ =	sdelay $0x1  }
0x13c: {  	(erf) = vpow2.f32 v1;
	_ =	sdelay $0x8  }
0x13d: {  	v1 =	vpop (erf)  }
0x13e: {  	v1 =	vadd.f32 $1.000000000e+00, v1;
	_ =	sdelay $0x1  }
0x13f: {  	(erf) = vrcp.f32 v1;
	_ =	sdelay $0x5  }
0x140: {  	v21 =	vor.u32 $0x400, v9;
	_ =	sdelay $0x1  }
0x141: {  	v22 =	vor.u32 $0x401, v9  }
0x142: {  	v1 =	vpop (erf)  }
0x143: {  	v23 =	vor.u32 $0x402, v9;
	[tilespmem:$0x7030] =	vst v1  }
0x144: {  	v1 =	vld.idx.msk [tilespmem:v21+s12+$0x0], $0xffff  }
0x145: {  	v25 =	vor.u32 $0x403, v9;
	v24 =	vld.idx.msk [tilespmem:v21+s13+$0x0], $0xffff  }
0x146: {  	v26 =	vld.idx.msk [tilespmem:v22+s12+$0x0], $0xffff  }
0x147: {  	v28 =	vor.u32 $0x404, v9;
	v27 =	vld.idx.msk [tilespmem:v22+s13+$0x0], $0xffff  }
0x148: {  	v10 =	vld.idx.msk [tilespmem:v23+s12+$0x0], $0xffff  }
0x149: {  	v29 =	vor.u32 $0x405, v9;
	v11 =	vld.idx.msk [tilespmem:v23+s13+$0x0], $0xffff  }
0x14a: {  	v12 =	vld.idx.msk [tilespmem:v25+s12+$0x0], $0xffff;
	v1 =	vmul.f32 v24, v1  }
0x14b: {  	v30 =	vor.u32 $0x406, v9;
	v13 =	vld.idx.msk [tilespmem:v25+s13+$0x0], $0xffff  }
0x14c: {  	v14 =	vld.idx.msk [tilespmem:v28+s12+$0x0], $0xffff;
	v0 =	vmul.f32 v27, v26;
	v1 =	vadd.f32 $0.0e+00, v1  }
0x14d: {  	v31 =	vor.u32 $0x407, v9;
	v15 =	vld.idx.msk [tilespmem:v28+s13+$0x0], $0xffff  }
0x14e: {  	v16 =	vld.idx.msk [tilespmem:v29+s12+$0x0], $0xffff;
	v10 =	vmul.f32 v11, v10;
	v1 =	vadd.f32 v0, v1  }
0x14f: {  	v32 =	vor.u32 $0x408, v9;
	v17 =	vld.idx.msk [tilespmem:v29+s13+$0x0], $0xffff  }
0x150: {  	v34 =	vld.idx.msk [tilespmem:v30+s12+$0x0], $0xffff;
	v33 =	vmul.f32 v13, v12;
	v1 =	vadd.f32 v10, v1  }
0x151: {  	v18 =	vld.idx.msk [tilespmem:v30+s13+$0x0], $0xffff;
	v10 =	vor.u32 $0x409, v9  }
0x152: {  	v36 =	vld.idx.msk [tilespmem:v31+s12+$0x0], $0xffff;
	v35 =	vmul.f32 v15, v14;
	v1 =	vadd.f32 v33, v1  }
0x153: {  	v37 =	vld.idx.msk [tilespmem:v31+s13+$0x0], $0xffff;
	v11 =	vor.u32 $0x40A, v9  }
0x154: {  	v38 =	vld.idx.msk [tilespmem:v32+s12+$0x0], $0xffff;
	v16 =	vmul.f32 v17, v16;
	v1 =	vadd.f32 v35, v1  }
0x155: {  	[tilespmem:$0x1FB90] =	vst v23;
	v19 =	vld.idx.msk [tilespmem:v32+s13+$0x0], $0xffff;
	v12 =	vor.u32 $0x40B, v9  }
0x156: {  	[tilespmem:$0x1FBD0] =	vst v30;
	v39 =	vmul.f32 v18, v34;
	v40 =	vld.idx.msk [tilespmem:v10+s12+$0x0], $0xffff;
	v1 =	vadd.f32 v16, v1  }
0x157: {  	[tilespmem:$0x1FB70] =	vst v21;
	v13 =	vor.u32 $0x40C, v9;
	v20 =	vld.idx.msk [tilespmem:v10+s13+$0x0], $0xffff  }
0x158: {  	[tilespmem:$0x1FB80] =	vst v22;
	v15 =	vmul.f32 v37, v36;
	v21 =	vld.idx.msk [tilespmem:v11+s12+$0x0], $0xffff;
	v1 =	vadd.f32 v39, v1  }
0x159: {  	[tilespmem:$0x1FBA0] =	vst v25;
	v14 =	vor.u32 $0x40D, v9;
	v22 =	vld.idx.msk [tilespmem:v11+s13+$0x0], $0xffff  }
0x15a: {  	[tilespmem:$0x1FBB0] =	vst v28;
	v41 =	vmul.f32 v19, v38;
	v42 =	vld.idx.msk [tilespmem:v12+s12+$0x0], $0xffff;
	v1 =	vadd.f32 v15, v1  }
0x15b: {  	[tilespmem:$0x1FBE0] =	vst v31;
	v43 =	vld.idx.msk [tilespmem:v12+s13+$0x0], $0xffff;
	v15 =	vor.u32 $0x40E, v9  }
0x15c: {  	[tilespmem:$0x1FBF0] =	vst v32;
	v44 =	vld.idx.msk [tilespmem:v13+s12+$0x0], $0xffff;
	v18 =	vmul.f32 v20, v40;
	v1 =	vadd.f32 v41, v1  }
0x15d: {  	[tilespmem:$0x1FBC0] =	vst v29;
	v23 =	vld.idx.msk [tilespmem:v13+s13+$0x0], $0xffff;
	v16 =	vor.u32 $0x40F, v9  }
0x15e: {  	v45 =	vmul.f32 v22, v21;
	v46 =	vld.idx.msk [tilespmem:v14+s12+$0x0], $0xffff;
	v1 =	vadd.f32 v18, v1  }
0x15f: {  	v47 =	vld.idx.msk [tilespmem:v14+s13+$0x0], $0xffff  }
0x160: {  	v17 =	vmul.f32 v43, v42;
	v48 =	vld.idx.msk [tilespmem:v15+s12+$0x0], $0xffff;
	v1 =	vadd.f32 v45, v1  }
0x161: {  	v49 =	vld.idx.msk [tilespmem:v15+s13+$0x0], $0xffff  }
0x162: {  	v50 =	vmul.f32 v23, v44;
	v51 =	vld.idx.msk [tilespmem:v16+s12+$0x0], $0xffff;
	v1 =	vadd.f32 v17, v1  }
0x163: {  	v52 =	vld.idx.msk [tilespmem:v16+s13+$0x0], $0xffff  }
0x164: {  	v53 =	vmul.f32 v47, v46;
	v1 =	vadd.f32 v50, v1;
	_ =	sdelay $0x1  }
0x165: {  	v54 =	vmul.f32 v49, v48;
	v1 =	vadd.f32 v53, v1;
	_ =	sdelay $0x1  }
0x166: {  	v55 =	vmul.f32 v52, v51;
	v1 =	vadd.f32 v54, v1;
	_ =	sdelay $0x1  }
0x167: {  	v1 =	vadd.f32 v55, v1;
	_ =	sdelay $0x1  }
0x168: {  	v1 =	vsub.f32 $0.0e+00, v1;
	_ =	sdelay $0x1  }
0x169: {  	v1 =	vmul.f32 $1.442695020e+00, v1;
	_ =	sdelay $0x1  }
0x16a: {  	(erf) = vpow2.f32 v1;
	_ =	sdelay $0x8  }
0x16b: {  	v1 =	vpop (erf)  }
0x16c: {  	v1 =	vadd.f32 $1.000000000e+00, v1;
	_ =	sdelay $0x1  }
0x16d: {  	(erf) = vrcp.f32 v1;
	_ =	sdelay $0x5  }
0x16e: {  	v22 =	vor.u32 $0x500, v9;
	_ =	sdelay $0x1  }
0x16f: {  	v19 =	vor.u32 $0x501, v9  }
0x170: {  	v1 =	vpop (erf)  }
0x171: {  	v23 =	vor.u32 $0x502, v9;
	[tilespmem:$0x7040] =	vst v1  }
0x172: {  	v1 =	vld.idx.msk [tilespmem:v22+s12+$0x0], $0xffff  }
0x173: {  	v8 =	vor.u32 $0x503, v9;
	v56 =	vld.idx.msk [tilespmem:v22+s13+$0x0], $0xffff  }
0x174: {  	v57 =	vld.idx.msk [tilespmem:v19+s12+$0x0], $0xffff  }
0x175: {  	v20 =	vor.u32 $0x504, v9;
	v25 =	vld.idx.msk [tilespmem:v19+s13+$0x0], $0xffff  }
0x176: {  	v26 =	vld.idx.msk [tilespmem:v23+s12+$0x0], $0xffff  }
0x177: {  	v17 =	vor.u32 $0x505, v9;
	v27 =	vld.idx.msk [tilespmem:v23+s13+$0x0], $0xffff  }
0x178: {  	v28 =	vld.idx.msk [tilespmem:v8+s12+$0x0], $0xffff;
	v1 =	vmul.f32 v56, v1  }
0x179: {  	v18 =	vor.u32 $0x506, v9;
	v29 =	vld.idx.msk [tilespmem:v8+s13+$0x0], $0xffff  }
0x17a: {  	v30 =	vld.idx.msk [tilespmem:v20+s12+$0x0], $0xffff;
	v25 =	vmul.f32 v25, v57;
	v1 =	vadd.f32 $0.0e+00, v1  }
0x17b: {  	v21 =	vor.u32 $0x507, v9;
	v31 =	vld.idx.msk [tilespmem:v20+s13+$0x0], $0xffff  }
0x17c: {  	v32 =	vld.idx.msk [tilespmem:v17+s12+$0x0], $0xffff;
	v26 =	vmul.f32 v27, v26;
	v1 =	vadd.f32 v25, v1  }
0x17d: {  	v33 =	vld.idx.msk [tilespmem:v17+s13+$0x0], $0xffff;
	v25 =	vor.u32 $0x508, v9  }
0x17e: {  	v59 =	vld.idx.msk [tilespmem:v18+s12+$0x0], $0xffff;
	v58 =	vmul.f32 v29, v28;
	v1 =	vadd.f32 v26, v1  }
0x17f: {  	v34 =	vld.idx.msk [tilespmem:v18+s13+$0x0], $0xffff;
	v26 =	vor.u32 $0x509, v9  }
0x180: {  	v61 =	vld.idx.msk [tilespmem:v21+s12+$0x0], $0xffff;
	v60 =	vmul.f32 v31, v30;
	v1 =	vadd.f32 v58, v1  }
0x181: {  	v62 =	vld.idx.msk [tilespmem:v21+s13+$0x0], $0xffff;
	v27 =	vor.u32 $0x50A, v9  }
0x182: {  	v32 =	vmul.f32 v33, v32;
	v63 =	vld.idx.msk [tilespmem:v25+s12+$0x0], $0xffff;
	v1 =	vadd.f32 v60, v1  }
0x183: {  	v28 =	vor.u32 $0x50B, v9;
	v35 =	vld.idx.msk [tilespmem:v25+s13+$0x0], $0xffff  }
0x184: {  	v4 =	vmul.f32 v34, v59;
	v5 =	vld.idx.msk [tilespmem:v26+s12+$0x0], $0xffff;
	v1 =	vadd.f32 v32, v1  }
0x185: {  	v29 =	vor.u32 $0x50C, v9;
	v36 =	vld.idx.msk [tilespmem:v26+s13+$0x0], $0xffff  }
0x186: {  	v31 =	vmul.f32 v62, v61;
	v37 =	vld.idx.msk [tilespmem:v27+s12+$0x0], $0xffff;
	v1 =	vadd.f32 v4, v1  }
0x187: {  	v30 =	vor.u32 $0x50D, v9;
	v38 =	vld.idx.msk [tilespmem:v27+s13+$0x0], $0xffff  }
0x188: {  	v7 =	vld.idx.msk [tilespmem:v28+s12+$0x0], $0xffff;
	v6 =	vmul.f32 v35, v63;
	v1 =	vadd.f32 v31, v1  }
0x189: {  	v24 =	vld.idx.msk [tilespmem:v28+s13+$0x0], $0xffff;
	v31 =	vor.u32 $0x50E, v9  }
0x18a: {  	v42 =	vld.idx.msk [tilespmem:v29+s12+$0x0], $0xffff;
	v34 =	vmul.f32 v36, v5;
	v1 =	vadd.f32 v6, v1  }
0x18b: {  	v39 =	vld.idx.msk [tilespmem:v29+s13+$0x0], $0xffff;
	v32 =	vor.u32 $0x50F, v9  }
0x18c: {  	v44 =	vld.idx.msk [tilespmem:v30+s12+$0x0], $0xffff;
	v43 =	vmul.f32 v38, v37;
	v1 =	vadd.f32 v34, v1  }
0x18d: {  	v45 =	vld.idx.msk [tilespmem:v30+s13+$0x0], $0xffff  }
0x18e: {  	v33 =	vmul.f32 v24, v7;
	v46 =	vld.idx.msk [tilespmem:v31+s12+$0x0], $0xffff;
	v1 =	vadd.f32 v43, v1  }
0x18f: {  	v47 =	vld.idx.msk [tilespmem:v31+s13+$0x0], $0xffff  }
0x190: {  	v48 =	vmul.f32 v39, v42;
	v49 =	vld.idx.msk [tilespmem:v32+s12+$0x0], $0xffff;
	v1 =	vadd.f32 v33, v1  }
0x191: {  	v50 =	vld.idx.msk [tilespmem:v32+s13+$0x0], $0xffff  }
0x192: {  	v51 =	vmul.f32 v45, v44;
	v1 =	vadd.f32 v48, v1;
	_ =	sdelay $0x1  }
0x193: {  	v52 =	vmul.f32 v47, v46;
	v1 =	vadd.f32 v51, v1;
	_ =	sdelay $0x1  }
0x194: {  	v53 =	vmul.f32 v50, v49;
	v1 =	vadd.f32 v52, v1;
	_ =	sdelay $0x1  }
0x195: {  	v1 =	vadd.f32 v53, v1;
	_ =	sdelay $0x1  }
0x196: {  	v1 =	vsub.f32 $0.0e+00, v1;
	_ =	sdelay $0x1  }
0x197: {  	v1 =	vmul.f32 $1.442695020e+00, v1;
	_ =	sdelay $0x1  }
0x198: {  	(erf) = vpow2.f32 v1;
	_ =	sdelay $0x8  }
0x199: {  	v1 =	vpop (erf)  }
0x19a: {  	v1 =	vadd.f32 $1.000000000e+00, v1;
	_ =	sdelay $0x1  }
0x19b: {  	(erf) = vrcp.f32 v1;
	_ =	sdelay $0x5  }
0x19c: {  	v38 =	vor.u32 $0x600, v9;
	_ =	sdelay $0x1  }
0x19d: {  	v35 =	vor.u32 $0x601, v9  }
0x19e: {  	v1 =	vpop (erf)  }
0x19f: {  	v39 =	vor.u32 $0x602, v9;
	[tilespmem:$0x7050] =	vst v1  }
0x1a0: {  	v1 =	vld.idx.msk [tilespmem:v38+s12+$0x0], $0xffff  }
0x1a1: {  	v7 =	vor.u32 $0x603, v9;
	v54 =	vld.idx.msk [tilespmem:v38+s13+$0x0], $0xffff  }
0x1a2: {  	v55 =	vld.idx.msk [tilespmem:v35+s12+$0x0], $0xffff  }
0x1a3: {  	v36 =	vor.u32 $0x604, v9;
	v41 =	vld.idx.msk [tilespmem:v35+s13+$0x0], $0xffff  }
0x1a4: {  	v42 =	vld.idx.msk [tilespmem:v39+s12+$0x0], $0xffff  }
0x1a5: {  	v33 =	vor.u32 $0x605, v9;
	v43 =	vld.idx.msk [tilespmem:v39+s13+$0x0], $0xffff  }
0x1a6: {  	v44 =	vld.idx.msk [tilespmem:v7+s12+$0x0], $0xffff;
	v1 =	vmul.f32 v54, v1  }
0x1a7: {  	v34 =	vor.u32 $0x606, v9;
	v45 =	vld.idx.msk [tilespmem:v7+s13+$0x0], $0xffff  }
0x1a8: {  	v46 =	vld.idx.msk [tilespmem:v36+s12+$0x0], $0xffff;
	v41 =	vmul.f32 v41, v55;
	v1 =	vadd.f32 $0.0e+00, v1  }
0x1a9: {  	v37 =	vor.u32 $0x607, v9;
	v47 =	vld.idx.msk [tilespmem:v36+s13+$0x0], $0xffff  }
0x1aa: {  	v48 =	vld.idx.msk [tilespmem:v33+s12+$0x0], $0xffff;
	v42 =	vmul.f32 v43, v42;
	v1 =	vadd.f32 v41, v1  }
0x1ab: {  	v49 =	vld.idx.msk [tilespmem:v33+s13+$0x0], $0xffff;
	v41 =	vor.u32 $0x608, v9  }
0x1ac: {  	v57 =	vld.idx.msk [tilespmem:v34+s12+$0x0], $0xffff;
	v56 =	vmul.f32 v45, v44;
	v1 =	vadd.f32 v42, v1  }
0x1ad: {  	v50 =	vld.idx.msk [tilespmem:v34+s13+$0x0], $0xffff;
	v42 =	vor.u32 $0x609, v9  }
0x1ae: {  	v59 =	vld.idx.msk [tilespmem:v37+s12+$0x0], $0xffff;
	v58 =	vmul.f32 v47, v46;
	v1 =	vadd.f32 v56, v1  }
0x1af: {  	v60 =	vld.idx.msk [tilespmem:v37+s13+$0x0], $0xffff;
	v43 =	vor.u32 $0x60A, v9  }
0x1b0: {  	v48 =	vmul.f32 v49, v48;
	v61 =	vld.idx.msk [tilespmem:v41+s12+$0x0], $0xffff;
	v1 =	vadd.f32 v58, v1  }
0x1b1: {  	v44 =	vor.u32 $0x60B, v9;
	v51 =	vld.idx.msk [tilespmem:v41+s13+$0x0], $0xffff  }
0x1b2: {  	v62 =	vmul.f32 v50, v57;
	v63 =	vld.idx.msk [tilespmem:v42+s12+$0x0], $0xffff;
	v1 =	vadd.f32 v48, v1  }
0x1b3: {  	v45 =	vor.u32 $0x60C, v9;
	v52 =	vld.idx.msk [tilespmem:v42+s13+$0x0], $0xffff  }
0x1b4: {  	v47 =	vmul.f32 v60, v59;
	v53 =	vld.idx.msk [tilespmem:v43+s12+$0x0], $0xffff;
	v1 =	vadd.f32 v62, v1  }
0x1b5: {  	v46 =	vor.u32 $0x60D, v9;
	v54 =	vld.idx.msk [tilespmem:v43+s13+$0x0], $0xffff  }
0x1b6: {  	v4 =	vld.idx.msk [tilespmem:v44+s12+$0x0], $0xffff;
	v3 =	vmul.f32 v51, v61;
	v1 =	vadd.f32 v47, v1  }
0x1b7: {  	v5 =	vld.idx.msk [tilespmem:v44+s13+$0x0], $0xffff;
	v47 =	vor.u32 $0x60E, v9  }
0x1b8: {  	v6 =	vld.idx.msk [tilespmem:v45+s12+$0x0], $0xffff;
	v50 =	vmul.f32 v52, v63;
	v1 =	vadd.f32 v3, v1  }
0x1b9: {  	v55 =	vld.idx.msk [tilespmem:v45+s13+$0x0], $0xffff;
	v48 =	vor.u32 $0x60F, v9  }
0x1ba: {  	v40 =	vld.idx.msk [tilespmem:v46+s12+$0x0], $0xffff;
	v24 =	vmul.f32 v54, v53;
	v1 =	vadd.f32 v50, v1  }
0x1bb: {  	v57 =	vld.idx.msk [tilespmem:v46+s13+$0x0], $0xffff  }
0x1bc: {  	v49 =	vmul.f32 v5, v4;
	v58 =	vld.idx.msk [tilespmem:v47+s12+$0x0], $0xffff;
	v1 =	vadd.f32 v24, v1  }
0x1bd: {  	v59 =	vld.idx.msk [tilespmem:v47+s13+$0x0], $0xffff  }
0x1be: {  	v60 =	vmul.f32 v55, v6;
	v61 =	vld.idx.msk [tilespmem:v48+s12+$0x0], $0xffff;
	v1 =	vadd.f32 v49, v1  }
0x1bf: {  	v62 =	vld.idx.msk [tilespmem:v48+s13+$0x0], $0xffff  }
0x1c0: {  	v63 =	vmul.f32 v57, v40;
	v1 =	vadd.f32 v60, v1;
	_ =	sdelay $0x1  }
0x1c1: {  	v0 =	vmul.f32 v59, v58;
	v1 =	vadd.f32 v63, v1;
	_ =	sdelay $0x1  }
0x1c2: {  	v2 =	vmul.f32 v62, v61;
	v1 =	vadd.f32 v0, v1;
	_ =	sdelay $0x1  }
0x1c3: {  	v1 =	vadd.f32 v2, v1;
	_ =	sdelay $0x1  }
0x1c4: {  	v1 =	vsub.f32 $0.0e+00, v1;
	_ =	sdelay $0x1  }
0x1c5: {  	v1 =	vmul.f32 $1.442695020e+00, v1;
	_ =	sdelay $0x1  }
0x1c6: {  	(erf) = vpow2.f32 v1;
	_ =	sdelay $0x8  }
0x1c7: {  	v1 =	vpop (erf)  }
0x1c8: {  	v1 =	vadd.f32 $1.000000000e+00, v1;
	_ =	sdelay $0x1  }
0x1c9: {  	(erf) = vrcp.f32 v1;
	_ =	sdelay $0x5  }
0x1ca: {  	v54 =	vor.u32 $0x700, v9;
	_ =	sdelay $0x1  }
0x1cb: {  	v51 =	vor.u32 $0x701, v9  }
0x1cc: {  	v1 =	vpop (erf)  }
0x1cd: {  	v55 =	vor.u32 $0x702, v9;
	[tilespmem:$0x7060] =	vst v1  }
0x1ce: {  	v1 =	vld.idx.msk [tilespmem:v54+s12+$0x0], $0xffff  }
0x1cf: {  	v6 =	vor.u32 $0x703, v9;
	v3 =	vld.idx.msk [tilespmem:v54+s13+$0x0], $0xffff  }
0x1d0: {  	v4 =	vld.idx.msk [tilespmem:v51+s12+$0x0], $0xffff  }
0x1d1: {  	v52 =	vor.u32 $0x704, v9;
	v57 =	vld.idx.msk [tilespmem:v51+s13+$0x0], $0xffff  }
0x1d2: {  	v58 =	vld.idx.msk [tilespmem:v55+s12+$0x0], $0xffff  }
0x1d3: {  	v49 =	vor.u32 $0x705, v9;
	v59 =	vld.idx.msk [tilespmem:v55+s13+$0x0], $0xffff  }
0x1d4: {  	v60 =	vld.idx.msk [tilespmem:v6+s12+$0x0], $0xffff;
	v1 =	vmul.f32 v3, v1  }
0x1d5: {  	v50 =	vor.u32 $0x706, v9;
	v61 =	vld.idx.msk [tilespmem:v6+s13+$0x0], $0xffff  }
0x1d6: {  	v62 =	vld.idx.msk [tilespmem:v52+s12+$0x0], $0xffff;
	v57 =	vmul.f32 v57, v4;
	v1 =	vadd.f32 $0.0e+00, v1  }
0x1d7: {  	v53 =	vor.u32 $0x707, v9;
	v63 =	vld.idx.msk [tilespmem:v52+s13+$0x0], $0xffff  }
0x1d8: {  	v5 =	vld.idx.msk [tilespmem:v49+s12+$0x0], $0xffff;
	v58 =	vmul.f32 v59, v58;
	v1 =	vadd.f32 v57, v1  }
0x1d9: {  	v24 =	vld.idx.msk [tilespmem:v49+s13+$0x0], $0xffff;
	v57 =	vor.u32 $0x708, v9  }
0x1da: {  	v3 =	vmul.f32 v61, v60;
	v61 =	vld.idx.msk [tilespmem:v50+s12+$0x0], $0xffff;
	v1 =	vadd.f32 v58, v1  }
0x1db: {  	v60 =	vld.idx.msk [tilespmem:v50+s13+$0x0], $0xffff;
	v58 =	vor.u32 $0x709, v9  }
0x1dc: {  	v40 =	vld.idx.msk [tilespmem:v53+s13+$0x0], $0xffff;
	v62 =	vmul.f32 v63, v62;
	v1 =	vadd.f32 v3, v1  }
0x1dd: {  	v63 =	vld.idx.msk [tilespmem:v53+s12+$0x0], $0xffff;
	v59 =	vor.u32 $0x70A, v9  }
0x1de: {  	v24 =	vmul.f32 v24, v5;
	v0 =	vld.idx.msk [tilespmem:v57+s12+$0x0], $0xffff;
	v1 =	vadd.f32 v62, v1  }
0x1df: {  	v5 =	vor.u32 $0x70B, v9;
	v62 =	vld.idx.msk [tilespmem:v57+s13+$0x0], $0xffff  }
0x1e0: {  	v4 =	vmul.f32 v60, v61;
	v60 =	vld.idx.msk [tilespmem:v58+s12+$0x0], $0xffff;
	v1 =	vadd.f32 v24, v1  }
0x1e1: {  	v61 =	vor.u32 $0x70C, v9;
	v56 =	vld.idx.msk [tilespmem:v58+s13+$0x0], $0xffff  }
0x1e2: {  	v40 =	vmul.f32 v40, v63;
	v63 =	vld.idx.msk [tilespmem:v59+s13+$0x0], $0xffff;
	v1 =	vadd.f32 v4, v1  }
0x1e3: {  	v3 =	vld.idx.msk [tilespmem:v59+s12+$0x0], $0xffff;
	v24 =	vor.u32 $0x70D, v9  }
0x1e4: {  	v2 =	vld.idx.msk [tilespmem:v5+s13+$0x0], $0xffff;
	v1 =	vadd.f32 v40, v1;
	v40 =	vmul.f32 v62, v0  }
0x1e5: {  	v4 =	vor.u32 $0x70E, v9;
	v62 =	vld.idx.msk [tilespmem:v5+s12+$0x0], $0xffff  }
0x1e6: {  	v56 =	vmul.f32 v56, v60;
	v60 =	vld.idx.msk [tilespmem:v61+s12+$0x0], $0xffff;
	v40 =	vadd.f32 v40, v1  }
0x1e7: {  	v0 =	vld.idx.msk [tilespmem:v61+s13+$0x0], $0xffff;
	v1 =	vor.u32 $0x70F, v9  }
0x1e8: {  	v3 =	vmul.f32 v63, v3;
	v63 =	vld.idx.msk [tilespmem:v24+s13+$0x0], $0xffff;
	v40 =	vadd.f32 v56, v40  }
0x1e9: {  	v56 =	vld.idx.msk [tilespmem:v24+s12+$0x0], $0xffff  }
0x1ea: {  	v2 =	vmul.f32 v2, v62;
	v62 =	vld.idx.msk [tilespmem:v4+s13+$0x0], $0xffff;
	v3 =	vadd.f32 v3, v40  }
0x1eb: {  	v40 =	vld.idx.msk [tilespmem:v4+s12+$0x0], $0xffff  }
0x1ec: {  	v0 =	vmul.f32 v0, v60;
	v60 =	vld.idx.msk [tilespmem:v1+s13+$0x0], $0xffff;
	v2 =	vadd.f32 v2, v3  }
0x1ed: {  	v3 =	vld.idx.msk [tilespmem:v1+s12+$0x0], $0xffff  }
0x1ee: {  	v56 =	vmul.f32 v63, v56;
	v0 =	vadd.f32 v0, v2;
	_ =	sdelay $0x1  }
0x1ef: {  	v63 =	vmul.f32 v62, v40;
	v0 =	vadd.f32 v56, v0;
	_ =	sdelay $0x1  }
0x1f0: {  	v40 =	vmul.f32 v60, v3;
	v0 =	vadd.f32 v63, v0;
	_ =	sdelay $0x1  }
0x1f1: {  	v0 =	vadd.f32 v40, v0;
	_ =	sdelay $0x1  }
0x1f2: {  	v0 =	vsub.f32 $0.0e+00, v0;
	_ =	sdelay $0x1  }
0x1f3: {  	v0 =	vmul.f32 $1.442695020e+00, v0;
	_ =	sdelay $0x1  }
0x1f4: {  	(erf) = vpow2.f32 v0;
	_ =	sdelay $0x8  }
0x1f5: {  	v0 =	vpop (erf)  }
0x1f6: {  	v0 =	vadd.f32 $1.000000000e+00, v0;
	_ =	sdelay $0x1  }
0x1f7: {  	(erf) = vrcp.f32 v0;
	_ =	sdelay $0x8  }
0x1f8: {  	p1 =	seq.s32 s28, $0x9C00;
	v0 =	vpop (erf)  }
0x1f9: {  	s30 =	sshra.s32 @!p1 s28, $0x2;
	[tilespmem:$0x7070] =	vst v0  }
0x1fa: {  	[hbm4b:s26+s3] =	stream.linear.scatter [tilespmem:s19], [sflag:$0x5], $0x80, $0x38;
	[tilespmem:$0x7100] =	vst v63  }
0x1fb: {  	s2 =	simm.s32 @!p1 $0x80;
	s0 =	simm.s32 @!p1 $0x5000;
	s31 =	sadd.s32 @!p1 $0x100, s30  }
0x1fc: {  	[tilespmem:s0], [sflag:$0x1] =	stream.indirect.gather @!p1 [hbm4b:s1+s2], $0x10, s31, s2, $0xb8;
	[tilespmem:$0x7100] =	vst v63  }
0x1fd: {  	s0 =	sadd.s32 @!p1 $0x2900, s30;
	s30 =	simm.s32 @!p1 $0x5800  }
0x1fe: {  	[tilespmem:s30], [sflag:$0x2] =	stream.indirect.gather @!p1 [hbm4b:s1+s2], $0x10, s0, s2, $0xb8;
	[tilespmem:$0x7100] =	vst v63  }
0x1ff: {  	_ =	swait.ge [sflag:s20], $0x800  }
0x200: {  	[sflag:s20] =	ssyncset.done $0x0  }
0x201: {  	[sflag:s20] =	ssyncadd.s32 $0xFFFFF800  }
0x202: {  	_ =	swait.ge [sflag:s21], $0x800  }
0x203: {  	[sflag:s21] =	ssyncset.done $0x0  }
0x204: {  	s0 =	simm.s32 @!p0 $0x6;
	[sflag:s21] =	ssyncadd.s32 $0xFFFFF800  }
0x205: {  	_ =	swait.ge @!p0 [sflag:s0], $0x80  }
0x206: {  	v56 =	vld [tilespmem:$0x1FC00];
	_ =	sdelay $0x1  }
0x207: {  	v60 =	vld [tilespmem:$0x1FC10];
	_ =	sdelay $0x1  }
0x208: {  	[sflag:s0] =	ssyncset.done @!p0 $0x0;
	v62 =	vld [tilespmem:$0x1FC20]  }
0x209: {  	[sflag:s0] =	ssyncadd.s32 @!p0 $0xFFFFFF80  }
0x20a: {  	v0 =	vld.idx.msk [tilespmem:v9+s14+$0x0], $0xffff  }
0x20b: {  	v2 =	vld.idx.msk [tilespmem:v9+s16+$0x0], $0xffff  }
0x20c: {  	v3 =	vld.idx.msk [tilespmem:v56+s14+$0x0], $0xffff  }
0x20d: {  	v40 =	vld.idx.msk [tilespmem:v56+s16+$0x0], $0xffff  }
0x20e: {  	v56 =	vld.idx.msk [tilespmem:v60+s14+$0x0], $0xffff  }
0x20f: {  	v60 =	vld.idx.msk [tilespmem:v60+s16+$0x0], $0xffff  }
0x210: {  	v0 =	vmul.f32 v2, v0;
	v2 =	vld.idx.msk [tilespmem:v62+s14+$0x0], $0xffff  }
0x211: {  	v62 =	vld.idx.msk [tilespmem:v62+s16+$0x0], $0xffff  }
0x212: {  	v63 =	vld [tilespmem:$0x1FC30];
	v0 =	vadd.f32 $0.0e+00, v0;
	v3 =	vmul.f32 v40, v3;
	_ =	sdelay $0x1  }
0x213: {  	v0 =	vadd.f32 v3, v0;
	v3 =	vmul.f32 v60, v56;
	v60 =	vld [tilespmem:$0x1FC40];
	_ =	sdelay $0x1  }
0x214: {  	v2 =	vmul.f32 v62, v2;
	v62 =	vld [tilespmem:$0x1FC50];
	_ =	sdelay $0x3  }
0x215: {  	v40 =	vld.idx.msk [tilespmem:v63+s14+$0x0], $0xffff  }
0x216: {  	v63 =	vld.idx.msk [tilespmem:v63+s16+$0x0], $0xffff  }
0x217: {  	v56 =	vld.idx.msk [tilespmem:v60+s14+$0x0], $0xffff  }
0x218: {  	v60 =	vld.idx.msk [tilespmem:v60+s16+$0x0], $0xffff  }
0x219: {  	v0 =	vadd.f32 v3, v0;
	v3 =	vld.idx.msk [tilespmem:v62+s14+$0x0], $0xffff  }
0x21a: {  	v62 =	vld.idx.msk [tilespmem:v62+s16+$0x0], $0xffff  }
0x21b: {  	v0 =	vadd.f32 v2, v0;
	v2 =	vmul.f32 v63, v40;
	v63 =	vld [tilespmem:$0x1FC60];
	_ =	sdelay $0x1  }
0x21c: {  	v0 =	vadd.f32 v2, v0;
	v2 =	vmul.f32 v60, v56;
	v60 =	vld [tilespmem:$0x1FC70];
	_ =	sdelay $0x1  }
0x21d: {  	v0 =	vadd.f32 v2, v0;
	v2 =	vmul.f32 v62, v3;
	v62 =	vld [tilespmem:$0x1FC80];
	_ =	sdelay $0x3  }
0x21e: {  	v40 =	vld.idx.msk [tilespmem:v63+s14+$0x0], $0xffff  }
0x21f: {  	v63 =	vld.idx.msk [tilespmem:v63+s16+$0x0], $0xffff  }
0x220: {  	v56 =	vld.idx.msk [tilespmem:v60+s14+$0x0], $0xffff  }
0x221: {  	v60 =	vld.idx.msk [tilespmem:v60+s16+$0x0], $0xffff  }
0x222: {  	v3 =	vld.idx.msk [tilespmem:v62+s14+$0x0], $0xffff  }
0x223: {  	v62 =	vld.idx.msk [tilespmem:v62+s16+$0x0], $0xffff  }
0x224: {  	v0 =	vadd.f32 v2, v0;
	v2 =	vmul.f32 v63, v40;
	v63 =	vld [tilespmem:$0x1FC90];
	_ =	sdelay $0x1  }
0x225: {  	v0 =	vadd.f32 v2, v0;
	v2 =	vmul.f32 v60, v56;
	v60 =	vld [tilespmem:$0x1FCA0];
	_ =	sdelay $0x1  }
0x226: {  	v0 =	vadd.f32 v2, v0;
	v2 =	vmul.f32 v62, v3;
	v62 =	vld [tilespmem:$0x1FCB0];
	_ =	sdelay $0x3  }
0x227: {  	v40 =	vld.idx.msk [tilespmem:v63+s14+$0x0], $0xffff  }
0x228: {  	v63 =	vld.idx.msk [tilespmem:v63+s16+$0x0], $0xffff  }
0x229: {  	v56 =	vld.idx.msk [tilespmem:v60+s14+$0x0], $0xffff  }
0x22a: {  	v60 =	vld.idx.msk [tilespmem:v60+s16+$0x0], $0xffff  }
0x22b: {  	v3 =	vld.idx.msk [tilespmem:v62+s14+$0x0], $0xffff  }
0x22c: {  	v62 =	vld.idx.msk [tilespmem:v62+s16+$0x0], $0xffff  }
0x22d: {  	v0 =	vadd.f32 v2, v0;
	v2 =	vmul.f32 v63, v40;
	v63 =	vld [tilespmem:$0x1FCC0];
	_ =	sdelay $0x1  }
0x22e: {  	v0 =	vadd.f32 v2, v0;
	v2 =	vmul.f32 v60, v56;
	v60 =	vld [tilespmem:$0x1FCD0];
	_ =	sdelay $0x1  }
0x22f: {  	v0 =	vadd.f32 v2, v0;
	v2 =	vmul.f32 v62, v3;
	v62 =	vld [tilespmem:$0x1FCE0];
	_ =	sdelay $0x3  }
0x230: {  	v40 =	vld.idx.msk [tilespmem:v63+s14+$0x0], $0xffff  }
0x231: {  	v63 =	vld.idx.msk [tilespmem:v63+s16+$0x0], $0xffff  }
0x232: {  	v56 =	vld.idx.msk [tilespmem:v60+s14+$0x0], $0xffff  }
0x233: {  	v60 =	vld.idx.msk [tilespmem:v60+s16+$0x0], $0xffff  }
0x234: {  	v3 =	vld.idx.msk [tilespmem:v62+s14+$0x0], $0xffff  }
0x235: {  	v9 =	vld.idx.msk [tilespmem:v62+s16+$0x0], $0xffff  }
0x236: {  	v0 =	vadd.f32 v2, v0;
	v40 =	vmul.f32 v63, v40;
	_ =	sdelay $0x1  }
0x237: {  	v0 =	vadd.f32 v40, v0;
	v63 =	vmul.f32 v60, v56;
	_ =	sdelay $0x1  }
0x238: {  	v0 =	vadd.f32 v63, v0;
	v9 =	vmul.f32 v9, v3;
	_ =	sdelay $0x1  }
0x239: {  	v0 =	vadd.f32 v9, v0;
	_ =	sdelay $0x1  }
0x23a: {  	v0 =	vsub.f32 $0.0e+00, v0;
	_ =	sdelay $0x1  }
0x23b: {  	v0 =	vmul.f32 $1.442695020e+00, v0;
	_ =	sdelay $0x1  }
0x23c: {  	(erf) = vpow2.f32 v0;
	_ =	sdelay $0x8  }
0x23d: {  	v0 =	vpop (erf)  }
0x23e: {  	v0 =	vadd.f32 $1.000000000e+00, v0;
	_ =	sdelay $0x1  }
0x23f: {  	(erf) = vrcp.f32 v0;
	_ =	sdelay $0x2  }
0x240: {  	v40 =	vld [tilespmem:$0x1FCF0];
	_ =	sdelay $0x1  }
0x241: {  	v56 =	vld [tilespmem:$0x1FD00];
	_ =	sdelay $0x1  }
0x242: {  	v60 =	vld [tilespmem:$0x1FD10];
	_ =	sdelay $0x1  }
0x243: {  	v62 =	vld [tilespmem:$0x1FD20];
	v0 =	vpop (erf)  }
0x244: {  	[tilespmem:$0x7080] =	vst v0  }
0x245: {  	v0 =	vld.idx.msk [tilespmem:v40+s14+$0x0], $0xffff  }
0x246: {  	v2 =	vld.idx.msk [tilespmem:v40+s16+$0x0], $0xffff  }
0x247: {  	v3 =	vld.idx.msk [tilespmem:v56+s14+$0x0], $0xffff  }
0x248: {  	v40 =	vld.idx.msk [tilespmem:v56+s16+$0x0], $0xffff  }
0x249: {  	v56 =	vld.idx.msk [tilespmem:v60+s14+$0x0], $0xffff  }
0x24a: {  	v60 =	vld.idx.msk [tilespmem:v60+s16+$0x0], $0xffff  }
0x24b: {  	v0 =	vmul.f32 v2, v0;
	v2 =	vld.idx.msk [tilespmem:v62+s14+$0x0], $0xffff  }
0x24c: {  	v62 =	vld.idx.msk [tilespmem:v62+s16+$0x0], $0xffff  }
0x24d: {  	v63 =	vld [tilespmem:$0x1FD30];
	v3 =	vmul.f32 v40, v3;
	v0 =	vadd.f32 $0.0e+00, v0;
	_ =	sdelay $0x1  }
0x24e: {  	v0 =	vadd.f32 v3, v0;
	v3 =	vmul.f32 v60, v56;
	v60 =	vld [tilespmem:$0x1FD40];
	_ =	sdelay $0x1  }
0x24f: {  	v2 =	vmul.f32 v62, v2;
	v62 =	vld [tilespmem:$0x1FD50];
	_ =	sdelay $0x3  }
0x250: {  	v40 =	vld.idx.msk [tilespmem:v63+s14+$0x0], $0xffff  }
0x251: {  	v63 =	vld.idx.msk [tilespmem:v63+s16+$0x0], $0xffff  }
0x252: {  	v56 =	vld.idx.msk [tilespmem:v60+s14+$0x0], $0xffff  }
0x253: {  	v60 =	vld.idx.msk [tilespmem:v60+s16+$0x0], $0xffff  }
0x254: {  	v0 =	vadd.f32 v3, v0;
	v3 =	vld.idx.msk [tilespmem:v62+s14+$0x0], $0xffff  }
0x255: {  	v62 =	vld.idx.msk [tilespmem:v62+s16+$0x0], $0xffff  }
0x256: {  	v0 =	vadd.f32 v2, v0;
	v2 =	vmul.f32 v63, v40;
	v63 =	vld [tilespmem:$0x1FD60];
	_ =	sdelay $0x1  }
0x257: {  	v0 =	vadd.f32 v2, v0;
	v2 =	vmul.f32 v60, v56;
	v60 =	vld [tilespmem:$0x1FD70];
	_ =	sdelay $0x1  }
0x258: {  	v0 =	vadd.f32 v2, v0;
	v2 =	vmul.f32 v62, v3;
	v62 =	vld [tilespmem:$0x1FD80];
	_ =	sdelay $0x3  }
0x259: {  	v40 =	vld.idx.msk [tilespmem:v63+s14+$0x0], $0xffff  }
0x25a: {  	v63 =	vld.idx.msk [tilespmem:v63+s16+$0x0], $0xffff  }
0x25b: {  	v56 =	vld.idx.msk [tilespmem:v60+s14+$0x0], $0xffff  }
0x25c: {  	v60 =	vld.idx.msk [tilespmem:v60+s16+$0x0], $0xffff  }
0x25d: {  	v3 =	vld.idx.msk [tilespmem:v62+s14+$0x0], $0xffff  }
0x25e: {  	v62 =	vld.idx.msk [tilespmem:v62+s16+$0x0], $0xffff  }
0x25f: {  	v0 =	vadd.f32 v2, v0;
	v2 =	vmul.f32 v63, v40;
	v63 =	vld [tilespmem:$0x1FD90];
	_ =	sdelay $0x1  }
0x260: {  	v0 =	vadd.f32 v2, v0;
	v2 =	vmul.f32 v60, v56;
	v60 =	vld [tilespmem:$0x1FDA0];
	_ =	sdelay $0x1  }
0x261: {  	v0 =	vadd.f32 v2, v0;
	v2 =	vmul.f32 v62, v3;
	v62 =	vld [tilespmem:$0x1FDB0];
	_ =	sdelay $0x3  }
0x262: {  	v40 =	vld.idx.msk [tilespmem:v63+s14+$0x0], $0xffff  }
0x263: {  	v63 =	vld.idx.msk [tilespmem:v63+s16+$0x0], $0xffff  }
0x264: {  	v56 =	vld.idx.msk [tilespmem:v60+s14+$0x0], $0xffff  }
0x265: {  	v60 =	vld.idx.msk [tilespmem:v60+s16+$0x0], $0xffff  }
0x266: {  	v3 =	vld.idx.msk [tilespmem:v62+s14+$0x0], $0xffff  }
0x267: {  	v62 =	vld.idx.msk [tilespmem:v62+s16+$0x0], $0xffff  }
0x268: {  	v0 =	vadd.f32 v2, v0;
	v2 =	vmul.f32 v63, v40;
	v63 =	vld [tilespmem:$0x1FDC0];
	_ =	sdelay $0x1  }
0x269: {  	v0 =	vadd.f32 v2, v0;
	v2 =	vmul.f32 v60, v56;
	v60 =	vld [tilespmem:$0x1FDD0];
	_ =	sdelay $0x1  }
0x26a: {  	v0 =	vadd.f32 v2, v0;
	v2 =	vmul.f32 v62, v3;
	v62 =	vld [tilespmem:$0x1FDE0];
	_ =	sdelay $0x3  }
0x26b: {  	v40 =	vld.idx.msk [tilespmem:v63+s14+$0x0], $0xffff  }
0x26c: {  	v63 =	vld.idx.msk [tilespmem:v63+s16+$0x0], $0xffff  }
0x26d: {  	v56 =	vld.idx.msk [tilespmem:v60+s14+$0x0], $0xffff  }
0x26e: {  	v60 =	vld.idx.msk [tilespmem:v60+s16+$0x0], $0xffff  }
0x26f: {  	v3 =	vld.idx.msk [tilespmem:v62+s14+$0x0], $0xffff  }
0x270: {  	v9 =	vld.idx.msk [tilespmem:v62+s16+$0x0], $0xffff  }
0x271: {  	v0 =	vadd.f32 v2, v0;
	v40 =	vmul.f32 v63, v40;
	_ =	sdelay $0x1  }
0x272: {  	v0 =	vadd.f32 v40, v0;
	v63 =	vmul.f32 v60, v56;
	_ =	sdelay $0x1  }
0x273: {  	v0 =	vadd.f32 v63, v0;
	v9 =	vmul.f32 v9, v3;
	_ =	sdelay $0x1  }
0x274: {  	v0 =	vadd.f32 v9, v0;
	_ =	sdelay $0x1  }
0x275: {  	v0 =	vsub.f32 $0.0e+00, v0;
	_ =	sdelay $0x1  }
0x276: {  	v0 =	vmul.f32 $1.442695020e+00, v0;
	_ =	sdelay $0x1  }
0x277: {  	(erf) = vpow2.f32 v0;
	_ =	sdelay $0x8  }
0x278: {  	v0 =	vpop (erf)  }
0x279: {  	v0 =	vadd.f32 $1.000000000e+00, v0;
	_ =	sdelay $0x1  }
0x27a: {  	(erf) = vrcp.f32 v0;
	_ =	sdelay $0x2  }
0x27b: {  	v40 =	vld [tilespmem:$0x1FDF0];
	_ =	sdelay $0x1  }
0x27c: {  	v56 =	vld [tilespmem:$0x1FE00];
	_ =	sdelay $0x1  }
0x27d: {  	v60 =	vld [tilespmem:$0x1FE10];
	_ =	sdelay $0x1  }
0x27e: {  	v62 =	vld [tilespmem:$0x1FE20];
	v0 =	vpop (erf)  }
0x27f: {  	[tilespmem:$0x7090] =	vst v0  }
0x280: {  	v0 =	vld.idx.msk [tilespmem:v40+s14+$0x0], $0xffff  }
0x281: {  	v2 =	vld.idx.msk [tilespmem:v40+s16+$0x0], $0xffff  }
0x282: {  	v3 =	vld.idx.msk [tilespmem:v56+s14+$0x0], $0xffff  }
0x283: {  	v40 =	vld.idx.msk [tilespmem:v56+s16+$0x0], $0xffff  }
0x284: {  	v56 =	vld.idx.msk [tilespmem:v60+s14+$0x0], $0xffff  }
0x285: {  	v60 =	vld.idx.msk [tilespmem:v60+s16+$0x0], $0xffff  }
0x286: {  	v0 =	vmul.f32 v2, v0;
	v2 =	vld.idx.msk [tilespmem:v62+s14+$0x0], $0xffff  }
0x287: {  	v62 =	vld.idx.msk [tilespmem:v62+s16+$0x0], $0xffff  }
0x288: {  	v63 =	vld [tilespmem:$0x1FE30];
	v3 =	vmul.f32 v40, v3;
	v0 =	vadd.f32 $0.0e+00, v0;
	_ =	sdelay $0x1  }
0x289: {  	v0 =	vadd.f32 v3, v0;
	v3 =	vmul.f32 v60, v56;
	v60 =	vld [tilespmem:$0x1FE40];
	_ =	sdelay $0x1  }
0x28a: {  	v2 =	vmul.f32 v62, v2;
	v62 =	vld [tilespmem:$0x1FE50];
	_ =	sdelay $0x3  }
0x28b: {  	v40 =	vld.idx.msk [tilespmem:v63+s14+$0x0], $0xffff  }
0x28c: {  	v63 =	vld.idx.msk [tilespmem:v63+s16+$0x0], $0xffff  }
0x28d: {  	v56 =	vld.idx.msk [tilespmem:v60+s14+$0x0], $0xffff  }
0x28e: {  	v60 =	vld.idx.msk [tilespmem:v60+s16+$0x0], $0xffff  }
0x28f: {  	v0 =	vadd.f32 v3, v0;
	v3 =	vld.idx.msk [tilespmem:v62+s14+$0x0], $0xffff  }
0x290: {  	v62 =	vld.idx.msk [tilespmem:v62+s16+$0x0], $0xffff  }
0x291: {  	v0 =	vadd.f32 v2, v0;
	v2 =	vmul.f32 v63, v40;
	v63 =	vld [tilespmem:$0x1FE60];
	_ =	sdelay $0x1  }
0x292: {  	v0 =	vadd.f32 v2, v0;
	v2 =	vmul.f32 v60, v56;
	v60 =	vld [tilespmem:$0x1FE70];
	_ =	sdelay $0x1  }
0x293: {  	v0 =	vadd.f32 v2, v0;
	v2 =	vmul.f32 v62, v3;
	v62 =	vld [tilespmem:$0x1FE80];
	_ =	sdelay $0x3  }
0x294: {  	v40 =	vld.idx.msk [tilespmem:v63+s14+$0x0], $0xffff  }
0x295: {  	v63 =	vld.idx.msk [tilespmem:v63+s16+$0x0], $0xffff  }
0x296: {  	v56 =	vld.idx.msk [tilespmem:v60+s14+$0x0], $0xffff  }
0x297: {  	v60 =	vld.idx.msk [tilespmem:v60+s16+$0x0], $0xffff  }
0x298: {  	v3 =	vld.idx.msk [tilespmem:v62+s14+$0x0], $0xffff  }
0x299: {  	v62 =	vld.idx.msk [tilespmem:v62+s16+$0x0], $0xffff  }
0x29a: {  	v0 =	vadd.f32 v2, v0;
	v2 =	vmul.f32 v63, v40;
	v63 =	vld [tilespmem:$0x1FE90];
	_ =	sdelay $0x1  }
0x29b: {  	v0 =	vadd.f32 v2, v0;
	v2 =	vmul.f32 v60, v56;
	v60 =	vld [tilespmem:$0x1FEA0];
	_ =	sdelay $0x1  }
0x29c: {  	v0 =	vadd.f32 v2, v0;
	v2 =	vmul.f32 v62, v3;
	v62 =	vld [tilespmem:$0x1FEB0];
	_ =	sdelay $0x3  }
0x29d: {  	v40 =	vld.idx.msk [tilespmem:v63+s14+$0x0], $0xffff  }
0x29e: {  	v63 =	vld.idx.msk [tilespmem:v63+s16+$0x0], $0xffff  }
0x29f: {  	v56 =	vld.idx.msk [tilespmem:v60+s14+$0x0], $0xffff  }
0x2a0: {  	v60 =	vld.idx.msk [tilespmem:v60+s16+$0x0], $0xffff  }
0x2a1: {  	v3 =	vld.idx.msk [tilespmem:v62+s14+$0x0], $0xffff  }
0x2a2: {  	v62 =	vld.idx.msk [tilespmem:v62+s16+$0x0], $0xffff  }
0x2a3: {  	v0 =	vadd.f32 v2, v0;
	v2 =	vmul.f32 v63, v40;
	v63 =	vld [tilespmem:$0x1FEC0];
	_ =	sdelay $0x1  }
0x2a4: {  	v0 =	vadd.f32 v2, v0;
	v2 =	vmul.f32 v60, v56;
	v60 =	vld [tilespmem:$0x1FED0];
	_ =	sdelay $0x1  }
0x2a5: {  	v0 =	vadd.f32 v2, v0;
	v2 =	vmul.f32 v62, v3;
	v62 =	vld [tilespmem:$0x1FEE0];
	_ =	sdelay $0x3  }
0x2a6: {  	v40 =	vld.idx.msk [tilespmem:v63+s14+$0x0], $0xffff  }
0x2a7: {  	v63 =	vld.idx.msk [tilespmem:v63+s16+$0x0], $0xffff  }
0x2a8: {  	v56 =	vld.idx.msk [tilespmem:v60+s14+$0x0], $0xffff  }
0x2a9: {  	v60 =	vld.idx.msk [tilespmem:v60+s16+$0x0], $0xffff  }
0x2aa: {  	v3 =	vld.idx.msk [tilespmem:v62+s14+$0x0], $0xffff  }
0x2ab: {  	v9 =	vld.idx.msk [tilespmem:v62+s16+$0x0], $0xffff  }
0x2ac: {  	v0 =	vadd.f32 v2, v0;
	v40 =	vmul.f32 v63, v40;
	_ =	sdelay $0x1  }
0x2ad: {  	v0 =	vadd.f32 v40, v0;
	v63 =	vmul.f32 v60, v56;
	_ =	sdelay $0x1  }
0x2ae: {  	v0 =	vadd.f32 v63, v0;
	v9 =	vmul.f32 v9, v3;
	_ =	sdelay $0x1  }
0x2af: {  	v0 =	vadd.f32 v9, v0;
	_ =	sdelay $0x1  }
0x2b0: {  	v0 =	vsub.f32 $0.0e+00, v0;
	_ =	sdelay $0x1  }
0x2b1: {  	v0 =	vmul.f32 $1.442695020e+00, v0;
	_ =	sdelay $0x1  }
0x2b2: {  	(erf) = vpow2.f32 v0;
	_ =	sdelay $0x8  }
0x2b3: {  	v0 =	vpop (erf)  }
0x2b4: {  	v0 =	vadd.f32 $1.000000000e+00, v0;
	_ =	sdelay $0x1  }
0x2b5: {  	(erf) = vrcp.f32 v0;
	_ =	sdelay $0x2  }
0x2b6: {  	v40 =	vld [tilespmem:$0x1FEF0];
	_ =	sdelay $0x1  }
0x2b7: {  	v56 =	vld [tilespmem:$0x1FF00];
	_ =	sdelay $0x1  }
0x2b8: {  	v60 =	vld [tilespmem:$0x1FF10];
	_ =	sdelay $0x1  }
0x2b9: {  	v62 =	vld [tilespmem:$0x1FF20];
	v0 =	vpop (erf)  }
0x2ba: {  	[tilespmem:$0x70A0] =	vst v0  }
0x2bb: {  	v0 =	vld.idx.msk [tilespmem:v40+s14+$0x0], $0xffff  }
0x2bc: {  	v2 =	vld.idx.msk [tilespmem:v40+s16+$0x0], $0xffff  }
0x2bd: {  	v3 =	vld.idx.msk [tilespmem:v56+s14+$0x0], $0xffff  }
0x2be: {  	v40 =	vld.idx.msk [tilespmem:v56+s16+$0x0], $0xffff  }
0x2bf: {  	v56 =	vld.idx.msk [tilespmem:v60+s14+$0x0], $0xffff  }
0x2c0: {  	v60 =	vld.idx.msk [tilespmem:v60+s16+$0x0], $0xffff  }
0x2c1: {  	v0 =	vmul.f32 v2, v0;
	v2 =	vld.idx.msk [tilespmem:v62+s14+$0x0], $0xffff  }
0x2c2: {  	v62 =	vld.idx.msk [tilespmem:v62+s16+$0x0], $0xffff  }
0x2c3: {  	v63 =	vld [tilespmem:$0x1FF30];
	v3 =	vmul.f32 v40, v3;
	v0 =	vadd.f32 $0.0e+00, v0;
	_ =	sdelay $0x1  }
0x2c4: {  	v0 =	vadd.f32 v3, v0;
	v3 =	vmul.f32 v60, v56;
	v60 =	vld [tilespmem:$0x1FF40];
	_ =	sdelay $0x1  }
0x2c5: {  	v2 =	vmul.f32 v62, v2;
	v62 =	vld [tilespmem:$0x1FF50];
	_ =	sdelay $0x3  }
0x2c6: {  	v40 =	vld.idx.msk [tilespmem:v63+s14+$0x0], $0xffff  }
0x2c7: {  	v63 =	vld.idx.msk [tilespmem:v63+s16+$0x0], $0xffff  }
0x2c8: {  	v56 =	vld.idx.msk [tilespmem:v60+s14+$0x0], $0xffff  }
0x2c9: {  	v60 =	vld.idx.msk [tilespmem:v60+s16+$0x0], $0xffff  }
0x2ca: {  	v0 =	vadd.f32 v3, v0;
	v3 =	vld.idx.msk [tilespmem:v62+s14+$0x0], $0xffff  }
0x2cb: {  	v62 =	vld.idx.msk [tilespmem:v62+s16+$0x0], $0xffff  }
0x2cc: {  	v0 =	vadd.f32 v2, v0;
	v2 =	vmul.f32 v63, v40;
	v63 =	vld [tilespmem:$0x1FF60];
	_ =	sdelay $0x1  }
0x2cd: {  	v0 =	vadd.f32 v2, v0;
	v2 =	vmul.f32 v60, v56;
	v60 =	vld [tilespmem:$0x1FF70];
	_ =	sdelay $0x1  }
0x2ce: {  	v0 =	vadd.f32 v2, v0;
	v2 =	vmul.f32 v62, v3;
	v62 =	vld [tilespmem:$0x1FF80];
	_ =	sdelay $0x3  }
0x2cf: {  	v40 =	vld.idx.msk [tilespmem:v63+s14+$0x0], $0xffff  }
0x2d0: {  	v63 =	vld.idx.msk [tilespmem:v63+s16+$0x0], $0xffff  }
0x2d1: {  	v56 =	vld.idx.msk [tilespmem:v60+s14+$0x0], $0xffff  }
0x2d2: {  	v60 =	vld.idx.msk [tilespmem:v60+s16+$0x0], $0xffff  }
0x2d3: {  	v3 =	vld.idx.msk [tilespmem:v62+s14+$0x0], $0xffff  }
0x2d4: {  	v62 =	vld.idx.msk [tilespmem:v62+s16+$0x0], $0xffff  }
0x2d5: {  	v0 =	vadd.f32 v2, v0;
	v2 =	vmul.f32 v63, v40;
	v63 =	vld [tilespmem:$0x1FF90];
	_ =	sdelay $0x1  }
0x2d6: {  	v0 =	vadd.f32 v2, v0;
	v2 =	vmul.f32 v60, v56;
	v60 =	vld [tilespmem:$0x1FFA0];
	_ =	sdelay $0x1  }
0x2d7: {  	v0 =	vadd.f32 v2, v0;
	v2 =	vmul.f32 v62, v3;
	v62 =	vld [tilespmem:$0x1FFB0];
	_ =	sdelay $0x3  }
0x2d8: {  	v40 =	vld.idx.msk [tilespmem:v63+s14+$0x0], $0xffff  }
0x2d9: {  	v63 =	vld.idx.msk [tilespmem:v63+s16+$0x0], $0xffff  }
0x2da: {  	v56 =	vld.idx.msk [tilespmem:v60+s14+$0x0], $0xffff  }
0x2db: {  	v60 =	vld.idx.msk [tilespmem:v60+s16+$0x0], $0xffff  }
0x2dc: {  	v3 =	vld.idx.msk [tilespmem:v62+s14+$0x0], $0xffff  }
0x2dd: {  	v62 =	vld.idx.msk [tilespmem:v62+s16+$0x0], $0xffff  }
0x2de: {  	v0 =	vadd.f32 v2, v0;
	v2 =	vmul.f32 v63, v40;
	v63 =	vld [tilespmem:$0x1FFC0];
	_ =	sdelay $0x1  }
0x2df: {  	v0 =	vadd.f32 v2, v0;
	v2 =	vmul.f32 v60, v56;
	v60 =	vld [tilespmem:$0x1FFD0];
	_ =	sdelay $0x1  }
0x2e0: {  	v0 =	vadd.f32 v2, v0;
	v2 =	vmul.f32 v62, v3;
	v62 =	vld [tilespmem:$0x1FFF0];
	_ =	sdelay $0x3  }
0x2e1: {  	v40 =	vld.idx.msk [tilespmem:v63+s14+$0x0], $0xffff  }
0x2e2: {  	v63 =	vld.idx.msk [tilespmem:v63+s16+$0x0], $0xffff  }
0x2e3: {  	v56 =	vld.idx.msk [tilespmem:v60+s14+$0x0], $0xffff  }
0x2e4: {  	v60 =	vld.idx.msk [tilespmem:v60+s16+$0x0], $0xffff  }
0x2e5: {  	v3 =	vld.idx.msk [tilespmem:v62+s14+$0x0], $0xffff  }
0x2e6: {  	v9 =	vld.idx.msk [tilespmem:v62+s16+$0x0], $0xffff  }
0x2e7: {  	v0 =	vadd.f32 v2, v0;
	v40 =	vmul.f32 v63, v40;
	_ =	sdelay $0x1  }
0x2e8: {  	v0 =	vadd.f32 v40, v0;
	v63 =	vmul.f32 v60, v56;
	_ =	sdelay $0x1  }
0x2e9: {  	v0 =	vadd.f32 v63, v0;
	v9 =	vmul.f32 v9, v3;
	_ =	sdelay $0x1  }
0x2ea: {  	v0 =	vadd.f32 v9, v0;
	_ =	sdelay $0x1  }
0x2eb: {  	v0 =	vsub.f32 $0.0e+00, v0;
	_ =	sdelay $0x1  }
0x2ec: {  	v0 =	vmul.f32 $1.442695020e+00, v0;
	_ =	sdelay $0x1  }
0x2ed: {  	(erf) = vpow2.f32 v0;
	_ =	sdelay $0x8  }
0x2ee: {  	v0 =	vpop (erf)  }
0x2ef: {  	v0 =	vadd.f32 $1.000000000e+00, v0;
	_ =	sdelay $0x1  }
0x2f0: {  	(erf) = vrcp.f32 v0;
	_ =	sdelay $0x2  }
0x2f1: {  	v40 =	vld [tilespmem:$0x1FB70];
	_ =	sdelay $0x1  }
0x2f2: {  	v56 =	vld [tilespmem:$0x1FB80];
	_ =	sdelay $0x1  }
0x2f3: {  	v60 =	vld [tilespmem:$0x1FB90];
	_ =	sdelay $0x1  }
0x2f4: {  	v0 =	vpop (erf)  }
0x2f5: {  	[tilespmem:$0x70B0] =	vst v0  }
0x2f6: {  	v0 =	vld.idx.msk [tilespmem:v40+s14+$0x0], $0xffff  }
0x2f7: {  	v2 =	vld.idx.msk [tilespmem:v40+s16+$0x0], $0xffff  }
0x2f8: {  	v3 =	vld.idx.msk [tilespmem:v56+s14+$0x0], $0xffff  }
0x2f9: {  	v40 =	vld.idx.msk [tilespmem:v56+s16+$0x0], $0xffff  }
0x2fa: {  	v56 =	vld.idx.msk [tilespmem:v60+s14+$0x0], $0xffff  }
0x2fb: {  	v60 =	vld.idx.msk [tilespmem:v60+s16+$0x0], $0xffff  }
0x2fc: {  	v62 =	vld [tilespmem:$0x1FBA0];
	v0 =	vmul.f32 v2, v0;
	_ =	sdelay $0x1  }
0x2fd: {  	v63 =	vld [tilespmem:$0x1FBB0];
	v3 =	vmul.f32 v40, v3;
	v0 =	vadd.f32 $0.0e+00, v0;
	_ =	sdelay $0x1  }
0x2fe: {  	v0 =	vadd.f32 v3, v0;
	v3 =	vmul.f32 v60, v56;
	v60 =	vld [tilespmem:$0x1FBC0];
	_ =	sdelay $0x3  }
0x2ff: {  	v2 =	vld.idx.msk [tilespmem:v62+s14+$0x0], $0xffff  }
0x300: {  	v62 =	vld.idx.msk [tilespmem:v62+s16+$0x0], $0xffff  }
0x301: {  	v40 =	vld.idx.msk [tilespmem:v63+s14+$0x0], $0xffff  }
0x302: {  	v63 =	vld.idx.msk [tilespmem:v63+s16+$0x0], $0xffff  }
0x303: {  	v56 =	vld.idx.msk [tilespmem:v60+s14+$0x0], $0xffff  }
0x304: {  	v60 =	vld.idx.msk [tilespmem:v60+s16+$0x0], $0xffff  }
0x305: {  	v2 =	vmul.f32 v62, v2;
	v62 =	vld [tilespmem:$0x1FBD0];
	v0 =	vadd.f32 v3, v0;
	_ =	sdelay $0x1  }
0x306: {  	v0 =	vadd.f32 v2, v0;
	v2 =	vmul.f32 v63, v40;
	v63 =	vld [tilespmem:$0x1FBE0];
	_ =	sdelay $0x1  }
0x307: {  	v0 =	vadd.f32 v2, v0;
	v2 =	vmul.f32 v60, v56;
	v60 =	vld [tilespmem:$0x1FBF0];
	_ =	sdelay $0x3  }
0x308: {  	v3 =	vld.idx.msk [tilespmem:v62+s14+$0x0], $0xffff  }
0x309: {  	v62 =	vld.idx.msk [tilespmem:v62+s16+$0x0], $0xffff  }
0x30a: {  	v40 =	vld.idx.msk [tilespmem:v63+s14+$0x0], $0xffff  }
0x30b: {  	v63 =	vld.idx.msk [tilespmem:v63+s16+$0x0], $0xffff  }
0x30c: {  	v56 =	vld.idx.msk [tilespmem:v60+s14+$0x0], $0xffff  }
0x30d: {  	v9 =	vld.idx.msk [tilespmem:v60+s16+$0x0], $0xffff  }
0x30e: {  	v62 =	vmul.f32 v62, v3;
	v3 =	vld.idx.msk [tilespmem:v10+s14+$0x0], $0xffff;
	v0 =	vadd.f32 v2, v0  }
0x30f: {  	v10 =	vld.idx.msk [tilespmem:v10+s16+$0x0], $0xffff  }
0x310: {  	v0 =	vadd.f32 v62, v0;
	v60 =	vmul.f32 v63, v40;
	v40 =	vld.idx.msk [tilespmem:v11+s14+$0x0], $0xffff  }
0x311: {  	v11 =	vld.idx.msk [tilespmem:v11+s16+$0x0], $0xffff  }
0x312: {  	v63 =	vld.idx.msk [tilespmem:v12+s14+$0x0], $0xffff;
	v0 =	vadd.f32 v60, v0;
	v62 =	vmul.f32 v9, v56  }
0x313: {  	v12 =	vld.idx.msk [tilespmem:v12+s16+$0x0], $0xffff  }
0x314: {  	v60 =	vld.idx.msk [tilespmem:v13+s16+$0x0], $0xffff;
	v56 =	vmul.f32 v10, v3;
	v0 =	vadd.f32 v62, v0  }
0x315: {  	v3 =	vld.idx.msk [tilespmem:v13+s14+$0x0], $0xffff  }
0x316: {  	v13 =	vld.idx.msk [tilespmem:v14+s16+$0x0], $0xffff;
	v62 =	vmul.f32 v11, v40;
	v0 =	vadd.f32 v56, v0  }
0x317: {  	v11 =	vld.idx.msk [tilespmem:v14+s14+$0x0], $0xffff  }
0x318: {  	v63 =	vmul.f32 v12, v63;
	v40 =	vld.idx.msk [tilespmem:v15+s14+$0x0], $0xffff;
	v0 =	vadd.f32 v62, v0  }
0x319: {  	v56 =	vld.idx.msk [tilespmem:v15+s16+$0x0], $0xffff  }
0x31a: {  	v60 =	vmul.f32 v60, v3;
	v62 =	vld.idx.msk [tilespmem:v16+s14+$0x0], $0xffff;
	v0 =	vadd.f32 v63, v0  }
0x31b: {  	v63 =	vld.idx.msk [tilespmem:v16+s16+$0x0], $0xffff  }
0x31c: {  	v11 =	vmul.f32 v13, v11;
	v0 =	vadd.f32 v60, v0;
	_ =	sdelay $0x1  }
0x31d: {  	v13 =	vmul.f32 v56, v40;
	v0 =	vadd.f32 v11, v0;
	_ =	sdelay $0x1  }
0x31e: {  	v14 =	vmul.f32 v63, v62;
	v0 =	vadd.f32 v13, v0;
	_ =	sdelay $0x1  }
0x31f: {  	v0 =	vadd.f32 v14, v0;
	_ =	sdelay $0x1  }
0x320: {  	v0 =	vsub.f32 $0.0e+00, v0;
	_ =	sdelay $0x1  }
0x321: {  	v0 =	vmul.f32 $1.442695020e+00, v0;
	_ =	sdelay $0x1  }
0x322: {  	(erf) = vpow2.f32 v0;
	_ =	sdelay $0x8  }
0x323: {  	v0 =	vpop (erf)  }
0x324: {  	v0 =	vadd.f32 $1.000000000e+00, v0;
	_ =	sdelay $0x1  }
0x325: {  	(erf) = vrcp.f32 v0;
	_ =	sdelay $0x8  }
0x326: {  	v0 =	vpop (erf)  }
0x327: {  	[tilespmem:$0x70C0] =	vst v0  }
0x328: {  	v0 =	vld.idx.msk [tilespmem:v22+s14+$0x0], $0xffff  }
0x329: {  	v15 =	vld.idx.msk [tilespmem:v22+s16+$0x0], $0xffff  }
0x32a: {  	v16 =	vld.idx.msk [tilespmem:v19+s14+$0x0], $0xffff  }
0x32b: {  	v19 =	vld.idx.msk [tilespmem:v19+s16+$0x0], $0xffff  }
0x32c: {  	v22 =	vld.idx.msk [tilespmem:v23+s14+$0x0], $0xffff  }
0x32d: {  	v23 =	vld.idx.msk [tilespmem:v23+s16+$0x0], $0xffff  }
0x32e: {  	v40 =	vld.idx.msk [tilespmem:v8+s14+$0x0], $0xffff;
	v0 =	vmul.f32 v15, v0  }
0x32f: {  	v8 =	vld.idx.msk [tilespmem:v8+s16+$0x0], $0xffff  }
0x330: {  	v56 =	vld.idx.msk [tilespmem:v20+s14+$0x0], $0xffff;
	v3 =	vmul.f32 v19, v16;
	v0 =	vadd.f32 $0.0e+00, v0  }
0x331: {  	v60 =	vld.idx.msk [tilespmem:v20+s16+$0x0], $0xffff  }
0x332: {  	v63 =	vld.idx.msk [tilespmem:v17+s14+$0x0], $0xffff;
	v62 =	vmul.f32 v23, v22;
	v0 =	vadd.f32 v3, v0  }
0x333: {  	v16 =	vld.idx.msk [tilespmem:v17+s16+$0x0], $0xffff  }
0x334: {  	v2 =	vmul.f32 v8, v40;
	v17 =	vld.idx.msk [tilespmem:v18+s14+$0x0], $0xffff;
	v0 =	vadd.f32 v62, v0  }
0x335: {  	v19 =	vld.idx.msk [tilespmem:v18+s16+$0x0], $0xffff  }
0x336: {  	v20 =	vmul.f32 v60, v56;
	v22 =	vld.idx.msk [tilespmem:v21+s14+$0x0], $0xffff;
	v0 =	vadd.f32 v2, v0  }
0x337: {  	v23 =	vld.idx.msk [tilespmem:v21+s16+$0x0], $0xffff  }
0x338: {  	v56 =	vld.idx.msk [tilespmem:v25+s14+$0x0], $0xffff;
	v40 =	vmul.f32 v16, v63;
	v0 =	vadd.f32 v20, v0  }
0x339: {  	v60 =	vld.idx.msk [tilespmem:v25+s16+$0x0], $0xffff  }
0x33a: {  	v63 =	vld.idx.msk [tilespmem:v26+s14+$0x0], $0xffff;
	v62 =	vmul.f32 v19, v17;
	v0 =	vadd.f32 v40, v0  }
0x33b: {  	v16 =	vld.idx.msk [tilespmem:v26+s16+$0x0], $0xffff  }
0x33c: {  	v18 =	vld.idx.msk [tilespmem:v27+s14+$0x0], $0xffff;
	v17 =	vmul.f32 v23, v22;
	v0 =	vadd.f32 v62, v0  }
0x33d: {  	v19 =	vld.idx.msk [tilespmem:v27+s16+$0x0], $0xffff  }
0x33e: {  	v21 =	vld.idx.msk [tilespmem:v28+s14+$0x0], $0xffff;
	v20 =	vmul.f32 v60, v56;
	v0 =	vadd.f32 v17, v0  }
0x33f: {  	v22 =	vld.idx.msk [tilespmem:v28+s16+$0x0], $0xffff  }
0x340: {  	v25 =	vld.idx.msk [tilespmem:v29+s14+$0x0], $0xffff;
	v23 =	vmul.f32 v16, v63;
	v0 =	vadd.f32 v20, v0  }
0x341: {  	v26 =	vld.idx.msk [tilespmem:v29+s16+$0x0], $0xffff  }
0x342: {  	v29 =	vld.idx.msk [tilespmem:v30+s16+$0x0], $0xffff;
	v27 =	vmul.f32 v19, v18;
	v0 =	vadd.f32 v23, v0  }
0x343: {  	v28 =	vld.idx.msk [tilespmem:v30+s14+$0x0], $0xffff  }
0x344: {  	v56 =	vld.idx.msk [tilespmem:v31+s16+$0x0], $0xffff;
	v30 =	vmul.f32 v22, v21;
	v0 =	vadd.f32 v27, v0  }
0x345: {  	v40 =	vld.idx.msk [tilespmem:v31+s14+$0x0], $0xffff  }
0x346: {  	v60 =	vmul.f32 v26, v25;
	v63 =	vld.idx.msk [tilespmem:v32+s16+$0x0], $0xffff;
	v0 =	vadd.f32 v30, v0  }
0x347: {  	v62 =	vld.idx.msk [tilespmem:v32+s14+$0x0], $0xffff  }
0x348: {  	v13 =	vmul.f32 v29, v28;
	v0 =	vadd.f32 v60, v0;
	_ =	sdelay $0x1  }
0x349: {  	v14 =	vmul.f32 v56, v40;
	v0 =	vadd.f32 v13, v0;
	_ =	sdelay $0x1  }
0x34a: {  	v15 =	vmul.f32 v63, v62;
	v0 =	vadd.f32 v14, v0;
	_ =	sdelay $0x1  }
0x34b: {  	v0 =	vadd.f32 v15, v0;
	_ =	sdelay $0x1  }
0x34c: {  	v0 =	vsub.f32 $0.0e+00, v0;
	_ =	sdelay $0x1  }
0x34d: {  	v0 =	vmul.f32 $1.442695020e+00, v0;
	_ =	sdelay $0x1  }
0x34e: {  	(erf) = vpow2.f32 v0;
	_ =	sdelay $0x8  }
0x34f: {  	v0 =	vpop (erf)  }
0x350: {  	v0 =	vadd.f32 $1.000000000e+00, v0;
	_ =	sdelay $0x1  }
0x351: {  	(erf) = vrcp.f32 v0;
	_ =	sdelay $0x8  }
0x352: {  	v0 =	vpop (erf)  }
0x353: {  	[tilespmem:$0x70D0] =	vst v0  }
0x354: {  	v0 =	vld.idx.msk [tilespmem:v38+s14+$0x0], $0xffff  }
0x355: {  	v16 =	vld.idx.msk [tilespmem:v38+s16+$0x0], $0xffff  }
0x356: {  	v17 =	vld.idx.msk [tilespmem:v35+s14+$0x0], $0xffff  }
0x357: {  	v18 =	vld.idx.msk [tilespmem:v35+s16+$0x0], $0xffff  }
0x358: {  	v19 =	vld.idx.msk [tilespmem:v39+s14+$0x0], $0xffff  }
0x359: {  	v20 =	vld.idx.msk [tilespmem:v39+s16+$0x0], $0xffff  }
0x35a: {  	v21 =	vld.idx.msk [tilespmem:v7+s14+$0x0], $0xffff;
	v0 =	vmul.f32 v16, v0  }
0x35b: {  	v7 =	vld.idx.msk [tilespmem:v7+s16+$0x0], $0xffff  }
0x35c: {  	v22 =	vld.idx.msk [tilespmem:v36+s14+$0x0], $0xffff;
	v3 =	vmul.f32 v18, v17;
	v0 =	vadd.f32 $0.0e+00, v0  }
0x35d: {  	v23 =	vld.idx.msk [tilespmem:v36+s16+$0x0], $0xffff  }
0x35e: {  	v26 =	vld.idx.msk [tilespmem:v33+s14+$0x0], $0xffff;
	v25 =	vmul.f32 v20, v19;
	v0 =	vadd.f32 v3, v0  }
0x35f: {  	v27 =	vld.idx.msk [tilespmem:v33+s16+$0x0], $0xffff  }
0x360: {  	v28 =	vld.idx.msk [tilespmem:v34+s14+$0x0], $0xffff;
	v2 =	vmul.f32 v7, v21;
	v0 =	vadd.f32 v25, v0  }
0x361: {  	v29 =	vld.idx.msk [tilespmem:v34+s16+$0x0], $0xffff  }
0x362: {  	v31 =	vld.idx.msk [tilespmem:v37+s14+$0x0], $0xffff;
	v30 =	vmul.f32 v23, v22;
	v0 =	vadd.f32 v2, v0  }
0x363: {  	v32 =	vld.idx.msk [tilespmem:v37+s16+$0x0], $0xffff  }
0x364: {  	v34 =	vld.idx.msk [tilespmem:v41+s14+$0x0], $0xffff;
	v33 =	vmul.f32 v27, v26;
	v0 =	vadd.f32 v30, v0  }
0x365: {  	v35 =	vld.idx.msk [tilespmem:v41+s16+$0x0], $0xffff  }
0x366: {  	v37 =	vld.idx.msk [tilespmem:v42+s14+$0x0], $0xffff;
	v36 =	vmul.f32 v29, v28;
	v0 =	vadd.f32 v33, v0  }
0x367: {  	v38 =	vld.idx.msk [tilespmem:v42+s16+$0x0], $0xffff  }
0x368: {  	v40 =	vld.idx.msk [tilespmem:v43+s14+$0x0], $0xffff;
	v39 =	vmul.f32 v32, v31;
	v0 =	vadd.f32 v36, v0  }
0x369: {  	v41 =	vld.idx.msk [tilespmem:v43+s16+$0x0], $0xffff  }
0x36a: {  	v43 =	vld.idx.msk [tilespmem:v44+s14+$0x0], $0xffff;
	v42 =	vmul.f32 v35, v34;
	v0 =	vadd.f32 v39, v0  }
0x36b: {  	v56 =	vld.idx.msk [tilespmem:v44+s16+$0x0], $0xffff  }
0x36c: {  	v62 =	vld.idx.msk [tilespmem:v45+s14+$0x0], $0xffff;
	v60 =	vmul.f32 v38, v37;
	v0 =	vadd.f32 v42, v0  }
0x36d: {  	v63 =	vld.idx.msk [tilespmem:v45+s16+$0x0], $0xffff  }
0x36e: {  	v13 =	vld.idx.msk [tilespmem:v46+s14+$0x0], $0xffff;
	v12 =	vmul.f32 v41, v40;
	v0 =	vadd.f32 v60, v0  }
0x36f: {  	v14 =	vld.idx.msk [tilespmem:v46+s16+$0x0], $0xffff  }
0x370: {  	v15 =	vmul.f32 v56, v43;
	v16 =	vld.idx.msk [tilespmem:v47+s14+$0x0], $0xffff;
	v0 =	vadd.f32 v12, v0  }
0x371: {  	v17 =	vld.idx.msk [tilespmem:v47+s16+$0x0], $0xffff  }
0x372: {  	v18 =	vmul.f32 v63, v62;
	v19 =	vld.idx.msk [tilespmem:v48+s14+$0x0], $0xffff;
	v0 =	vadd.f32 v15, v0  }
0x373: {  	v20 =	vld.idx.msk [tilespmem:v48+s16+$0x0], $0xffff  }
0x374: {  	v21 =	vmul.f32 v14, v13;
	v0 =	vadd.f32 v18, v0;
	_ =	sdelay $0x1  }
0x375: {  	v22 =	vmul.f32 v17, v16;
	v0 =	vadd.f32 v21, v0;
	_ =	sdelay $0x1  }
0x376: {  	v23 =	vmul.f32 v20, v19;
	v0 =	vadd.f32 v22, v0;
	_ =	sdelay $0x1  }
0x377: {  	v0 =	vadd.f32 v23, v0;
	_ =	sdelay $0x1  }
0x378: {  	v0 =	vsub.f32 $0.0e+00, v0;
	_ =	sdelay $0x1  }
0x379: {  	v0 =	vmul.f32 $1.442695020e+00, v0;
	_ =	sdelay $0x1  }
0x37a: {  	(erf) = vpow2.f32 v0;
	_ =	sdelay $0x8  }
0x37b: {  	v0 =	vpop (erf)  }
0x37c: {  	v0 =	vadd.f32 $1.000000000e+00, v0;
	_ =	sdelay $0x1  }
0x37d: {  	(erf) = vrcp.f32 v0;
	_ =	sdelay $0x8  }
0x37e: {  	v0 =	vpop (erf)  }
0x37f: {  	[tilespmem:$0x70E0] =	vst v0  }
0x380: {  	v0 =	vld.idx.msk [tilespmem:v54+s14+$0x0], $0xffff  }
0x381: {  	v25 =	vld.idx.msk [tilespmem:v54+s16+$0x0], $0xffff  }
0x382: {  	v26 =	vld.idx.msk [tilespmem:v51+s14+$0x0], $0xffff  }
0x383: {  	v27 =	vld.idx.msk [tilespmem:v51+s16+$0x0], $0xffff  }
0x384: {  	v28 =	vld.idx.msk [tilespmem:v55+s14+$0x0], $0xffff  }
0x385: {  	v29 =	vld.idx.msk [tilespmem:v55+s16+$0x0], $0xffff  }
0x386: {  	v30 =	vld.idx.msk [tilespmem:v6+s14+$0x0], $0xffff;
	v0 =	vmul.f32 v25, v0  }
0x387: {  	v6 =	vld.idx.msk [tilespmem:v6+s16+$0x0], $0xffff  }
0x388: {  	v31 =	vld.idx.msk [tilespmem:v52+s14+$0x0], $0xffff;
	v3 =	vmul.f32 v27, v26;
	v0 =	vadd.f32 $0.0e+00, v0  }
0x389: {  	v32 =	vld.idx.msk [tilespmem:v52+s16+$0x0], $0xffff  }
0x38a: {  	v34 =	vld.idx.msk [tilespmem:v49+s14+$0x0], $0xffff;
	v33 =	vmul.f32 v29, v28;
	v0 =	vadd.f32 v3, v0  }
0x38b: {  	v35 =	vld.idx.msk [tilespmem:v49+s16+$0x0], $0xffff  }
0x38c: {  	v36 =	vld.idx.msk [tilespmem:v50+s14+$0x0], $0xffff;
	v2 =	vmul.f32 v6, v30;
	v0 =	vadd.f32 v33, v0  }
0x38d: {  	v37 =	vld.idx.msk [tilespmem:v50+s16+$0x0], $0xffff  }
0x38e: {  	v39 =	vld.idx.msk [tilespmem:v53+s14+$0x0], $0xffff;
	v38 =	vmul.f32 v32, v31;
	v0 =	vadd.f32 v2, v0  }
0x38f: {  	v40 =	vld.idx.msk [tilespmem:v53+s16+$0x0], $0xffff  }
0x390: {  	v42 =	vld.idx.msk [tilespmem:v57+s14+$0x0], $0xffff;
	v41 =	vmul.f32 v35, v34;
	v0 =	vadd.f32 v38, v0  }
0x391: {  	v43 =	vld.idx.msk [tilespmem:v57+s16+$0x0], $0xffff  }
0x392: {  	v45 =	vld.idx.msk [tilespmem:v58+s14+$0x0], $0xffff;
	v44 =	vmul.f32 v37, v36;
	v0 =	vadd.f32 v41, v0  }
0x393: {  	v46 =	vld.idx.msk [tilespmem:v58+s16+$0x0], $0xffff  }
0x394: {  	v48 =	vld.idx.msk [tilespmem:v59+s14+$0x0], $0xffff;
	v47 =	vmul.f32 v40, v39;
	v0 =	vadd.f32 v44, v0  }
0x395: {  	v49 =	vld.idx.msk [tilespmem:v59+s16+$0x0], $0xffff  }
0x396: {  	v51 =	vld.idx.msk [tilespmem:v5+s14+$0x0], $0xffff;
	v50 =	vmul.f32 v43, v42;
	v0 =	vadd.f32 v47, v0  }
0x397: {  	v5 =	vld.idx.msk [tilespmem:v5+s16+$0x0], $0xffff  }
0x398: {  	v53 =	vld.idx.msk [tilespmem:v61+s14+$0x0], $0xffff;
	v52 =	vmul.f32 v46, v45;
	v0 =	vadd.f32 v50, v0  }
0x399: {  	v54 =	vld.idx.msk [tilespmem:v61+s16+$0x0], $0xffff  }
0x39a: {  	v56 =	vld.idx.msk [tilespmem:v24+s14+$0x0], $0xffff;
	v55 =	vmul.f32 v49, v48;
	v0 =	vadd.f32 v52, v0  }
0x39b: {  	v57 =	vld.idx.msk [tilespmem:v24+s16+$0x0], $0xffff  }
0x39c: {  	v59 =	vld.idx.msk [tilespmem:v4+s14+$0x0], $0xffff;
	v58 =	vmul.f32 v5, v51;
	v0 =	vadd.f32 v55, v0  }
0x39d: {  	v4 =	vld.idx.msk [tilespmem:v4+s16+$0x0], $0xffff  }
0x39e: {  	v61 =	vld.idx.msk [tilespmem:v1+s14+$0x0], $0xffff;
	v60 =	vmul.f32 v54, v53;
	v0 =	vadd.f32 v58, v0  }
0x39f: {  	v1 =	vld.idx.msk [tilespmem:v1+s16+$0x0], $0xffff  }
0x3a0: {  	v62 =	vmul.f32 v57, v56;
	v0 =	vadd.f32 v60, v0;
	_ =	sdelay $0x1  }
0x3a1: {  	v63 =	vmul.f32 v4, v59;
	v0 =	vadd.f32 v62, v0;
	_ =	sdelay $0x1  }
0x3a2: {  	v1 =	vmul.f32 v1, v61;
	v0 =	vadd.f32 v63, v0;
	_ =	sdelay $0x1  }
0x3a3: {  	v0 =	vadd.f32 v1, v0;
	_ =	sdelay $0x1  }
0x3a4: {  	v0 =	vsub.f32 $0.0e+00, v0;
	_ =	sdelay $0x1  }
0x3a5: {  	v0 =	vmul.f32 $1.442695020e+00, v0;
	_ =	sdelay $0x1  }
0x3a6: {  	(erf) = vpow2.f32 v0;
	_ =	sdelay $0x8  }
0x3a7: {  	v0 =	vpop (erf)  }
0x3a8: {  	v0 =	vadd.f32 $1.000000000e+00, v0;
	_ =	sdelay $0x1  }
0x3a9: {  	(erf) = vrcp.f32 v0;
	_ =	sdelay $0x6  }
.Ltmp2:
0x3aa: {  	_ = 	snop;
	(pc) =	sbr.rel @p1 .LBB2_4-.Ltmp2, $4  }
0x3ab: {  	_ = 	snop  }
0x3ac: {  	v0 =	vpop (erf)  }
0x3ad: {  	[tilespmem:$0x70F0] =	vst v0  }
0x3ae: {  	[hbm4b:s29+s3] =	stream.linear.scatter [tilespmem:s22], [sflag:$0x6], $0x80, $0x38;
	[tilespmem:$0x7100] =	vst v63  }
.Ltmp3:
0x3af: {  	s0 =	sshra.s32 s28, $0x2;
	(pc) =	sbr.rel .LBB2_2-.Ltmp3, $4  }
0x3b0: {  	s29 =	sadd.s32 $0x20, s29;
	s2 =	sadd.s32 $0x180, s0  }
0x3b1: {  	[tilespmem:s14], [sflag:$0x3] =	stream.indirect.gather [hbm4b:s1+s11], $0x10, s2, s11, $0xb8;
	[tilespmem:$0x7100] =	vst v63  }
0x3b2: {  	s28 =	sadd.s32 $0x400, s28;
	s26 =	sadd.s32 $0x20, s26;
	s0 =	sadd.s32 $0x2980, s0  }
0x3b3: {  	[tilespmem:s16], [sflag:$0x4] =	stream.indirect.gather [hbm4b:s1+s11], $0x10, s0, s11, $0xb8;
	[tilespmem:$0x7100] =	vst v63  }
.LBB2_5:
0x3b4: {  	_ =	sfence.sel $0x180000  }
0x3b5: {  	[bflag:$0x0] =	sbarrier.arrive $0xFFFF  }
0x3b6: {  	_ =	strace $0x90000050  }
0x3b7: {  	s0 =	stileid.u32;
	[bflag:$0x2] =	sbarrier.arrive $0xFFFF  }
0x3b8: {  	p0 =	sne.s32 s0, $0x0;
	s0 =	rddreg [dreg:$0x2]  }
0x3b9: {  	s0 =	sadd.s32 @!p0 $0x100000, s0  }
0x3ba: {  	[sflag:s0] =	ssyncadd.tile.s32 @!p0 $0x1;
	_ =	shalt  }
.Lfunc_end2:
_tile_overlayer_lowered:
.L_overlay_start_2:
0x3bb: {  	(tag) =	ssettag $0x2  }
0x3bc: {  	s0 =	rddreg [dreg:$0x0];
	s2 =	stileid.u32  }
0x3bd: {  	s1 =	rddreg [dreg:$0x1];
	p0 =	sne.s32 s2, $0x0  }
0x3be: {  	s3 =	rddreg [dreg:$0x2];
	[bflag:$0x3] =	sbarrier.arrive $0xFFFF;
	s2 =	simm.s32 @!p0 $0x1C07  }
0x3bf: {  	[timem:s3], [sflag:s2] =	dma.local @!p0 [hbm:s0], s1  }
0x3c0: {  	s0 =	simm.s32 @!p0 $0x7  }
0x3c1: {  	_ =	swait.ge @!p0 [sflag:s0], s1  }
0x3c2: {  	s1 =	ssub.s32 @!p0 $0x0, s1;
	[sflag:s0] =	ssyncset.done @!p0 $0x0  }
0x3c3: {  	[sflag:s0] =	ssyncadd.s32 @!p0 s1  }
0x3c4: {  	[bflag:$0x3] =	sbarrier.arrive $0xFFFF  }
0x3c5: {  	_ =	shalt  }

// kernel: kernel.9.cloned.1.call-start
scs
__scs_entry_jumppad:
0x0: {  	(pc) =	sbr.rel $0x88, $3  }
0x1: {  	(tag) =	ssettag $0x0;
	lr =	simm.s32 $0x1  }
0x2: {  	[smem:$0x3F9B] =	sst lr;
	_ =	strace $0xD0000000  }
0x3: {  	_ = 	snop  }
0x4: {  	_ = 	snop  }
0x5: {  	_ = 	snop  }
0x6: {  	_ = 	snop  }
0x7: {  	_ = 	snop  }
__scs_overlays_trampoline_lowered:
0x8: {  	[smem:$0x3FAA] =	sst s0  }
0x9: {  	[smem:$0x3FAB] =	sst s1  }
0xa: {  	[smem:$0x3FAC] =	sst s2  }
0xb: {  	[smem:$0x3FAD] =	sst s3  }
0xc: {  	[smem:$0x3FAE] =	sst s4  }
0xd: {  	[smem:$0x3FAF] =	sst s5  }
0xe: {  	[smem:$0x3FB0] =	sst s6  }
0xf: {  	[smem:$0x3FB1] =	sst s7  }
0x10: {  	[smem:$0x3FB2] =	sst s8  }
0x11: {  	[smem:$0x3FB3] =	sst s9;
	s0 =	simm.s32 @!p0 $0x0  }
0x12: {  	s1 =	sld [smem:$0x3F99];
	s0 =	simm.s32 @p0 $0x1  }
0x13: {  	[smem:$0x3FB4] =	sst s0;
	s0 =	simm.s32 @!p1 $0x0  }
0x14: {  	s2 =	sld [smem:$0x3F98];
	s0 =	simm.s32 @p1 $0x1  }
0x15: {  	[smem:$0x3FB5] =	sst s0;
	s0 =	simm.s32 @!p2 $0x0  }
0x16: {  	s3 =	sld [smem:$0x3FDB];
	s0 =	simm.s32 @p2 $0x1  }
0x17: {  	s4 =	simm.s32 $0x1BF5;
	[smem:$0x3FB7] =	sst s0  }
0x18: {  	s0 =	sld [smem:$0x3F9A];
	_ =	swait.ge [sflag:s4], $0x0  }
0x19: {  	s7 =	sld [smem:$0x3F9B]  }
0x1a: {  	s8 =	sadd.s32 $0xFFFFE003, lr  }
0x1b: {  	s9 =	sadd.s32 $0xFFFFFEF7, lr;
	s5 =	simm.s32 $0xFFFFFFFF;
	p2 =	slt.u32 s8, $0xFFFFF086  }
0x1c: {  	p1 =	slt.u32 s9, $0xF7A;
	s5 =	simm.s32 @!p2 $0x0  }
0x1d: {  	s5 =	simm.s32 @p1 $0x1;
	p0 =	seq.s32 s7, s2  }
0x1e: {  	s7 =	smul.u32 @!p0 $0xF7A, s2;
	p2 =	seq.s32 @!p0 s5, $0x0  }
0x1f: {  	s9 =	smul.u32 $0xF7A, s1;
	s8 =	simm.s32 @!p0 $0x1BF5;
	p2 =	por !p2, p0  }
0x20: {  	[sflag:s8] =	ssyncset.s32 @!p0 $0xFFFFF086;
	s6 =	sadd.s32 @!p0 s3, s7;
	s7 =	simm.s32 @!p0 $0x108  }
0x21: {  	s3 =	sadd.s32 s3, s9;
	s6 =	sadd.s32 @!p0 $0x88, s6;
	s7 =	simm.s32 @p2 $0x1082  }
0x22: {  	[simem:s7], [sflag:s8] =	dma.local @!p0 [hbm:s6], $0xF7A  }
0x23: {  	s9 =	sor.u32 $0xD0000000, s2;
	s6 =	simm.s32 $0x108;
	_ =	swait.ge @!p0 [sflag:s8], $0x0  }
0x24: {  	s3 =	sadd.s32 $0x88, s3;
	s6 =	simm.s32 @!p1 $0x1082;
	[sflag:s4] =	ssyncset.s32 $0xFFFFF086  }
0x25: {  	[simem:s6], [sflag:s4] =	dma.local [hbm:s3], $0xF7A  }
0x26: {  	[smem:$0x3F9B] =	sst s1;
	(tag) =	ssettag s2;
	_ =	strace s9  }
0x27: {  	s1 =	sld [smem:$0x3FAB]  }
0x28: {  	s2 =	sld [smem:$0x3FAC]  }
0x29: {  	s4 =	sld [smem:$0x3FAE]  }
0x2a: {  	p0 =	seq.s32 s5, $0x0;
	s5 =	sld [smem:$0x3FAF]  }
0x2b: {  	s6 =	sld [smem:$0x3FB0]  }
0x2c: {  	s7 =	sld [smem:$0x3FB1]  }
0x2d: {  	s3 =	simm.s32 $0x108;
	s8 =	sld [smem:$0x3FB2]  }
0x2e: {  	s3 =	simm.s32 @!p0 $0x1082;
	s9 =	sld [smem:$0x3FB3]  }
0x2f: {  	lr =	sadd.s32 s0, s3;
	s0 =	sld [smem:$0x3FAA]  }
0x30: {  	s3 =	sld [smem:$0x3FAD]  }
0x31: {  	[smem:$0x3FB6] =	sst s10  }
0x32: {  	s10 =	sld [smem:$0x3FB4];
	_ =	sdelay $0x3  }
0x33: {  	p0 =	seq.s32 s10, $0x1;
	s10 =	sld [smem:$0x3FB6];
	_ =	sdelay $0x3  }
0x34: {  	[smem:$0x3FB6] =	sst s10  }
0x35: {  	s10 =	sld [smem:$0x3FB5];
	_ =	sdelay $0x3  }
0x36: {  	p1 =	seq.s32 s10, $0x1;
	s10 =	sld [smem:$0x3FB6];
	_ =	sdelay $0x3  }
0x37: {  	[smem:$0x3FB6] =	sst s10  }
0x38: {  	s10 =	sld [smem:$0x3FB7]  }
0x39: {  	_ = 	snop;
	(pc) =	sbr.ind lr, $3  }
0x3a: {  	_ = 	snop  }
0x3b: {  	_ = 	snop  }
0x3c: {  	p2 =	seq.s32 s10, $0x1;
	s10 =	sld [smem:$0x3FB6]  }
0x3d: {  	_ =	shalt  }
0x3e: {  	_ =	shalt  }
0x3f: {  	_ =	shalt  }
0x40: {  	_ =	shalt  }
0x41: {  	_ =	shalt  }
0x42: {  	_ =	shalt  }
0x43: {  	_ =	shalt  }
0x44: {  	_ =	shalt  }
0x45: {  	_ =	shalt  }
0x46: {  	_ =	shalt  }
0x47: {  	_ =	shalt  }
0x48: {  	_ =	shalt  }
0x49: {  	_ =	shalt  }
0x4a: {  	_ =	shalt  }
0x4b: {  	_ =	shalt  }
0x4c: {  	_ =	shalt  }
0x4d: {  	_ =	shalt  }
0x4e: {  	_ =	shalt  }
0x4f: {  	_ =	shalt  }
0x50: {  	_ =	shalt  }
0x51: {  	_ =	shalt  }
0x52: {  	_ =	shalt  }
0x53: {  	_ =	shalt  }
0x54: {  	_ =	shalt  }
0x55: {  	_ =	shalt  }
0x56: {  	_ =	shalt  }
0x57: {  	_ =	shalt  }
0x58: {  	_ =	shalt  }
0x59: {  	_ =	shalt  }
0x5a: {  	_ =	shalt  }
0x5b: {  	_ =	shalt  }
0x5c: {  	_ =	shalt  }
0x5d: {  	_ =	shalt  }
0x5e: {  	_ =	shalt  }
0x5f: {  	_ =	shalt  }
0x60: {  	_ =	shalt  }
0x61: {  	_ =	shalt  }
0x62: {  	_ =	shalt  }
0x63: {  	_ =	shalt  }
0x64: {  	_ =	shalt  }
0x65: {  	_ =	shalt  }
0x66: {  	_ =	shalt  }
0x67: {  	_ =	shalt  }
0x68: {  	_ =	shalt  }
0x69: {  	_ =	shalt  }
0x6a: {  	_ =	shalt  }
0x6b: {  	_ =	shalt  }
0x6c: {  	_ =	shalt  }
0x6d: {  	_ =	shalt  }
0x6e: {  	_ =	shalt  }
0x6f: {  	_ =	shalt  }
0x70: {  	_ =	shalt  }
0x71: {  	_ =	shalt  }
0x72: {  	_ =	shalt  }
0x73: {  	_ =	shalt  }
0x74: {  	_ =	shalt  }
0x75: {  	_ =	shalt  }
0x76: {  	_ =	shalt  }
0x77: {  	_ =	shalt  }
0x78: {  	_ =	shalt  }
0x79: {  	_ =	shalt  }
0x7a: {  	_ =	shalt  }
0x7b: {  	_ =	shalt  }
0x7c: {  	_ =	shalt  }
0x7d: {  	_ =	shalt  }
0x7e: {  	_ =	shalt  }
0x7f: {  	_ =	shalt  }
0x80: {  	_ =	shalt  }
0x81: {  	_ =	shalt  }
0x82: {  	_ =	shalt  }
0x83: {  	_ =	shalt  }
0x84: {  	_ =	shalt  }
0x85: {  	_ =	shalt  }
0x86: {  	_ =	shalt  }
0x87: {  	_ =	shalt  }
.Lfunc_end0:
.L_simem_size_0:
called_computation_lowered:
.L_overlay_start_0:
0x88: {  	s2 =	sld [smem:$0x3FD9]  }
0x89: {  	s3 =	sld [smem:$0x3FFE];
	_ =	sdelay $0x1  }
0x8a: {  	s1 =	srdreg.scid  }
0x8b: {  	s0 =	sand.u32 $0x1, s1  }
0x8c: {  	s17 =	sshll.u32 s0, $0xA;
	s2 =	sadd.s32 s3, s2  }
0x8d: {  	s2 =	sadd.s32 s2, s17  }
0x8e: {  	[smem:$0x3FC2] =	sst s2  }
0x8f: {  	_ = 	snop  }
0x90: {  	s2 =	sld [smem:$0x3FD0];
	(tm) =	ssettm $0x1  }
0x91: {  	s18 =	sld [smem:$0x3FFB];
	_ =	sdelay $0x3  }
0x92: {  	_ =	strace s18  }
0x93: {  	s3 =	sld [smem:$0x3FFC];
	_ =	sdelay $0x3  }
0x94: {  	_ =	strace s3  }
0x95: {  	s3 =	sld [smem:$0x3FFD];
	_ =	sdelay $0x3  }
0x96: {  	_ =	strace s3  }
0x97: {  	_ =	strace $0x8FFFFFFF  }
0x98: {  	s19 =	sld [smem:$0x3FDB];
	_ =	sdelay $0x1  }
0x99: {  	s4 =	simm.s32 $_scs_section_size  }
0x9a: {  	s5 =	simm.s32 $_size__tile_overlayer_lowered;
	s6 =	simm.s32 $_tile_overlayer_lowered  }
0x9b: {  	s22 =	simm.s32 $0x1BFF;
	s21 =	sshll.u32 s6, $0x1;
	s3 =	sadd.s32 s4, s19  }
0x9c: {  	s7 =	simm.s32 $0x0;
	s20 =	sshll.u32 s5, $0x1;
	s5 =	sadd.s32 s21, s3  }
0x9d: {  	[timem:s7], [sflag:s22] =	dma.local [hbm:s5], s20  }
0x9e: {  	_ =	swait.ge [sflag:s22], s20  }
0x9f: {  	s4 =	ssub.s32 $0x0, s20;
	[sflag:s22] =	ssyncset.done $0x0  }
0xa0: {  	[sflag:s22] =	ssyncadd.s32 s4;
	_ =	sdelay $0x1  }
0xa1: {  	s23 =	simm.s32 $0x1B8B  }
0xa2: {  	_ =	swait.ge [sflag:s23], $0x1  }
0xa3: {  	[sflag:s23] =	ssyncset.done $0x0  }
0xa4: {  	s25 =	simm.s32 $0x1B8E;
	s24 =	sld [smem:$0x3FFE];
	[sflag:s23] =	ssyncadd.s32 $0xFFFFFFFF  }
0xa5: {  	s26 =	simm.s32 $execute0_lowered;
	[smem:$0x3FD2] =	sst s25  }
0xa6: {  	s5 =	sshll.u32 s26, $0x1;
	_ =	strace $0x80000046;
	[dreg:$0x1] =	wrdreg $0xFFFFFFFF  }
0xa7: {  	s28 =	simm.s32 $_size_execute0_lowered;
	s3 =	sadd.s32 s3, s5;
	[dreg:$0x0] =	wrdreg $0x0  }
0xa8: {  	s5 =	sshll.u32 s28, $0x1;
	[dreg:$0x2] =	wrdreg s3  }
0xa9: {  	[dreg:$0x3] =	wrdreg s5  }
0xaa: {  	[dreg:$0x4] =	wrdreg $0xC0  }
0xab: {  	_ =	task [dreg:s7], $0x5FFFF  }
0xac: {  	[dreg:$0x1] =	wrdreg $0xFFFFFFFF  }
0xad: {  	[dreg:$0x0] =	wrdreg $0x60  }
0xae: {  	[dreg:$0x2] =	wrdreg s24  }
0xaf: {  	[dreg:$0x3] =	wrdreg s2  }
0xb0: {  	[dreg:$0x4] =	wrdreg $0x0  }
0xb1: {  	[dreg:$0x5] =	wrdreg $0x9  }
0xb2: {  	_ =	task.clear_ibuf [dreg:s7], $0x6FFFF;
	_ =	strace $0x90000046  }
0xb3: {  	s29 =	simm.s32 $0x9;
	_ =	strace $0x80000048  }
0xb4: {  	_ =	swait.ge [sflag:s29], $0x1  }
0xb5: {  	[sflag:s29] =	ssyncadd.s32 $0xFFFFFFFF  }
0xb6: {  	_ =	strace $0x90000048  }
0xb7: {  	_ =	sfence  }
0xb8: {  	s30 =	sld [smem:$0x0];
	_ =	sdelay $0x2  }
0xb9: {  	s31 =	sshll.u32 s1, $0xD;
	s1 =	sshrl.u32 s1, $0x2  }
0xba: {  	s3 =	sand.u32 $0x4000, s31;
	s1 =	sadd.s32 s1, s30  }
0xbb: {  	s0 =	sor.u32 s3, s0;
	s1 =	sshll.u32 s1, $0x11  }
0xbc: {  	s0 =	sor.u32 s1, s0  }
0xbd: {  	s0 =	sadd.s32 $0x8F2B, s0  }
0xbe: {  	[sflag:s0] =	ssyncadd.remote.s32 $0x1  }
0xbf: {  	_ =	sfence.sel $0xFFFF  }
0xc0: {  	[dreg:$0x0] =	wrdreg $0xFFFFFFFF;
	(pc) =	sbr.abs _section_cstart, $3  }
0xc1: {  	[dreg:$0x1] =	wrdreg $0xFFFFFFFF  }
0xc2: {  	_ =	task.clear_ibuf [dreg:s7], $0x2FFFF;
	_ =	strace $0x9FFFFFFF  }
0xc3: {  	(tm) =	ssettm $0x7FFFFFFF  }
tec
execute0_lowered:
.L_overlay_start_1:
0x0: {  	(tag) =	ssettag $0x1  }
0x1: {  	s4 =	rddreg [dreg:$0x0]  }
0x2: {  	s1 =	srdreg.scid;
	s10 =	rddreg [dreg:$0x1]  }
0x3: {  	s0 =	stileid.u32;
	s2 =	rddreg [dreg:$0x2]  }
0x4: {  	s3 =	simm.s32 $0x0;
	s13 =	simm.s32 $0x2;
	s14 =	simm.s32 $0x2A80  }
0x5: {  	s15 =	simm.s32 $0x80;
	s16 =	simm.s32 $0x1;
	s19 =	simm.s32 $0x0  }
0x6: {  	s5 =	sand.u32 $0x1, s1;
	s29 =	sshll.u32 s0, $0x1;
	s1 =	rddreg [dreg:$0x3]  }
0x7: {  	[smem:$0x7FF] =	sst s3;
	s8 =	smul.u32 $0x280, s0;
	s17 =	sshll.u32 s0, $0x6  }
0x8: {  	s6 =	sor.u32 s5, s29;
	s7 =	ssub.s32 $0x2, s5;
	s11 =	smul.u32 $0x2800, s5  }
0x9: {  	_ =	strace $0x80000047;
	s6 =	smul.u32 $0x500, s6;
	s9 =	sshrl.u32 s7, $0x1  }
0xa: {  	s17 =	sor.u32 $0x1C02, s17;
	s12 =	ssub.s32 s7, s9;
	s31 =	sadd.s32 s8, s11  }
0xb: {  	s30 =	sadd.s32 s6, s4;
	s4 =	sadd.s32 s8, s2;
	s11 =	sshrl.u32 s31, $0x3  }
0xc: {  	s5 =	sadd.s32 $0x1A00, s30;
	s6 =	sadd.s32 $0x80, s4;
	s7 =	sadd.s32 $0x100, s4  }
0xd: {  	s8 =	sadd.s32 $0x180, s4;
	s9 =	sadd.s32 $0x200, s4;
	s10 =	sadd.s32 s10, s11  }
0xe: {  	v0 =	vimm.f32 $0.0e+00;
	v1 =	vimm.f32 $1.000000000e+00;
	s11 =	smax.u32 s12, $0x1;
	s12 =	simm.s32 $0x280;
	s18 =	sshrl.u32 s4, $0x3  }
.LBB2_1:
0xf: {  	[tilespmem:s12], [sflag:$0x2] =	stream.linear.gather [hbm4b:s5+s3], $0x2800, $0x38;
	[tilespmem:$0x2B00] =	vst v63  }
0x10: {  	_ =	swait.ge [sflag:s13], $0x2800  }
0x11: {  	[sflag:s13] =	ssyncset.done $0x0  }
0x12: {  	[sflag:s13] =	ssyncadd.s32 $0xFFFFD800  }
0x13: {  	[tilespmem:$0x2A80] =	vst v0  }
0x14: {  	[tilespmem:$0x2A90] =	vst v0  }
0x15: {  	[tilespmem:$0x2AA0] =	vst v0  }
0x16: {  	[tilespmem:$0x2AB0] =	vst v0  }
0x17: {  	[tilespmem:$0x2AC0] =	vst v0  }
0x18: {  	[tilespmem:$0x2AD0] =	vst v0  }
0x19: {  	[tilespmem:$0x2AE0] =	vst v0  }
0x1a: {  	[tilespmem:$0x2AF0] =	vst v0  }
0x1b: {  	[spmem:s4] =	stream.linear.scatter [tilespmem:s14], [sflag:$0x2], $0x80, $0x38;
	[tilespmem:$0x2B00] =	vst v63  }
0x1c: {  	_ =	swait.ge [sflag:s13], $0x80  }
0x1d: {  	[sflag:s13] =	ssyncset.done $0x0  }
0x1e: {  	[sflag:s13] =	ssyncadd.s32 $0xFFFFFF80  }
0x1f: {  	[spmem:s6] =	stream.linear.scatter [tilespmem:s14], [sflag:$0x2], $0x80, $0x38;
	[tilespmem:$0x2B00] =	vst v63  }
0x20: {  	_ =	swait.ge [sflag:s13], $0x80  }
0x21: {  	[sflag:s13] =	ssyncset.done $0x0  }
0x22: {  	[sflag:s13] =	ssyncadd.s32 $0xFFFFFF80  }
0x23: {  	[spmem:s7] =	stream.linear.scatter [tilespmem:s14], [sflag:$0x2], $0x80, $0x38;
	[tilespmem:$0x2B00] =	vst v63  }
0x24: {  	_ =	swait.ge [sflag:s13], $0x80  }
0x25: {  	[sflag:s13] =	ssyncset.done $0x0  }
0x26: {  	[sflag:s13] =	ssyncadd.s32 $0xFFFFFF80  }
0x27: {  	[spmem:s8] =	stream.linear.scatter [tilespmem:s14], [sflag:$0x2], $0x80, $0x38;
	[tilespmem:$0x2B00] =	vst v63  }
0x28: {  	_ =	swait.ge [sflag:s13], $0x80  }
0x29: {  	[sflag:s13] =	ssyncset.done $0x0  }
0x2a: {  	[sflag:s13] =	ssyncadd.s32 $0xFFFFFF80  }
0x2b: {  	[spmem:s9] =	stream.linear.scatter [tilespmem:s14], [sflag:$0x2], $0x80, $0x38;
	[tilespmem:$0x2B00] =	vst v63  }
0x2c: {  	_ =	swait.ge [sflag:s13], $0x80  }
0x2d: {  	[sflag:s13] =	ssyncset.done $0x0  }
0x2e: {  	[sflag:s13] =	ssyncadd.s32 $0xFFFFFF80  }
0x2f: {  	[bflag:$0x0] =	sbarrier.arrive $0xFFFF  }
0x30: {  	[tilespmem:$0x2A80] =	vst v1  }
0x31: {  	[tilespmem:$0x2A90] =	vst v1  }
0x32: {  	[tilespmem:$0x2AA0] =	vst v1  }
0x33: {  	[tilespmem:$0x2AB0] =	vst v1  }
0x34: {  	[tilespmem:$0x2AC0] =	vst v1  }
0x35: {  	[tilespmem:$0x2AD0] =	vst v1  }
0x36: {  	[tilespmem:$0x2AE0] =	vst v1  }
0x37: {  	s20 =	simm.s32 $0x280;
	[tilespmem:$0x2AF0] =	vst v1  }
0x38: {  	[spmem:s2] =	stream.indirect.scatter.add.f32 [tilespmem:s14], [sflag:$0x1], $0x1, s20, s15, $0xb8;
	[tilespmem:$0x2B00] =	vst v63  }
0x39: {  	s24 =	simm.s32 $0x300  }
0x3a: {  	[spmem:s2] =	stream.indirect.scatter.add.f32 [tilespmem:s14], [sflag:$0x1], $0x1, s24, s15, $0xb8;
	[tilespmem:$0x2B00] =	vst v63  }
0x3b: {  	s25 =	simm.s32 $0x380  }
0x3c: {  	[spmem:s2] =	stream.indirect.scatter.add.f32 [tilespmem:s14], [sflag:$0x1], $0x1, s25, s15, $0xb8;
	[tilespmem:$0x2B00] =	vst v63  }
0x3d: {  	s26 =	simm.s32 $0x400  }
0x3e: {  	[spmem:s2] =	stream.indirect.scatter.add.f32 [tilespmem:s14], [sflag:$0x1], $0x1, s26, s15, $0xb8;
	[tilespmem:$0x2B00] =	vst v63  }
0x3f: {  	s28 =	simm.s32 $0x480  }
0x40: {  	[spmem:s2] =	stream.indirect.scatter.add.f32 [tilespmem:s14], [sflag:$0x1], $0x1, s28, s15, $0xb8;
	[tilespmem:$0x2B00] =	vst v63  }
0x41: {  	s29 =	simm.s32 $0x500  }
0x42: {  	[spmem:s2] =	stream.indirect.scatter.add.f32 [tilespmem:s14], [sflag:$0x1], $0x1, s29, s15, $0xb8;
	[tilespmem:$0x2B00] =	vst v63  }
0x43: {  	s30 =	simm.s32 $0x580  }
0x44: {  	[spmem:s2] =	stream.indirect.scatter.add.f32 [tilespmem:s14], [sflag:$0x1], $0x1, s30, s15, $0xb8;
	[tilespmem:$0x2B00] =	vst v63  }
0x45: {  	s31 =	simm.s32 $0x600  }
0x46: {  	[spmem:s2] =	stream.indirect.scatter.add.f32 [tilespmem:s14], [sflag:$0x1], $0x1, s31, s15, $0xb8;
	[tilespmem:$0x2B00] =	vst v63  }
0x47: {  	_ =	swait.ge [sflag:s16], $0x80  }
0x48: {  	[sflag:s16] =	ssyncset.done $0x0  }
0x49: {  	[sflag:s16] =	ssyncadd.s32 $0xFFFFFF80  }
0x4a: {  	_ =	swait.ge [sflag:s16], $0x80  }
0x4b: {  	[sflag:s16] =	ssyncset.done $0x0  }
0x4c: {  	[sflag:s16] =	ssyncadd.s32 $0xFFFFFF80  }
0x4d: {  	_ =	swait.ge [sflag:s16], $0x80  }
0x4e: {  	[sflag:s16] =	ssyncset.done $0x0  }
0x4f: {  	[sflag:s16] =	ssyncadd.s32 $0xFFFFFF80  }
0x50: {  	_ =	swait.ge [sflag:s16], $0x80  }
0x51: {  	[sflag:s16] =	ssyncset.done $0x0  }
0x52: {  	[sflag:s16] =	ssyncadd.s32 $0xFFFFFF80  }
0x53: {  	_ =	swait.ge [sflag:s16], $0x80  }
0x54: {  	[sflag:s16] =	ssyncset.done $0x0  }
0x55: {  	[sflag:s16] =	ssyncadd.s32 $0xFFFFFF80  }
0x56: {  	_ =	swait.ge [sflag:s16], $0x80  }
0x57: {  	[sflag:s16] =	ssyncset.done $0x0  }
0x58: {  	[sflag:s16] =	ssyncadd.s32 $0xFFFFFF80  }
0x59: {  	_ =	swait.ge [sflag:s16], $0x80  }
0x5a: {  	[sflag:s16] =	ssyncset.done $0x0  }
0x5b: {  	[sflag:s16] =	ssyncadd.s32 $0xFFFFFF80  }
0x5c: {  	_ =	swait.ge [sflag:s16], $0x80  }
0x5d: {  	s23 =	simm.s32 $0x2000;
	s22 =	simm.s32 $0x400;
	[sflag:s16] =	ssyncset.done $0x0  }
.LBB2_2:
0x5e: {  	s24 =	sadd.s32 $0x280, s22  }
0x5f: {  	[sflag:s16] =	ssyncadd.s32 $0xFFFFFF80;
	s21 =	smov.u32 s23;
	s20 =	sadd.s32 $0x1000, s23  }
0x60: {  	[spmem:s2] =	stream.indirect.scatter.add.f32 [tilespmem:s14], [sflag:$0x1], $0x1, s24, s15, $0xb8;
	[tilespmem:$0x2B00] =	vst v63  }
0x61: {  	p0 =	sne.s32 s23, $0x9000;
	s23 =	sadd.s32 $0x300, s22  }
0x62: {  	[spmem:s2] =	stream.indirect.scatter.add.f32 [tilespmem:s14], [sflag:$0x1], $0x1, s23, s15, $0xb8;
	[tilespmem:$0x2B00] =	vst v63  }
0x63: {  	s23 =	sadd.s32 $0x380, s22  }
0x64: {  	[spmem:s2] =	stream.indirect.scatter.add.f32 [tilespmem:s14], [sflag:$0x1], $0x1, s23, s15, $0xb8;
	[tilespmem:$0x2B00] =	vst v63  }
0x65: {  	s23 =	sadd.s32 $0x400, s22  }
0x66: {  	[spmem:s2] =	stream.indirect.scatter.add.f32 [tilespmem:s14], [sflag:$0x1], $0x1, s23, s15, $0xb8;
	[tilespmem:$0x2B00] =	vst v63  }
0x67: {  	s23 =	sadd.s32 $0x480, s22  }
0x68: {  	[spmem:s2] =	stream.indirect.scatter.add.f32 [tilespmem:s14], [sflag:$0x1], $0x1, s23, s15, $0xb8;
	[tilespmem:$0x2B00] =	vst v63  }
0x69: {  	s23 =	sadd.s32 $0x500, s22  }
0x6a: {  	[spmem:s2] =	stream.indirect.scatter.add.f32 [tilespmem:s14], [sflag:$0x1], $0x1, s23, s15, $0xb8;
	[tilespmem:$0x2B00] =	vst v63  }
0x6b: {  	s23 =	sadd.s32 $0x580, s22  }
0x6c: {  	[spmem:s2] =	stream.indirect.scatter.add.f32 [tilespmem:s14], [sflag:$0x1], $0x1, s23, s15, $0xb8;
	[tilespmem:$0x2B00] =	vst v63  }
0x6d: {  	s22 =	sadd.s32 $0x600, s22  }
0x6e: {  	[spmem:s2] =	stream.indirect.scatter.add.f32 [tilespmem:s14], [sflag:$0x1], $0x1, s22, s15, $0xb8;
	[tilespmem:$0x2B00] =	vst v63  }
0x6f: {  	_ =	swait.ge [sflag:s16], $0x80  }
0x70: {  	[sflag:s16] =	ssyncset.done $0x0  }
0x71: {  	[sflag:s16] =	ssyncadd.s32 $0xFFFFFF80  }
0x72: {  	_ =	swait.ge [sflag:s16], $0x80  }
0x73: {  	[sflag:s16] =	ssyncset.done $0x0  }
0x74: {  	[sflag:s16] =	ssyncadd.s32 $0xFFFFFF80  }
0x75: {  	_ =	swait.ge [sflag:s16], $0x80  }
0x76: {  	[sflag:s16] =	ssyncset.done $0x0  }
0x77: {  	[sflag:s16] =	ssyncadd.s32 $0xFFFFFF80  }
0x78: {  	_ =	swait.ge [sflag:s16], $0x80  }
0x79: {  	[sflag:s16] =	ssyncset.done $0x0  }
0x7a: {  	[sflag:s16] =	ssyncadd.s32 $0xFFFFFF80  }
0x7b: {  	_ =	swait.ge [sflag:s16], $0x80  }
0x7c: {  	[sflag:s16] =	ssyncset.done $0x0  }
0x7d: {  	[sflag:s16] =	ssyncadd.s32 $0xFFFFFF80  }
0x7e: {  	_ =	swait.ge [sflag:s16], $0x80  }
0x7f: {  	[sflag:s16] =	ssyncset.done $0x0  }
0x80: {  	[sflag:s16] =	ssyncadd.s32 $0xFFFFFF80  }
.Ltmp0:
0x81: {  	_ =	swait.ge [sflag:s16], $0x80;
	(pc) =	sbr.rel @p0 .LBB2_2-.Ltmp0, $4  }
0x82: {  	[sflag:s16] =	ssyncset.done $0x0  }
0x83: {  	[sflag:s16] =	ssyncadd.s32 $0xFFFFFF80  }
0x84: {  	_ =	swait.ge [sflag:s16], $0x80  }
0x85: {  	s23 =	smov.u32 s20;
	s22 =	sshra.s32 s21, $0x2;
	[sflag:s16] =	ssyncset.done $0x0  }
0x86: {  	s20 =	sadd.s32 $0x280, s22;
	[sflag:s16] =	ssyncadd.s32 $0xFFFFFF80  }
0x87: {  	[spmem:s2] =	stream.indirect.scatter.add.f32 [tilespmem:s14], [sflag:$0x1], $0x1, s20, s15, $0xb8;
	[tilespmem:$0x2B00] =	vst v63  }
0x88: {  	s24 =	sadd.s32 $0x300, s22  }
0x89: {  	[spmem:s2] =	stream.indirect.scatter.add.f32 [tilespmem:s14], [sflag:$0x1], $0x1, s24, s15, $0xb8;
	[tilespmem:$0x2B00] =	vst v63  }
0x8a: {  	s25 =	sadd.s32 $0x380, s22  }
0x8b: {  	[spmem:s2] =	stream.indirect.scatter.add.f32 [tilespmem:s14], [sflag:$0x1], $0x1, s25, s15, $0xb8;
	[tilespmem:$0x2B00] =	vst v63  }
0x8c: {  	s26 =	sadd.s32 $0x400, s22  }
0x8d: {  	[spmem:s2] =	stream.indirect.scatter.add.f32 [tilespmem:s14], [sflag:$0x1], $0x1, s26, s15, $0xb8;
	[tilespmem:$0x2B00] =	vst v63  }
0x8e: {  	s28 =	sadd.s32 $0x480, s22  }
0x8f: {  	[spmem:s2] =	stream.indirect.scatter.add.f32 [tilespmem:s14], [sflag:$0x1], $0x1, s28, s15, $0xb8;
	[tilespmem:$0x2B00] =	vst v63  }
0x90: {  	s29 =	sadd.s32 $0x500, s22  }
0x91: {  	[spmem:s2] =	stream.indirect.scatter.add.f32 [tilespmem:s14], [sflag:$0x1], $0x1, s29, s15, $0xb8;
	[tilespmem:$0x2B00] =	vst v63  }
0x92: {  	s30 =	sadd.s32 $0x580, s22  }
0x93: {  	[spmem:s2] =	stream.indirect.scatter.add.f32 [tilespmem:s14], [sflag:$0x1], $0x1, s30, s15, $0xb8;
	[tilespmem:$0x2B00] =	vst v63  }
0x94: {  	s31 =	sadd.s32 $0x600, s22  }
0x95: {  	[spmem:s2] =	stream.indirect.scatter.add.f32 [tilespmem:s14], [sflag:$0x1], $0x1, s31, s15, $0xb8;
	[tilespmem:$0x2B00] =	vst v63  }
0x96: {  	_ =	swait.ge [sflag:s16], $0x80  }
0x97: {  	[sflag:s16] =	ssyncset.done $0x0  }
0x98: {  	[sflag:s16] =	ssyncadd.s32 $0xFFFFFF80  }
0x99: {  	_ =	swait.ge [sflag:s16], $0x80  }
0x9a: {  	[sflag:s16] =	ssyncset.done $0x0  }
0x9b: {  	[sflag:s16] =	ssyncadd.s32 $0xFFFFFF80  }
0x9c: {  	_ =	swait.ge [sflag:s16], $0x80  }
0x9d: {  	[sflag:s16] =	ssyncset.done $0x0  }
0x9e: {  	[sflag:s16] =	ssyncadd.s32 $0xFFFFFF80  }
0x9f: {  	_ =	swait.ge [sflag:s16], $0x80  }
0xa0: {  	[sflag:s16] =	ssyncset.done $0x0  }
0xa1: {  	[sflag:s16] =	ssyncadd.s32 $0xFFFFFF80  }
0xa2: {  	_ =	swait.ge [sflag:s16], $0x80  }
0xa3: {  	[sflag:s16] =	ssyncset.done $0x0  }
0xa4: {  	[sflag:s16] =	ssyncadd.s32 $0xFFFFFF80  }
0xa5: {  	_ =	swait.ge [sflag:s16], $0x80  }
0xa6: {  	[sflag:s16] =	ssyncset.done $0x0  }
0xa7: {  	[sflag:s16] =	ssyncadd.s32 $0xFFFFFF80  }
0xa8: {  	_ =	swait.ge [sflag:s16], $0x80  }
0xa9: {  	[sflag:s16] =	ssyncset.done $0x0  }
0xaa: {  	[sflag:s16] =	ssyncadd.s32 $0xFFFFFF80  }
0xab: {  	_ =	swait.ge [sflag:s16], $0x80  }
0xac: {  	s19 =	sadd.s32 $0x1, s19;
	[sflag:s16] =	ssyncset.done $0x0  }
0xad: {  	p0 =	sne.s32 s19, s11;
	[sflag:s16] =	ssyncadd.s32 $0xFFFFFF80  }
.Ltmp1:
0xae: {  	[bflag:$0x0] =	sbarrier.arrive $0xFFFF;
	(pc) =	sbr.rel @p0 .LBB2_1-.Ltmp1, $4  }
0xaf: {  	[hbm:s10], [sflag:s17] =	dma.local [spmem:s18], $0x50  }
0xb0: {  	_ =	swait.ge [sflag:s13], $0x50  }
0xb1: {  	[sflag:s13] =	ssyncset.done $0x0  }
0xb2: {  	[sflag:s13] =	ssyncadd.s32 $0xFFFFFFB0  }
0xb3: {  	_ =	sfence.sel $0x180000  }
0xb4: {  	[bflag:$0x0] =	sbarrier.arrive $0xFFFF  }
0xb5: {  	p0 =	sne.s32 s0, $0x0;
	_ =	strace $0x90000047  }
0xb6: {  	s0 =	sadd.s32 @!p0 $0x100000, s1;
	[bflag:$0x2] =	sbarrier.arrive $0xFFFF  }
0xb7: {  	[sflag:s0] =	ssyncadd.tile.s32 @!p0 $0x1;
	_ =	shalt  }
.Lfunc_end2:
_tile_overlayer_lowered:
.L_overlay_start_2:
0xb8: {  	(tag) =	ssettag $0x2  }
0xb9: {  	s0 =	rddreg [dreg:$0x0];
	s2 =	stileid.u32  }
0xba: {  	s1 =	rddreg [dreg:$0x1];
	p0 =	sne.s32 s2, $0x0  }
0xbb: {  	s3 =	rddreg [dreg:$0x2];
	[bflag:$0x3] =	sbarrier.arrive $0xFFFF;
	s2 =	simm.s32 @!p0 $0x1C02  }
0xbc: {  	[timem:s3], [sflag:s2] =	dma.local @!p0 [hbm:s0], s1  }
0xbd: {  	s0 =	simm.s32 @!p0 $0x2  }
0xbe: {  	_ =	swait.ge @!p0 [sflag:s0], s1  }
0xbf: {  	s1 =	ssub.s32 @!p0 $0x0, s1;
	[sflag:s0] =	ssyncset.done @!p0 $0x0  }
0xc0: {  	[sflag:s0] =	ssyncadd.s32 @!p0 s1  }
0xc1: {  	[bflag:$0x3] =	sbarrier.arrive $0xFFFF  }
0xc2: {  	_ =	shalt  }

</sc_bundles>
